<compile_context>
chip_gen: v7x
topology: tpu7x:2x2x1
jax: 0.10.2.dev20260603
libtpu: 0.0.44.dev20260713+nightly
codegen_flags: <defaults>
</compile_context>

<pallas_src>
import functools

import jax
import jax.numpy as jnp
from jax import lax
from jax.experimental import pallas as pl
from jax.experimental.pallas import tpu as pltpu
from jax.experimental.pallas import tpu_sc as plsc

_N = 10000
_E = 160000
_F = 128
_T = 3
_R = 5
_H = 8
_DK = 16
_L = 2
_MAXT = 100

_NPAD = 10240
_NB = 512
_EPAD = 163840
_EB = 2048



def _adapt_body(x_ref, oh_ref, w_ref, b_ref, o_ref):
    x = x_ref[...]
    acc = jnp.zeros_like(x)
    for t in range(_T):
        m = oh_ref[:, t:t + 1]
        acc = acc + m * jnp.tanh(
            jnp.dot(x, w_ref[t], preferred_element_type=jnp.float32)
            + b_ref[t][None, :])
    o_ref[...] = acc


def _adapt(x, oh, w, b):
    return pl.pallas_call(
        _adapt_body,
        grid=(_NPAD // _NB,),
        in_specs=[
            pl.BlockSpec((_NB, _F), lambda i: (i, 0)),
            pl.BlockSpec((_NB, 8), lambda i: (i, 0)),
            pl.BlockSpec((_T, _F, _F), lambda i: (0, 0, 0)),
            pl.BlockSpec((_T, _F), lambda i: (0, 0)),
        ],
        out_specs=pl.BlockSpec((_NB, _F), lambda i: (i, 0)),
        out_shape=jax.ShapeDtypeStruct((_NPAD, _F), jnp.float32),
    )(x, oh, w, b)


def _node_body(h_ref, oh_ref, wk_ref, bk_ref, wq_ref, bq_ref, wv_ref, bv_ref,
               ba_ref, bm_ref, q_ref, kv_ref):
    h = h_ref[...]
    k = jnp.zeros_like(h)
    q = jnp.zeros_like(h)
    v = jnp.zeros_like(h)
    for t in range(_T):
        m = oh_ref[:, t:t + 1]
        k = k + m * (jnp.dot(h, wk_ref[t], preferred_element_type=jnp.float32)
                     + bk_ref[t][None, :])
        q = q + m * (jnp.dot(h, wq_ref[t], preferred_element_type=jnp.float32)
                     + bq_ref[t][None, :])
        v = v + m * (jnp.dot(h, wv_ref[t], preferred_element_type=jnp.float32)
                     + bv_ref[t][None, :])
    q_ref[...] = q
    for r in range(_R):
        kv_ref[:, r * 256:r * 256 + 128] = jnp.dot(
            k, ba_ref[r], preferred_element_type=jnp.float32)
        kv_ref[:, r * 256 + 128:r * 256 + 256] = jnp.dot(
            v, bm_ref[r], preferred_element_type=jnp.float32)


def _node(h, oh, wk, bk, wq, bq, wv, bv, blk_a, blk_m):
    return pl.pallas_call(
        _node_body,
        grid=(_NPAD // _NB,),
        in_specs=[
            pl.BlockSpec((_NB, _F), lambda i: (i, 0)),
            pl.BlockSpec((_NB, 8), lambda i: (i, 0)),
            pl.BlockSpec((_T, _F, _F), lambda i: (0, 0, 0)),
            pl.BlockSpec((_T, _F), lambda i: (0, 0)),
            pl.BlockSpec((_T, _F, _F), lambda i: (0, 0, 0)),
            pl.BlockSpec((_T, _F), lambda i: (0, 0)),
            pl.BlockSpec((_T, _F, _F), lambda i: (0, 0, 0)),
            pl.BlockSpec((_T, _F), lambda i: (0, 0)),
            pl.BlockSpec((_R, _F, _F), lambda i: (0, 0, 0)),
            pl.BlockSpec((_R, _F, _F), lambda i: (0, 0, 0)),
        ],
        out_specs=[
            pl.BlockSpec((_NB, _F), lambda i: (i, 0)),
            pl.BlockSpec((_NB, _R * 256), lambda i: (i, 0)),
        ],
        out_shape=[
            jax.ShapeDtypeStruct((_NPAD, _F), jnp.float32),
            jax.ShapeDtypeStruct((_NPAD, _R * 256), jnp.float32),
        ],
    )(h, oh, wk, bk, wq, bq, wv, bv, blk_a, blk_m)


def _spat_body(sk_ref, sv_ref, ba_ref, bm_ref, o_ref):
    sk = sk_ref[...]
    sv = sv_ref[...]
    for r in range(_R):
        o_ref[:, r * 256:r * 256 + 128] = jnp.dot(
            sk, ba_ref[r], preferred_element_type=jnp.float32)
        o_ref[:, r * 256 + 128:r * 256 + 256] = jnp.dot(
            sv, bm_ref[r], preferred_element_type=jnp.float32)


def _spat(sk, sv, blk_a, blk_m):
    return pl.pallas_call(
        _spat_body,
        grid=(1,),
        in_specs=[
            pl.BlockSpec((128, _F), lambda i: (0, 0)),
            pl.BlockSpec((128, _F), lambda i: (0, 0)),
            pl.BlockSpec((_R, _F, _F), lambda i: (0, 0, 0)),
            pl.BlockSpec((_R, _F, _F), lambda i: (0, 0, 0)),
        ],
        out_specs=pl.BlockSpec((128, _R * 256), lambda i: (0, 0)),
        out_shape=jax.ShapeDtypeStruct((128, _R * 256), jnp.float32),
    )(sk, sv, blk_a, blk_m)


def _att_body(gkv_ref, gs_ref, gq_ref, sb_ref, sbt_ref, ohm_ref, pm_ref,
              ecw_ref, msg_ref):
    kr = gkv_ref[:, :128] + gs_ref[:, :128]
    vr = gkv_ref[:, 128:] + gs_ref[:, 128:]
    att = jnp.dot(kr * gq_ref[...], sb_ref[...],
                  preferred_element_type=jnp.float32)
    e = jnp.exp(att - 30.0)
    ecw = jnp.zeros((att.shape[0], _F), jnp.float32)
    for m in range(16):
        ecw = ecw + ohm_ref[:, m:m + 1] * jnp.dot(
            e, pm_ref[m], preferred_element_type=jnp.float32)
    ecw_ref[...] = ecw
    msg_ref[...] = vr * jnp.dot(e, sbt_ref[...],
                                preferred_element_type=jnp.float32)


def _att(gkv, gs, gq, sb, sbt, ohm, pm):
    return pl.pallas_call(
        _att_body,
        grid=(_EPAD // _EB,),
        in_specs=[
            pl.BlockSpec((_EB, 256), lambda i: (i, 0)),
            pl.BlockSpec((_EB, 256), lambda i: (i, 0)),
            pl.BlockSpec((_EB, _F), lambda i: (i, 0)),
            pl.BlockSpec((_F, 16), lambda i: (0, 0)),
            pl.BlockSpec((16, _F), lambda i: (0, 0)),
            pl.BlockSpec((_EB, 16), lambda i: (i, 0)),
            pl.BlockSpec((16, 16, _F), lambda i: (0, 0, 0)),
        ],
        out_specs=[
            pl.BlockSpec((_EB, _F), lambda i: (i, 0)),
            pl.BlockSpec((_EB, _F), lambda i: (i, 0)),
        ],
        out_shape=[
            jax.ShapeDtypeStruct((_EPAD, _F), jnp.float32),
            jax.ShapeDtypeStruct((_EPAD, _F), jnp.float32),
        ],
    )(gkv, gs, gq, sb, sbt, ohm, pm)


def _comb_body(p_ref, dn_ref, h_ref, oh_ref, wa_ref, bba_ref, sig_ref,
               sbt_ref, o_ref):
    agg = p_ref[0] + p_ref[1]
    den = dn_ref[0] + dn_ref[1]
    recip = 1.0 / (den + 1e-16)
    aggn = agg * jnp.dot(recip, sbt_ref[...],
                         preferred_element_type=jnp.float32)
    h = h_ref[...]
    oh = oh_ref[...]
    trans = jnp.zeros_like(h)
    for t in range(_T):
        m = oh[:, t:t + 1]
        trans = trans + m * jax.nn.gelu(
            jnp.dot(aggn, wa_ref[t], preferred_element_type=jnp.float32)
            + bba_ref[t][None, :])
    alpha = jnp.sum(oh * sig_ref[...], axis=1, keepdims=True)
    o_ref[...] = trans * alpha + h * (1.0 - alpha)


def _comb(p, dn, h, oh, wa, ba, sig, sbt):
    return pl.pallas_call(
        _comb_body,
        grid=(_NPAD // _NB,),
        in_specs=[
            pl.BlockSpec((2, _NB, _F), lambda i: (0, i, 0)),
            pl.BlockSpec((2, _NB, 8), lambda i: (0, i, 0)),
            pl.BlockSpec((_NB, _F), lambda i: (i, 0)),
            pl.BlockSpec((_NB, 8), lambda i: (i, 0)),
            pl.BlockSpec((_T, _F, _F), lambda i: (0, 0, 0)),
            pl.BlockSpec((_T, _F), lambda i: (0, 0)),
            pl.BlockSpec((1, 8), lambda i: (0, 0)),
            pl.BlockSpec((8, _F), lambda i: (0, 0)),
        ],
        out_specs=pl.BlockSpec((_NB, _F), lambda i: (i, 0)),
        out_shape=jax.ShapeDtypeStruct((_NPAD, _F), jnp.float32),
    )(p, dn, h, oh, wa, ba, sig, sbt)



_NW = 32
_CH = 128
_CPW = _EPAD // (_NW * _CH)
_GCH = 128
_GCPW = _EPAD // (_NW * _GCH)


def _sc_gather(kv2, ss, q, ik3, it3, id3):
    mesh = plsc.VectorSubcoreMesh(core_axis_name="c", subcore_axis_name="s")

    @functools.partial(
        pl.kernel, mesh=mesh,
        out_type=[
            jax.ShapeDtypeStruct((_EPAD, 256), jnp.float32),
            jax.ShapeDtypeStruct((_EPAD, 256), jnp.float32),
            jax.ShapeDtypeStruct((_EPAD, _F), jnp.float32),
        ],
        scratch_types=[
            pltpu.VMEM((_GCPW, _GCH), jnp.int32),
            pltpu.VMEM((_GCPW, _GCH), jnp.int32),
            pltpu.VMEM((_GCPW, _GCH), jnp.int32),
            pltpu.VMEM((_GCH, 256), jnp.float32),
            pltpu.VMEM((_GCH, 256), jnp.float32),
            pltpu.VMEM((_GCH, _F), jnp.float32),
            pltpu.SemaphoreType.DMA,
            pltpu.SemaphoreType.DMA,
            pltpu.SemaphoreType.DMA,
        ],
    )
    def k(kv_hbm, ss_hbm, q_hbm, ik_hbm, it_hbm, id_hbm,
          gkv_hbm, gs_hbm, gq_hbm,
          ik_v, it_v, id_v, bkv, bs, bq, s1, s2, s3):
        wid = lax.axis_index("s") * 2 + lax.axis_index("c")
        base = wid * (_GCPW * _GCH)
        pltpu.sync_copy(ik_hbm.at[wid], ik_v)
        pltpu.sync_copy(it_hbm.at[wid], it_v)
        pltpu.sync_copy(id_hbm.at[wid], id_v)

        def body(j, carry):
            c1 = pltpu.async_copy(kv_hbm.at[ik_v.at[j]], bkv, s1)
            c2 = pltpu.async_copy(ss_hbm.at[it_v.at[j]], bs, s2)
            c3 = pltpu.async_copy(q_hbm.at[id_v.at[j]], bq, s3)
            c1.wait()
            c2.wait()
            c3.wait()
            pltpu.sync_copy(bkv, gkv_hbm.at[pl.ds(base + j * _GCH, _GCH)])
            pltpu.sync_copy(bs, gs_hbm.at[pl.ds(base + j * _GCH, _GCH)])
            pltpu.sync_copy(bq, gq_hbm.at[pl.ds(base + j * _GCH, _GCH)])
            return carry

        lax.fori_loop(0, _GCPW, body, 0)

    return k(kv2, ss, q, ik3, it3, id3)


_ND16 = _NPAD // 16


def _sc_scatter(msgu, ecw, id3, id83, zagg, zden8):
    mesh = plsc.VectorSubcoreMesh(core_axis_name="c", subcore_axis_name="s")

    @functools.partial(
        pl.kernel, mesh=mesh,
        out_type=[
            jax.ShapeDtypeStruct((2, _NPAD, _F), jnp.float32),
            jax.ShapeDtypeStruct((2, _ND16, _F), jnp.float32),
        ],
        scratch_types=[
            pltpu.VMEM((_CPW, _CH), jnp.int32),
            pltpu.VMEM((_CPW, _CH), jnp.int32),
            pltpu.VMEM((_CH, _F), jnp.float32),
            pltpu.VMEM((_CH, _F), jnp.float32),
            pltpu.VMEM_SHARED((_NPAD, _F), jnp.float32),
            pltpu.VMEM_SHARED((_ND16, _F), jnp.float32),
        ],
    )
    def k(msg_hbm, ecw_hbm, id_hbm, id8_hbm, zagg_hbm, zden_hbm,
          p_hbm, dn_hbm, id_v, id8_v, bm, bd, agg_sh, den_sh):
        cid = lax.axis_index("c")
        sid = lax.axis_index("s")
        wid = sid * 2 + cid
        base = wid * (_CPW * _CH)
        stripe = _NPAD // 16
        dstripe = _ND16 // 16

        def zbody(c, carry):
            row = sid * stripe + c * _CH
            pltpu.sync_copy(zagg_hbm.at[pl.ds(row, _CH)], bm)
            pltpu.sync_copy(bm, agg_sh.at[pl.ds(row, _CH)])
            return carry

        lax.fori_loop(0, stripe // _CH, zbody, 0)
        drow = sid * dstripe
        pltpu.sync_copy(zden_hbm.at[pl.ds(drow, dstripe)], bd.at[pl.ds(0, dstripe)])
        pltpu.sync_copy(bd.at[pl.ds(0, dstripe)], den_sh.at[pl.ds(drow, dstripe)])
        plsc.subcore_barrier()
        pltpu.sync_copy(id_hbm.at[wid], id_v)
        pltpu.sync_copy(id8_hbm.at[wid], id8_v)

        def body(j, carry):
            pltpu.sync_copy(msg_hbm.at[pl.ds(base + j * _CH, _CH)], bm)
            pltpu.sync_copy(bm, agg_sh.at[id_v.at[j]], add=True)
            pltpu.sync_copy(ecw_hbm.at[pl.ds(base + j * _CH, _CH)], bd)
            pltpu.sync_copy(bd, den_sh.at[id8_v.at[j]], add=True)
            return carry

        lax.fori_loop(0, _CPW, body, 0)
        plsc.subcore_barrier()

        def obody(c, carry):
            row = sid * stripe + c * _CH
            pltpu.sync_copy(agg_sh.at[pl.ds(row, _CH)], bm)
            pltpu.sync_copy(bm, p_hbm.at[cid, pl.ds(row, _CH)])
            return carry

        lax.fori_loop(0, stripe // _CH, obody, 0)
        pltpu.sync_copy(den_sh.at[pl.ds(drow, dstripe)], bd.at[pl.ds(0, dstripe)])
        pltpu.sync_copy(bd.at[pl.ds(0, dstripe)], dn_hbm.at[cid, pl.ds(drow, dstripe)])

    return k(msgu, ecw, id3, id83, zagg, zden8)



def _blockdiag(rel):
    ar = jnp.arange(_H)
    z = jnp.zeros((_R, _H, _DK, _H, _DK), rel.dtype)
    z = z.at[:, ar, :, ar, :].set(jnp.transpose(rel, (1, 0, 2, 3)))
    return z.reshape(_R, _H * _DK, _H * _DK)



def kernel(node_feature, node_type, edge_time, edge_index, edge_type,
           adapt_W, adapt_b, Wk, bk, Wq, bq, Wv, bv, Wa, ba,
           rel_att, rel_msg, rel_pri, skip, spat_k, spat_v):
    f32 = jnp.float32
    nt = node_type.astype(jnp.int32)
    src = edge_index[0].astype(jnp.int32)
    dst = edge_index[1].astype(jnp.int32)
    et = edge_type.astype(jnp.int32)
    tm = edge_time.astype(jnp.int32)

    oh = (nt[:, None] == jnp.arange(_T)[None, :]).astype(f32)
    oh = jnp.pad(oh, ((0, _NPAD - _N), (0, 8 - _T)))
    x = jnp.pad(node_feature.astype(f32), ((0, _NPAD - _N), (0, 0)))

    ik3 = jnp.pad(src * _R + et, (0, _EPAD - _E)).reshape(_NW, _GCPW, _GCH)
    it3 = jnp.pad(tm * _R + et, (0, _EPAD - _E)).reshape(_NW, _GCPW, _GCH)
    dst_p = jnp.pad(dst, (0, _EPAD - _E), constant_values=_N)
    id3g = dst_p.reshape(_NW, _GCPW, _GCH)
    id3 = dst_p.reshape(_NW, _CPW, _CH)
    id83 = (dst_p // 16).reshape(_NW, _CPW, _CH)
    ohm = (jnp.mod(dst_p, 16)[:, None] == jnp.arange(16)[None, :]).astype(f32)
    zagg = jnp.zeros((_NPAD, _F), f32)
    zden8 = jnp.zeros((_ND16, _F), f32)
    pm = jnp.zeros((16, 16, _F), f32)
    ar8 = jnp.arange(8)
    for m in range(16):
        pm = pm.at[m, ar8, m * 8 + ar8].set(1.0)

    ar128 = jnp.arange(128)
    sb = (ar128[:, None] // _DK == jnp.arange(16)[None, :]).astype(f32)
    sbt = sb.T
    sig = jnp.pad(jax.nn.sigmoid(skip.astype(f32)), ((0, 0), (0, 8 - _T)))

    h = _adapt(x, oh, adapt_W.astype(f32), adapt_b.astype(f32))

    scale = rel_pri.astype(f32)[:, :, :, None, None] / jnp.sqrt(
        jnp.asarray(_DK, f32))

    for l in range(_L):
        blk_a = _blockdiag(rel_att[l].astype(f32) * scale[l])
        blk_m = _blockdiag(rel_msg[l].astype(f32))

        q, kv = _node(h, oh, Wk[l].astype(f32), bk[l].astype(f32),
                      Wq[l].astype(f32), bq[l].astype(f32),
                      Wv[l].astype(f32), bv[l].astype(f32), blk_a, blk_m)
        kv2 = kv.reshape(_NPAD * _R, 256)

        sk_p = jnp.pad(spat_k[l].astype(f32), ((0, 128 - _MAXT), (0, 0)))
        sv_p = jnp.pad(spat_v[l].astype(f32), ((0, 128 - _MAXT), (0, 0)))
        ss = _spat(sk_p, sv_p, blk_a, blk_m).reshape(128 * _R, 256)

        gkv, gs, gq = _sc_gather(kv2, ss, q, ik3, it3, id3g)

        ecw, msgu = _att(gkv, gs, gq, sb, sbt, ohm, pm)

        p2, dn8 = _sc_scatter(msgu, ecw, id3, id83, zagg, zden8)
        dn2 = dn8.reshape(2, _NPAD, 8)

        h = _comb(p2, dn2, h, oh, Wa[l].astype(f32), ba[l].astype(f32),
                  sig[l:l + 1], sbt[:8])

    return h[:_N]

# --- scband reference (transcript-rebuilt; emitter-appended) ---
"""Pipeline reference for scband-spatial-gnn-36421322670217 (READ-ONLY COPY).

The authoritative reference and input builder live on the scoring server;
editing this copy changes nothing except your own understanding.
"""

import jax, jax.numpy as jnp
import numpy as np

N = 10000
E = 160000
IN = 128
NH = 128
T = 3
R = 5
H = 8
L = 2
MAXT = 100

def setup_inputs(seed: int = 0) -> dict:
    key = jax.random.key(seed)
    ks = jax.random.split(key, 24)
    dk = NH // H
    inp = {}
    inp["node_feature"] = jax.random.normal(ks[0], (N, IN), dtype=jnp.float32)
    inp["node_type"] = jax.random.randint(ks[1], (N,), 0, T)
    inp["edge_time"] = jax.random.randint(ks[2], (E,), 0, MAXT)
    inp["edge_index"] = jax.random.randint(ks[3], (2, E), 0, N)
    inp["edge_type"] = jax.random.randint(ks[4], (E,), 0, R)
    inp["adapt_W"] = jax.random.normal(ks[5], (T, IN, NH), dtype=jnp.float32) / np.sqrt(IN)
    inp["adapt_b"] = jnp.zeros((T, NH), dtype=jnp.float32)
    inp["Wk"] = jax.random.normal(ks[6], (L, T, NH, NH), dtype=jnp.float32) / np.sqrt(NH)
    inp["bk"] = jnp.zeros((L, T, NH), dtype=jnp.float32)
    inp["Wq"] = jax.random.normal(ks[7], (L, T, NH, NH), dtype=jnp.float32) / np.sqrt(NH)
    inp["bq"] = jnp.zeros((L, T, NH), dtype=jnp.float32)
    inp["Wv"] = jax.random.normal(ks[8], (L, T, NH, NH), dtype=jnp.float32) / np.sqrt(NH)
    inp["bv"] = jnp.zeros((L, T, NH), dtype=jnp.float32)
    inp["Wa"] = jax.random.normal(ks[9], (L, T, NH, NH), dtype=jnp.float32) / np.sqrt(NH)
    inp["ba"] = jnp.zeros((L, T, NH), dtype=jnp.float32)
    inp["rel_att"] = jax.random.normal(ks[10], (L, R, H, dk, dk), dtype=jnp.float32) / np.sqrt(dk)
    inp["rel_msg"] = jax.random.normal(ks[11], (L, R, H, dk, dk), dtype=jnp.float32) / np.sqrt(dk)
    inp["rel_pri"] = jnp.ones((L, R, H), dtype=jnp.float32)
    inp["skip"] = jnp.ones((L, T), dtype=jnp.float32)
    inp["spat_k"] = jax.random.normal(ks[12], (L, MAXT, NH), dtype=jnp.float32) * 0.02
    inp["spat_v"] = jax.random.normal(ks[13], (L, MAXT, NH), dtype=jnp.float32) * 0.02
    return inp

def _type_linear(x, W, b, node_type):
    out = jnp.zeros((x.shape[0], W.shape[-1]), dtype=x.dtype)
    for t in range(W.shape[0]):
        m = (node_type == t)[:, None]
        out = out + jnp.where(m, x @ W[t] + b[t], 0.0)
    return out

def _forward(node_feature, adapt_W, adapt_b, Wk, bk, Wq, bq, Wv, bv, Wa, ba, rel_att, rel_msg, rel_pri, skip, spat_k, spat_v, node_type, edge_time, edge_index, edge_type):
    n = node_feature.shape[0]
    nh = adapt_W.shape[-1]
    h_heads = rel_att.shape[2]
    dk = nh // h_heads
    # per-type input adaptation (tanh(Linear_t(x))); dropout is identity in eval
    h = jnp.zeros((n, nh), dtype=node_feature.dtype)
    for t in range(adapt_W.shape[0]):
        m = (node_type == t)[:, None]
        h = h + jnp.where(m, jnp.tanh(node_feature @ adapt_W[t] + adapt_b[t]), 0.0)
    src = edge_index[0]
    dst = edge_index[1]
    for l in range(Wk.shape[0]):
        k = _type_linear(h, Wk[l], bk[l], node_type).reshape(n, h_heads, dk)
        q = _type_linear(h, Wq[l], bq[l], node_type).reshape(n, h_heads, dk)
        v = _type_linear(h, Wv[l], bv[l], node_type).reshape(n, h_heads, dk)
        k_e = k[src] + spat_k[l][edge_time].reshape(-1, h_heads, dk)
        v_e = v[src] + spat_v[l][edge_time].reshape(-1, h_heads, dk)
        q_e = q[dst]
        k_rel = jnp.zeros_like(k_e)
        v_rel = jnp.zeros_like(v_e)
        pri = jnp.zeros(k_e.shape[:2], dtype=k_e.dtype)
        for r in range(rel_att.shape[1]):
            m = (edge_type == r)
            k_rel = jnp.where(m[:, None, None], jnp.einsum('ehd,hdf->ehf', k_e, rel_att[l, r]), k_rel)
            v_rel = jnp.where(m[:, None, None], jnp.einsum('ehd,hdf->ehf', v_e, rel_msg[l, r]), v_rel)
            pri = jnp.where(m[:, None], rel_pri[l, r][None, :], pri)
        att = (q_e * k_rel).sum(-1) * pri / jnp.sqrt(jnp.asarray(dk, dtype=k_e.dtype))
        amax = jax.ops.segment_max(att, dst, num_segments=n)
        amax = jnp.where(jnp.isfinite(amax), amax, 0.0)
        att = jnp.exp(att - amax[dst])
        denom = jax.ops.segment_sum(att, dst, num_segments=n)
        w = att / (denom[dst] + 1e-16)
        msg = (v_rel * w[:, :, None]).reshape(-1, nh)
        agg = jax.ops.segment_sum(msg, dst, num_segments=n)
        trans = jax.nn.gelu(_type_linear(agg, Wa[l], ba[l], node_type))
        alpha = jax.nn.sigmoid(skip[l])[node_type][:, None]
        h = trans * alpha + h * (1.0 - alpha)
    return h

def reference(node_feature, node_type, edge_time, edge_index, edge_type, adapt_W, adapt_b, Wk, bk, Wq, bq, Wv, bv, Wa, ba, rel_att, rel_msg, rel_pri, skip, spat_k, spat_v):
    return _forward(node_feature, adapt_W, adapt_b, Wk, bk, Wq, bq, Wv, bv, Wa, ba, rel_att, rel_msg, rel_pri, skip, spat_k, spat_v, node_type, edge_time, edge_index, edge_type)

if __name__ == "__main__":
    import jax
    _d = setup_inputs()
    print(jax.jit(kernel)(*tuple(_d.values())))

</pallas_src>

<mosaic_0001>
#map = affine_map<(d0, d1) -> (0, 0)>
#map1 = affine_map<(d0, d1) -> (0, 0, 0)>
module attributes {stable_mosaic.version = 14 : i64} {
  func.func @k(%arg0: i32, %arg1: i32, %arg2: memref<163840x128xf32, #tpu.memory_space<hbm>>, %arg3: memref<163840x128xf32, #tpu.memory_space<hbm>>, %arg4: memref<32x40x128xi32, #tpu.memory_space<hbm>>, %arg5: memref<32x40x128xi32, #tpu.memory_space<hbm>>, %arg6: memref<10240x128xf32, #tpu.memory_space<hbm>>, %arg7: memref<640x128xf32, #tpu.memory_space<hbm>>, %arg8: memref<2x10240x128xf32, #tpu.memory_space<hbm>>, %arg9: memref<2x640x128xf32, #tpu.memory_space<hbm>>, %arg10: memref<40x128xi32, #tpu.memory_space<vmem>>, %arg11: memref<40x128xi32, #tpu.memory_space<vmem>>, %arg12: memref<128x128xf32, #tpu.memory_space<vmem>>, %arg13: memref<128x128xf32, #tpu.memory_space<vmem>>, %arg14: memref<10240x128xf32, #tpu.memory_space<vmem_shared>>, %arg15: memref<640x128xf32, #tpu.memory_space<vmem_shared>>) attributes {dimension_semantics = [#tpu.dimension_semantics<core_parallel>, #tpu.dimension_semantics<subcore_parallel>], iteration_bounds = array<i64: 2, 16>, scalar_prefetch = 0 : i64, scratch_operands = 6 : i64, tpu.core_type = #tpu.core_type<sc_vector_subcore>, window_params = [{transform_indices = #map}, {transform_indices = #map}, {transform_indices = #map1}, {transform_indices = #map1}, {transform_indices = #map}, {transform_indices = #map}, {transform_indices = #map1}, {transform_indices = #map1}]} {
    %mul3A = arith.constant 2 : i32
    %mul3A_0 = arith.muli %arg1, %mul3A : i32
    %add3A = arith.addi %mul3A_0, %arg0 : i32
    %mul3A_1 = arith.constant 5120 : i32
    %mul3A_2 = arith.muli %add3A, %mul3A_1 : i32
    %scan3A = arith.constant 0 : i32
    %scan3A_3 = arith.constant 0 : i32
    %scan3A_4 = arith.constant 5 : i32
    %scan3A_5 = arith.addi %scan3A_3, %scan3A_4 : i32
    %scan3A_6 = arith.constant 1 : i32
    scf.for %scan3A_23 = %scan3A_3 to %scan3A_5 step %scan3A_6  : i32 {
      %mul3A_24 = arith.constant 640 : i32
      %mul3A_25 = arith.muli %arg1, %mul3A_24 : i32
      %mul3A_26 = arith.constant 128 : i32
      %mul3A_27 = arith.muli %scan3A_23, %mul3A_26 : i32
      %add3A_28 = arith.addi %mul3A_25, %mul3A_27 : i32
      "tpu.region"() ({
        %run_scoped3A = tpu.sem_alloc : memref<!tpu.dma_semaphore, #tpu.memory_space<semaphore_mem>>
        %dma_start3A = arith.constant 0 : i32
        %dma_start3A_29 = tpu.memref_slice %arg6[%add3A_28, %dma_start3A] : memref<10240x128xf32, #tpu.memory_space<hbm>> -> memref<128x128xf32, #tpu.memory_space<hbm>>
        %dma_start3A_30 = arith.constant 0 : i32
        %dma_start3A_31 = tpu.memref_slice %arg6[%add3A_28, %dma_start3A_30] : memref<10240x128xf32, #tpu.memory_space<hbm>> -> memref<128x128xf32, #tpu.memory_space<hbm>>
        tpu.enqueue_dma source(%dma_start3A_31 : memref<128x128xf32, #tpu.memory_space<hbm>>) target(%arg12 : memref<128x128xf32, #tpu.memory_space<vmem>>) target_semaphore(%run_scoped3A : memref<!tpu.dma_semaphore, #tpu.memory_space<semaphore_mem>>)
        %dma_wait3A = arith.constant 0 : i32
        %dma_wait3A_32 = tpu.memref_slice %arg6[%add3A_28, %dma_wait3A] : memref<10240x128xf32, #tpu.memory_space<hbm>> -> memref<128x128xf32, #tpu.memory_space<hbm>>
        %dma_wait3A_33 = arith.constant 0 : i32
        %dma_wait3A_34 = tpu.memref_slice %arg6[%add3A_28, %dma_wait3A_33] : memref<10240x128xf32, #tpu.memory_space<hbm>> -> memref<128x128xf32, #tpu.memory_space<hbm>>
        tpu.wait_dma2 semaphore(%run_scoped3A : memref<!tpu.dma_semaphore, #tpu.memory_space<semaphore_mem>>) src(%dma_wait3A_34 : memref<128x128xf32, #tpu.memory_space<hbm>>) dst(%arg12 : memref<128x128xf32, #tpu.memory_space<vmem>>)
        tpu.yield
      }) : () -> ()
      "tpu.region"() ({
        %run_scoped3A = tpu.sem_alloc : memref<!tpu.dma_semaphore, #tpu.memory_space<semaphore_mem>>
        %dma_start3A = arith.constant 0 : i32
        %dma_start3A_29 = tpu.memref_slice %arg14[%add3A_28, %dma_start3A] : memref<10240x128xf32, #tpu.memory_space<vmem_shared>> -> memref<128x128xf32, #tpu.memory_space<vmem_shared>>
        %dma_start3A_30 = arith.constant 0 : i32
        %dma_start3A_31 = tpu.memref_slice %arg14[%add3A_28, %dma_start3A_30] : memref<10240x128xf32, #tpu.memory_space<vmem_shared>> -> memref<128x128xf32, #tpu.memory_space<vmem_shared>>
        tpu.enqueue_dma source(%arg12 : memref<128x128xf32, #tpu.memory_space<vmem>>) target(%dma_start3A_31 : memref<128x128xf32, #tpu.memory_space<vmem_shared>>) target_semaphore(%run_scoped3A : memref<!tpu.dma_semaphore, #tpu.memory_space<semaphore_mem>>)
        %dma_wait3A = arith.constant 0 : i32
        %dma_wait3A_32 = tpu.memref_slice %arg14[%add3A_28, %dma_wait3A] : memref<10240x128xf32, #tpu.memory_space<vmem_shared>> -> memref<128x128xf32, #tpu.memory_space<vmem_shared>>
        %dma_wait3A_33 = arith.constant 0 : i32
        %dma_wait3A_34 = tpu.memref_slice %arg14[%add3A_28, %dma_wait3A_33] : memref<10240x128xf32, #tpu.memory_space<vmem_shared>> -> memref<128x128xf32, #tpu.memory_space<vmem_shared>>
        tpu.wait_dma2 semaphore(%run_scoped3A : memref<!tpu.dma_semaphore, #tpu.memory_space<semaphore_mem>>) src(%arg12 : memref<128x128xf32, #tpu.memory_space<vmem>>) dst(%dma_wait3A_34 : memref<128x128xf32, #tpu.memory_space<vmem_shared>>)
        tpu.yield
      }) : () -> ()
    }
    %scan3A_7 = arith.constant 5 : i32
    %mul3A_8 = arith.constant 40 : i32
    %mul3A_9 = arith.muli %arg1, %mul3A_8 : i32
    "tpu.region"() ({
      %run_scoped3A = tpu.sem_alloc : memref<!tpu.dma_semaphore, #tpu.memory_space<semaphore_mem>>
      %dma_start3A = arith.constant 0 : i32
      %dma_start3A_23 = arith.constant 0 : i32
      %dma_start3A_24 = tpu.memref_slice %arg13[%dma_start3A, %dma_start3A_23] : memref<128x128xf32, #tpu.memory_space<vmem>> -> memref<40x128xf32, #tpu.memory_space<vmem>>
      %dma_start3A_25 = arith.constant 0 : i32
      %dma_start3A_26 = tpu.memref_slice %arg7[%mul3A_9, %dma_start3A_25] : memref<640x128xf32, #tpu.memory_space<hbm>> -> memref<40x128xf32, #tpu.memory_space<hbm>>
      %dma_start3A_27 = arith.constant 0 : i32
      %dma_start3A_28 = arith.constant 0 : i32
      %dma_start3A_29 = tpu.memref_slice %arg13[%dma_start3A_27, %dma_start3A_28] : memref<128x128xf32, #tpu.memory_space<vmem>> -> memref<40x128xf32, #tpu.memory_space<vmem>>
      %dma_start3A_30 = arith.constant 0 : i32
      %dma_start3A_31 = tpu.memref_slice %arg7[%mul3A_9, %dma_start3A_30] : memref<640x128xf32, #tpu.memory_space<hbm>> -> memref<40x128xf32, #tpu.memory_space<hbm>>
      tpu.enqueue_dma source(%dma_start3A_31 : memref<40x128xf32, #tpu.memory_space<hbm>>) target(%dma_start3A_29 : memref<40x128xf32, #tpu.memory_space<vmem>>) target_semaphore(%run_scoped3A : memref<!tpu.dma_semaphore, #tpu.memory_space<semaphore_mem>>)
      %dma_wait3A = arith.constant 0 : i32
      %dma_wait3A_32 = arith.constant 0 : i32
      %dma_wait3A_33 = tpu.memref_slice %arg13[%dma_wait3A, %dma_wait3A_32] : memref<128x128xf32, #tpu.memory_space<vmem>> -> memref<40x128xf32, #tpu.memory_space<vmem>>
      %dma_wait3A_34 = arith.constant 0 : i32
      %dma_wait3A_35 = tpu.memref_slice %arg7[%mul3A_9, %dma_wait3A_34] : memref<640x128xf32, #tpu.memory_space<hbm>> -> memref<40x128xf32, #tpu.memory_space<hbm>>
      %dma_wait3A_36 = arith.constant 0 : i32
      %dma_wait3A_37 = arith.constant 0 : i32
      %dma_wait3A_38 = tpu.memref_slice %arg13[%dma_wait3A_36, %dma_wait3A_37] : memref<128x128xf32, #tpu.memory_space<vmem>> -> memref<40x128xf32, #tpu.memory_space<vmem>>
      %dma_wait3A_39 = arith.constant 0 : i32
      %dma_wait3A_40 = tpu.memref_slice %arg7[%mul3A_9, %dma_wait3A_39] : memref<640x128xf32, #tpu.memory_space<hbm>> -> memref<40x128xf32, #tpu.memory_space<hbm>>
      tpu.wait_dma2 semaphore(%run_scoped3A : memref<!tpu.dma_semaphore, #tpu.memory_space<semaphore_mem>>) src(%dma_wait3A_40 : memref<40x128xf32, #tpu.memory_space<hbm>>) dst(%dma_wait3A_38 : memref<40x128xf32, #tpu.memory_space<vmem>>)
      tpu.yield
    }) : () -> ()
    "tpu.region"() ({
      %run_scoped3A = tpu.sem_alloc : memref<!tpu.dma_semaphore, #tpu.memory_space<semaphore_mem>>
      %dma_start3A = arith.constant 0 : i32
      %dma_start3A_23 = arith.constant 0 : i32
      %dma_start3A_24 = tpu.memref_slice %arg13[%dma_start3A, %dma_start3A_23] : memref<128x128xf32, #tpu.memory_space<vmem>> -> memref<40x128xf32, #tpu.memory_space<vmem>>
      %dma_start3A_25 = arith.constant 0 : i32
      %dma_start3A_26 = tpu.memref_slice %arg15[%mul3A_9, %dma_start3A_25] : memref<640x128xf32, #tpu.memory_space<vmem_shared>> -> memref<40x128xf32, #tpu.memory_space<vmem_shared>>
      %dma_start3A_27 = arith.constant 0 : i32
      %dma_start3A_28 = tpu.memref_slice %arg15[%mul3A_9, %dma_start3A_27] : memref<640x128xf32, #tpu.memory_space<vmem_shared>> -> memref<40x128xf32, #tpu.memory_space<vmem_shared>>
      %dma_start3A_29 = arith.constant 0 : i32
      %dma_start3A_30 = arith.constant 0 : i32
      %dma_start3A_31 = tpu.memref_slice %arg13[%dma_start3A_29, %dma_start3A_30] : memref<128x128xf32, #tpu.memory_space<vmem>> -> memref<40x128xf32, #tpu.memory_space<vmem>>
      tpu.enqueue_dma source(%dma_start3A_31 : memref<40x128xf32, #tpu.memory_space<vmem>>) target(%dma_start3A_28 : memref<40x128xf32, #tpu.memory_space<vmem_shared>>) target_semaphore(%run_scoped3A : memref<!tpu.dma_semaphore, #tpu.memory_space<semaphore_mem>>)
      %dma_wait3A = arith.constant 0 : i32
      %dma_wait3A_32 = arith.constant 0 : i32
      %dma_wait3A_33 = tpu.memref_slice %arg13[%dma_wait3A, %dma_wait3A_32] : memref<128x128xf32, #tpu.memory_space<vmem>> -> memref<40x128xf32, #tpu.memory_space<vmem>>
      %dma_wait3A_34 = arith.constant 0 : i32
      %dma_wait3A_35 = tpu.memref_slice %arg15[%mul3A_9, %dma_wait3A_34] : memref<640x128xf32, #tpu.memory_space<vmem_shared>> -> memref<40x128xf32, #tpu.memory_space<vmem_shared>>
      %dma_wait3A_36 = arith.constant 0 : i32
      %dma_wait3A_37 = tpu.memref_slice %arg15[%mul3A_9, %dma_wait3A_36] : memref<640x128xf32, #tpu.memory_space<vmem_shared>> -> memref<40x128xf32, #tpu.memory_space<vmem_shared>>
      %dma_wait3A_38 = arith.constant 0 : i32
      %dma_wait3A_39 = arith.constant 0 : i32
      %dma_wait3A_40 = tpu.memref_slice %arg13[%dma_wait3A_38, %dma_wait3A_39] : memref<128x128xf32, #tpu.memory_space<vmem>> -> memref<40x128xf32, #tpu.memory_space<vmem>>
      tpu.wait_dma2 semaphore(%run_scoped3A : memref<!tpu.dma_semaphore, #tpu.memory_space<semaphore_mem>>) src(%dma_wait3A_40 : memref<40x128xf32, #tpu.memory_space<vmem>>) dst(%dma_wait3A_37 : memref<40x128xf32, #tpu.memory_space<vmem_shared>>)
      tpu.yield
    }) : () -> ()
    %barrier3A = arith.constant 0 : index
    tpu.barrier barrier_id(%barrier3A)
    "tpu.region"() ({
      %run_scoped3A = tpu.sem_alloc : memref<!tpu.dma_semaphore, #tpu.memory_space<semaphore_mem>>
      %dma_start3A = arith.constant 0 : i32
      %dma_start3A_23 = arith.constant 0 : i32
      %dma_start3A_24 = tpu.memref_slice %arg4[%add3A, %dma_start3A, %dma_start3A_23] : memref<32x40x128xi32, #tpu.memory_space<hbm>> -> memref<1x40x128xi32, #tpu.memory_space<hbm>>
      %dma_start3A_25 = tpu.memref_squeeze %dma_start3A_24 : memref<1x40x128xi32, #tpu.memory_space<hbm>> -> memref<40x128xi32, #tpu.memory_space<hbm>>
      %dma_start3A_26 = arith.constant 0 : i32
      %dma_start3A_27 = arith.constant 0 : i32
      %dma_start3A_28 = tpu.memref_slice %arg4[%add3A, %dma_start3A_26, %dma_start3A_27] : memref<32x40x128xi32, #tpu.memory_space<hbm>> -> memref<1x40x128xi32, #tpu.memory_space<hbm>>
      %dma_start3A_29 = tpu.memref_squeeze %dma_start3A_28 : memref<1x40x128xi32, #tpu.memory_space<hbm>> -> memref<40x128xi32, #tpu.memory_space<hbm>>
      tpu.enqueue_dma source(%dma_start3A_29 : memref<40x128xi32, #tpu.memory_space<hbm>>) target(%arg10 : memref<40x128xi32, #tpu.memory_space<vmem>>) target_semaphore(%run_scoped3A : memref<!tpu.dma_semaphore, #tpu.memory_space<semaphore_mem>>)
      %dma_wait3A = arith.constant 0 : i32
      %dma_wait3A_30 = arith.constant 0 : i32
      %dma_wait3A_31 = tpu.memref_slice %arg4[%add3A, %dma_wait3A, %dma_wait3A_30] : memref<32x40x128xi32, #tpu.memory_space<hbm>> -> memref<1x40x128xi32, #tpu.memory_space<hbm>>
      %dma_wait3A_32 = tpu.memref_squeeze %dma_wait3A_31 : memref<1x40x128xi32, #tpu.memory_space<hbm>> -> memref<40x128xi32, #tpu.memory_space<hbm>>
      %dma_wait3A_33 = arith.constant 0 : i32
      %dma_wait3A_34 = arith.constant 0 : i32
      %dma_wait3A_35 = tpu.memref_slice %arg4[%add3A, %dma_wait3A_33, %dma_wait3A_34] : memref<32x40x128xi32, #tpu.memory_space<hbm>> -> memref<1x40x128xi32, #tpu.memory_space<hbm>>
      %dma_wait3A_36 = tpu.memref_squeeze %dma_wait3A_35 : memref<1x40x128xi32, #tpu.memory_space<hbm>> -> memref<40x128xi32, #tpu.memory_space<hbm>>
      tpu.wait_dma2 semaphore(%run_scoped3A : memref<!tpu.dma_semaphore, #tpu.memory_space<semaphore_mem>>) src(%dma_wait3A_36 : memref<40x128xi32, #tpu.memory_space<hbm>>) dst(%arg10 : memref<40x128xi32, #tpu.memory_space<vmem>>)
      tpu.yield
    }) : () -> ()
    "tpu.region"() ({
      %run_scoped3A = tpu.sem_alloc : memref<!tpu.dma_semaphore, #tpu.memory_space<semaphore_mem>>
      %dma_start3A = arith.constant 0 : i32
      %dma_start3A_23 = arith.constant 0 : i32
      %dma_start3A_24 = tpu.memref_slice %arg5[%add3A, %dma_start3A, %dma_start3A_23] : memref<32x40x128xi32, #tpu.memory_space<hbm>> -> memref<1x40x128xi32, #tpu.memory_space<hbm>>
      %dma_start3A_25 = tpu.memref_squeeze %dma_start3A_24 : memref<1x40x128xi32, #tpu.memory_space<hbm>> -> memref<40x128xi32, #tpu.memory_space<hbm>>
      %dma_start3A_26 = arith.constant 0 : i32
      %dma_start3A_27 = arith.constant 0 : i32
      %dma_start3A_28 = tpu.memref_slice %arg5[%add3A, %dma_start3A_26, %dma_start3A_27] : memref<32x40x128xi32, #tpu.memory_space<hbm>> -> memref<1x40x128xi32, #tpu.memory_space<hbm>>
      %dma_start3A_29 = tpu.memref_squeeze %dma_start3A_28 : memref<1x40x128xi32, #tpu.memory_space<hbm>> -> memref<40x128xi32, #tpu.memory_space<hbm>>
      tpu.enqueue_dma source(%dma_start3A_29 : memref<40x128xi32, #tpu.memory_space<hbm>>) target(%arg11 : memref<40x128xi32, #tpu.memory_space<vmem>>) target_semaphore(%run_scoped3A : memref<!tpu.dma_semaphore, #tpu.memory_space<semaphore_mem>>)
      %dma_wait3A = arith.constant 0 : i32
      %dma_wait3A_30 = arith.constant 0 : i32
      %dma_wait3A_31 = tpu.memref_slice %arg5[%add3A, %dma_wait3A, %dma_wait3A_30] : memref<32x40x128xi32, #tpu.memory_space<hbm>> -> memref<1x40x128xi32, #tpu.memory_space<hbm>>
      %dma_wait3A_32 = tpu.memref_squeeze %dma_wait3A_31 : memref<1x40x128xi32, #tpu.memory_space<hbm>> -> memref<40x128xi32, #tpu.memory_space<hbm>>
      %dma_wait3A_33 = arith.constant 0 : i32
      %dma_wait3A_34 = arith.constant 0 : i32
      %dma_wait3A_35 = tpu.memref_slice %arg5[%add3A, %dma_wait3A_33, %dma_wait3A_34] : memref<32x40x128xi32, #tpu.memory_space<hbm>> -> memref<1x40x128xi32, #tpu.memory_space<hbm>>
      %dma_wait3A_36 = tpu.memref_squeeze %dma_wait3A_35 : memref<1x40x128xi32, #tpu.memory_space<hbm>> -> memref<40x128xi32, #tpu.memory_space<hbm>>
      tpu.wait_dma2 semaphore(%run_scoped3A : memref<!tpu.dma_semaphore, #tpu.memory_space<semaphore_mem>>) src(%dma_wait3A_36 : memref<40x128xi32, #tpu.memory_space<hbm>>) dst(%arg11 : memref<40x128xi32, #tpu.memory_space<vmem>>)
      tpu.yield
    }) : () -> ()
    %scan3A_10 = arith.constant 0 : i32
    %scan3A_11 = arith.constant 0 : i32
    %scan3A_12 = arith.constant 40 : i32
    %scan3A_13 = arith.addi %scan3A_11, %scan3A_12 : i32
    %scan3A_14 = arith.constant 1 : i32
    scf.for %scan3A_23 = %scan3A_11 to %scan3A_13 step %scan3A_14  : i32 {
      %mul3A_24 = arith.constant 128 : i32
      %mul3A_25 = arith.muli %scan3A_23, %mul3A_24 : i32
      %add3A_26 = arith.addi %mul3A_2, %mul3A_25 : i32
      "tpu.region"() ({
        %run_scoped3A = tpu.sem_alloc : memref<!tpu.dma_semaphore, #tpu.memory_space<semaphore_mem>>
        %dma_start3A = arith.constant 0 : i32
        %dma_start3A_30 = tpu.memref_slice %arg2[%add3A_26, %dma_start3A] : memref<163840x128xf32, #tpu.memory_space<hbm>> -> memref<128x128xf32, #tpu.memory_space<hbm>>
        %dma_start3A_31 = arith.constant 0 : i32
        %dma_start3A_32 = tpu.memref_slice %arg2[%add3A_26, %dma_start3A_31] : memref<163840x128xf32, #tpu.memory_space<hbm>> -> memref<128x128xf32, #tpu.memory_space<hbm>>
        tpu.enqueue_dma source(%dma_start3A_32 : memref<128x128xf32, #tpu.memory_space<hbm>>) target(%arg12 : memref<128x128xf32, #tpu.memory_space<vmem>>) target_semaphore(%run_scoped3A : memref<!tpu.dma_semaphore, #tpu.memory_space<semaphore_mem>>)
        %dma_wait3A = arith.constant 0 : i32
        %dma_wait3A_33 = tpu.memref_slice %arg2[%add3A_26, %dma_wait3A] : memref<163840x128xf32, #tpu.memory_space<hbm>> -> memref<128x128xf32, #tpu.memory_space<hbm>>
        %dma_wait3A_34 = arith.constant 0 : i32
        %dma_wait3A_35 = tpu.memref_slice %arg2[%add3A_26, %dma_wait3A_34] : memref<163840x128xf32, #tpu.memory_space<hbm>> -> memref<128x128xf32, #tpu.memory_space<hbm>>
        tpu.wait_dma2 semaphore(%run_scoped3A : memref<!tpu.dma_semaphore, #tpu.memory_space<semaphore_mem>>) src(%dma_wait3A_35 : memref<128x128xf32, #tpu.memory_space<hbm>>) dst(%arg12 : memref<128x128xf32, #tpu.memory_space<vmem>>)
        tpu.yield
      }) : () -> ()
      "tpu.region"() ({
        %run_scoped3A = tpu.sem_alloc : memref<!tpu.dma_semaphore, #tpu.memory_space<semaphore_mem>>
        %dma_start3A = arith.constant 0 : i32
        %dma_start3A_30 = tpu.memref_slice %arg10[%scan3A_23, %dma_start3A] : memref<40x128xi32, #tpu.memory_space<vmem>> -> memref<1x128xi32, #tpu.memory_space<vmem>>
        %dma_start3A_31 = tpu.memref_squeeze %dma_start3A_30 : memref<1x128xi32, #tpu.memory_space<vmem>> -> memref<128xi32, #tpu.memory_space<vmem>>
        %dma_start3A_32 = arith.constant 0 : i32
        %dma_start3A_33 = arith.constant 0 : i32
        %dma_start3A_34 = tpu.memref_slice %arg14[%dma_start3A_32, %dma_start3A_33] : memref<10240x128xf32, #tpu.memory_space<vmem_shared>> -> memref<10240x128xf32, #tpu.memory_space<vmem_shared>>
        tpu.enqueue_indirect_dma source(%arg12 : memref<128x128xf32, #tpu.memory_space<vmem>>) target(%dma_start3A_34 : memref<10240x128xf32, #tpu.memory_space<vmem_shared>>) offsets(%dma_start3A_31 : memref<128xi32, #tpu.memory_space<vmem>>) semaphore(%run_scoped3A : memref<!tpu.dma_semaphore, #tpu.memory_space<semaphore_mem>>) {add = true}
        %dma_wait3A = arith.constant 0 : i32
        %dma_wait3A_35 = tpu.memref_slice %arg10[%scan3A_23, %dma_wait3A] : memref<40x128xi32, #tpu.memory_space<vmem>> -> memref<1x128xi32, #tpu.memory_space<vmem>>
        %dma_wait3A_36 = tpu.memref_squeeze %dma_wait3A_35 : memref<1x128xi32, #tpu.memory_space<vmem>> -> memref<128xi32, #tpu.memory_space<vmem>>
        %dma_wait3A_37 = arith.constant 0 : i32
        %dma_wait3A_38 = arith.constant 0 : i32
        %dma_wait3A_39 = tpu.memref_slice %arg14[%dma_wait3A_37, %dma_wait3A_38] : memref<10240x128xf32, #tpu.memory_space<vmem_shared>> -> memref<10240x128xf32, #tpu.memory_space<vmem_shared>>
        tpu.wait_indirect_dma semaphore(%run_scoped3A : memref<!tpu.dma_semaphore, #tpu.memory_space<semaphore_mem>>) src(%arg12 : memref<128x128xf32, #tpu.memory_space<vmem>>) dst(%dma_wait3A_39 : memref<10240x128xf32, #tpu.memory_space<vmem_shared>>)
        tpu.yield
      }) : () -> ()
      %mul3A_27 = arith.constant 128 : i32
      %mul3A_28 = arith.muli %scan3A_23, %mul3A_27 : i32
      %add3A_29 = arith.addi %mul3A_2, %mul3A_28 : i32
      "tpu.region"() ({
        %run_scoped3A = tpu.sem_alloc : memref<!tpu.dma_semaphore, #tpu.memory_space<semaphore_mem>>
        %dma_start3A = arith.constant 0 : i32
        %dma_start3A_30 = tpu.memref_slice %arg3[%add3A_29, %dma_start3A] : memref<163840x128xf32, #tpu.memory_space<hbm>> -> memref<128x128xf32, #tpu.memory_space<hbm>>
        %dma_start3A_31 = arith.constant 0 : i32
        %dma_start3A_32 = tpu.memref_slice %arg3[%add3A_29, %dma_start3A_31] : memref<163840x128xf32, #tpu.memory_space<hbm>> -> memref<128x128xf32, #tpu.memory_space<hbm>>
        tpu.enqueue_dma source(%dma_start3A_32 : memref<128x128xf32, #tpu.memory_space<hbm>>) target(%arg13 : memref<128x128xf32, #tpu.memory_space<vmem>>) target_semaphore(%run_scoped3A : memref<!tpu.dma_semaphore, #tpu.memory_space<semaphore_mem>>)
        %dma_wait3A = arith.constant 0 : i32
        %dma_wait3A_33 = tpu.memref_slice %arg3[%add3A_29, %dma_wait3A] : memref<163840x128xf32, #tpu.memory_space<hbm>> -> memref<128x128xf32, #tpu.memory_space<hbm>>
        %dma_wait3A_34 = arith.constant 0 : i32
        %dma_wait3A_35 = tpu.memref_slice %arg3[%add3A_29, %dma_wait3A_34] : memref<163840x128xf32, #tpu.memory_space<hbm>> -> memref<128x128xf32, #tpu.memory_space<hbm>>
        tpu.wait_dma2 semaphore(%run_scoped3A : memref<!tpu.dma_semaphore, #tpu.memory_space<semaphore_mem>>) src(%dma_wait3A_35 : memref<128x128xf32, #tpu.memory_space<hbm>>) dst(%arg13 : memref<128x128xf32, #tpu.memory_space<vmem>>)
        tpu.yield
      }) : () -> ()
      "tpu.region"() ({
        %run_scoped3A = tpu.sem_alloc : memref<!tpu.dma_semaphore, #tpu.memory_space<semaphore_mem>>
        %dma_start3A = arith.constant 0 : i32
        %dma_start3A_30 = tpu.memref_slice %arg11[%scan3A_23, %dma_start3A] : memref<40x128xi32, #tpu.memory_space<vmem>> -> memref<1x128xi32, #tpu.memory_space<vmem>>
        %dma_start3A_31 = tpu.memref_squeeze %dma_start3A_30 : memref<1x128xi32, #tpu.memory_space<vmem>> -> memref<128xi32, #tpu.memory_space<vmem>>
        %dma_start3A_32 = arith.constant 0 : i32
        %dma_start3A_33 = arith.constant 0 : i32
        %dma_start3A_34 = tpu.memref_slice %arg15[%dma_start3A_32, %dma_start3A_33] : memref<640x128xf32, #tpu.memory_space<vmem_shared>> -> memref<640x128xf32, #tpu.memory_space<vmem_shared>>
        tpu.enqueue_indirect_dma source(%arg13 : memref<128x128xf32, #tpu.memory_space<vmem>>) target(%dma_start3A_34 : memref<640x128xf32, #tpu.memory_space<vmem_shared>>) offsets(%dma_start3A_31 : memref<128xi32, #tpu.memory_space<vmem>>) semaphore(%run_scoped3A : memref<!tpu.dma_semaphore, #tpu.memory_space<semaphore_mem>>) {add = true}
        %dma_wait3A = arith.constant 0 : i32
        %dma_wait3A_35 = tpu.memref_slice %arg11[%scan3A_23, %dma_wait3A] : memref<40x128xi32, #tpu.memory_space<vmem>> -> memref<1x128xi32, #tpu.memory_space<vmem>>
        %dma_wait3A_36 = tpu.memref_squeeze %dma_wait3A_35 : memref<1x128xi32, #tpu.memory_space<vmem>> -> memref<128xi32, #tpu.memory_space<vmem>>
        %dma_wait3A_37 = arith.constant 0 : i32
        %dma_wait3A_38 = arith.constant 0 : i32
        %dma_wait3A_39 = tpu.memref_slice %arg15[%dma_wait3A_37, %dma_wait3A_38] : memref<640x128xf32, #tpu.memory_space<vmem_shared>> -> memref<640x128xf32, #tpu.memory_space<vmem_shared>>
        tpu.wait_indirect_dma semaphore(%run_scoped3A : memref<!tpu.dma_semaphore, #tpu.memory_space<semaphore_mem>>) src(%arg13 : memref<128x128xf32, #tpu.memory_space<vmem>>) dst(%dma_wait3A_39 : memref<640x128xf32, #tpu.memory_space<vmem_shared>>)
        tpu.yield
      }) : () -> ()
    }
    %scan3A_15 = arith.constant 40 : i32
    %barrier3A_16 = arith.constant 0 : index
    tpu.barrier barrier_id(%barrier3A_16)
    %scan3A_17 = arith.constant 0 : i32
    %scan3A_18 = arith.constant 0 : i32
    %scan3A_19 = arith.constant 5 : i32
    %scan3A_20 = arith.addi %scan3A_18, %scan3A_19 : i32
    %scan3A_21 = arith.constant 1 : i32
    scf.for %scan3A_23 = %scan3A_18 to %scan3A_20 step %scan3A_21  : i32 {
      %mul3A_24 = arith.constant 640 : i32
      %mul3A_25 = arith.muli %arg1, %mul3A_24 : i32
      %mul3A_26 = arith.constant 128 : i32
      %mul3A_27 = arith.muli %scan3A_23, %mul3A_26 : i32
      %add3A_28 = arith.addi %mul3A_25, %mul3A_27 : i32
      "tpu.region"() ({
        %run_scoped3A = tpu.sem_alloc : memref<!tpu.dma_semaphore, #tpu.memory_space<semaphore_mem>>
        %dma_start3A = arith.constant 0 : i32
        %dma_start3A_29 = tpu.memref_slice %arg14[%add3A_28, %dma_start3A] : memref<10240x128xf32, #tpu.memory_space<vmem_shared>> -> memref<128x128xf32, #tpu.memory_space<vmem_shared>>
        %dma_start3A_30 = arith.constant 0 : i32
        %dma_start3A_31 = tpu.memref_slice %arg14[%add3A_28, %dma_start3A_30] : memref<10240x128xf32, #tpu.memory_space<vmem_shared>> -> memref<128x128xf32, #tpu.memory_space<vmem_shared>>
        tpu.enqueue_dma source(%dma_start3A_31 : memref<128x128xf32, #tpu.memory_space<vmem_shared>>) target(%arg12 : memref<128x128xf32, #tpu.memory_space<vmem>>) target_semaphore(%run_scoped3A : memref<!tpu.dma_semaphore, #tpu.memory_space<semaphore_mem>>)
        %dma_wait3A = arith.constant 0 : i32
        %dma_wait3A_32 = tpu.memref_slice %arg14[%add3A_28, %dma_wait3A] : memref<10240x128xf32, #tpu.memory_space<vmem_shared>> -> memref<128x128xf32, #tpu.memory_space<vmem_shared>>
        %dma_wait3A_33 = arith.constant 0 : i32
        %dma_wait3A_34 = tpu.memref_slice %arg14[%add3A_28, %dma_wait3A_33] : memref<10240x128xf32, #tpu.memory_space<vmem_shared>> -> memref<128x128xf32, #tpu.memory_space<vmem_shared>>
        tpu.wait_dma2 semaphore(%run_scoped3A : memref<!tpu.dma_semaphore, #tpu.memory_space<semaphore_mem>>) src(%dma_wait3A_34 : memref<128x128xf32, #tpu.memory_space<vmem_shared>>) dst(%arg12 : memref<128x128xf32, #tpu.memory_space<vmem>>)
        tpu.yield
      }) : () -> ()
      "tpu.region"() ({
        %run_scoped3A = tpu.sem_alloc : memref<!tpu.dma_semaphore, #tpu.memory_space<semaphore_mem>>
        %dma_start3A = arith.constant 0 : i32
        %dma_start3A_29 = tpu.memref_slice %arg8[%arg0, %add3A_28, %dma_start3A] : memref<2x10240x128xf32, #tpu.memory_space<hbm>> -> memref<1x128x128xf32, #tpu.memory_space<hbm>>
        %dma_start3A_30 = tpu.memref_squeeze %dma_start3A_29 : memref<1x128x128xf32, #tpu.memory_space<hbm>> -> memref<128x128xf32, #tpu.memory_space<hbm>>
        %dma_start3A_31 = arith.constant 0 : i32
        %dma_start3A_32 = tpu.memref_slice %arg8[%arg0, %add3A_28, %dma_start3A_31] : memref<2x10240x128xf32, #tpu.memory_space<hbm>> -> memref<1x128x128xf32, #tpu.memory_space<hbm>>
        %dma_start3A_33 = tpu.memref_squeeze %dma_start3A_32 : memref<1x128x128xf32, #tpu.memory_space<hbm>> -> memref<128x128xf32, #tpu.memory_space<hbm>>
        tpu.enqueue_dma source(%arg12 : memref<128x128xf32, #tpu.memory_space<vmem>>) target(%dma_start3A_33 : memref<128x128xf32, #tpu.memory_space<hbm>>) target_semaphore(%run_scoped3A : memref<!tpu.dma_semaphore, #tpu.memory_space<semaphore_mem>>)
        %dma_wait3A = arith.constant 0 : i32
        %dma_wait3A_34 = tpu.memref_slice %arg8[%arg0, %add3A_28, %dma_wait3A] : memref<2x10240x128xf32, #tpu.memory_space<hbm>> -> memref<1x128x128xf32, #tpu.memory_space<hbm>>
        %dma_wait3A_35 = tpu.memref_squeeze %dma_wait3A_34 : memref<1x128x128xf32, #tpu.memory_space<hbm>> -> memref<128x128xf32, #tpu.memory_space<hbm>>
        %dma_wait3A_36 = arith.constant 0 : i32
        %dma_wait3A_37 = tpu.memref_slice %arg8[%arg0, %add3A_28, %dma_wait3A_36] : memref<2x10240x128xf32, #tpu.memory_space<hbm>> -> memref<1x128x128xf32, #tpu.memory_space<hbm>>
        %dma_wait3A_38 = tpu.memref_squeeze %dma_wait3A_37 : memref<1x128x128xf32, #tpu.memory_space<hbm>> -> memref<128x128xf32, #tpu.memory_space<hbm>>
        tpu.wait_dma2 semaphore(%run_scoped3A : memref<!tpu.dma_semaphore, #tpu.memory_space<semaphore_mem>>) src(%arg12 : memref<128x128xf32, #tpu.memory_space<vmem>>) dst(%dma_wait3A_38 : memref<128x128xf32, #tpu.memory_space<hbm>>)
        tpu.yield
      }) : () -> ()
    }
    %scan3A_22 = arith.constant 5 : i32
    "tpu.region"() ({
      %run_scoped3A = tpu.sem_alloc : memref<!tpu.dma_semaphore, #tpu.memory_space<semaphore_mem>>
      %dma_start3A = arith.constant 0 : i32
      %dma_start3A_23 = arith.constant 0 : i32
      %dma_start3A_24 = tpu.memref_slice %arg13[%dma_start3A, %dma_start3A_23] : memref<128x128xf32, #tpu.memory_space<vmem>> -> memref<40x128xf32, #tpu.memory_space<vmem>>
      %dma_start3A_25 = arith.constant 0 : i32
      %dma_start3A_26 = tpu.memref_slice %arg15[%mul3A_9, %dma_start3A_25] : memref<640x128xf32, #tpu.memory_space<vmem_shared>> -> memref<40x128xf32, #tpu.memory_space<vmem_shared>>
      %dma_start3A_27 = arith.constant 0 : i32
      %dma_start3A_28 = arith.constant 0 : i32
      %dma_start3A_29 = tpu.memref_slice %arg13[%dma_start3A_27, %dma_start3A_28] : memref<128x128xf32, #tpu.memory_space<vmem>> -> memref<40x128xf32, #tpu.memory_space<vmem>>
      %dma_start3A_30 = arith.constant 0 : i32
      %dma_start3A_31 = tpu.memref_slice %arg15[%mul3A_9, %dma_start3A_30] : memref<640x128xf32, #tpu.memory_space<vmem_shared>> -> memref<40x128xf32, #tpu.memory_space<vmem_shared>>
      tpu.enqueue_dma source(%dma_start3A_31 : memref<40x128xf32, #tpu.memory_space<vmem_shared>>) target(%dma_start3A_29 : memref<40x128xf32, #tpu.memory_space<vmem>>) target_semaphore(%run_scoped3A : memref<!tpu.dma_semaphore, #tpu.memory_space<semaphore_mem>>)
      %dma_wait3A = arith.constant 0 : i32
      %dma_wait3A_32 = arith.constant 0 : i32
      %dma_wait3A_33 = tpu.memref_slice %arg13[%dma_wait3A, %dma_wait3A_32] : memref<128x128xf32, #tpu.memory_space<vmem>> -> memref<40x128xf32, #tpu.memory_space<vmem>>
      %dma_wait3A_34 = arith.constant 0 : i32
      %dma_wait3A_35 = tpu.memref_slice %arg15[%mul3A_9, %dma_wait3A_34] : memref<640x128xf32, #tpu.memory_space<vmem_shared>> -> memref<40x128xf32, #tpu.memory_space<vmem_shared>>
      %dma_wait3A_36 = arith.constant 0 : i32
      %dma_wait3A_37 = arith.constant 0 : i32
      %dma_wait3A_38 = tpu.memref_slice %arg13[%dma_wait3A_36, %dma_wait3A_37] : memref<128x128xf32, #tpu.memory_space<vmem>> -> memref<40x128xf32, #tpu.memory_space<vmem>>
      %dma_wait3A_39 = arith.constant 0 : i32
      %dma_wait3A_40 = tpu.memref_slice %arg15[%mul3A_9, %dma_wait3A_39] : memref<640x128xf32, #tpu.memory_space<vmem_shared>> -> memref<40x128xf32, #tpu.memory_space<vmem_shared>>
      tpu.wait_dma2 semaphore(%run_scoped3A : memref<!tpu.dma_semaphore, #tpu.memory_space<semaphore_mem>>) src(%dma_wait3A_40 : memref<40x128xf32, #tpu.memory_space<vmem_shared>>) dst(%dma_wait3A_38 : memref<40x128xf32, #tpu.memory_space<vmem>>)
      tpu.yield
    }) : () -> ()
    "tpu.region"() ({
      %run_scoped3A = tpu.sem_alloc : memref<!tpu.dma_semaphore, #tpu.memory_space<semaphore_mem>>
      %dma_start3A = arith.constant 0 : i32
      %dma_start3A_23 = arith.constant 0 : i32
      %dma_start3A_24 = tpu.memref_slice %arg13[%dma_start3A, %dma_start3A_23] : memref<128x128xf32, #tpu.memory_space<vmem>> -> memref<40x128xf32, #tpu.memory_space<vmem>>
      %dma_start3A_25 = arith.constant 0 : i32
      %dma_start3A_26 = tpu.memref_slice %arg9[%arg0, %mul3A_9, %dma_start3A_25] : memref<2x640x128xf32, #tpu.memory_space<hbm>> -> memref<1x40x128xf32, #tpu.memory_space<hbm>>
      %dma_start3A_27 = tpu.memref_squeeze %dma_start3A_26 : memref<1x40x128xf32, #tpu.memory_space<hbm>> -> memref<40x128xf32, #tpu.memory_space<hbm>>
      %dma_start3A_28 = arith.constant 0 : i32
      %dma_start3A_29 = tpu.memref_slice %arg9[%arg0, %mul3A_9, %dma_start3A_28] : memref<2x640x128xf32, #tpu.memory_space<hbm>> -> memref<1x40x128xf32, #tpu.memory_space<hbm>>
      %dma_start3A_30 = tpu.memref_squeeze %dma_start3A_29 : memref<1x40x128xf32, #tpu.memory_space<hbm>> -> memref<40x128xf32, #tpu.memory_space<hbm>>
      %dma_start3A_31 = arith.constant 0 : i32
      %dma_start3A_32 = arith.constant 0 : i32
      %dma_start3A_33 = tpu.memref_slice %arg13[%dma_start3A_31, %dma_start3A_32] : memref<128x128xf32, #tpu.memory_space<vmem>> -> memref<40x128xf32, #tpu.memory_space<vmem>>
      tpu.enqueue_dma source(%dma_start3A_33 : memref<40x128xf32, #tpu.memory_space<vmem>>) target(%dma_start3A_30 : memref<40x128xf32, #tpu.memory_space<hbm>>) target_semaphore(%run_scoped3A : memref<!tpu.dma_semaphore, #tpu.memory_space<semaphore_mem>>)
      %dma_wait3A = arith.constant 0 : i32
      %dma_wait3A_34 = arith.constant 0 : i32
      %dma_wait3A_35 = tpu.memref_slice %arg13[%dma_wait3A, %dma_wait3A_34] : memref<128x128xf32, #tpu.memory_space<vmem>> -> memref<40x128xf32, #tpu.memory_space<vmem>>
      %dma_wait3A_36 = arith.constant 0 : i32
      %dma_wait3A_37 = tpu.memref_slice %arg9[%arg0, %mul3A_9, %dma_wait3A_36] : memref<2x640x128xf32, #tpu.memory_space<hbm>> -> memref<1x40x128xf32, #tpu.memory_space<hbm>>
      %dma_wait3A_38 = tpu.memref_squeeze %dma_wait3A_37 : memref<1x40x128xf32, #tpu.memory_space<hbm>> -> memref<40x128xf32, #tpu.memory_space<hbm>>
      %dma_wait3A_39 = arith.constant 0 : i32
      %dma_wait3A_40 = tpu.memref_slice %arg9[%arg0, %mul3A_9, %dma_wait3A_39] : memref<2x640x128xf32, #tpu.memory_space<hbm>> -> memref<1x40x128xf32, #tpu.memory_space<hbm>>
      %dma_wait3A_41 = tpu.memref_squeeze %dma_wait3A_40 : memref<1x40x128xf32, #tpu.memory_space<hbm>> -> memref<40x128xf32, #tpu.memory_space<hbm>>
      %dma_wait3A_42 = arith.constant 0 : i32
      %dma_wait3A_43 = arith.constant 0 : i32
      %dma_wait3A_44 = tpu.memref_slice %arg13[%dma_wait3A_42, %dma_wait3A_43] : memref<128x128xf32, #tpu.memory_space<vmem>> -> memref<40x128xf32, #tpu.memory_space<vmem>>
      tpu.wait_dma2 semaphore(%run_scoped3A : memref<!tpu.dma_semaphore, #tpu.memory_space<semaphore_mem>>) src(%dma_wait3A_44 : memref<40x128xf32, #tpu.memory_space<vmem>>) dst(%dma_wait3A_41 : memref<40x128xf32, #tpu.memory_space<hbm>>)
      tpu.yield
    }) : () -> ()
    return
  }
}

#map = affine_map<(d0, d1) -> (0, 0)>
#map1 = affine_map<(d0, d1) -> (0, 0, 0)>
module attributes {stable_mosaic.version = 14 : i64} {
  func.func @k(%arg0: i32, %arg1: i32, %arg2: memref<51200x256xf32, #tpu.memory_space<hbm>>, %arg3: memref<640x256xf32, #tpu.memory_space<hbm>>, %arg4: memref<10240x128xf32, #tpu.memory_space<hbm>>, %arg5: memref<32x40x128xi32, #tpu.memory_space<hbm>>, %arg6: memref<32x40x128xi32, #tpu.memory_space<hbm>>, %arg7: memref<32x40x128xi32, #tpu.memory_space<hbm>>, %arg8: memref<163840x256xf32, #tpu.memory_space<hbm>>, %arg9: memref<163840x256xf32, #tpu.memory_space<hbm>>, %arg10: memref<163840x128xf32, #tpu.memory_space<hbm>>, %arg11: memref<40x128xi32, #tpu.memory_space<vmem>>, %arg12: memref<40x128xi32, #tpu.memory_space<vmem>>, %arg13: memref<40x128xi32, #tpu.memory_space<vmem>>, %arg14: memref<128x256xf32, #tpu.memory_space<vmem>>, %arg15: memref<128x256xf32, #tpu.memory_space<vmem>>, %arg16: memref<128x128xf32, #tpu.memory_space<vmem>>, %arg17: memref<!tpu.dma_semaphore, #tpu.memory_space<semaphore_mem>>, %arg18: memref<!tpu.dma_semaphore, #tpu.memory_space<semaphore_mem>>, %arg19: memref<!tpu.dma_semaphore, #tpu.memory_space<semaphore_mem>>) attributes {dimension_semantics = [#tpu.dimension_semantics<core_parallel>, #tpu.dimension_semantics<subcore_parallel>], iteration_bounds = array<i64: 2, 16>, scalar_prefetch = 0 : i64, scratch_operands = 9 : i64, tpu.core_type = #tpu.core_type<sc_vector_subcore>, window_params = [{transform_indices = #map}, {transform_indices = #map}, {transform_indices = #map}, {transform_indices = #map1}, {transform_indices = #map1}, {transform_indices = #map1}, {transform_indices = #map}, {transform_indices = #map}, {transform_indices = #map}]} {
    %mul3A = arith.constant 2 : i32
    %mul3A_0 = arith.muli %arg1, %mul3A : i32
    %add3A = arith.addi %mul3A_0, %arg0 : i32
    %mul3A_1 = arith.constant 5120 : i32
    %mul3A_2 = arith.muli %add3A, %mul3A_1 : i32
    "tpu.region"() ({
      %run_scoped3A = tpu.sem_alloc : memref<!tpu.dma_semaphore, #tpu.memory_space<semaphore_mem>>
      %dma_start3A = arith.constant 0 : i32
      %dma_start3A_8 = arith.constant 0 : i32
      %dma_start3A_9 = tpu.memref_slice %arg5[%add3A, %dma_start3A, %dma_start3A_8] : memref<32x40x128xi32, #tpu.memory_space<hbm>> -> memref<1x40x128xi32, #tpu.memory_space<hbm>>
      %dma_start3A_10 = tpu.memref_squeeze %dma_start3A_9 : memref<1x40x128xi32, #tpu.memory_space<hbm>> -> memref<40x128xi32, #tpu.memory_space<hbm>>
      %dma_start3A_11 = arith.constant 0 : i32
      %dma_start3A_12 = arith.constant 0 : i32
      %dma_start3A_13 = tpu.memref_slice %arg5[%add3A, %dma_start3A_11, %dma_start3A_12] : memref<32x40x128xi32, #tpu.memory_space<hbm>> -> memref<1x40x128xi32, #tpu.memory_space<hbm>>
      %dma_start3A_14 = tpu.memref_squeeze %dma_start3A_13 : memref<1x40x128xi32, #tpu.memory_space<hbm>> -> memref<40x128xi32, #tpu.memory_space<hbm>>
      tpu.enqueue_dma source(%dma_start3A_14 : memref<40x128xi32, #tpu.memory_space<hbm>>) target(%arg11 : memref<40x128xi32, #tpu.memory_space<vmem>>) target_semaphore(%run_scoped3A : memref<!tpu.dma_semaphore, #tpu.memory_space<semaphore_mem>>)
      %dma_wait3A = arith.constant 0 : i32
      %dma_wait3A_15 = arith.constant 0 : i32
      %dma_wait3A_16 = tpu.memref_slice %arg5[%add3A, %dma_wait3A, %dma_wait3A_15] : memref<32x40x128xi32, #tpu.memory_space<hbm>> -> memref<1x40x128xi32, #tpu.memory_space<hbm>>
      %dma_wait3A_17 = tpu.memref_squeeze %dma_wait3A_16 : memref<1x40x128xi32, #tpu.memory_space<hbm>> -> memref<40x128xi32, #tpu.memory_space<hbm>>
      %dma_wait3A_18 = arith.constant 0 : i32
      %dma_wait3A_19 = arith.constant 0 : i32
      %dma_wait3A_20 = tpu.memref_slice %arg5[%add3A, %dma_wait3A_18, %dma_wait3A_19] : memref<32x40x128xi32, #tpu.memory_space<hbm>> -> memref<1x40x128xi32, #tpu.memory_space<hbm>>
      %dma_wait3A_21 = tpu.memref_squeeze %dma_wait3A_20 : memref<1x40x128xi32, #tpu.memory_space<hbm>> -> memref<40x128xi32, #tpu.memory_space<hbm>>
      tpu.wait_dma2 semaphore(%run_scoped3A : memref<!tpu.dma_semaphore, #tpu.memory_space<semaphore_mem>>) src(%dma_wait3A_21 : memref<40x128xi32, #tpu.memory_space<hbm>>) dst(%arg11 : memref<40x128xi32, #tpu.memory_space<vmem>>)
      tpu.yield
    }) : () -> ()
    "tpu.region"() ({
      %run_scoped3A = tpu.sem_alloc : memref<!tpu.dma_semaphore, #tpu.memory_space<semaphore_mem>>
      %dma_start3A = arith.constant 0 : i32
      %dma_start3A_8 = arith.constant 0 : i32
      %dma_start3A_9 = tpu.memref_slice %arg6[%add3A, %dma_start3A, %dma_start3A_8] : memref<32x40x128xi32, #tpu.memory_space<hbm>> -> memref<1x40x128xi32, #tpu.memory_space<hbm>>
      %dma_start3A_10 = tpu.memref_squeeze %dma_start3A_9 : memref<1x40x128xi32, #tpu.memory_space<hbm>> -> memref<40x128xi32, #tpu.memory_space<hbm>>
      %dma_start3A_11 = arith.constant 0 : i32
      %dma_start3A_12 = arith.constant 0 : i32
      %dma_start3A_13 = tpu.memref_slice %arg6[%add3A, %dma_start3A_11, %dma_start3A_12] : memref<32x40x128xi32, #tpu.memory_space<hbm>> -> memref<1x40x128xi32, #tpu.memory_space<hbm>>
      %dma_start3A_14 = tpu.memref_squeeze %dma_start3A_13 : memref<1x40x128xi32, #tpu.memory_space<hbm>> -> memref<40x128xi32, #tpu.memory_space<hbm>>
      tpu.enqueue_dma source(%dma_start3A_14 : memref<40x128xi32, #tpu.memory_space<hbm>>) target(%arg12 : memref<40x128xi32, #tpu.memory_space<vmem>>) target_semaphore(%run_scoped3A : memref<!tpu.dma_semaphore, #tpu.memory_space<semaphore_mem>>)
      %dma_wait3A = arith.constant 0 : i32
      %dma_wait3A_15 = arith.constant 0 : i32
      %dma_wait3A_16 = tpu.memref_slice %arg6[%add3A, %dma_wait3A, %dma_wait3A_15] : memref<32x40x128xi32, #tpu.memory_space<hbm>> -> memref<1x40x128xi32, #tpu.memory_space<hbm>>
      %dma_wait3A_17 = tpu.memref_squeeze %dma_wait3A_16 : memref<1x40x128xi32, #tpu.memory_space<hbm>> -> memref<40x128xi32, #tpu.memory_space<hbm>>
      %dma_wait3A_18 = arith.constant 0 : i32
      %dma_wait3A_19 = arith.constant 0 : i32
      %dma_wait3A_20 = tpu.memref_slice %arg6[%add3A, %dma_wait3A_18, %dma_wait3A_19] : memref<32x40x128xi32, #tpu.memory_space<hbm>> -> memref<1x40x128xi32, #tpu.memory_space<hbm>>
      %dma_wait3A_21 = tpu.memref_squeeze %dma_wait3A_20 : memref<1x40x128xi32, #tpu.memory_space<hbm>> -> memref<40x128xi32, #tpu.memory_space<hbm>>
      tpu.wait_dma2 semaphore(%run_scoped3A : memref<!tpu.dma_semaphore, #tpu.memory_space<semaphore_mem>>) src(%dma_wait3A_21 : memref<40x128xi32, #tpu.memory_space<hbm>>) dst(%arg12 : memref<40x128xi32, #tpu.memory_space<vmem>>)
      tpu.yield
    }) : () -> ()
    "tpu.region"() ({
      %run_scoped3A = tpu.sem_alloc : memref<!tpu.dma_semaphore, #tpu.memory_space<semaphore_mem>>
      %dma_start3A = arith.constant 0 : i32
      %dma_start3A_8 = arith.constant 0 : i32
      %dma_start3A_9 = tpu.memref_slice %arg7[%add3A, %dma_start3A, %dma_start3A_8] : memref<32x40x128xi32, #tpu.memory_space<hbm>> -> memref<1x40x128xi32, #tpu.memory_space<hbm>>
      %dma_start3A_10 = tpu.memref_squeeze %dma_start3A_9 : memref<1x40x128xi32, #tpu.memory_space<hbm>> -> memref<40x128xi32, #tpu.memory_space<hbm>>
      %dma_start3A_11 = arith.constant 0 : i32
      %dma_start3A_12 = arith.constant 0 : i32
      %dma_start3A_13 = tpu.memref_slice %arg7[%add3A, %dma_start3A_11, %dma_start3A_12] : memref<32x40x128xi32, #tpu.memory_space<hbm>> -> memref<1x40x128xi32, #tpu.memory_space<hbm>>
      %dma_start3A_14 = tpu.memref_squeeze %dma_start3A_13 : memref<1x40x128xi32, #tpu.memory_space<hbm>> -> memref<40x128xi32, #tpu.memory_space<hbm>>
      tpu.enqueue_dma source(%dma_start3A_14 : memref<40x128xi32, #tpu.memory_space<hbm>>) target(%arg13 : memref<40x128xi32, #tpu.memory_space<vmem>>) target_semaphore(%run_scoped3A : memref<!tpu.dma_semaphore, #tpu.memory_space<semaphore_mem>>)
      %dma_wait3A = arith.constant 0 : i32
      %dma_wait3A_15 = arith.constant 0 : i32
      %dma_wait3A_16 = tpu.memref_slice %arg7[%add3A, %dma_wait3A, %dma_wait3A_15] : memref<32x40x128xi32, #tpu.memory_space<hbm>> -> memref<1x40x128xi32, #tpu.memory_space<hbm>>
      %dma_wait3A_17 = tpu.memref_squeeze %dma_wait3A_16 : memref<1x40x128xi32, #tpu.memory_space<hbm>> -> memref<40x128xi32, #tpu.memory_space<hbm>>
      %dma_wait3A_18 = arith.constant 0 : i32
      %dma_wait3A_19 = arith.constant 0 : i32
      %dma_wait3A_20 = tpu.memref_slice %arg7[%add3A, %dma_wait3A_18, %dma_wait3A_19] : memref<32x40x128xi32, #tpu.memory_space<hbm>> -> memref<1x40x128xi32, #tpu.memory_space<hbm>>
      %dma_wait3A_21 = tpu.memref_squeeze %dma_wait3A_20 : memref<1x40x128xi32, #tpu.memory_space<hbm>> -> memref<40x128xi32, #tpu.memory_space<hbm>>
      tpu.wait_dma2 semaphore(%run_scoped3A : memref<!tpu.dma_semaphore, #tpu.memory_space<semaphore_mem>>) src(%dma_wait3A_21 : memref<40x128xi32, #tpu.memory_space<hbm>>) dst(%arg13 : memref<40x128xi32, #tpu.memory_space<vmem>>)
      tpu.yield
    }) : () -> ()
    %scan3A = arith.constant 0 : i32
    %scan3A_3 = arith.constant 0 : i32
    %scan3A_4 = arith.constant 40 : i32
    %scan3A_5 = arith.addi %scan3A_3, %scan3A_4 : i32
    %scan3A_6 = arith.constant 1 : i32
    scf.for %scan3A_8 = %scan3A_3 to %scan3A_5 step %scan3A_6  : i32 {
      %dma_start3A = arith.constant 0 : i32
      %dma_start3A_9 = tpu.memref_slice %arg11[%scan3A_8, %dma_start3A] : memref<40x128xi32, #tpu.memory_space<vmem>> -> memref<1x128xi32, #tpu.memory_space<vmem>>
      %dma_start3A_10 = tpu.memref_squeeze %dma_start3A_9 : memref<1x128xi32, #tpu.memory_space<vmem>> -> memref<128xi32, #tpu.memory_space<vmem>>
      %dma_start3A_11 = arith.constant 0 : i32
      %dma_start3A_12 = arith.constant 0 : i32
      %dma_start3A_13 = tpu.memref_slice %arg2[%dma_start3A_11, %dma_start3A_12] : memref<51200x256xf32, #tpu.memory_space<hbm>> -> memref<51200x256xf32, #tpu.memory_space<hbm>>
      tpu.enqueue_indirect_dma source(%dma_start3A_13 : memref<51200x256xf32, #tpu.memory_space<hbm>>) target(%arg14 : memref<128x256xf32, #tpu.memory_space<vmem>>) offsets(%dma_start3A_10 : memref<128xi32, #tpu.memory_space<vmem>>) semaphore(%arg17 : memref<!tpu.dma_semaphore, #tpu.memory_space<semaphore_mem>>)
      %dma_start3A_14 = arith.constant 0 : i32
      %dma_start3A_15 = tpu.memref_slice %arg12[%scan3A_8, %dma_start3A_14] : memref<40x128xi32, #tpu.memory_space<vmem>> -> memref<1x128xi32, #tpu.memory_space<vmem>>
      %dma_start3A_16 = tpu.memref_squeeze %dma_start3A_15 : memref<1x128xi32, #tpu.memory_space<vmem>> -> memref<128xi32, #tpu.memory_space<vmem>>
      %dma_start3A_17 = arith.constant 0 : i32
      %dma_start3A_18 = arith.constant 0 : i32
      %dma_start3A_19 = tpu.memref_slice %arg3[%dma_start3A_17, %dma_start3A_18] : memref<640x256xf32, #tpu.memory_space<hbm>> -> memref<640x256xf32, #tpu.memory_space<hbm>>
      tpu.enqueue_indirect_dma source(%dma_start3A_19 : memref<640x256xf32, #tpu.memory_space<hbm>>) target(%arg15 : memref<128x256xf32, #tpu.memory_space<vmem>>) offsets(%dma_start3A_16 : memref<128xi32, #tpu.memory_space<vmem>>) semaphore(%arg18 : memref<!tpu.dma_semaphore, #tpu.memory_space<semaphore_mem>>)
      %dma_start3A_20 = arith.constant 0 : i32
      %dma_start3A_21 = tpu.memref_slice %arg13[%scan3A_8, %dma_start3A_20] : memref<40x128xi32, #tpu.memory_space<vmem>> -> memref<1x128xi32, #tpu.memory_space<vmem>>
      %dma_start3A_22 = tpu.memref_squeeze %dma_start3A_21 : memref<1x128xi32, #tpu.memory_space<vmem>> -> memref<128xi32, #tpu.memory_space<vmem>>
      %dma_start3A_23 = arith.constant 0 : i32
      %dma_start3A_24 = arith.constant 0 : i32
      %dma_start3A_25 = tpu.memref_slice %arg4[%dma_start3A_23, %dma_start3A_24] : memref<10240x128xf32, #tpu.memory_space<hbm>> -> memref<10240x128xf32, #tpu.memory_space<hbm>>
      tpu.enqueue_indirect_dma source(%dma_start3A_25 : memref<10240x128xf32, #tpu.memory_space<hbm>>) target(%arg16 : memref<128x128xf32, #tpu.memory_space<vmem>>) offsets(%dma_start3A_22 : memref<128xi32, #tpu.memory_space<vmem>>) semaphore(%arg19 : memref<!tpu.dma_semaphore, #tpu.memory_space<semaphore_mem>>)
      %dma_wait3A = arith.constant 0 : i32
      %dma_wait3A_26 = tpu.memref_slice %arg11[%scan3A_8, %dma_wait3A] : memref<40x128xi32, #tpu.memory_space<vmem>> -> memref<1x128xi32, #tpu.memory_space<vmem>>
      %dma_wait3A_27 = tpu.memref_squeeze %dma_wait3A_26 : memref<1x128xi32, #tpu.memory_space<vmem>> -> memref<128xi32, #tpu.memory_space<vmem>>
      %dma_wait3A_28 = arith.constant 0 : i32
      %dma_wait3A_29 = arith.constant 0 : i32
      %dma_wait3A_30 = tpu.memref_slice %arg2[%dma_wait3A_28, %dma_wait3A_29] : memref<51200x256xf32, #tpu.memory_space<hbm>> -> memref<51200x256xf32, #tpu.memory_space<hbm>>
      tpu.wait_indirect_dma semaphore(%arg17 : memref<!tpu.dma_semaphore, #tpu.memory_space<semaphore_mem>>) src(%dma_wait3A_30 : memref<51200x256xf32, #tpu.memory_space<hbm>>) dst(%arg14 : memref<128x256xf32, #tpu.memory_space<vmem>>)
      %dma_wait3A_31 = arith.constant 0 : i32
      %dma_wait3A_32 = tpu.memref_slice %arg12[%scan3A_8, %dma_wait3A_31] : memref<40x128xi32, #tpu.memory_space<vmem>> -> memref<1x128xi32, #tpu.memory_space<vmem>>
      %dma_wait3A_33 = tpu.memref_squeeze %dma_wait3A_32 : memref<1x128xi32, #tpu.memory_space<vmem>> -> memref<128xi32, #tpu.memory_space<vmem>>
      %dma_wait3A_34 = arith.constant 0 : i32
      %dma_wait3A_35 = arith.constant 0 : i32
      %dma_wait3A_36 = tpu.memref_slice %arg3[%dma_wait3A_34, %dma_wait3A_35] : memref<640x256xf32, #tpu.memory_space<hbm>> -> memref<640x256xf32, #tpu.memory_space<hbm>>
      tpu.wait_indirect_dma semaphore(%arg18 : memref<!tpu.dma_semaphore, #tpu.memory_space<semaphore_mem>>) src(%dma_wait3A_36 : memref<640x256xf32, #tpu.memory_space<hbm>>) dst(%arg15 : memref<128x256xf32, #tpu.memory_space<vmem>>)
      %dma_wait3A_37 = arith.constant 0 : i32
      %dma_wait3A_38 = tpu.memref_slice %arg13[%scan3A_8, %dma_wait3A_37] : memref<40x128xi32, #tpu.memory_space<vmem>> -> memref<1x128xi32, #tpu.memory_space<vmem>>
      %dma_wait3A_39 = tpu.memref_squeeze %dma_wait3A_38 : memref<1x128xi32, #tpu.memory_space<vmem>> -> memref<128xi32, #tpu.memory_space<vmem>>
      %dma_wait3A_40 = arith.constant 0 : i32
      %dma_wait3A_41 = arith.constant 0 : i32
      %dma_wait3A_42 = tpu.memref_slice %arg4[%dma_wait3A_40, %dma_wait3A_41] : memref<10240x128xf32, #tpu.memory_space<hbm>> -> memref<10240x128xf32, #tpu.memory_space<hbm>>
      tpu.wait_indirect_dma semaphore(%arg19 : memref<!tpu.dma_semaphore, #tpu.memory_space<semaphore_mem>>) src(%dma_wait3A_42 : memref<10240x128xf32, #tpu.memory_space<hbm>>) dst(%arg16 : memref<128x128xf32, #tpu.memory_space<vmem>>)
      %mul3A_43 = arith.constant 128 : i32
      %mul3A_44 = arith.muli %scan3A_8, %mul3A_43 : i32
      %add3A_45 = arith.addi %mul3A_2, %mul3A_44 : i32
      "tpu.region"() ({
        %run_scoped3A = tpu.sem_alloc : memref<!tpu.dma_semaphore, #tpu.memory_space<semaphore_mem>>
        %dma_start3A_52 = arith.constant 0 : i32
        %dma_start3A_53 = tpu.memref_slice %arg8[%add3A_45, %dma_start3A_52] : memref<163840x256xf32, #tpu.memory_space<hbm>> -> memref<128x256xf32, #tpu.memory_space<hbm>>
        %dma_start3A_54 = arith.constant 0 : i32
        %dma_start3A_55 = tpu.memref_slice %arg8[%add3A_45, %dma_start3A_54] : memref<163840x256xf32, #tpu.memory_space<hbm>> -> memref<128x256xf32, #tpu.memory_space<hbm>>
        tpu.enqueue_dma source(%arg14 : memref<128x256xf32, #tpu.memory_space<vmem>>) target(%dma_start3A_55 : memref<128x256xf32, #tpu.memory_space<hbm>>) target_semaphore(%run_scoped3A : memref<!tpu.dma_semaphore, #tpu.memory_space<semaphore_mem>>)
        %dma_wait3A_56 = arith.constant 0 : i32
        %dma_wait3A_57 = tpu.memref_slice %arg8[%add3A_45, %dma_wait3A_56] : memref<163840x256xf32, #tpu.memory_space<hbm>> -> memref<128x256xf32, #tpu.memory_space<hbm>>
        %dma_wait3A_58 = arith.constant 0 : i32
        %dma_wait3A_59 = tpu.memref_slice %arg8[%add3A_45, %dma_wait3A_58] : memref<163840x256xf32, #tpu.memory_space<hbm>> -> memref<128x256xf32, #tpu.memory_space<hbm>>
        tpu.wait_dma2 semaphore(%run_scoped3A : memref<!tpu.dma_semaphore, #tpu.memory_space<semaphore_mem>>) src(%arg14 : memref<128x256xf32, #tpu.memory_space<vmem>>) dst(%dma_wait3A_59 : memref<128x256xf32, #tpu.memory_space<hbm>>)
        tpu.yield
      }) : () -> ()
      %mul3A_46 = arith.constant 128 : i32
      %mul3A_47 = arith.muli %scan3A_8, %mul3A_46 : i32
      %add3A_48 = arith.addi %mul3A_2, %mul3A_47 : i32
      "tpu.region"() ({
        %run_scoped3A = tpu.sem_alloc : memref<!tpu.dma_semaphore, #tpu.memory_space<semaphore_mem>>
        %dma_start3A_52 = arith.constant 0 : i32
        %dma_start3A_53 = tpu.memref_slice %arg9[%add3A_48, %dma_start3A_52] : memref<163840x256xf32, #tpu.memory_space<hbm>> -> memref<128x256xf32, #tpu.memory_space<hbm>>
        %dma_start3A_54 = arith.constant 0 : i32
        %dma_start3A_55 = tpu.memref_slice %arg9[%add3A_48, %dma_start3A_54] : memref<163840x256xf32, #tpu.memory_space<hbm>> -> memref<128x256xf32, #tpu.memory_space<hbm>>
        tpu.enqueue_dma source(%arg15 : memref<128x256xf32, #tpu.memory_space<vmem>>) target(%dma_start3A_55 : memref<128x256xf32, #tpu.memory_space<hbm>>) target_semaphore(%run_scoped3A : memref<!tpu.dma_semaphore, #tpu.memory_space<semaphore_mem>>)
        %dma_wait3A_56 = arith.constant 0 : i32
        %dma_wait3A_57 = tpu.memref_slice %arg9[%add3A_48, %dma_wait3A_56] : memref<163840x256xf32, #tpu.memory_space<hbm>> -> memref<128x256xf32, #tpu.memory_space<hbm>>
        %dma_wait3A_58 = arith.constant 0 : i32
        %dma_wait3A_59 = tpu.memref_slice %arg9[%add3A_48, %dma_wait3A_58] : memref<163840x256xf32, #tpu.memory_space<hbm>> -> memref<128x256xf32, #tpu.memory_space<hbm>>
        tpu.wait_dma2 semaphore(%run_scoped3A : memref<!tpu.dma_semaphore, #tpu.memory_space<semaphore_mem>>) src(%arg15 : memref<128x256xf32, #tpu.memory_space<vmem>>) dst(%dma_wait3A_59 : memref<128x256xf32, #tpu.memory_space<hbm>>)
        tpu.yield
      }) : () -> ()
      %mul3A_49 = arith.constant 128 : i32
      %mul3A_50 = arith.muli %scan3A_8, %mul3A_49 : i32
      %add3A_51 = arith.addi %mul3A_2, %mul3A_50 : i32
      "tpu.region"() ({
        %run_scoped3A = tpu.sem_alloc : memref<!tpu.dma_semaphore, #tpu.memory_space<semaphore_mem>>
        %dma_start3A_52 = arith.constant 0 : i32
        %dma_start3A_53 = tpu.memref_slice %arg10[%add3A_51, %dma_start3A_52] : memref<163840x128xf32, #tpu.memory_space<hbm>> -> memref<128x128xf32, #tpu.memory_space<hbm>>
        %dma_start3A_54 = arith.constant 0 : i32
        %dma_start3A_55 = tpu.memref_slice %arg10[%add3A_51, %dma_start3A_54] : memref<163840x128xf32, #tpu.memory_space<hbm>> -> memref<128x128xf32, #tpu.memory_space<hbm>>
        tpu.enqueue_dma source(%arg16 : memref<128x128xf32, #tpu.memory_space<vmem>>) target(%dma_start3A_55 : memref<128x128xf32, #tpu.memory_space<hbm>>) target_semaphore(%run_scoped3A : memref<!tpu.dma_semaphore, #tpu.memory_space<semaphore_mem>>)
        %dma_wait3A_56 = arith.constant 0 : i32
        %dma_wait3A_57 = tpu.memref_slice %arg10[%add3A_51, %dma_wait3A_56] : memref<163840x128xf32, #tpu.memory_space<hbm>> -> memref<128x128xf32, #tpu.memory_space<hbm>>
        %dma_wait3A_58 = arith.constant 0 : i32
        %dma_wait3A_59 = tpu.memref_slice %arg10[%add3A_51, %dma_wait3A_58] : memref<163840x128xf32, #tpu.memory_space<hbm>> -> memref<128x128xf32, #tpu.memory_space<hbm>>
        tpu.wait_dma2 semaphore(%run_scoped3A : memref<!tpu.dma_semaphore, #tpu.memory_space<semaphore_mem>>) src(%arg16 : memref<128x128xf32, #tpu.memory_space<vmem>>) dst(%dma_wait3A_59 : memref<128x128xf32, #tpu.memory_space<hbm>>)
        tpu.yield
      }) : () -> ()
    }
    %scan3A_7 = arith.constant 40 : i32
    return
  }
}

#map = affine_map<(d0, d1) -> (0, 0)>
#map1 = affine_map<(d0, d1) -> (0, 0, 0)>
module attributes {stable_mosaic.version = 14 : i64} {
  func.func @k(%arg0: i32, %arg1: i32, %arg2: memref<51200x256xf32, #tpu.memory_space<hbm>>, %arg3: memref<640x256xf32, #tpu.memory_space<hbm>>, %arg4: memref<10240x128xf32, #tpu.memory_space<hbm>>, %arg5: memref<32x40x128xi32, #tpu.memory_space<hbm>>, %arg6: memref<32x40x128xi32, #tpu.memory_space<hbm>>, %arg7: memref<32x40x128xi32, #tpu.memory_space<hbm>>, %arg8: memref<163840x256xf32, #tpu.memory_space<hbm>>, %arg9: memref<163840x256xf32, #tpu.memory_space<hbm>>, %arg10: memref<163840x128xf32, #tpu.memory_space<hbm>>, %arg11: memref<40x128xi32, #tpu.memory_space<vmem>>, %arg12: memref<40x128xi32, #tpu.memory_space<vmem>>, %arg13: memref<40x128xi32, #tpu.memory_space<vmem>>, %arg14: memref<128x256xf32, #tpu.memory_space<vmem>>, %arg15: memref<128x256xf32, #tpu.memory_space<vmem>>, %arg16: memref<128x128xf32, #tpu.memory_space<vmem>>, %arg17: memref<!tpu.dma_semaphore, #tpu.memory_space<semaphore_mem>>, %arg18: memref<!tpu.dma_semaphore, #tpu.memory_space<semaphore_mem>>, %arg19: memref<!tpu.dma_semaphore, #tpu.memory_space<semaphore_mem>>) attributes {dimension_semantics = [#tpu.dimension_semantics<core_parallel>, #tpu.dimension_semantics<subcore_parallel>], iteration_bounds = array<i64: 2, 16>, scalar_prefetch = 0 : i64, scratch_operands = 9 : i64, tpu.core_type = #tpu.core_type<sc_vector_subcore>, window_params = [{transform_indices = #map}, {transform_indices = #map}, {transform_indices = #map}, {transform_indices = #map1}, {transform_indices = #map1}, {transform_indices = #map1}, {transform_indices = #map}, {transform_indices = #map}, {transform_indices = #map}]} {
    %mul3A = arith.constant 2 : i32
    %mul3A_0 = arith.muli %arg1, %mul3A : i32
    %add3A = arith.addi %mul3A_0, %arg0 : i32
    %mul3A_1 = arith.constant 5120 : i32
    %mul3A_2 = arith.muli %add3A, %mul3A_1 : i32
    "tpu.region"() ({
      %run_scoped3A = tpu.sem_alloc : memref<!tpu.dma_semaphore, #tpu.memory_space<semaphore_mem>>
      %dma_start3A = arith.constant 0 : i32
      %dma_start3A_8 = arith.constant 0 : i32
      %dma_start3A_9 = tpu.memref_slice %arg5[%add3A, %dma_start3A, %dma_start3A_8] : memref<32x40x128xi32, #tpu.memory_space<hbm>> -> memref<1x40x128xi32, #tpu.memory_space<hbm>>
      %dma_start3A_10 = tpu.memref_squeeze %dma_start3A_9 : memref<1x40x128xi32, #tpu.memory_space<hbm>> -> memref<40x128xi32, #tpu.memory_space<hbm>>
      %dma_start3A_11 = arith.constant 0 : i32
      %dma_start3A_12 = arith.constant 0 : i32
      %dma_start3A_13 = tpu.memref_slice %arg5[%add3A, %dma_start3A_11, %dma_start3A_12] : memref<32x40x128xi32, #tpu.memory_space<hbm>> -> memref<1x40x128xi32, #tpu.memory_space<hbm>>
      %dma_start3A_14 = tpu.memref_squeeze %dma_start3A_13 : memref<1x40x128xi32, #tpu.memory_space<hbm>> -> memref<40x128xi32, #tpu.memory_space<hbm>>
      tpu.enqueue_dma source(%dma_start3A_14 : memref<40x128xi32, #tpu.memory_space<hbm>>) target(%arg11 : memref<40x128xi32, #tpu.memory_space<vmem>>) target_semaphore(%run_scoped3A : memref<!tpu.dma_semaphore, #tpu.memory_space<semaphore_mem>>)
      %dma_wait3A = arith.constant 0 : i32
      %dma_wait3A_15 = arith.constant 0 : i32
      %dma_wait3A_16 = tpu.memref_slice %arg5[%add3A, %dma_wait3A, %dma_wait3A_15] : memref<32x40x128xi32, #tpu.memory_space<hbm>> -> memref<1x40x128xi32, #tpu.memory_space<hbm>>
      %dma_wait3A_17 = tpu.memref_squeeze %dma_wait3A_16 : memref<1x40x128xi32, #tpu.memory_space<hbm>> -> memref<40x128xi32, #tpu.memory_space<hbm>>
      %dma_wait3A_18 = arith.constant 0 : i32
      %dma_wait3A_19 = arith.constant 0 : i32
      %dma_wait3A_20 = tpu.memref_slice %arg5[%add3A, %dma_wait3A_18, %dma_wait3A_19] : memref<32x40x128xi32, #tpu.memory_space<hbm>> -> memref<1x40x128xi32, #tpu.memory_space<hbm>>
      %dma_wait3A_21 = tpu.memref_squeeze %dma_wait3A_20 : memref<1x40x128xi32, #tpu.memory_space<hbm>> -> memref<40x128xi32, #tpu.memory_space<hbm>>
      tpu.wait_dma2 semaphore(%run_scoped3A : memref<!tpu.dma_semaphore, #tpu.memory_space<semaphore_mem>>) src(%dma_wait3A_21 : memref<40x128xi32, #tpu.memory_space<hbm>>) dst(%arg11 : memref<40x128xi32, #tpu.memory_space<vmem>>)
      tpu.yield
    }) : () -> ()
    "tpu.region"() ({
      %run_scoped3A = tpu.sem_alloc : memref<!tpu.dma_semaphore, #tpu.memory_space<semaphore_mem>>
      %dma_start3A = arith.constant 0 : i32
      %dma_start3A_8 = arith.constant 0 : i32
      %dma_start3A_9 = tpu.memref_slice %arg6[%add3A, %dma_start3A, %dma_start3A_8] : memref<32x40x128xi32, #tpu.memory_space<hbm>> -> memref<1x40x128xi32, #tpu.memory_space<hbm>>
      %dma_start3A_10 = tpu.memref_squeeze %dma_start3A_9 : memref<1x40x128xi32, #tpu.memory_space<hbm>> -> memref<40x128xi32, #tpu.memory_space<hbm>>
      %dma_start3A_11 = arith.constant 0 : i32
      %dma_start3A_12 = arith.constant 0 : i32
      %dma_start3A_13 = tpu.memref_slice %arg6[%add3A, %dma_start3A_11, %dma_start3A_12] : memref<32x40x128xi32, #tpu.memory_space<hbm>> -> memref<1x40x128xi32, #tpu.memory_space<hbm>>
      %dma_start3A_14 = tpu.memref_squeeze %dma_start3A_13 : memref<1x40x128xi32, #tpu.memory_space<hbm>> -> memref<40x128xi32, #tpu.memory_space<hbm>>
      tpu.enqueue_dma source(%dma_start3A_14 : memref<40x128xi32, #tpu.memory_space<hbm>>) target(%arg12 : memref<40x128xi32, #tpu.memory_space<vmem>>) target_semaphore(%run_scoped3A : memref<!tpu.dma_semaphore, #tpu.memory_space<semaphore_mem>>)
      %dma_wait3A = arith.constant 0 : i32
      %dma_wait3A_15 = arith.constant 0 : i32
      %dma_wait3A_16 = tpu.memref_slice %arg6[%add3A, %dma_wait3A, %dma_wait3A_15] : memref<32x40x128xi32, #tpu.memory_space<hbm>> -> memref<1x40x128xi32, #tpu.memory_space<hbm>>
      %dma_wait3A_17 = tpu.memref_squeeze %dma_wait3A_16 : memref<1x40x128xi32, #tpu.memory_space<hbm>> -> memref<40x128xi32, #tpu.memory_space<hbm>>
      %dma_wait3A_18 = arith.constant 0 : i32
      %dma_wait3A_19 = arith.constant 0 : i32
      %dma_wait3A_20 = tpu.memref_slice %arg6[%add3A, %dma_wait3A_18, %dma_wait3A_19] : memref<32x40x128xi32, #tpu.memory_space<hbm>> -> memref<1x40x128xi32, #tpu.memory_space<hbm>>
      %dma_wait3A_21 = tpu.memref_squeeze %dma_wait3A_20 : memref<1x40x128xi32, #tpu.memory_space<hbm>> -> memref<40x128xi32, #tpu.memory_space<hbm>>
      tpu.wait_dma2 semaphore(%run_scoped3A : memref<!tpu.dma_semaphore, #tpu.memory_space<semaphore_mem>>) src(%dma_wait3A_21 : memref<40x128xi32, #tpu.memory_space<hbm>>) dst(%arg12 : memref<40x128xi32, #tpu.memory_space<vmem>>)
      tpu.yield
    }) : () -> ()
    "tpu.region"() ({
      %run_scoped3A = tpu.sem_alloc : memref<!tpu.dma_semaphore, #tpu.memory_space<semaphore_mem>>
      %dma_start3A = arith.constant 0 : i32
      %dma_start3A_8 = arith.constant 0 : i32
      %dma_start3A_9 = tpu.memref_slice %arg7[%add3A, %dma_start3A, %dma_start3A_8] : memref<32x40x128xi32, #tpu.memory_space<hbm>> -> memref<1x40x128xi32, #tpu.memory_space<hbm>>
      %dma_start3A_10 = tpu.memref_squeeze %dma_start3A_9 : memref<1x40x128xi32, #tpu.memory_space<hbm>> -> memref<40x128xi32, #tpu.memory_space<hbm>>
      %dma_start3A_11 = arith.constant 0 : i32
      %dma_start3A_12 = arith.constant 0 : i32
      %dma_start3A_13 = tpu.memref_slice %arg7[%add3A, %dma_start3A_11, %dma_start3A_12] : memref<32x40x128xi32, #tpu.memory_space<hbm>> -> memref<1x40x128xi32, #tpu.memory_space<hbm>>
      %dma_start3A_14 = tpu.memref_squeeze %dma_start3A_13 : memref<1x40x128xi32, #tpu.memory_space<hbm>> -> memref<40x128xi32, #tpu.memory_space<hbm>>
      tpu.enqueue_dma source(%dma_start3A_14 : memref<40x128xi32, #tpu.memory_space<hbm>>) target(%arg13 : memref<40x128xi32, #tpu.memory_space<vmem>>) target_semaphore(%run_scoped3A : memref<!tpu.dma_semaphore, #tpu.memory_space<semaphore_mem>>)
      %dma_wait3A = arith.constant 0 : i32
      %dma_wait3A_15 = arith.constant 0 : i32
      %dma_wait3A_16 = tpu.memref_slice %arg7[%add3A, %dma_wait3A, %dma_wait3A_15] : memref<32x40x128xi32, #tpu.memory_space<hbm>> -> memref<1x40x128xi32, #tpu.memory_space<hbm>>
      %dma_wait3A_17 = tpu.memref_squeeze %dma_wait3A_16 : memref<1x40x128xi32, #tpu.memory_space<hbm>> -> memref<40x128xi32, #tpu.memory_space<hbm>>
      %dma_wait3A_18 = arith.constant 0 : i32
      %dma_wait3A_19 = arith.constant 0 : i32
      %dma_wait3A_20 = tpu.memref_slice %arg7[%add3A, %dma_wait3A_18, %dma_wait3A_19] : memref<32x40x128xi32, #tpu.memory_space<hbm>> -> memref<1x40x128xi32, #tpu.memory_space<hbm>>
      %dma_wait3A_21 = tpu.memref_squeeze %dma_wait3A_20 : memref<1x40x128xi32, #tpu.memory_space<hbm>> -> memref<40x128xi32, #tpu.memory_space<hbm>>
      tpu.wait_dma2 semaphore(%run_scoped3A : memref<!tpu.dma_semaphore, #tpu.memory_space<semaphore_mem>>) src(%dma_wait3A_21 : memref<40x128xi32, #tpu.memory_space<hbm>>) dst(%arg13 : memref<40x128xi32, #tpu.memory_space<vmem>>)
      tpu.yield
    }) : () -> ()
    %scan3A = arith.constant 0 : i32
    %scan3A_3 = arith.constant 0 : i32
    %scan3A_4 = arith.constant 40 : i32
    %scan3A_5 = arith.addi %scan3A_3, %scan3A_4 : i32
    %scan3A_6 = arith.constant 1 : i32
    scf.for %scan3A_8 = %scan3A_3 to %scan3A_5 step %scan3A_6  : i32 {
      %dma_start3A = arith.constant 0 : i32
      %dma_start3A_9 = tpu.memref_slice %arg11[%scan3A_8, %dma_start3A] : memref<40x128xi32, #tpu.memory_space<vmem>> -> memref<1x128xi32, #tpu.memory_space<vmem>>
      %dma_start3A_10 = tpu.memref_squeeze %dma_start3A_9 : memref<1x128xi32, #tpu.memory_space<vmem>> -> memref<128xi32, #tpu.memory_space<vmem>>
      %dma_start3A_11 = arith.constant 0 : i32
      %dma_start3A_12 = arith.constant 0 : i32
      %dma_start3A_13 = tpu.memref_slice %arg2[%dma_start3A_11, %dma_start3A_12] : memref<51200x256xf32, #tpu.memory_space<hbm>> -> memref<51200x256xf32, #tpu.memory_space<hbm>>
      tpu.enqueue_indirect_dma source(%dma_start3A_13 : memref<51200x256xf32, #tpu.memory_space<hbm>>) target(%arg14 : memref<128x256xf32, #tpu.memory_space<vmem>>) offsets(%dma_start3A_10 : memref<128xi32, #tpu.memory_space<vmem>>) semaphore(%arg17 : memref<!tpu.dma_semaphore, #tpu.memory_space<semaphore_mem>>)
      %dma_start3A_14 = arith.constant 0 : i32
      %dma_start3A_15 = tpu.memref_slice %arg12[%scan3A_8, %dma_start3A_14] : memref<40x128xi32, #tpu.memory_space<vmem>> -> memref<1x128xi32, #tpu.memory_space<vmem>>
      %dma_start3A_16 = tpu.memref_squeeze %dma_start3A_15 : memref<1x128xi32, #tpu.memory_space<vmem>> -> memref<128xi32, #tpu.memory_space<vmem>>
      %dma_start3A_17 = arith.constant 0 : i32
      %dma_start3A_18 = arith.constant 0 : i32
      %dma_start3A_19 = tpu.memref_slice %arg3[%dma_start3A_17, %dma_start3A_18] : memref<640x256xf32, #tpu.memory_space<hbm>> -> memref<640x256xf32, #tpu.memory_space<hbm>>
      tpu.enqueue_indirect_dma source(%dma_start3A_19 : memref<640x256xf32, #tpu.memory_space<hbm>>) target(%arg15 : memref<128x256xf32, #tpu.memory_space<vmem>>) offsets(%dma_start3A_16 : memref<128xi32, #tpu.memory_space<vmem>>) semaphore(%arg18 : memref<!tpu.dma_semaphore, #tpu.memory_space<semaphore_mem>>)
      %dma_start3A_20 = arith.constant 0 : i32
      %dma_start3A_21 = tpu.memref_slice %arg13[%scan3A_8, %dma_start3A_20] : memref<40x128xi32, #tpu.memory_space<vmem>> -> memref<1x128xi32, #tpu.memory_space<vmem>>
      %dma_start3A_22 = tpu.memref_squeeze %dma_start3A_21 : memref<1x128xi32, #tpu.memory_space<vmem>> -> memref<128xi32, #tpu.memory_space<vmem>>
      %dma_start3A_23 = arith.constant 0 : i32
      %dma_start3A_24 = arith.constant 0 : i32
      %dma_start3A_25 = tpu.memref_slice %arg4[%dma_start3A_23, %dma_start3A_24] : memref<10240x128xf32, #tpu.memory_space<hbm>> -> memref<10240x128xf32, #tpu.memory_space<hbm>>
      tpu.enqueue_indirect_dma source(%dma_start3A_25 : memref<10240x128xf32, #tpu.memory_space<hbm>>) target(%arg16 : memref<128x128xf32, #tpu.memory_space<vmem>>) offsets(%dma_start3A_22 : memref<128xi32, #tpu.memory_space<vmem>>) semaphore(%arg19 : memref<!tpu.dma_semaphore, #tpu.memory_space<semaphore_mem>>)
      %dma_wait3A = arith.constant 0 : i32
      %dma_wait3A_26 = tpu.memref_slice %arg11[%scan3A_8, %dma_wait3A] : memref<40x128xi32, #tpu.memory_space<vmem>> -> memref<1x128xi32, #tpu.memory_space<vmem>>
      %dma_wait3A_27 = tpu.memref_squeeze %dma_wait3A_26 : memref<1x128xi32, #tpu.memory_space<vmem>> -> memref<128xi32, #tpu.memory_space<vmem>>
      %dma_wait3A_28 = arith.constant 0 : i32
      %dma_wait3A_29 = arith.constant 0 : i32
      %dma_wait3A_30 = tpu.memref_slice %arg2[%dma_wait3A_28, %dma_wait3A_29] : memref<51200x256xf32, #tpu.memory_space<hbm>> -> memref<51200x256xf32, #tpu.memory_space<hbm>>
      tpu.wait_indirect_dma semaphore(%arg17 : memref<!tpu.dma_semaphore, #tpu.memory_space<semaphore_mem>>) src(%dma_wait3A_30 : memref<51200x256xf32, #tpu.memory_space<hbm>>) dst(%arg14 : memref<128x256xf32, #tpu.memory_space<vmem>>)
      %dma_wait3A_31 = arith.constant 0 : i32
      %dma_wait3A_32 = tpu.memref_slice %arg12[%scan3A_8, %dma_wait3A_31] : memref<40x128xi32, #tpu.memory_space<vmem>> -> memref<1x128xi32, #tpu.memory_space<vmem>>
      %dma_wait3A_33 = tpu.memref_squeeze %dma_wait3A_32 : memref<1x128xi32, #tpu.memory_space<vmem>> -> memref<128xi32, #tpu.memory_space<vmem>>
      %dma_wait3A_34 = arith.constant 0 : i32
      %dma_wait3A_35 = arith.constant 0 : i32
      %dma_wait3A_36 = tpu.memref_slice %arg3[%dma_wait3A_34, %dma_wait3A_35] : memref<640x256xf32, #tpu.memory_space<hbm>> -> memref<640x256xf32, #tpu.memory_space<hbm>>
      tpu.wait_indirect_dma semaphore(%arg18 : memref<!tpu.dma_semaphore, #tpu.memory_space<semaphore_mem>>) src(%dma_wait3A_36 : memref<640x256xf32, #tpu.memory_space<hbm>>) dst(%arg15 : memref<128x256xf32, #tpu.memory_space<vmem>>)
      %dma_wait3A_37 = arith.constant 0 : i32
      %dma_wait3A_38 = tpu.memref_slice %arg13[%scan3A_8, %dma_wait3A_37] : memref<40x128xi32, #tpu.memory_space<vmem>> -> memref<1x128xi32, #tpu.memory_space<vmem>>
      %dma_wait3A_39 = tpu.memref_squeeze %dma_wait3A_38 : memref<1x128xi32, #tpu.memory_space<vmem>> -> memref<128xi32, #tpu.memory_space<vmem>>
      %dma_wait3A_40 = arith.constant 0 : i32
      %dma_wait3A_41 = arith.constant 0 : i32
      %dma_wait3A_42 = tpu.memref_slice %arg4[%dma_wait3A_40, %dma_wait3A_41] : memref<10240x128xf32, #tpu.memory_space<hbm>> -> memref<10240x128xf32, #tpu.memory_space<hbm>>
      tpu.wait_indirect_dma semaphore(%arg19 : memref<!tpu.dma_semaphore, #tpu.memory_space<semaphore_mem>>) src(%dma_wait3A_42 : memref<10240x128xf32, #tpu.memory_space<hbm>>) dst(%arg16 : memref<128x128xf32, #tpu.memory_space<vmem>>)
      %mul3A_43 = arith.constant 128 : i32
      %mul3A_44 = arith.muli %scan3A_8, %mul3A_43 : i32
      %add3A_45 = arith.addi %mul3A_2, %mul3A_44 : i32
      "tpu.region"() ({
        %run_scoped3A = tpu.sem_alloc : memref<!tpu.dma_semaphore, #tpu.memory_space<semaphore_mem>>
        %dma_start3A_52 = arith.constant 0 : i32
        %dma_start3A_53 = tpu.memref_slice %arg8[%add3A_45, %dma_start3A_52] : memref<163840x256xf32, #tpu.memory_space<hbm>> -> memref<128x256xf32, #tpu.memory_space<hbm>>
        %dma_start3A_54 = arith.constant 0 : i32
        %dma_start3A_55 = tpu.memref_slice %arg8[%add3A_45, %dma_start3A_54] : memref<163840x256xf32, #tpu.memory_space<hbm>> -> memref<128x256xf32, #tpu.memory_space<hbm>>
        tpu.enqueue_dma source(%arg14 : memref<128x256xf32, #tpu.memory_space<vmem>>) target(%dma_start3A_55 : memref<128x256xf32, #tpu.memory_space<hbm>>) target_semaphore(%run_scoped3A : memref<!tpu.dma_semaphore, #tpu.memory_space<semaphore_mem>>)
        %dma_wait3A_56 = arith.constant 0 : i32
        %dma_wait3A_57 = tpu.memref_slice %arg8[%add3A_45, %dma_wait3A_56] : memref<163840x256xf32, #tpu.memory_space<hbm>> -> memref<128x256xf32, #tpu.memory_space<hbm>>
        %dma_wait3A_58 = arith.constant 0 : i32
        %dma_wait3A_59 = tpu.memref_slice %arg8[%add3A_45, %dma_wait3A_58] : memref<163840x256xf32, #tpu.memory_space<hbm>> -> memref<128x256xf32, #tpu.memory_space<hbm>>
        tpu.wait_dma2 semaphore(%run_scoped3A : memref<!tpu.dma_semaphore, #tpu.memory_space<semaphore_mem>>) src(%arg14 : memref<128x256xf32, #tpu.memory_space<vmem>>) dst(%dma_wait3A_59 : memref<128x256xf32, #tpu.memory_space<hbm>>)
        tpu.yield
      }) : () -> ()
      %mul3A_46 = arith.constant 128 : i32
      %mul3A_47 = arith.muli %scan3A_8, %mul3A_46 : i32
      %add3A_48 = arith.addi %mul3A_2, %mul3A_47 : i32
      "tpu.region"() ({
        %run_scoped3A = tpu.sem_alloc : memref<!tpu.dma_semaphore, #tpu.memory_space<semaphore_mem>>
        %dma_start3A_52 = arith.constant 0 : i32
        %dma_start3A_53 = tpu.memref_slice %arg9[%add3A_48, %dma_start3A_52] : memref<163840x256xf32, #tpu.memory_space<hbm>> -> memref<128x256xf32, #tpu.memory_space<hbm>>
        %dma_start3A_54 = arith.constant 0 : i32
        %dma_start3A_55 = tpu.memref_slice %arg9[%add3A_48, %dma_start3A_54] : memref<163840x256xf32, #tpu.memory_space<hbm>> -> memref<128x256xf32, #tpu.memory_space<hbm>>
        tpu.enqueue_dma source(%arg15 : memref<128x256xf32, #tpu.memory_space<vmem>>) target(%dma_start3A_55 : memref<128x256xf32, #tpu.memory_space<hbm>>) target_semaphore(%run_scoped3A : memref<!tpu.dma_semaphore, #tpu.memory_space<semaphore_mem>>)
        %dma_wait3A_56 = arith.constant 0 : i32
        %dma_wait3A_57 = tpu.memref_slice %arg9[%add3A_48, %dma_wait3A_56] : memref<163840x256xf32, #tpu.memory_space<hbm>> -> memref<128x256xf32, #tpu.memory_space<hbm>>
        %dma_wait3A_58 = arith.constant 0 : i32
        %dma_wait3A_59 = tpu.memref_slice %arg9[%add3A_48, %dma_wait3A_58] : memref<163840x256xf32, #tpu.memory_space<hbm>> -> memref<128x256xf32, #tpu.memory_space<hbm>>
        tpu.wait_dma2 semaphore(%run_scoped3A : memref<!tpu.dma_semaphore, #tpu.memory_space<semaphore_mem>>) src(%arg15 : memref<128x256xf32, #tpu.memory_space<vmem>>) dst(%dma_wait3A_59 : memref<128x256xf32, #tpu.memory_space<hbm>>)
        tpu.yield
      }) : () -> ()
      %mul3A_49 = arith.constant 128 : i32
      %mul3A_50 = arith.muli %scan3A_8, %mul3A_49 : i32
      %add3A_51 = arith.addi %mul3A_2, %mul3A_50 : i32
      "tpu.region"() ({
        %run_scoped3A = tpu.sem_alloc : memref<!tpu.dma_semaphore, #tpu.memory_space<semaphore_mem>>
        %dma_start3A_52 = arith.constant 0 : i32
        %dma_start3A_53 = tpu.memref_slice %arg10[%add3A_51, %dma_start3A_52] : memref<163840x128xf32, #tpu.memory_space<hbm>> -> memref<128x128xf32, #tpu.memory_space<hbm>>
        %dma_start3A_54 = arith.constant 0 : i32
        %dma_start3A_55 = tpu.memref_slice %arg10[%add3A_51, %dma_start3A_54] : memref<163840x128xf32, #tpu.memory_space<hbm>> -> memref<128x128xf32, #tpu.memory_space<hbm>>
        tpu.enqueue_dma source(%arg16 : memref<128x128xf32, #tpu.memory_space<vmem>>) target(%dma_start3A_55 : memref<128x128xf32, #tpu.memory_space<hbm>>) target_semaphore(%run_scoped3A : memref<!tpu.dma_semaphore, #tpu.memory_space<semaphore_mem>>)
        %dma_wait3A_56 = arith.constant 0 : i32
        %dma_wait3A_57 = tpu.memref_slice %arg10[%add3A_51, %dma_wait3A_56] : memref<163840x128xf32, #tpu.memory_space<hbm>> -> memref<128x128xf32, #tpu.memory_space<hbm>>
        %dma_wait3A_58 = arith.constant 0 : i32
        %dma_wait3A_59 = tpu.memref_slice %arg10[%add3A_51, %dma_wait3A_58] : memref<163840x128xf32, #tpu.memory_space<hbm>> -> memref<128x128xf32, #tpu.memory_space<hbm>>
        tpu.wait_dma2 semaphore(%run_scoped3A : memref<!tpu.dma_semaphore, #tpu.memory_space<semaphore_mem>>) src(%arg16 : memref<128x128xf32, #tpu.memory_space<vmem>>) dst(%dma_wait3A_59 : memref<128x128xf32, #tpu.memory_space<hbm>>)
        tpu.yield
      }) : () -> ()
    }
    %scan3A_7 = arith.constant 40 : i32
    return
  }
}

#map = affine_map<(d0, d1) -> (0, 0)>
#map1 = affine_map<(d0, d1) -> (0, 0, 0)>
module attributes {stable_mosaic.version = 14 : i64} {
  func.func @k(%arg0: i32, %arg1: i32, %arg2: memref<163840x128xf32, #tpu.memory_space<hbm>>, %arg3: memref<163840x128xf32, #tpu.memory_space<hbm>>, %arg4: memref<32x40x128xi32, #tpu.memory_space<hbm>>, %arg5: memref<32x40x128xi32, #tpu.memory_space<hbm>>, %arg6: memref<10240x128xf32, #tpu.memory_space<hbm>>, %arg7: memref<640x128xf32, #tpu.memory_space<hbm>>, %arg8: memref<2x10240x128xf32, #tpu.memory_space<hbm>>, %arg9: memref<2x640x128xf32, #tpu.memory_space<hbm>>, %arg10: memref<40x128xi32, #tpu.memory_space<vmem>>, %arg11: memref<40x128xi32, #tpu.memory_space<vmem>>, %arg12: memref<128x128xf32, #tpu.memory_space<vmem>>, %arg13: memref<128x128xf32, #tpu.memory_space<vmem>>, %arg14: memref<10240x128xf32, #tpu.memory_space<vmem_shared>>, %arg15: memref<640x128xf32, #tpu.memory_space<vmem_shared>>) attributes {dimension_semantics = [#tpu.dimension_semantics<core_parallel>, #tpu.dimension_semantics<subcore_parallel>], iteration_bounds = array<i64: 2, 16>, scalar_prefetch = 0 : i64, scratch_operands = 6 : i64, tpu.core_type = #tpu.core_type<sc_vector_subcore>, window_params = [{transform_indices = #map}, {transform_indices = #map}, {transform_indices = #map1}, {transform_indices = #map1}, {transform_indices = #map}, {transform_indices = #map}, {transform_indices = #map1}, {transform_indices = #map1}]} {
    %mul3A = arith.constant 2 : i32
    %mul3A_0 = arith.muli %arg1, %mul3A : i32
    %add3A = arith.addi %mul3A_0, %arg0 : i32
    %mul3A_1 = arith.constant 5120 : i32
    %mul3A_2 = arith.muli %add3A, %mul3A_1 : i32
    %scan3A = arith.constant 0 : i32
    %scan3A_3 = arith.constant 0 : i32
    %scan3A_4 = arith.constant 5 : i32
    %scan3A_5 = arith.addi %scan3A_3, %scan3A_4 : i32
    %scan3A_6 = arith.constant 1 : i32
    scf.for %scan3A_23 = %scan3A_3 to %scan3A_5 step %scan3A_6  : i32 {
      %mul3A_24 = arith.constant 640 : i32
      %mul3A_25 = arith.muli %arg1, %mul3A_24 : i32
      %mul3A_26 = arith.constant 128 : i32
      %mul3A_27 = arith.muli %scan3A_23, %mul3A_26 : i32
      %add3A_28 = arith.addi %mul3A_25, %mul3A_27 : i32
      "tpu.region"() ({
        %run_scoped3A = tpu.sem_alloc : memref<!tpu.dma_semaphore, #tpu.memory_space<semaphore_mem>>
        %dma_start3A = arith.constant 0 : i32
        %dma_start3A_29 = tpu.memref_slice %arg6[%add3A_28, %dma_start3A] : memref<10240x128xf32, #tpu.memory_space<hbm>> -> memref<128x128xf32, #tpu.memory_space<hbm>>
        %dma_start3A_30 = arith.constant 0 : i32
        %dma_start3A_31 = tpu.memref_slice %arg6[%add3A_28, %dma_start3A_30] : memref<10240x128xf32, #tpu.memory_space<hbm>> -> memref<128x128xf32, #tpu.memory_space<hbm>>
        tpu.enqueue_dma source(%dma_start3A_31 : memref<128x128xf32, #tpu.memory_space<hbm>>) target(%arg12 : memref<128x128xf32, #tpu.memory_space<vmem>>) target_semaphore(%run_scoped3A : memref<!tpu.dma_semaphore, #tpu.memory_space<semaphore_mem>>)
        %dma_wait3A = arith.constant 0 : i32
        %dma_wait3A_32 = tpu.memref_slice %arg6[%add3A_28, %dma_wait3A] : memref<10240x128xf32, #tpu.memory_space<hbm>> -> memref<128x128xf32, #tpu.memory_space<hbm>>
        %dma_wait3A_33 = arith.constant 0 : i32
        %dma_wait3A_34 = tpu.memref_slice %arg6[%add3A_28, %dma_wait3A_33] : memref<10240x128xf32, #tpu.memory_space<hbm>> -> memref<128x128xf32, #tpu.memory_space<hbm>>
        tpu.wait_dma2 semaphore(%run_scoped3A : memref<!tpu.dma_semaphore, #tpu.memory_space<semaphore_mem>>) src(%dma_wait3A_34 : memref<128x128xf32, #tpu.memory_space<hbm>>) dst(%arg12 : memref<128x128xf32, #tpu.memory_space<vmem>>)
        tpu.yield
      }) : () -> ()
      "tpu.region"() ({
        %run_scoped3A = tpu.sem_alloc : memref<!tpu.dma_semaphore, #tpu.memory_space<semaphore_mem>>
        %dma_start3A = arith.constant 0 : i32
        %dma_start3A_29 = tpu.memref_slice %arg14[%add3A_28, %dma_start3A] : memref<10240x128xf32, #tpu.memory_space<vmem_shared>> -> memref<128x128xf32, #tpu.memory_space<vmem_shared>>
        %dma_start3A_30 = arith.constant 0 : i32
        %dma_start3A_31 = tpu.memref_slice %arg14[%add3A_28, %dma_start3A_30] : memref<10240x128xf32, #tpu.memory_space<vmem_shared>> -> memref<128x128xf32, #tpu.memory_space<vmem_shared>>
        tpu.enqueue_dma source(%arg12 : memref<128x128xf32, #tpu.memory_space<vmem>>) target(%dma_start3A_31 : memref<128x128xf32, #tpu.memory_space<vmem_shared>>) target_semaphore(%run_scoped3A : memref<!tpu.dma_semaphore, #tpu.memory_space<semaphore_mem>>)
        %dma_wait3A = arith.constant 0 : i32
        %dma_wait3A_32 = tpu.memref_slice %arg14[%add3A_28, %dma_wait3A] : memref<10240x128xf32, #tpu.memory_space<vmem_shared>> -> memref<128x128xf32, #tpu.memory_space<vmem_shared>>
        %dma_wait3A_33 = arith.constant 0 : i32
        %dma_wait3A_34 = tpu.memref_slice %arg14[%add3A_28, %dma_wait3A_33] : memref<10240x128xf32, #tpu.memory_space<vmem_shared>> -> memref<128x128xf32, #tpu.memory_space<vmem_shared>>
        tpu.wait_dma2 semaphore(%run_scoped3A : memref<!tpu.dma_semaphore, #tpu.memory_space<semaphore_mem>>) src(%arg12 : memref<128x128xf32, #tpu.memory_space<vmem>>) dst(%dma_wait3A_34 : memref<128x128xf32, #tpu.memory_space<vmem_shared>>)
        tpu.yield
      }) : () -> ()
    }
    %scan3A_7 = arith.constant 5 : i32
    %mul3A_8 = arith.constant 40 : i32
    %mul3A_9 = arith.muli %arg1, %mul3A_8 : i32
    "tpu.region"() ({
      %run_scoped3A = tpu.sem_alloc : memref<!tpu.dma_semaphore, #tpu.memory_space<semaphore_mem>>
      %dma_start3A = arith.constant 0 : i32
      %dma_start3A_23 = arith.constant 0 : i32
      %dma_start3A_24 = tpu.memref_slice %arg13[%dma_start3A, %dma_start3A_23] : memref<128x128xf32, #tpu.memory_space<vmem>> -> memref<40x128xf32, #tpu.memory_space<vmem>>
      %dma_start3A_25 = arith.constant 0 : i32
      %dma_start3A_26 = tpu.memref_slice %arg7[%mul3A_9, %dma_start3A_25] : memref<640x128xf32, #tpu.memory_space<hbm>> -> memref<40x128xf32, #tpu.memory_space<hbm>>
      %dma_start3A_27 = arith.constant 0 : i32
      %dma_start3A_28 = arith.constant 0 : i32
      %dma_start3A_29 = tpu.memref_slice %arg13[%dma_start3A_27, %dma_start3A_28] : memref<128x128xf32, #tpu.memory_space<vmem>> -> memref<40x128xf32, #tpu.memory_space<vmem>>
      %dma_start3A_30 = arith.constant 0 : i32
      %dma_start3A_31 = tpu.memref_slice %arg7[%mul3A_9, %dma_start3A_30] : memref<640x128xf32, #tpu.memory_space<hbm>> -> memref<40x128xf32, #tpu.memory_space<hbm>>
      tpu.enqueue_dma source(%dma_start3A_31 : memref<40x128xf32, #tpu.memory_space<hbm>>) target(%dma_start3A_29 : memref<40x128xf32, #tpu.memory_space<vmem>>) target_semaphore(%run_scoped3A : memref<!tpu.dma_semaphore, #tpu.memory_space<semaphore_mem>>)
      %dma_wait3A = arith.constant 0 : i32
      %dma_wait3A_32 = arith.constant 0 : i32
      %dma_wait3A_33 = tpu.memref_slice %arg13[%dma_wait3A, %dma_wait3A_32] : memref<128x128xf32, #tpu.memory_space<vmem>> -> memref<40x128xf32, #tpu.memory_space<vmem>>
      %dma_wait3A_34 = arith.constant 0 : i32
      %dma_wait3A_35 = tpu.memref_slice %arg7[%mul3A_9, %dma_wait3A_34] : memref<640x128xf32, #tpu.memory_space<hbm>> -> memref<40x128xf32, #tpu.memory_space<hbm>>
      %dma_wait3A_36 = arith.constant 0 : i32
      %dma_wait3A_37 = arith.constant 0 : i32
      %dma_wait3A_38 = tpu.memref_slice %arg13[%dma_wait3A_36, %dma_wait3A_37] : memref<128x128xf32, #tpu.memory_space<vmem>> -> memref<40x128xf32, #tpu.memory_space<vmem>>
      %dma_wait3A_39 = arith.constant 0 : i32
      %dma_wait3A_40 = tpu.memref_slice %arg7[%mul3A_9, %dma_wait3A_39] : memref<640x128xf32, #tpu.memory_space<hbm>> -> memref<40x128xf32, #tpu.memory_space<hbm>>
      tpu.wait_dma2 semaphore(%run_scoped3A : memref<!tpu.dma_semaphore, #tpu.memory_space<semaphore_mem>>) src(%dma_wait3A_40 : memref<40x128xf32, #tpu.memory_space<hbm>>) dst(%dma_wait3A_38 : memref<40x128xf32, #tpu.memory_space<vmem>>)
      tpu.yield
    }) : () -> ()
    "tpu.region"() ({
      %run_scoped3A = tpu.sem_alloc : memref<!tpu.dma_semaphore, #tpu.memory_space<semaphore_mem>>
      %dma_start3A = arith.constant 0 : i32
      %dma_start3A_23 = arith.constant 0 : i32
      %dma_start3A_24 = tpu.memref_slice %arg13[%dma_start3A, %dma_start3A_23] : memref<128x128xf32, #tpu.memory_space<vmem>> -> memref<40x128xf32, #tpu.memory_space<vmem>>
      %dma_start3A_25 = arith.constant 0 : i32
      %dma_start3A_26 = tpu.memref_slice %arg15[%mul3A_9, %dma_start3A_25] : memref<640x128xf32, #tpu.memory_space<vmem_shared>> -> memref<40x128xf32, #tpu.memory_space<vmem_shared>>
      %dma_start3A_27 = arith.constant 0 : i32
      %dma_start3A_28 = tpu.memref_slice %arg15[%mul3A_9, %dma_start3A_27] : memref<640x128xf32, #tpu.memory_space<vmem_shared>> -> memref<40x128xf32, #tpu.memory_space<vmem_shared>>
      %dma_start3A_29 = arith.constant 0 : i32
      %dma_start3A_30 = arith.constant 0 : i32
      %dma_start3A_31 = tpu.memref_slice %arg13[%dma_start3A_29, %dma_start3A_30] : memref<128x128xf32, #tpu.memory_space<vmem>> -> memref<40x128xf32, #tpu.memory_space<vmem>>
      tpu.enqueue_dma source(%dma_start3A_31 : memref<40x128xf32, #tpu.memory_space<vmem>>) target(%dma_start3A_28 : memref<40x128xf32, #tpu.memory_space<vmem_shared>>) target_semaphore(%run_scoped3A : memref<!tpu.dma_semaphore, #tpu.memory_space<semaphore_mem>>)
      %dma_wait3A = arith.constant 0 : i32
      %dma_wait3A_32 = arith.constant 0 : i32
      %dma_wait3A_33 = tpu.memref_slice %arg13[%dma_wait3A, %dma_wait3A_32] : memref<128x128xf32, #tpu.memory_space<vmem>> -> memref<40x128xf32, #tpu.memory_space<vmem>>
      %dma_wait3A_34 = arith.constant 0 : i32
      %dma_wait3A_35 = tpu.memref_slice %arg15[%mul3A_9, %dma_wait3A_34] : memref<640x128xf32, #tpu.memory_space<vmem_shared>> -> memref<40x128xf32, #tpu.memory_space<vmem_shared>>
      %dma_wait3A_36 = arith.constant 0 : i32
      %dma_wait3A_37 = tpu.memref_slice %arg15[%mul3A_9, %dma_wait3A_36] : memref<640x128xf32, #tpu.memory_space<vmem_shared>> -> memref<40x128xf32, #tpu.memory_space<vmem_shared>>
      %dma_wait3A_38 = arith.constant 0 : i32
      %dma_wait3A_39 = arith.constant 0 : i32
      %dma_wait3A_40 = tpu.memref_slice %arg13[%dma_wait3A_38, %dma_wait3A_39] : memref<128x128xf32, #tpu.memory_space<vmem>> -> memref<40x128xf32, #tpu.memory_space<vmem>>
      tpu.wait_dma2 semaphore(%run_scoped3A : memref<!tpu.dma_semaphore, #tpu.memory_space<semaphore_mem>>) src(%dma_wait3A_40 : memref<40x128xf32, #tpu.memory_space<vmem>>) dst(%dma_wait3A_37 : memref<40x128xf32, #tpu.memory_space<vmem_shared>>)
      tpu.yield
    }) : () -> ()
    %barrier3A = arith.constant 0 : index
    tpu.barrier barrier_id(%barrier3A)
    "tpu.region"() ({
      %run_scoped3A = tpu.sem_alloc : memref<!tpu.dma_semaphore, #tpu.memory_space<semaphore_mem>>
      %dma_start3A = arith.constant 0 : i32
      %dma_start3A_23 = arith.constant 0 : i32
      %dma_start3A_24 = tpu.memref_slice %arg4[%add3A, %dma_start3A, %dma_start3A_23] : memref<32x40x128xi32, #tpu.memory_space<hbm>> -> memref<1x40x128xi32, #tpu.memory_space<hbm>>
      %dma_start3A_25 = tpu.memref_squeeze %dma_start3A_24 : memref<1x40x128xi32, #tpu.memory_space<hbm>> -> memref<40x128xi32, #tpu.memory_space<hbm>>
      %dma_start3A_26 = arith.constant 0 : i32
      %dma_start3A_27 = arith.constant 0 : i32
      %dma_start3A_28 = tpu.memref_slice %arg4[%add3A, %dma_start3A_26, %dma_start3A_27] : memref<32x40x128xi32, #tpu.memory_space<hbm>> -> memref<1x40x128xi32, #tpu.memory_space<hbm>>
      %dma_start3A_29 = tpu.memref_squeeze %dma_start3A_28 : memref<1x40x128xi32, #tpu.memory_space<hbm>> -> memref<40x128xi32, #tpu.memory_space<hbm>>
      tpu.enqueue_dma source(%dma_start3A_29 : memref<40x128xi32, #tpu.memory_space<hbm>>) target(%arg10 : memref<40x128xi32, #tpu.memory_space<vmem>>) target_semaphore(%run_scoped3A : memref<!tpu.dma_semaphore, #tpu.memory_space<semaphore_mem>>)
      %dma_wait3A = arith.constant 0 : i32
      %dma_wait3A_30 = arith.constant 0 : i32
      %dma_wait3A_31 = tpu.memref_slice %arg4[%add3A, %dma_wait3A, %dma_wait3A_30] : memref<32x40x128xi32, #tpu.memory_space<hbm>> -> memref<1x40x128xi32, #tpu.memory_space<hbm>>
      %dma_wait3A_32 = tpu.memref_squeeze %dma_wait3A_31 : memref<1x40x128xi32, #tpu.memory_space<hbm>> -> memref<40x128xi32, #tpu.memory_space<hbm>>
      %dma_wait3A_33 = arith.constant 0 : i32
      %dma_wait3A_34 = arith.constant 0 : i32
      %dma_wait3A_35 = tpu.memref_slice %arg4[%add3A, %dma_wait3A_33, %dma_wait3A_34] : memref<32x40x128xi32, #tpu.memory_space<hbm>> -> memref<1x40x128xi32, #tpu.memory_space<hbm>>
      %dma_wait3A_36 = tpu.memref_squeeze %dma_wait3A_35 : memref<1x40x128xi32, #tpu.memory_space<hbm>> -> memref<40x128xi32, #tpu.memory_space<hbm>>
      tpu.wait_dma2 semaphore(%run_scoped3A : memref<!tpu.dma_semaphore, #tpu.memory_space<semaphore_mem>>) src(%dma_wait3A_36 : memref<40x128xi32, #tpu.memory_space<hbm>>) dst(%arg10 : memref<40x128xi32, #tpu.memory_space<vmem>>)
      tpu.yield
    }) : () -> ()
    "tpu.region"() ({
      %run_scoped3A = tpu.sem_alloc : memref<!tpu.dma_semaphore, #tpu.memory_space<semaphore_mem>>
      %dma_start3A = arith.constant 0 : i32
      %dma_start3A_23 = arith.constant 0 : i32
      %dma_start3A_24 = tpu.memref_slice %arg5[%add3A, %dma_start3A, %dma_start3A_23] : memref<32x40x128xi32, #tpu.memory_space<hbm>> -> memref<1x40x128xi32, #tpu.memory_space<hbm>>
      %dma_start3A_25 = tpu.memref_squeeze %dma_start3A_24 : memref<1x40x128xi32, #tpu.memory_space<hbm>> -> memref<40x128xi32, #tpu.memory_space<hbm>>
      %dma_start3A_26 = arith.constant 0 : i32
      %dma_start3A_27 = arith.constant 0 : i32
      %dma_start3A_28 = tpu.memref_slice %arg5[%add3A, %dma_start3A_26, %dma_start3A_27] : memref<32x40x128xi32, #tpu.memory_space<hbm>> -> memref<1x40x128xi32, #tpu.memory_space<hbm>>
      %dma_start3A_29 = tpu.memref_squeeze %dma_start3A_28 : memref<1x40x128xi32, #tpu.memory_space<hbm>> -> memref<40x128xi32, #tpu.memory_space<hbm>>
      tpu.enqueue_dma source(%dma_start3A_29 : memref<40x128xi32, #tpu.memory_space<hbm>>) target(%arg11 : memref<40x128xi32, #tpu.memory_space<vmem>>) target_semaphore(%run_scoped3A : memref<!tpu.dma_semaphore, #tpu.memory_space<semaphore_mem>>)
      %dma_wait3A = arith.constant 0 : i32
      %dma_wait3A_30 = arith.constant 0 : i32
      %dma_wait3A_31 = tpu.memref_slice %arg5[%add3A, %dma_wait3A, %dma_wait3A_30] : memref<32x40x128xi32, #tpu.memory_space<hbm>> -> memref<1x40x128xi32, #tpu.memory_space<hbm>>
      %dma_wait3A_32 = tpu.memref_squeeze %dma_wait3A_31 : memref<1x40x128xi32, #tpu.memory_space<hbm>> -> memref<40x128xi32, #tpu.memory_space<hbm>>
      %dma_wait3A_33 = arith.constant 0 : i32
      %dma_wait3A_34 = arith.constant 0 : i32
      %dma_wait3A_35 = tpu.memref_slice %arg5[%add3A, %dma_wait3A_33, %dma_wait3A_34] : memref<32x40x128xi32, #tpu.memory_space<hbm>> -> memref<1x40x128xi32, #tpu.memory_space<hbm>>
      %dma_wait3A_36 = tpu.memref_squeeze %dma_wait3A_35 : memref<1x40x128xi32, #tpu.memory_space<hbm>> -> memref<40x128xi32, #tpu.memory_space<hbm>>
      tpu.wait_dma2 semaphore(%run_scoped3A : memref<!tpu.dma_semaphore, #tpu.memory_space<semaphore_mem>>) src(%dma_wait3A_36 : memref<40x128xi32, #tpu.memory_space<hbm>>) dst(%arg11 : memref<40x128xi32, #tpu.memory_space<vmem>>)
      tpu.yield
    }) : () -> ()
    %scan3A_10 = arith.constant 0 : i32
    %scan3A_11 = arith.constant 0 : i32
    %scan3A_12 = arith.constant 40 : i32
    %scan3A_13 = arith.addi %scan3A_11, %scan3A_12 : i32
    %scan3A_14 = arith.constant 1 : i32
    scf.for %scan3A_23 = %scan3A_11 to %scan3A_13 step %scan3A_14  : i32 {
      %mul3A_24 = arith.constant 128 : i32
      %mul3A_25 = arith.muli %scan3A_23, %mul3A_24 : i32
      %add3A_26 = arith.addi %mul3A_2, %mul3A_25 : i32
      "tpu.region"() ({
        %run_scoped3A = tpu.sem_alloc : memref<!tpu.dma_semaphore, #tpu.memory_space<semaphore_mem>>
        %dma_start3A = arith.constant 0 : i32
        %dma_start3A_30 = tpu.memref_slice %arg2[%add3A_26, %dma_start3A] : memref<163840x128xf32, #tpu.memory_space<hbm>> -> memref<128x128xf32, #tpu.memory_space<hbm>>
        %dma_start3A_31 = arith.constant 0 : i32
        %dma_start3A_32 = tpu.memref_slice %arg2[%add3A_26, %dma_start3A_31] : memref<163840x128xf32, #tpu.memory_space<hbm>> -> memref<128x128xf32, #tpu.memory_space<hbm>>
        tpu.enqueue_dma source(%dma_start3A_32 : memref<128x128xf32, #tpu.memory_space<hbm>>) target(%arg12 : memref<128x128xf32, #tpu.memory_space<vmem>>) target_semaphore(%run_scoped3A : memref<!tpu.dma_semaphore, #tpu.memory_space<semaphore_mem>>)
        %dma_wait3A = arith.constant 0 : i32
        %dma_wait3A_33 = tpu.memref_slice %arg2[%add3A_26, %dma_wait3A] : memref<163840x128xf32, #tpu.memory_space<hbm>> -> memref<128x128xf32, #tpu.memory_space<hbm>>
        %dma_wait3A_34 = arith.constant 0 : i32
        %dma_wait3A_35 = tpu.memref_slice %arg2[%add3A_26, %dma_wait3A_34] : memref<163840x128xf32, #tpu.memory_space<hbm>> -> memref<128x128xf32, #tpu.memory_space<hbm>>
        tpu.wait_dma2 semaphore(%run_scoped3A : memref<!tpu.dma_semaphore, #tpu.memory_space<semaphore_mem>>) src(%dma_wait3A_35 : memref<128x128xf32, #tpu.memory_space<hbm>>) dst(%arg12 : memref<128x128xf32, #tpu.memory_space<vmem>>)
        tpu.yield
      }) : () -> ()
      "tpu.region"() ({
        %run_scoped3A = tpu.sem_alloc : memref<!tpu.dma_semaphore, #tpu.memory_space<semaphore_mem>>
        %dma_start3A = arith.constant 0 : i32
        %dma_start3A_30 = tpu.memref_slice %arg10[%scan3A_23, %dma_start3A] : memref<40x128xi32, #tpu.memory_space<vmem>> -> memref<1x128xi32, #tpu.memory_space<vmem>>
        %dma_start3A_31 = tpu.memref_squeeze %dma_start3A_30 : memref<1x128xi32, #tpu.memory_space<vmem>> -> memref<128xi32, #tpu.memory_space<vmem>>
        %dma_start3A_32 = arith.constant 0 : i32
        %dma_start3A_33 = arith.constant 0 : i32
        %dma_start3A_34 = tpu.memref_slice %arg14[%dma_start3A_32, %dma_start3A_33] : memref<10240x128xf32, #tpu.memory_space<vmem_shared>> -> memref<10240x128xf32, #tpu.memory_space<vmem_shared>>
        tpu.enqueue_indirect_dma source(%arg12 : memref<128x128xf32, #tpu.memory_space<vmem>>) target(%dma_start3A_34 : memref<10240x128xf32, #tpu.memory_space<vmem_shared>>) offsets(%dma_start3A_31 : memref<128xi32, #tpu.memory_space<vmem>>) semaphore(%run_scoped3A : memref<!tpu.dma_semaphore, #tpu.memory_space<semaphore_mem>>) {add = true}
        %dma_wait3A = arith.constant 0 : i32
        %dma_wait3A_35 = tpu.memref_slice %arg10[%scan3A_23, %dma_wait3A] : memref<40x128xi32, #tpu.memory_space<vmem>> -> memref<1x128xi32, #tpu.memory_space<vmem>>
        %dma_wait3A_36 = tpu.memref_squeeze %dma_wait3A_35 : memref<1x128xi32, #tpu.memory_space<vmem>> -> memref<128xi32, #tpu.memory_space<vmem>>
        %dma_wait3A_37 = arith.constant 0 : i32
        %dma_wait3A_38 = arith.constant 0 : i32
        %dma_wait3A_39 = tpu.memref_slice %arg14[%dma_wait3A_37, %dma_wait3A_38] : memref<10240x128xf32, #tpu.memory_space<vmem_shared>> -> memref<10240x128xf32, #tpu.memory_space<vmem_shared>>
        tpu.wait_indirect_dma semaphore(%run_scoped3A : memref<!tpu.dma_semaphore, #tpu.memory_space<semaphore_mem>>) src(%arg12 : memref<128x128xf32, #tpu.memory_space<vmem>>) dst(%dma_wait3A_39 : memref<10240x128xf32, #tpu.memory_space<vmem_shared>>)
        tpu.yield
      }) : () -> ()
      %mul3A_27 = arith.constant 128 : i32
      %mul3A_28 = arith.muli %scan3A_23, %mul3A_27 : i32
      %add3A_29 = arith.addi %mul3A_2, %mul3A_28 : i32
      "tpu.region"() ({
        %run_scoped3A = tpu.sem_alloc : memref<!tpu.dma_semaphore, #tpu.memory_space<semaphore_mem>>
        %dma_start3A = arith.constant 0 : i32
        %dma_start3A_30 = tpu.memref_slice %arg3[%add3A_29, %dma_start3A] : memref<163840x128xf32, #tpu.memory_space<hbm>> -> memref<128x128xf32, #tpu.memory_space<hbm>>
        %dma_start3A_31 = arith.constant 0 : i32
        %dma_start3A_32 = tpu.memref_slice %arg3[%add3A_29, %dma_start3A_31] : memref<163840x128xf32, #tpu.memory_space<hbm>> -> memref<128x128xf32, #tpu.memory_space<hbm>>
        tpu.enqueue_dma source(%dma_start3A_32 : memref<128x128xf32, #tpu.memory_space<hbm>>) target(%arg13 : memref<128x128xf32, #tpu.memory_space<vmem>>) target_semaphore(%run_scoped3A : memref<!tpu.dma_semaphore, #tpu.memory_space<semaphore_mem>>)
        %dma_wait3A = arith.constant 0 : i32
        %dma_wait3A_33 = tpu.memref_slice %arg3[%add3A_29, %dma_wait3A] : memref<163840x128xf32, #tpu.memory_space<hbm>> -> memref<128x128xf32, #tpu.memory_space<hbm>>
        %dma_wait3A_34 = arith.constant 0 : i32
        %dma_wait3A_35 = tpu.memref_slice %arg3[%add3A_29, %dma_wait3A_34] : memref<163840x128xf32, #tpu.memory_space<hbm>> -> memref<128x128xf32, #tpu.memory_space<hbm>>
        tpu.wait_dma2 semaphore(%run_scoped3A : memref<!tpu.dma_semaphore, #tpu.memory_space<semaphore_mem>>) src(%dma_wait3A_35 : memref<128x128xf32, #tpu.memory_space<hbm>>) dst(%arg13 : memref<128x128xf32, #tpu.memory_space<vmem>>)
        tpu.yield
      }) : () -> ()
      "tpu.region"() ({
        %run_scoped3A = tpu.sem_alloc : memref<!tpu.dma_semaphore, #tpu.memory_space<semaphore_mem>>
        %dma_start3A = arith.constant 0 : i32
        %dma_start3A_30 = tpu.memref_slice %arg11[%scan3A_23, %dma_start3A] : memref<40x128xi32, #tpu.memory_space<vmem>> -> memref<1x128xi32, #tpu.memory_space<vmem>>
        %dma_start3A_31 = tpu.memref_squeeze %dma_start3A_30 : memref<1x128xi32, #tpu.memory_space<vmem>> -> memref<128xi32, #tpu.memory_space<vmem>>
        %dma_start3A_32 = arith.constant 0 : i32
        %dma_start3A_33 = arith.constant 0 : i32
        %dma_start3A_34 = tpu.memref_slice %arg15[%dma_start3A_32, %dma_start3A_33] : memref<640x128xf32, #tpu.memory_space<vmem_shared>> -> memref<640x128xf32, #tpu.memory_space<vmem_shared>>
        tpu.enqueue_indirect_dma source(%arg13 : memref<128x128xf32, #tpu.memory_space<vmem>>) target(%dma_start3A_34 : memref<640x128xf32, #tpu.memory_space<vmem_shared>>) offsets(%dma_start3A_31 : memref<128xi32, #tpu.memory_space<vmem>>) semaphore(%run_scoped3A : memref<!tpu.dma_semaphore, #tpu.memory_space<semaphore_mem>>) {add = true}
        %dma_wait3A = arith.constant 0 : i32
        %dma_wait3A_35 = tpu.memref_slice %arg11[%scan3A_23, %dma_wait3A] : memref<40x128xi32, #tpu.memory_space<vmem>> -> memref<1x128xi32, #tpu.memory_space<vmem>>
        %dma_wait3A_36 = tpu.memref_squeeze %dma_wait3A_35 : memref<1x128xi32, #tpu.memory_space<vmem>> -> memref<128xi32, #tpu.memory_space<vmem>>
        %dma_wait3A_37 = arith.constant 0 : i32
        %dma_wait3A_38 = arith.constant 0 : i32
        %dma_wait3A_39 = tpu.memref_slice %arg15[%dma_wait3A_37, %dma_wait3A_38] : memref<640x128xf32, #tpu.memory_space<vmem_shared>> -> memref<640x128xf32, #tpu.memory_space<vmem_shared>>
        tpu.wait_indirect_dma semaphore(%run_scoped3A : memref<!tpu.dma_semaphore, #tpu.memory_space<semaphore_mem>>) src(%arg13 : memref<128x128xf32, #tpu.memory_space<vmem>>) dst(%dma_wait3A_39 : memref<640x128xf32, #tpu.memory_space<vmem_shared>>)
        tpu.yield
      }) : () -> ()
    }
    %scan3A_15 = arith.constant 40 : i32
    %barrier3A_16 = arith.constant 0 : index
    tpu.barrier barrier_id(%barrier3A_16)
    %scan3A_17 = arith.constant 0 : i32
    %scan3A_18 = arith.constant 0 : i32
    %scan3A_19 = arith.constant 5 : i32
    %scan3A_20 = arith.addi %scan3A_18, %scan3A_19 : i32
    %scan3A_21 = arith.constant 1 : i32
    scf.for %scan3A_23 = %scan3A_18 to %scan3A_20 step %scan3A_21  : i32 {
      %mul3A_24 = arith.constant 640 : i32
      %mul3A_25 = arith.muli %arg1, %mul3A_24 : i32
      %mul3A_26 = arith.constant 128 : i32
      %mul3A_27 = arith.muli %scan3A_23, %mul3A_26 : i32
      %add3A_28 = arith.addi %mul3A_25, %mul3A_27 : i32
      "tpu.region"() ({
        %run_scoped3A = tpu.sem_alloc : memref<!tpu.dma_semaphore, #tpu.memory_space<semaphore_mem>>
        %dma_start3A = arith.constant 0 : i32
        %dma_start3A_29 = tpu.memref_slice %arg14[%add3A_28, %dma_start3A] : memref<10240x128xf32, #tpu.memory_space<vmem_shared>> -> memref<128x128xf32, #tpu.memory_space<vmem_shared>>
        %dma_start3A_30 = arith.constant 0 : i32
        %dma_start3A_31 = tpu.memref_slice %arg14[%add3A_28, %dma_start3A_30] : memref<10240x128xf32, #tpu.memory_space<vmem_shared>> -> memref<128x128xf32, #tpu.memory_space<vmem_shared>>
        tpu.enqueue_dma source(%dma_start3A_31 : memref<128x128xf32, #tpu.memory_space<vmem_shared>>) target(%arg12 : memref<128x128xf32, #tpu.memory_space<vmem>>) target_semaphore(%run_scoped3A : memref<!tpu.dma_semaphore, #tpu.memory_space<semaphore_mem>>)
        %dma_wait3A = arith.constant 0 : i32
        %dma_wait3A_32 = tpu.memref_slice %arg14[%add3A_28, %dma_wait3A] : memref<10240x128xf32, #tpu.memory_space<vmem_shared>> -> memref<128x128xf32, #tpu.memory_space<vmem_shared>>
        %dma_wait3A_33 = arith.constant 0 : i32
        %dma_wait3A_34 = tpu.memref_slice %arg14[%add3A_28, %dma_wait3A_33] : memref<10240x128xf32, #tpu.memory_space<vmem_shared>> -> memref<128x128xf32, #tpu.memory_space<vmem_shared>>
        tpu.wait_dma2 semaphore(%run_scoped3A : memref<!tpu.dma_semaphore, #tpu.memory_space<semaphore_mem>>) src(%dma_wait3A_34 : memref<128x128xf32, #tpu.memory_space<vmem_shared>>) dst(%arg12 : memref<128x128xf32, #tpu.memory_space<vmem>>)
        tpu.yield
      }) : () -> ()
      "tpu.region"() ({
        %run_scoped3A = tpu.sem_alloc : memref<!tpu.dma_semaphore, #tpu.memory_space<semaphore_mem>>
        %dma_start3A = arith.constant 0 : i32
        %dma_start3A_29 = tpu.memref_slice %arg8[%arg0, %add3A_28, %dma_start3A] : memref<2x10240x128xf32, #tpu.memory_space<hbm>> -> memref<1x128x128xf32, #tpu.memory_space<hbm>>
        %dma_start3A_30 = tpu.memref_squeeze %dma_start3A_29 : memref<1x128x128xf32, #tpu.memory_space<hbm>> -> memref<128x128xf32, #tpu.memory_space<hbm>>
        %dma_start3A_31 = arith.constant 0 : i32
        %dma_start3A_32 = tpu.memref_slice %arg8[%arg0, %add3A_28, %dma_start3A_31] : memref<2x10240x128xf32, #tpu.memory_space<hbm>> -> memref<1x128x128xf32, #tpu.memory_space<hbm>>
        %dma_start3A_33 = tpu.memref_squeeze %dma_start3A_32 : memref<1x128x128xf32, #tpu.memory_space<hbm>> -> memref<128x128xf32, #tpu.memory_space<hbm>>
        tpu.enqueue_dma source(%arg12 : memref<128x128xf32, #tpu.memory_space<vmem>>) target(%dma_start3A_33 : memref<128x128xf32, #tpu.memory_space<hbm>>) target_semaphore(%run_scoped3A : memref<!tpu.dma_semaphore, #tpu.memory_space<semaphore_mem>>)
        %dma_wait3A = arith.constant 0 : i32
        %dma_wait3A_34 = tpu.memref_slice %arg8[%arg0, %add3A_28, %dma_wait3A] : memref<2x10240x128xf32, #tpu.memory_space<hbm>> -> memref<1x128x128xf32, #tpu.memory_space<hbm>>
        %dma_wait3A_35 = tpu.memref_squeeze %dma_wait3A_34 : memref<1x128x128xf32, #tpu.memory_space<hbm>> -> memref<128x128xf32, #tpu.memory_space<hbm>>
        %dma_wait3A_36 = arith.constant 0 : i32
        %dma_wait3A_37 = tpu.memref_slice %arg8[%arg0, %add3A_28, %dma_wait3A_36] : memref<2x10240x128xf32, #tpu.memory_space<hbm>> -> memref<1x128x128xf32, #tpu.memory_space<hbm>>
        %dma_wait3A_38 = tpu.memref_squeeze %dma_wait3A_37 : memref<1x128x128xf32, #tpu.memory_space<hbm>> -> memref<128x128xf32, #tpu.memory_space<hbm>>
        tpu.wait_dma2 semaphore(%run_scoped3A : memref<!tpu.dma_semaphore, #tpu.memory_space<semaphore_mem>>) src(%arg12 : memref<128x128xf32, #tpu.memory_space<vmem>>) dst(%dma_wait3A_38 : memref<128x128xf32, #tpu.memory_space<hbm>>)
        tpu.yield
      }) : () -> ()
    }
    %scan3A_22 = arith.constant 5 : i32
    "tpu.region"() ({
      %run_scoped3A = tpu.sem_alloc : memref<!tpu.dma_semaphore, #tpu.memory_space<semaphore_mem>>
      %dma_start3A = arith.constant 0 : i32
      %dma_start3A_23 = arith.constant 0 : i32
      %dma_start3A_24 = tpu.memref_slice %arg13[%dma_start3A, %dma_start3A_23] : memref<128x128xf32, #tpu.memory_space<vmem>> -> memref<40x128xf32, #tpu.memory_space<vmem>>
      %dma_start3A_25 = arith.constant 0 : i32
      %dma_start3A_26 = tpu.memref_slice %arg15[%mul3A_9, %dma_start3A_25] : memref<640x128xf32, #tpu.memory_space<vmem_shared>> -> memref<40x128xf32, #tpu.memory_space<vmem_shared>>
      %dma_start3A_27 = arith.constant 0 : i32
      %dma_start3A_28 = arith.constant 0 : i32
      %dma_start3A_29 = tpu.memref_slice %arg13[%dma_start3A_27, %dma_start3A_28] : memref<128x128xf32, #tpu.memory_space<vmem>> -> memref<40x128xf32, #tpu.memory_space<vmem>>
      %dma_start3A_30 = arith.constant 0 : i32
      %dma_start3A_31 = tpu.memref_slice %arg15[%mul3A_9, %dma_start3A_30] : memref<640x128xf32, #tpu.memory_space<vmem_shared>> -> memref<40x128xf32, #tpu.memory_space<vmem_shared>>
      tpu.enqueue_dma source(%dma_start3A_31 : memref<40x128xf32, #tpu.memory_space<vmem_shared>>) target(%dma_start3A_29 : memref<40x128xf32, #tpu.memory_space<vmem>>) target_semaphore(%run_scoped3A : memref<!tpu.dma_semaphore, #tpu.memory_space<semaphore_mem>>)
      %dma_wait3A = arith.constant 0 : i32
      %dma_wait3A_32 = arith.constant 0 : i32
      %dma_wait3A_33 = tpu.memref_slice %arg13[%dma_wait3A, %dma_wait3A_32] : memref<128x128xf32, #tpu.memory_space<vmem>> -> memref<40x128xf32, #tpu.memory_space<vmem>>
      %dma_wait3A_34 = arith.constant 0 : i32
      %dma_wait3A_35 = tpu.memref_slice %arg15[%mul3A_9, %dma_wait3A_34] : memref<640x128xf32, #tpu.memory_space<vmem_shared>> -> memref<40x128xf32, #tpu.memory_space<vmem_shared>>
      %dma_wait3A_36 = arith.constant 0 : i32
      %dma_wait3A_37 = arith.constant 0 : i32
      %dma_wait3A_38 = tpu.memref_slice %arg13[%dma_wait3A_36, %dma_wait3A_37] : memref<128x128xf32, #tpu.memory_space<vmem>> -> memref<40x128xf32, #tpu.memory_space<vmem>>
      %dma_wait3A_39 = arith.constant 0 : i32
      %dma_wait3A_40 = tpu.memref_slice %arg15[%mul3A_9, %dma_wait3A_39] : memref<640x128xf32, #tpu.memory_space<vmem_shared>> -> memref<40x128xf32, #tpu.memory_space<vmem_shared>>
      tpu.wait_dma2 semaphore(%run_scoped3A : memref<!tpu.dma_semaphore, #tpu.memory_space<semaphore_mem>>) src(%dma_wait3A_40 : memref<40x128xf32, #tpu.memory_space<vmem_shared>>) dst(%dma_wait3A_38 : memref<40x128xf32, #tpu.memory_space<vmem>>)
      tpu.yield
    }) : () -> ()
    "tpu.region"() ({
      %run_scoped3A = tpu.sem_alloc : memref<!tpu.dma_semaphore, #tpu.memory_space<semaphore_mem>>
      %dma_start3A = arith.constant 0 : i32
      %dma_start3A_23 = arith.constant 0 : i32
      %dma_start3A_24 = tpu.memref_slice %arg13[%dma_start3A, %dma_start3A_23] : memref<128x128xf32, #tpu.memory_space<vmem>> -> memref<40x128xf32, #tpu.memory_space<vmem>>
      %dma_start3A_25 = arith.constant 0 : i32
      %dma_start3A_26 = tpu.memref_slice %arg9[%arg0, %mul3A_9, %dma_start3A_25] : memref<2x640x128xf32, #tpu.memory_space<hbm>> -> memref<1x40x128xf32, #tpu.memory_space<hbm>>
      %dma_start3A_27 = tpu.memref_squeeze %dma_start3A_26 : memref<1x40x128xf32, #tpu.memory_space<hbm>> -> memref<40x128xf32, #tpu.memory_space<hbm>>
      %dma_start3A_28 = arith.constant 0 : i32
      %dma_start3A_29 = tpu.memref_slice %arg9[%arg0, %mul3A_9, %dma_start3A_28] : memref<2x640x128xf32, #tpu.memory_space<hbm>> -> memref<1x40x128xf32, #tpu.memory_space<hbm>>
      %dma_start3A_30 = tpu.memref_squeeze %dma_start3A_29 : memref<1x40x128xf32, #tpu.memory_space<hbm>> -> memref<40x128xf32, #tpu.memory_space<hbm>>
      %dma_start3A_31 = arith.constant 0 : i32
      %dma_start3A_32 = arith.constant 0 : i32
      %dma_start3A_33 = tpu.memref_slice %arg13[%dma_start3A_31, %dma_start3A_32] : memref<128x128xf32, #tpu.memory_space<vmem>> -> memref<40x128xf32, #tpu.memory_space<vmem>>
      tpu.enqueue_dma source(%dma_start3A_33 : memref<40x128xf32, #tpu.memory_space<vmem>>) target(%dma_start3A_30 : memref<40x128xf32, #tpu.memory_space<hbm>>) target_semaphore(%run_scoped3A : memref<!tpu.dma_semaphore, #tpu.memory_space<semaphore_mem>>)
      %dma_wait3A = arith.constant 0 : i32
      %dma_wait3A_34 = arith.constant 0 : i32
      %dma_wait3A_35 = tpu.memref_slice %arg13[%dma_wait3A, %dma_wait3A_34] : memref<128x128xf32, #tpu.memory_space<vmem>> -> memref<40x128xf32, #tpu.memory_space<vmem>>
      %dma_wait3A_36 = arith.constant 0 : i32
      %dma_wait3A_37 = tpu.memref_slice %arg9[%arg0, %mul3A_9, %dma_wait3A_36] : memref<2x640x128xf32, #tpu.memory_space<hbm>> -> memref<1x40x128xf32, #tpu.memory_space<hbm>>
      %dma_wait3A_38 = tpu.memref_squeeze %dma_wait3A_37 : memref<1x40x128xf32, #tpu.memory_space<hbm>> -> memref<40x128xf32, #tpu.memory_space<hbm>>
      %dma_wait3A_39 = arith.constant 0 : i32
      %dma_wait3A_40 = tpu.memref_slice %arg9[%arg0, %mul3A_9, %dma_wait3A_39] : memref<2x640x128xf32, #tpu.memory_space<hbm>> -> memref<1x40x128xf32, #tpu.memory_space<hbm>>
      %dma_wait3A_41 = tpu.memref_squeeze %dma_wait3A_40 : memref<1x40x128xf32, #tpu.memory_space<hbm>> -> memref<40x128xf32, #tpu.memory_space<hbm>>
      %dma_wait3A_42 = arith.constant 0 : i32
      %dma_wait3A_43 = arith.constant 0 : i32
      %dma_wait3A_44 = tpu.memref_slice %arg13[%dma_wait3A_42, %dma_wait3A_43] : memref<128x128xf32, #tpu.memory_space<vmem>> -> memref<40x128xf32, #tpu.memory_space<vmem>>
      tpu.wait_dma2 semaphore(%run_scoped3A : memref<!tpu.dma_semaphore, #tpu.memory_space<semaphore_mem>>) src(%dma_wait3A_44 : memref<40x128xf32, #tpu.memory_space<vmem>>) dst(%dma_wait3A_41 : memref<40x128xf32, #tpu.memory_space<hbm>>)
      tpu.yield
    }) : () -> ()
    return
  }
}

module attributes {stable_mosaic.version = 14 : i64} {
  func.func @_adapt_body(%arg0: i32, %arg1: memref<512x128xf32, #tpu.memory_space<vmem>>, %arg2: memref<512x8xf32, #tpu.memory_space<vmem>>, %arg3: memref<3x128x128xf32, #tpu.memory_space<vmem>>, %arg4: memref<3x128xf32, #tpu.memory_space<vmem>>, %arg5: memref<512x128xf32, #tpu.memory_space<vmem>>) attributes {dimension_semantics = [#tpu.dimension_semantics<arbitrary>], iteration_bounds = array<i64: 20>, scalar_prefetch = 0 : i64, scratch_operands = 0 : i64, tpu.core_type = #tpu.core_type<tc>, window_params = [{transform_indices = @transform_0, window_bounds = array<i64: 512, 128>}, {transform_indices = @transform_1, window_bounds = array<i64: 512, 8>}, {pipeline_mode = #tpu.pipeline_mode<synchronous>, transform_indices = @transform_2, window_bounds = array<i64: 3, 128, 128>}, {pipeline_mode = #tpu.pipeline_mode<synchronous>, transform_indices = @transform_3, window_bounds = array<i64: 3, 128>}, {transform_indices = @transform_4, window_bounds = array<i64: 512, 128>}]} {
    %get3A = arith.constant 0 : index
    %get3A_0 = arith.constant 0 : index
    %get3A_1 = vector.load %arg1[%get3A, %get3A_0] : memref<512x128xf32, #tpu.memory_space<vmem>>, vector<512x128xf32>
    %broadcast_in_dim3A = arith.constant 0.000000e+00 : f32
    %broadcast_in_dim3A_2 = vector.broadcast %broadcast_in_dim3A : f32 to vector<512x128xf32>
    %get3A_3 = arith.constant 0 : index
    %get3A_4 = arith.constant 0 : index
    %get3A_5 = vector.load %arg2[%get3A_3, %get3A_4] : memref<512x8xf32, #tpu.memory_space<vmem>>, vector<512x1xf32>
    %get3A_6 = arith.constant 0 : index
    %get3A_7 = arith.constant 0 : index
    %get3A_8 = arith.constant 0 : index
    %get3A_9 = vector.load %arg3[%get3A_6, %get3A_7, %get3A_8] : memref<3x128x128xf32, #tpu.memory_space<vmem>>, vector<1x128x128xf32>
    %get3A_10 = vector.shape_cast %get3A_9 : vector<1x128x128xf32> to vector<128x128xf32>
    %dot_general3A = arith.constant dense<0.000000e+00> : vector<512x128xf32>
    %dot_general3A_11 = tpu.matmul %get3A_1, %get3A_10, %dot_general3A {dimension_numbers = #tpu.dot_dimension_numbers<[1], [0], [0], [1], [0, 0, 1, 1], [], []>, transpose_lhs_hint = false} : vector<512x128xf32>, vector<128x128xf32>, vector<512x128xf32> -> vector<512x128xf32>
    %get3A_12 = arith.constant 0 : index
    %get3A_13 = arith.constant 0 : index
    %get3A_14 = vector.load %arg4[%get3A_12, %get3A_13] : memref<3x128xf32, #tpu.memory_space<vmem>>, vector<1x128xf32>
    %get3A_15 = vector.shape_cast %get3A_14 : vector<1x128xf32> to vector<128xf32>
    %broadcast_in_dim3A_16 = vector.shape_cast %get3A_15 : vector<128xf32> to vector<1x128xf32>
    %add3A = vector.broadcast %broadcast_in_dim3A_16 : vector<1x128xf32> to vector<512x128xf32>
    %add3A_17 = arith.addf %dot_general3A_11, %add3A : vector<512x128xf32>
    %tanh3A = math.tanh %add3A_17 : vector<512x128xf32>
    %mul3A = vector.broadcast %get3A_5 : vector<512x1xf32> to vector<512x128xf32>
    %mul3A_18 = arith.mulf %mul3A, %tanh3A : vector<512x128xf32>
    %add3A_19 = arith.addf %broadcast_in_dim3A_2, %mul3A_18 : vector<512x128xf32>
    %get3A_20 = arith.constant 0 : index
    %get3A_21 = arith.constant 1 : index
    %get3A_22 = vector.load %arg2[%get3A_20, %get3A_21] : memref<512x8xf32, #tpu.memory_space<vmem>>, vector<512x1xf32>
    %get3A_23 = arith.constant 1 : index
    %get3A_24 = arith.constant 0 : index
    %get3A_25 = arith.constant 0 : index
    %get3A_26 = vector.load %arg3[%get3A_23, %get3A_24, %get3A_25] : memref<3x128x128xf32, #tpu.memory_space<vmem>>, vector<1x128x128xf32>
    %get3A_27 = vector.shape_cast %get3A_26 : vector<1x128x128xf32> to vector<128x128xf32>
    %dot_general3A_28 = arith.constant dense<0.000000e+00> : vector<512x128xf32>
    %dot_general3A_29 = tpu.matmul %get3A_1, %get3A_27, %dot_general3A_28 {dimension_numbers = #tpu.dot_dimension_numbers<[1], [0], [0], [1], [0, 0, 1, 1], [], []>, transpose_lhs_hint = false} : vector<512x128xf32>, vector<128x128xf32>, vector<512x128xf32> -> vector<512x128xf32>
    %get3A_30 = arith.constant 1 : index
    %get3A_31 = arith.constant 0 : index
    %get3A_32 = vector.load %arg4[%get3A_30, %get3A_31] : memref<3x128xf32, #tpu.memory_space<vmem>>, vector<1x128xf32>
    %get3A_33 = vector.shape_cast %get3A_32 : vector<1x128xf32> to vector<128xf32>
    %broadcast_in_dim3A_34 = vector.shape_cast %get3A_33 : vector<128xf32> to vector<1x128xf32>
    %add3A_35 = vector.broadcast %broadcast_in_dim3A_34 : vector<1x128xf32> to vector<512x128xf32>
    %add3A_36 = arith.addf %dot_general3A_29, %add3A_35 : vector<512x128xf32>
    %tanh3A_37 = math.tanh %add3A_36 : vector<512x128xf32>
    %mul3A_38 = vector.broadcast %get3A_22 : vector<512x1xf32> to vector<512x128xf32>
    %mul3A_39 = arith.mulf %mul3A_38, %tanh3A_37 : vector<512x128xf32>
    %add3A_40 = arith.addf %add3A_19, %mul3A_39 : vector<512x128xf32>
    %get3A_41 = arith.constant 0 : index
    %get3A_42 = arith.constant 2 : index
    %get3A_43 = vector.load %arg2[%get3A_41, %get3A_42] : memref<512x8xf32, #tpu.memory_space<vmem>>, vector<512x1xf32>
    %get3A_44 = arith.constant 2 : index
    %get3A_45 = arith.constant 0 : index
    %get3A_46 = arith.constant 0 : index
    %get3A_47 = vector.load %arg3[%get3A_44, %get3A_45, %get3A_46] : memref<3x128x128xf32, #tpu.memory_space<vmem>>, vector<1x128x128xf32>
    %get3A_48 = vector.shape_cast %get3A_47 : vector<1x128x128xf32> to vector<128x128xf32>
    %dot_general3A_49 = arith.constant dense<0.000000e+00> : vector<512x128xf32>
    %dot_general3A_50 = tpu.matmul %get3A_1, %get3A_48, %dot_general3A_49 {dimension_numbers = #tpu.dot_dimension_numbers<[1], [0], [0], [1], [0, 0, 1, 1], [], []>, transpose_lhs_hint = false} : vector<512x128xf32>, vector<128x128xf32>, vector<512x128xf32> -> vector<512x128xf32>
    %get3A_51 = arith.constant 2 : index
    %get3A_52 = arith.constant 0 : index
    %get3A_53 = vector.load %arg4[%get3A_51, %get3A_52] : memref<3x128xf32, #tpu.memory_space<vmem>>, vector<1x128xf32>
    %get3A_54 = vector.shape_cast %get3A_53 : vector<1x128xf32> to vector<128xf32>
    %broadcast_in_dim3A_55 = vector.shape_cast %get3A_54 : vector<128xf32> to vector<1x128xf32>
    %add3A_56 = vector.broadcast %broadcast_in_dim3A_55 : vector<1x128xf32> to vector<512x128xf32>
    %add3A_57 = arith.addf %dot_general3A_50, %add3A_56 : vector<512x128xf32>
    %tanh3A_58 = math.tanh %add3A_57 : vector<512x128xf32>
    %mul3A_59 = vector.broadcast %get3A_43 : vector<512x1xf32> to vector<512x128xf32>
    %mul3A_60 = arith.mulf %mul3A_59, %tanh3A_58 : vector<512x128xf32>
    %add3A_61 = arith.addf %add3A_40, %mul3A_60 : vector<512x128xf32>
    %swap3A = arith.constant 0 : index
    %swap3A_62 = arith.constant 0 : index
    %swap3A_63 = vector.load %arg5[%swap3A, %swap3A_62] : memref<512x128xf32, #tpu.memory_space<vmem>>, vector<512x128xf32>
    tpu.vector_store %arg5[%swap3A, %swap3A_62], %add3A_61 {strides = array<i32>} : memref<512x128xf32, #tpu.memory_space<vmem>>, vector<512x128xf32>,
    return
  }
  func.func @transform_0(%arg0: i32) -> (i32, i32) {
    %c0_i32 = arith.constant 0 : i32
    %c0_i32_0 = arith.constant 0 : i32
    return %arg0, %c0_i32 : i32, i32
  }
  func.func @transform_1(%arg0: i32) -> (i32, i32) {
    %c0_i32 = arith.constant 0 : i32
    %c0_i32_0 = arith.constant 0 : i32
    return %arg0, %c0_i32 : i32, i32
  }
  func.func @transform_2(%arg0: i32) -> (i32, i32, i32) {
    %c0_i32 = arith.constant 0 : i32
    %c0_i32_0 = arith.constant 0 : i32
    %c0_i32_1 = arith.constant 0 : i32
    %c0_i32_2 = arith.constant 0 : i32
    return %c0_i32, %c0_i32_0, %c0_i32_1 : i32, i32, i32
  }
  func.func @transform_3(%arg0: i32) -> (i32, i32) {
    %c0_i32 = arith.constant 0 : i32
    %c0_i32_0 = arith.constant 0 : i32
    %c0_i32_1 = arith.constant 0 : i32
    return %c0_i32, %c0_i32_0 : i32, i32
  }
  func.func @transform_4(%arg0: i32) -> (i32, i32) {
    %c0_i32 = arith.constant 0 : i32
    %c0_i32_0 = arith.constant 0 : i32
    return %arg0, %c0_i32 : i32, i32
  }
}

module attributes {stable_mosaic.version = 14 : i64} {
  func.func @_node_body(%arg0: i32, %arg1: memref<512x128xf32, #tpu.memory_space<vmem>>, %arg2: memref<512x8xf32, #tpu.memory_space<vmem>>, %arg3: memref<3x128x128xf32, #tpu.memory_space<vmem>>, %arg4: memref<3x128xf32, #tpu.memory_space<vmem>>, %arg5: memref<3x128x128xf32, #tpu.memory_space<vmem>>, %arg6: memref<3x128xf32, #tpu.memory_space<vmem>>, %arg7: memref<3x128x128xf32, #tpu.memory_space<vmem>>, %arg8: memref<3x128xf32, #tpu.memory_space<vmem>>, %arg9: memref<5x128x128xf32, #tpu.memory_space<vmem>>, %arg10: memref<5x128x128xf32, #tpu.memory_space<vmem>>, %arg11: memref<512x128xf32, #tpu.memory_space<vmem>>, %arg12: memref<512x1280xf32, #tpu.memory_space<vmem>>) attributes {dimension_semantics = [#tpu.dimension_semantics<arbitrary>], iteration_bounds = array<i64: 20>, scalar_prefetch = 0 : i64, scratch_operands = 0 : i64, tpu.core_type = #tpu.core_type<tc>, window_params = [{transform_indices = @transform_0, window_bounds = array<i64: 512, 128>}, {transform_indices = @transform_1, window_bounds = array<i64: 512, 8>}, {pipeline_mode = #tpu.pipeline_mode<synchronous>, transform_indices = @transform_2, window_bounds = array<i64: 3, 128, 128>}, {pipeline_mode = #tpu.pipeline_mode<synchronous>, transform_indices = @transform_3, window_bounds = array<i64: 3, 128>}, {pipeline_mode = #tpu.pipeline_mode<synchronous>, transform_indices = @transform_4, window_bounds = array<i64: 3, 128, 128>}, {pipeline_mode = #tpu.pipeline_mode<synchronous>, transform_indices = @transform_5, window_bounds = array<i64: 3, 128>}, {pipeline_mode = #tpu.pipeline_mode<synchronous>, transform_indices = @transform_6, window_bounds = array<i64: 3, 128, 128>}, {pipeline_mode = #tpu.pipeline_mode<synchronous>, transform_indices = @transform_7, window_bounds = array<i64: 3, 128>}, {pipeline_mode = #tpu.pipeline_mode<synchronous>, transform_indices = @transform_8, window_bounds = array<i64: 5, 128, 128>}, {pipeline_mode = #tpu.pipeline_mode<synchronous>, transform_indices = @transform_9, window_bounds = array<i64: 5, 128, 128>}, {transform_indices = @transform_10, window_bounds = array<i64: 512, 128>}, {transform_indices = @transform_11, window_bounds = array<i64: 512, 1280>}]} {
    %get3A = arith.constant 0 : index
    %get3A_0 = arith.constant 0 : index
    %get3A_1 = vector.load %arg1[%get3A, %get3A_0] : memref<512x128xf32, #tpu.memory_space<vmem>>, vector<512x128xf32>
    %broadcast_in_dim3A = arith.constant 0.000000e+00 : f32
    %broadcast_in_dim3A_2 = vector.broadcast %broadcast_in_dim3A : f32 to vector<512x128xf32>
    %broadcast_in_dim3A_3 = arith.constant 0.000000e+00 : f32
    %broadcast_in_dim3A_4 = vector.broadcast %broadcast_in_dim3A_3 : f32 to vector<512x128xf32>
    %broadcast_in_dim3A_5 = arith.constant 0.000000e+00 : f32
    %broadcast_in_dim3A_6 = vector.broadcast %broadcast_in_dim3A_5 : f32 to vector<512x128xf32>
    %get3A_7 = arith.constant 0 : index
    %get3A_8 = arith.constant 0 : index
    %get3A_9 = vector.load %arg2[%get3A_7, %get3A_8] : memref<512x8xf32, #tpu.memory_space<vmem>>, vector<512x1xf32>
    %get3A_10 = arith.constant 0 : index
    %get3A_11 = arith.constant 0 : index
    %get3A_12 = arith.constant 0 : index
    %get3A_13 = vector.load %arg3[%get3A_10, %get3A_11, %get3A_12] : memref<3x128x128xf32, #tpu.memory_space<vmem>>, vector<1x128x128xf32>
    %get3A_14 = vector.shape_cast %get3A_13 : vector<1x128x128xf32> to vector<128x128xf32>
    %dot_general3A = arith.constant dense<0.000000e+00> : vector<512x128xf32>
    %dot_general3A_15 = tpu.matmul %get3A_1, %get3A_14, %dot_general3A {dimension_numbers = #tpu.dot_dimension_numbers<[1], [0], [0], [1], [0, 0, 1, 1], [], []>, transpose_lhs_hint = false} : vector<512x128xf32>, vector<128x128xf32>, vector<512x128xf32> -> vector<512x128xf32>
    %get3A_16 = arith.constant 0 : index
    %get3A_17 = arith.constant 0 : index
    %get3A_18 = vector.load %arg4[%get3A_16, %get3A_17] : memref<3x128xf32, #tpu.memory_space<vmem>>, vector<1x128xf32>
    %get3A_19 = vector.shape_cast %get3A_18 : vector<1x128xf32> to vector<128xf32>
    %broadcast_in_dim3A_20 = vector.shape_cast %get3A_19 : vector<128xf32> to vector<1x128xf32>
    %add3A = vector.broadcast %broadcast_in_dim3A_20 : vector<1x128xf32> to vector<512x128xf32>
    %add3A_21 = arith.addf %dot_general3A_15, %add3A : vector<512x128xf32>
    %mul3A = vector.broadcast %get3A_9 : vector<512x1xf32> to vector<512x128xf32>
    %mul3A_22 = arith.mulf %mul3A, %add3A_21 : vector<512x128xf32>
    %add3A_23 = arith.addf %broadcast_in_dim3A_2, %mul3A_22 : vector<512x128xf32>
    %get3A_24 = arith.constant 0 : index
    %get3A_25 = arith.constant 0 : index
    %get3A_26 = arith.constant 0 : index
    %get3A_27 = vector.load %arg5[%get3A_24, %get3A_25, %get3A_26] : memref<3x128x128xf32, #tpu.memory_space<vmem>>, vector<1x128x128xf32>
    %get3A_28 = vector.shape_cast %get3A_27 : vector<1x128x128xf32> to vector<128x128xf32>
    %dot_general3A_29 = arith.constant dense<0.000000e+00> : vector<512x128xf32>
    %dot_general3A_30 = tpu.matmul %get3A_1, %get3A_28, %dot_general3A_29 {dimension_numbers = #tpu.dot_dimension_numbers<[1], [0], [0], [1], [0, 0, 1, 1], [], []>, transpose_lhs_hint = false} : vector<512x128xf32>, vector<128x128xf32>, vector<512x128xf32> -> vector<512x128xf32>
    %get3A_31 = arith.constant 0 : index
    %get3A_32 = arith.constant 0 : index
    %get3A_33 = vector.load %arg6[%get3A_31, %get3A_32] : memref<3x128xf32, #tpu.memory_space<vmem>>, vector<1x128xf32>
    %get3A_34 = vector.shape_cast %get3A_33 : vector<1x128xf32> to vector<128xf32>
    %broadcast_in_dim3A_35 = vector.shape_cast %get3A_34 : vector<128xf32> to vector<1x128xf32>
    %add3A_36 = vector.broadcast %broadcast_in_dim3A_35 : vector<1x128xf32> to vector<512x128xf32>
    %add3A_37 = arith.addf %dot_general3A_30, %add3A_36 : vector<512x128xf32>
    %mul3A_38 = vector.broadcast %get3A_9 : vector<512x1xf32> to vector<512x128xf32>
    %mul3A_39 = arith.mulf %mul3A_38, %add3A_37 : vector<512x128xf32>
    %add3A_40 = arith.addf %broadcast_in_dim3A_4, %mul3A_39 : vector<512x128xf32>
    %get3A_41 = arith.constant 0 : index
    %get3A_42 = arith.constant 0 : index
    %get3A_43 = arith.constant 0 : index
    %get3A_44 = vector.load %arg7[%get3A_41, %get3A_42, %get3A_43] : memref<3x128x128xf32, #tpu.memory_space<vmem>>, vector<1x128x128xf32>
    %get3A_45 = vector.shape_cast %get3A_44 : vector<1x128x128xf32> to vector<128x128xf32>
    %dot_general3A_46 = arith.constant dense<0.000000e+00> : vector<512x128xf32>
    %dot_general3A_47 = tpu.matmul %get3A_1, %get3A_45, %dot_general3A_46 {dimension_numbers = #tpu.dot_dimension_numbers<[1], [0], [0], [1], [0, 0, 1, 1], [], []>, transpose_lhs_hint = false} : vector<512x128xf32>, vector<128x128xf32>, vector<512x128xf32> -> vector<512x128xf32>
    %get3A_48 = arith.constant 0 : index
    %get3A_49 = arith.constant 0 : index
    %get3A_50 = vector.load %arg8[%get3A_48, %get3A_49] : memref<3x128xf32, #tpu.memory_space<vmem>>, vector<1x128xf32>
    %get3A_51 = vector.shape_cast %get3A_50 : vector<1x128xf32> to vector<128xf32>
    %broadcast_in_dim3A_52 = vector.shape_cast %get3A_51 : vector<128xf32> to vector<1x128xf32>
    %add3A_53 = vector.broadcast %broadcast_in_dim3A_52 : vector<1x128xf32> to vector<512x128xf32>
    %add3A_54 = arith.addf %dot_general3A_47, %add3A_53 : vector<512x128xf32>
    %mul3A_55 = vector.broadcast %get3A_9 : vector<512x1xf32> to vector<512x128xf32>
    %mul3A_56 = arith.mulf %mul3A_55, %add3A_54 : vector<512x128xf32>
    %add3A_57 = arith.addf %broadcast_in_dim3A_6, %mul3A_56 : vector<512x128xf32>
    %get3A_58 = arith.constant 0 : index
    %get3A_59 = arith.constant 1 : index
    %get3A_60 = vector.load %arg2[%get3A_58, %get3A_59] : memref<512x8xf32, #tpu.memory_space<vmem>>, vector<512x1xf32>
    %get3A_61 = arith.constant 1 : index
    %get3A_62 = arith.constant 0 : index
    %get3A_63 = arith.constant 0 : index
    %get3A_64 = vector.load %arg3[%get3A_61, %get3A_62, %get3A_63] : memref<3x128x128xf32, #tpu.memory_space<vmem>>, vector<1x128x128xf32>
    %get3A_65 = vector.shape_cast %get3A_64 : vector<1x128x128xf32> to vector<128x128xf32>
    %dot_general3A_66 = arith.constant dense<0.000000e+00> : vector<512x128xf32>
    %dot_general3A_67 = tpu.matmul %get3A_1, %get3A_65, %dot_general3A_66 {dimension_numbers = #tpu.dot_dimension_numbers<[1], [0], [0], [1], [0, 0, 1, 1], [], []>, transpose_lhs_hint = false} : vector<512x128xf32>, vector<128x128xf32>, vector<512x128xf32> -> vector<512x128xf32>
    %get3A_68 = arith.constant 1 : index
    %get3A_69 = arith.constant 0 : index
    %get3A_70 = vector.load %arg4[%get3A_68, %get3A_69] : memref<3x128xf32, #tpu.memory_space<vmem>>, vector<1x128xf32>
    %get3A_71 = vector.shape_cast %get3A_70 : vector<1x128xf32> to vector<128xf32>
    %broadcast_in_dim3A_72 = vector.shape_cast %get3A_71 : vector<128xf32> to vector<1x128xf32>
    %add3A_73 = vector.broadcast %broadcast_in_dim3A_72 : vector<1x128xf32> to vector<512x128xf32>
    %add3A_74 = arith.addf %dot_general3A_67, %add3A_73 : vector<512x128xf32>
    %mul3A_75 = vector.broadcast %get3A_60 : vector<512x1xf32> to vector<512x128xf32>
    %mul3A_76 = arith.mulf %mul3A_75, %add3A_74 : vector<512x128xf32>
    %add3A_77 = arith.addf %add3A_23, %mul3A_76 : vector<512x128xf32>
    %get3A_78 = arith.constant 1 : index
    %get3A_79 = arith.constant 0 : index
    %get3A_80 = arith.constant 0 : index
    %get3A_81 = vector.load %arg5[%get3A_78, %get3A_79, %get3A_80] : memref<3x128x128xf32, #tpu.memory_space<vmem>>, vector<1x128x128xf32>
    %get3A_82 = vector.shape_cast %get3A_81 : vector<1x128x128xf32> to vector<128x128xf32>
    %dot_general3A_83 = arith.constant dense<0.000000e+00> : vector<512x128xf32>
    %dot_general3A_84 = tpu.matmul %get3A_1, %get3A_82, %dot_general3A_83 {dimension_numbers = #tpu.dot_dimension_numbers<[1], [0], [0], [1], [0, 0, 1, 1], [], []>, transpose_lhs_hint = false} : vector<512x128xf32>, vector<128x128xf32>, vector<512x128xf32> -> vector<512x128xf32>
    %get3A_85 = arith.constant 1 : index
    %get3A_86 = arith.constant 0 : index
    %get3A_87 = vector.load %arg6[%get3A_85, %get3A_86] : memref<3x128xf32, #tpu.memory_space<vmem>>, vector<1x128xf32>
    %get3A_88 = vector.shape_cast %get3A_87 : vector<1x128xf32> to vector<128xf32>
    %broadcast_in_dim3A_89 = vector.shape_cast %get3A_88 : vector<128xf32> to vector<1x128xf32>
    %add3A_90 = vector.broadcast %broadcast_in_dim3A_89 : vector<1x128xf32> to vector<512x128xf32>
    %add3A_91 = arith.addf %dot_general3A_84, %add3A_90 : vector<512x128xf32>
    %mul3A_92 = vector.broadcast %get3A_60 : vector<512x1xf32> to vector<512x128xf32>
    %mul3A_93 = arith.mulf %mul3A_92, %add3A_91 : vector<512x128xf32>
    %add3A_94 = arith.addf %add3A_40, %mul3A_93 : vector<512x128xf32>
    %get3A_95 = arith.constant 1 : index
    %get3A_96 = arith.constant 0 : index
    %get3A_97 = arith.constant 0 : index
    %get3A_98 = vector.load %arg7[%get3A_95, %get3A_96, %get3A_97] : memref<3x128x128xf32, #tpu.memory_space<vmem>>, vector<1x128x128xf32>
    %get3A_99 = vector.shape_cast %get3A_98 : vector<1x128x128xf32> to vector<128x128xf32>
    %dot_general3A_100 = arith.constant dense<0.000000e+00> : vector<512x128xf32>
    %dot_general3A_101 = tpu.matmul %get3A_1, %get3A_99, %dot_general3A_100 {dimension_numbers = #tpu.dot_dimension_numbers<[1], [0], [0], [1], [0, 0, 1, 1], [], []>, transpose_lhs_hint = false} : vector<512x128xf32>, vector<128x128xf32>, vector<512x128xf32> -> vector<512x128xf32>
    %get3A_102 = arith.constant 1 : index
    %get3A_103 = arith.constant 0 : index
    %get3A_104 = vector.load %arg8[%get3A_102, %get3A_103] : memref<3x128xf32, #tpu.memory_space<vmem>>, vector<1x128xf32>
    %get3A_105 = vector.shape_cast %get3A_104 : vector<1x128xf32> to vector<128xf32>
    %broadcast_in_dim3A_106 = vector.shape_cast %get3A_105 : vector<128xf32> to vector<1x128xf32>
    %add3A_107 = vector.broadcast %broadcast_in_dim3A_106 : vector<1x128xf32> to vector<512x128xf32>
    %add3A_108 = arith.addf %dot_general3A_101, %add3A_107 : vector<512x128xf32>
    %mul3A_109 = vector.broadcast %get3A_60 : vector<512x1xf32> to vector<512x128xf32>
    %mul3A_110 = arith.mulf %mul3A_109, %add3A_108 : vector<512x128xf32>
    %add3A_111 = arith.addf %add3A_57, %mul3A_110 : vector<512x128xf32>
    %get3A_112 = arith.constant 0 : index
    %get3A_113 = arith.constant 2 : index
    %get3A_114 = vector.load %arg2[%get3A_112, %get3A_113] : memref<512x8xf32, #tpu.memory_space<vmem>>, vector<512x1xf32>
    %get3A_115 = arith.constant 2 : index
    %get3A_116 = arith.constant 0 : index
    %get3A_117 = arith.constant 0 : index
    %get3A_118 = vector.load %arg3[%get3A_115, %get3A_116, %get3A_117] : memref<3x128x128xf32, #tpu.memory_space<vmem>>, vector<1x128x128xf32>
    %get3A_119 = vector.shape_cast %get3A_118 : vector<1x128x128xf32> to vector<128x128xf32>
    %dot_general3A_120 = arith.constant dense<0.000000e+00> : vector<512x128xf32>
    %dot_general3A_121 = tpu.matmul %get3A_1, %get3A_119, %dot_general3A_120 {dimension_numbers = #tpu.dot_dimension_numbers<[1], [0], [0], [1], [0, 0, 1, 1], [], []>, transpose_lhs_hint = false} : vector<512x128xf32>, vector<128x128xf32>, vector<512x128xf32> -> vector<512x128xf32>
    %get3A_122 = arith.constant 2 : index
    %get3A_123 = arith.constant 0 : index
    %get3A_124 = vector.load %arg4[%get3A_122, %get3A_123] : memref<3x128xf32, #tpu.memory_space<vmem>>, vector<1x128xf32>
    %get3A_125 = vector.shape_cast %get3A_124 : vector<1x128xf32> to vector<128xf32>
    %broadcast_in_dim3A_126 = vector.shape_cast %get3A_125 : vector<128xf32> to vector<1x128xf32>
    %add3A_127 = vector.broadcast %broadcast_in_dim3A_126 : vector<1x128xf32> to vector<512x128xf32>
    %add3A_128 = arith.addf %dot_general3A_121, %add3A_127 : vector<512x128xf32>
    %mul3A_129 = vector.broadcast %get3A_114 : vector<512x1xf32> to vector<512x128xf32>
    %mul3A_130 = arith.mulf %mul3A_129, %add3A_128 : vector<512x128xf32>
    %add3A_131 = arith.addf %add3A_77, %mul3A_130 : vector<512x128xf32>
    %get3A_132 = arith.constant 2 : index
    %get3A_133 = arith.constant 0 : index
    %get3A_134 = arith.constant 0 : index
    %get3A_135 = vector.load %arg5[%get3A_132, %get3A_133, %get3A_134] : memref<3x128x128xf32, #tpu.memory_space<vmem>>, vector<1x128x128xf32>
    %get3A_136 = vector.shape_cast %get3A_135 : vector<1x128x128xf32> to vector<128x128xf32>
    %dot_general3A_137 = arith.constant dense<0.000000e+00> : vector<512x128xf32>
    %dot_general3A_138 = tpu.matmul %get3A_1, %get3A_136, %dot_general3A_137 {dimension_numbers = #tpu.dot_dimension_numbers<[1], [0], [0], [1], [0, 0, 1, 1], [], []>, transpose_lhs_hint = false} : vector<512x128xf32>, vector<128x128xf32>, vector<512x128xf32> -> vector<512x128xf32>
    %get3A_139 = arith.constant 2 : index
    %get3A_140 = arith.constant 0 : index
    %get3A_141 = vector.load %arg6[%get3A_139, %get3A_140] : memref<3x128xf32, #tpu.memory_space<vmem>>, vector<1x128xf32>
    %get3A_142 = vector.shape_cast %get3A_141 : vector<1x128xf32> to vector<128xf32>
    %broadcast_in_dim3A_143 = vector.shape_cast %get3A_142 : vector<128xf32> to vector<1x128xf32>
    %add3A_144 = vector.broadcast %broadcast_in_dim3A_143 : vector<1x128xf32> to vector<512x128xf32>
    %add3A_145 = arith.addf %dot_general3A_138, %add3A_144 : vector<512x128xf32>
    %mul3A_146 = vector.broadcast %get3A_114 : vector<512x1xf32> to vector<512x128xf32>
    %mul3A_147 = arith.mulf %mul3A_146, %add3A_145 : vector<512x128xf32>
    %add3A_148 = arith.addf %add3A_94, %mul3A_147 : vector<512x128xf32>
    %get3A_149 = arith.constant 2 : index
    %get3A_150 = arith.constant 0 : index
    %get3A_151 = arith.constant 0 : index
    %get3A_152 = vector.load %arg7[%get3A_149, %get3A_150, %get3A_151] : memref<3x128x128xf32, #tpu.memory_space<vmem>>, vector<1x128x128xf32>
    %get3A_153 = vector.shape_cast %get3A_152 : vector<1x128x128xf32> to vector<128x128xf32>
    %dot_general3A_154 = arith.constant dense<0.000000e+00> : vector<512x128xf32>
    %dot_general3A_155 = tpu.matmul %get3A_1, %get3A_153, %dot_general3A_154 {dimension_numbers = #tpu.dot_dimension_numbers<[1], [0], [0], [1], [0, 0, 1, 1], [], []>, transpose_lhs_hint = false} : vector<512x128xf32>, vector<128x128xf32>, vector<512x128xf32> -> vector<512x128xf32>
    %get3A_156 = arith.constant 2 : index
    %get3A_157 = arith.constant 0 : index
    %get3A_158 = vector.load %arg8[%get3A_156, %get3A_157] : memref<3x128xf32, #tpu.memory_space<vmem>>, vector<1x128xf32>
    %get3A_159 = vector.shape_cast %get3A_158 : vector<1x128xf32> to vector<128xf32>
    %broadcast_in_dim3A_160 = vector.shape_cast %get3A_159 : vector<128xf32> to vector<1x128xf32>
    %add3A_161 = vector.broadcast %broadcast_in_dim3A_160 : vector<1x128xf32> to vector<512x128xf32>
    %add3A_162 = arith.addf %dot_general3A_155, %add3A_161 : vector<512x128xf32>
    %mul3A_163 = vector.broadcast %get3A_114 : vector<512x1xf32> to vector<512x128xf32>
    %mul3A_164 = arith.mulf %mul3A_163, %add3A_162 : vector<512x128xf32>
    %add3A_165 = arith.addf %add3A_111, %mul3A_164 : vector<512x128xf32>
    %swap3A = arith.constant 0 : index
    %swap3A_166 = arith.constant 0 : index
    %swap3A_167 = vector.load %arg11[%swap3A, %swap3A_166] : memref<512x128xf32, #tpu.memory_space<vmem>>, vector<512x128xf32>
    tpu.vector_store %arg11[%swap3A, %swap3A_166], %add3A_148 {strides = array<i32>} : memref<512x128xf32, #tpu.memory_space<vmem>>, vector<512x128xf32>,
    %get3A_168 = arith.constant 0 : index
    %get3A_169 = arith.constant 0 : index
    %get3A_170 = arith.constant 0 : index
    %get3A_171 = vector.load %arg9[%get3A_168, %get3A_169, %get3A_170] : memref<5x128x128xf32, #tpu.memory_space<vmem>>, vector<1x128x128xf32>
    %get3A_172 = vector.shape_cast %get3A_171 : vector<1x128x128xf32> to vector<128x128xf32>
    %dot_general3A_173 = arith.constant dense<0.000000e+00> : vector<512x128xf32>
    %dot_general3A_174 = tpu.matmul %add3A_131, %get3A_172, %dot_general3A_173 {dimension_numbers = #tpu.dot_dimension_numbers<[1], [0], [0], [1], [0, 0, 1, 1], [], []>, transpose_lhs_hint = false} : vector<512x128xf32>, vector<128x128xf32>, vector<512x128xf32> -> vector<512x128xf32>
    %swap3A_175 = arith.constant 0 : index
    %swap3A_176 = arith.constant 0 : index
    %swap3A_177 = vector.load %arg12[%swap3A_175, %swap3A_176] : memref<512x1280xf32, #tpu.memory_space<vmem>>, vector<512x128xf32>
    tpu.vector_store %arg12[%swap3A_175, %swap3A_176], %dot_general3A_174 {strides = array<i32>} : memref<512x1280xf32, #tpu.memory_space<vmem>>, vector<512x128xf32>,
    %get3A_178 = arith.constant 0 : index
    %get3A_179 = arith.constant 0 : index
    %get3A_180 = arith.constant 0 : index
    %get3A_181 = vector.load %arg10[%get3A_178, %get3A_179, %get3A_180] : memref<5x128x128xf32, #tpu.memory_space<vmem>>, vector<1x128x128xf32>
    %get3A_182 = vector.shape_cast %get3A_181 : vector<1x128x128xf32> to vector<128x128xf32>
    %dot_general3A_183 = arith.constant dense<0.000000e+00> : vector<512x128xf32>
    %dot_general3A_184 = tpu.matmul %add3A_165, %get3A_182, %dot_general3A_183 {dimension_numbers = #tpu.dot_dimension_numbers<[1], [0], [0], [1], [0, 0, 1, 1], [], []>, transpose_lhs_hint = false} : vector<512x128xf32>, vector<128x128xf32>, vector<512x128xf32> -> vector<512x128xf32>
    %swap3A_185 = arith.constant 0 : index
    %swap3A_186 = arith.constant 128 : index
    %swap3A_187 = vector.load %arg12[%swap3A_185, %swap3A_186] : memref<512x1280xf32, #tpu.memory_space<vmem>>, vector<512x128xf32>
    tpu.vector_store %arg12[%swap3A_185, %swap3A_186], %dot_general3A_184 {strides = array<i32>} : memref<512x1280xf32, #tpu.memory_space<vmem>>, vector<512x128xf32>,
    %get3A_188 = arith.constant 1 : index
    %get3A_189 = arith.constant 0 : index
    %get3A_190 = arith.constant 0 : index
    %get3A_191 = vector.load %arg9[%get3A_188, %get3A_189, %get3A_190] : memref<5x128x128xf32, #tpu.memory_space<vmem>>, vector<1x128x128xf32>
    %get3A_192 = vector.shape_cast %get3A_191 : vector<1x128x128xf32> to vector<128x128xf32>
    %dot_general3A_193 = arith.constant dense<0.000000e+00> : vector<512x128xf32>
    %dot_general3A_194 = tpu.matmul %add3A_131, %get3A_192, %dot_general3A_193 {dimension_numbers = #tpu.dot_dimension_numbers<[1], [0], [0], [1], [0, 0, 1, 1], [], []>, transpose_lhs_hint = false} : vector<512x128xf32>, vector<128x128xf32>, vector<512x128xf32> -> vector<512x128xf32>
    %swap3A_195 = arith.constant 0 : index
    %swap3A_196 = arith.constant 256 : index
    %swap3A_197 = vector.load %arg12[%swap3A_195, %swap3A_196] : memref<512x1280xf32, #tpu.memory_space<vmem>>, vector<512x128xf32>
    tpu.vector_store %arg12[%swap3A_195, %swap3A_196], %dot_general3A_194 {strides = array<i32>} : memref<512x1280xf32, #tpu.memory_space<vmem>>, vector<512x128xf32>,
    %get3A_198 = arith.constant 1 : index
    %get3A_199 = arith.constant 0 : index
    %get3A_200 = arith.constant 0 : index
    %get3A_201 = vector.load %arg10[%get3A_198, %get3A_199, %get3A_200] : memref<5x128x128xf32, #tpu.memory_space<vmem>>, vector<1x128x128xf32>
    %get3A_202 = vector.shape_cast %get3A_201 : vector<1x128x128xf32> to vector<128x128xf32>
    %dot_general3A_203 = arith.constant dense<0.000000e+00> : vector<512x128xf32>
    %dot_general3A_204 = tpu.matmul %add3A_165, %get3A_202, %dot_general3A_203 {dimension_numbers = #tpu.dot_dimension_numbers<[1], [0], [0], [1], [0, 0, 1, 1], [], []>, transpose_lhs_hint = false} : vector<512x128xf32>, vector<128x128xf32>, vector<512x128xf32> -> vector<512x128xf32>
    %swap3A_205 = arith.constant 0 : index
    %swap3A_206 = arith.constant 384 : index
    %swap3A_207 = vector.load %arg12[%swap3A_205, %swap3A_206] : memref<512x1280xf32, #tpu.memory_space<vmem>>, vector<512x128xf32>
    tpu.vector_store %arg12[%swap3A_205, %swap3A_206], %dot_general3A_204 {strides = array<i32>} : memref<512x1280xf32, #tpu.memory_space<vmem>>, vector<512x128xf32>,
    %get3A_208 = arith.constant 2 : index
    %get3A_209 = arith.constant 0 : index
    %get3A_210 = arith.constant 0 : index
    %get3A_211 = vector.load %arg9[%get3A_208, %get3A_209, %get3A_210] : memref<5x128x128xf32, #tpu.memory_space<vmem>>, vector<1x128x128xf32>
    %get3A_212 = vector.shape_cast %get3A_211 : vector<1x128x128xf32> to vector<128x128xf32>
    %dot_general3A_213 = arith.constant dense<0.000000e+00> : vector<512x128xf32>
    %dot_general3A_214 = tpu.matmul %add3A_131, %get3A_212, %dot_general3A_213 {dimension_numbers = #tpu.dot_dimension_numbers<[1], [0], [0], [1], [0, 0, 1, 1], [], []>, transpose_lhs_hint = false} : vector<512x128xf32>, vector<128x128xf32>, vector<512x128xf32> -> vector<512x128xf32>
    %swap3A_215 = arith.constant 0 : index
    %swap3A_216 = arith.constant 512 : index
    %swap3A_217 = vector.load %arg12[%swap3A_215, %swap3A_216] : memref<512x1280xf32, #tpu.memory_space<vmem>>, vector<512x128xf32>
    tpu.vector_store %arg12[%swap3A_215, %swap3A_216], %dot_general3A_214 {strides = array<i32>} : memref<512x1280xf32, #tpu.memory_space<vmem>>, vector<512x128xf32>,
    %get3A_218 = arith.constant 2 : index
    %get3A_219 = arith.constant 0 : index
    %get3A_220 = arith.constant 0 : index
    %get3A_221 = vector.load %arg10[%get3A_218, %get3A_219, %get3A_220] : memref<5x128x128xf32, #tpu.memory_space<vmem>>, vector<1x128x128xf32>
    %get3A_222 = vector.shape_cast %get3A_221 : vector<1x128x128xf32> to vector<128x128xf32>
    %dot_general3A_223 = arith.constant dense<0.000000e+00> : vector<512x128xf32>
    %dot_general3A_224 = tpu.matmul %add3A_165, %get3A_222, %dot_general3A_223 {dimension_numbers = #tpu.dot_dimension_numbers<[1], [0], [0], [1], [0, 0, 1, 1], [], []>, transpose_lhs_hint = false} : vector<512x128xf32>, vector<128x128xf32>, vector<512x128xf32> -> vector<512x128xf32>
    %swap3A_225 = arith.constant 0 : index
    %swap3A_226 = arith.constant 640 : index
    %swap3A_227 = vector.load %arg12[%swap3A_225, %swap3A_226] : memref<512x1280xf32, #tpu.memory_space<vmem>>, vector<512x128xf32>
    tpu.vector_store %arg12[%swap3A_225, %swap3A_226], %dot_general3A_224 {strides = array<i32>} : memref<512x1280xf32, #tpu.memory_space<vmem>>, vector<512x128xf32>,
    %get3A_228 = arith.constant 3 : index
    %get3A_229 = arith.constant 0 : index
    %get3A_230 = arith.constant 0 : index
    %get3A_231 = vector.load %arg9[%get3A_228, %get3A_229, %get3A_230] : memref<5x128x128xf32, #tpu.memory_space<vmem>>, vector<1x128x128xf32>
    %get3A_232 = vector.shape_cast %get3A_231 : vector<1x128x128xf32> to vector<128x128xf32>
    %dot_general3A_233 = arith.constant dense<0.000000e+00> : vector<512x128xf32>
    %dot_general3A_234 = tpu.matmul %add3A_131, %get3A_232, %dot_general3A_233 {dimension_numbers = #tpu.dot_dimension_numbers<[1], [0], [0], [1], [0, 0, 1, 1], [], []>, transpose_lhs_hint = false} : vector<512x128xf32>, vector<128x128xf32>, vector<512x128xf32> -> vector<512x128xf32>
    %swap3A_235 = arith.constant 0 : index
    %swap3A_236 = arith.constant 768 : index
    %swap3A_237 = vector.load %arg12[%swap3A_235, %swap3A_236] : memref<512x1280xf32, #tpu.memory_space<vmem>>, vector<512x128xf32>
    tpu.vector_store %arg12[%swap3A_235, %swap3A_236], %dot_general3A_234 {strides = array<i32>} : memref<512x1280xf32, #tpu.memory_space<vmem>>, vector<512x128xf32>,
    %get3A_238 = arith.constant 3 : index
    %get3A_239 = arith.constant 0 : index
    %get3A_240 = arith.constant 0 : index
    %get3A_241 = vector.load %arg10[%get3A_238, %get3A_239, %get3A_240] : memref<5x128x128xf32, #tpu.memory_space<vmem>>, vector<1x128x128xf32>
    %get3A_242 = vector.shape_cast %get3A_241 : vector<1x128x128xf32> to vector<128x128xf32>
    %dot_general3A_243 = arith.constant dense<0.000000e+00> : vector<512x128xf32>
    %dot_general3A_244 = tpu.matmul %add3A_165, %get3A_242, %dot_general3A_243 {dimension_numbers = #tpu.dot_dimension_numbers<[1], [0], [0], [1], [0, 0, 1, 1], [], []>, transpose_lhs_hint = false} : vector<512x128xf32>, vector<128x128xf32>, vector<512x128xf32> -> vector<512x128xf32>
    %swap3A_245 = arith.constant 0 : index
    %swap3A_246 = arith.constant 896 : index
    %swap3A_247 = vector.load %arg12[%swap3A_245, %swap3A_246] : memref<512x1280xf32, #tpu.memory_space<vmem>>, vector<512x128xf32>
    tpu.vector_store %arg12[%swap3A_245, %swap3A_246], %dot_general3A_244 {strides = array<i32>} : memref<512x1280xf32, #tpu.memory_space<vmem>>, vector<512x128xf32>,
    %get3A_248 = arith.constant 4 : index
    %get3A_249 = arith.constant 0 : index
    %get3A_250 = arith.constant 0 : index
    %get3A_251 = vector.load %arg9[%get3A_248, %get3A_249, %get3A_250] : memref<5x128x128xf32, #tpu.memory_space<vmem>>, vector<1x128x128xf32>
    %get3A_252 = vector.shape_cast %get3A_251 : vector<1x128x128xf32> to vector<128x128xf32>
    %dot_general3A_253 = arith.constant dense<0.000000e+00> : vector<512x128xf32>
    %dot_general3A_254 = tpu.matmul %add3A_131, %get3A_252, %dot_general3A_253 {dimension_numbers = #tpu.dot_dimension_numbers<[1], [0], [0], [1], [0, 0, 1, 1], [], []>, transpose_lhs_hint = false} : vector<512x128xf32>, vector<128x128xf32>, vector<512x128xf32> -> vector<512x128xf32>
    %swap3A_255 = arith.constant 0 : index
    %swap3A_256 = arith.constant 1024 : index
    %swap3A_257 = vector.load %arg12[%swap3A_255, %swap3A_256] : memref<512x1280xf32, #tpu.memory_space<vmem>>, vector<512x128xf32>
    tpu.vector_store %arg12[%swap3A_255, %swap3A_256], %dot_general3A_254 {strides = array<i32>} : memref<512x1280xf32, #tpu.memory_space<vmem>>, vector<512x128xf32>,
    %get3A_258 = arith.constant 4 : index
    %get3A_259 = arith.constant 0 : index
    %get3A_260 = arith.constant 0 : index
    %get3A_261 = vector.load %arg10[%get3A_258, %get3A_259, %get3A_260] : memref<5x128x128xf32, #tpu.memory_space<vmem>>, vector<1x128x128xf32>
    %get3A_262 = vector.shape_cast %get3A_261 : vector<1x128x128xf32> to vector<128x128xf32>
    %dot_general3A_263 = arith.constant dense<0.000000e+00> : vector<512x128xf32>
    %dot_general3A_264 = tpu.matmul %add3A_165, %get3A_262, %dot_general3A_263 {dimension_numbers = #tpu.dot_dimension_numbers<[1], [0], [0], [1], [0, 0, 1, 1], [], []>, transpose_lhs_hint = false} : vector<512x128xf32>, vector<128x128xf32>, vector<512x128xf32> -> vector<512x128xf32>
    %swap3A_265 = arith.constant 0 : index
    %swap3A_266 = arith.constant 1152 : index
    %swap3A_267 = vector.load %arg12[%swap3A_265, %swap3A_266] : memref<512x1280xf32, #tpu.memory_space<vmem>>, vector<512x128xf32>
    tpu.vector_store %arg12[%swap3A_265, %swap3A_266], %dot_general3A_264 {strides = array<i32>} : memref<512x1280xf32, #tpu.memory_space<vmem>>, vector<512x128xf32>,
    return
  }
  func.func @transform_0(%arg0: i32) -> (i32, i32) {
    %c0_i32 = arith.constant 0 : i32
    %c0_i32_0 = arith.constant 0 : i32
    return %arg0, %c0_i32 : i32, i32
  }
  func.func @transform_1(%arg0: i32) -> (i32, i32) {
    %c0_i32 = arith.constant 0 : i32
    %c0_i32_0 = arith.constant 0 : i32
    return %arg0, %c0_i32 : i32, i32
  }
  func.func @transform_2(%arg0: i32) -> (i32, i32, i32) {
    %c0_i32 = arith.constant 0 : i32
    %c0_i32_0 = arith.constant 0 : i32
    %c0_i32_1 = arith.constant 0 : i32
    %c0_i32_2 = arith.constant 0 : i32
    return %c0_i32, %c0_i32_0, %c0_i32_1 : i32, i32, i32
  }
  func.func @transform_3(%arg0: i32) -> (i32, i32) {
    %c0_i32 = arith.constant 0 : i32
    %c0_i32_0 = arith.constant 0 : i32
    %c0_i32_1 = arith.constant 0 : i32
    return %c0_i32, %c0_i32_0 : i32, i32
  }
  func.func @transform_4(%arg0: i32) -> (i32, i32, i32) {
    %c0_i32 = arith.constant 0 : i32
    %c0_i32_0 = arith.constant 0 : i32
    %c0_i32_1 = arith.constant 0 : i32
    %c0_i32_2 = arith.constant 0 : i32
    return %c0_i32, %c0_i32_0, %c0_i32_1 : i32, i32, i32
  }
  func.func @transform_5(%arg0: i32) -> (i32, i32) {
    %c0_i32 = arith.constant 0 : i32
    %c0_i32_0 = arith.constant 0 : i32
    %c0_i32_1 = arith.constant 0 : i32
    return %c0_i32, %c0_i32_0 : i32, i32
  }
  func.func @transform_6(%arg0: i32) -> (i32, i32, i32) {
    %c0_i32 = arith.constant 0 : i32
    %c0_i32_0 = arith.constant 0 : i32
    %c0_i32_1 = arith.constant 0 : i32
    %c0_i32_2 = arith.constant 0 : i32
    return %c0_i32, %c0_i32_0, %c0_i32_1 : i32, i32, i32
  }
  func.func @transform_7(%arg0: i32) -> (i32, i32) {
    %c0_i32 = arith.constant 0 : i32
    %c0_i32_0 = arith.constant 0 : i32
    %c0_i32_1 = arith.constant 0 : i32
    return %c0_i32, %c0_i32_0 : i32, i32
  }
  func.func @transform_8(%arg0: i32) -> (i32, i32, i32) {
    %c0_i32 = arith.constant 0 : i32
    %c0_i32_0 = arith.constant 0 : i32
    %c0_i32_1 = arith.constant 0 : i32
    %c0_i32_2 = arith.constant 0 : i32
    return %c0_i32, %c0_i32_0, %c0_i32_1 : i32, i32, i32
  }
  func.func @transform_9(%arg0: i32) -> (i32, i32, i32) {
    %c0_i32 = arith.constant 0 : i32
    %c0_i32_0 = arith.constant 0 : i32
    %c0_i32_1 = arith.constant 0 : i32
    %c0_i32_2 = arith.constant 0 : i32
    return %c0_i32, %c0_i32_0, %c0_i32_1 : i32, i32, i32
  }
  func.func @transform_10(%arg0: i32) -> (i32, i32) {
    %c0_i32 = arith.constant 0 : i32
    %c0_i32_0 = arith.constant 0 : i32
    return %arg0, %c0_i32 : i32, i32
  }
  func.func @transform_11(%arg0: i32) -> (i32, i32) {
    %c0_i32 = arith.constant 0 : i32
    %c0_i32_0 = arith.constant 0 : i32
    return %arg0, %c0_i32 : i32, i32
  }
}

module attributes {stable_mosaic.version = 14 : i64} {
  func.func @_spat_body(%arg0: i32, %arg1: memref<128x128xf32, #tpu.memory_space<vmem>>, %arg2: memref<128x128xf32, #tpu.memory_space<vmem>>, %arg3: memref<5x128x128xf32, #tpu.memory_space<vmem>>, %arg4: memref<5x128x128xf32, #tpu.memory_space<vmem>>, %arg5: memref<128x1280xf32, #tpu.memory_space<vmem>>) attributes {dimension_semantics = [#tpu.dimension_semantics<arbitrary>], iteration_bounds = array<i64: 1>, scalar_prefetch = 0 : i64, scratch_operands = 0 : i64, tpu.core_type = #tpu.core_type<tc>, window_params = [{pipeline_mode = #tpu.pipeline_mode<synchronous>, transform_indices = @transform_0, window_bounds = array<i64: 128, 128>}, {pipeline_mode = #tpu.pipeline_mode<synchronous>, transform_indices = @transform_1, window_bounds = array<i64: 128, 128>}, {pipeline_mode = #tpu.pipeline_mode<synchronous>, transform_indices = @transform_2, window_bounds = array<i64: 5, 128, 128>}, {pipeline_mode = #tpu.pipeline_mode<synchronous>, transform_indices = @transform_3, window_bounds = array<i64: 5, 128, 128>}, {pipeline_mode = #tpu.pipeline_mode<synchronous>, transform_indices = @transform_4, window_bounds = array<i64: 128, 1280>}]} {
    %get3A = arith.constant 0 : index
    %get3A_0 = arith.constant 0 : index
    %get3A_1 = vector.load %arg1[%get3A, %get3A_0] : memref<128x128xf32, #tpu.memory_space<vmem>>, vector<128x128xf32>
    %get3A_2 = arith.constant 0 : index
    %get3A_3 = arith.constant 0 : index
    %get3A_4 = vector.load %arg2[%get3A_2, %get3A_3] : memref<128x128xf32, #tpu.memory_space<vmem>>, vector<128x128xf32>
    %get3A_5 = arith.constant 0 : index
    %get3A_6 = arith.constant 0 : index
    %get3A_7 = arith.constant 0 : index
    %get3A_8 = vector.load %arg3[%get3A_5, %get3A_6, %get3A_7] : memref<5x128x128xf32, #tpu.memory_space<vmem>>, vector<1x128x128xf32>
    %get3A_9 = vector.shape_cast %get3A_8 : vector<1x128x128xf32> to vector<128x128xf32>
    %dot_general3A = arith.constant dense<0.000000e+00> : vector<128x128xf32>
    %dot_general3A_10 = tpu.matmul %get3A_1, %get3A_9, %dot_general3A {dimension_numbers = #tpu.dot_dimension_numbers<[1], [0], [0], [1], [0, 0, 1, 1], [], []>, transpose_lhs_hint = false} : vector<128x128xf32>, vector<128x128xf32>, vector<128x128xf32> -> vector<128x128xf32>
    %swap3A = arith.constant 0 : index
    %swap3A_11 = arith.constant 0 : index
    %swap3A_12 = vector.load %arg5[%swap3A, %swap3A_11] : memref<128x1280xf32, #tpu.memory_space<vmem>>, vector<128x128xf32>
    tpu.vector_store %arg5[%swap3A, %swap3A_11], %dot_general3A_10 {strides = array<i32>} : memref<128x1280xf32, #tpu.memory_space<vmem>>, vector<128x128xf32>,
    %get3A_13 = arith.constant 0 : index
    %get3A_14 = arith.constant 0 : index
    %get3A_15 = arith.constant 0 : index
    %get3A_16 = vector.load %arg4[%get3A_13, %get3A_14, %get3A_15] : memref<5x128x128xf32, #tpu.memory_space<vmem>>, vector<1x128x128xf32>
    %get3A_17 = vector.shape_cast %get3A_16 : vector<1x128x128xf32> to vector<128x128xf32>
    %dot_general3A_18 = arith.constant dense<0.000000e+00> : vector<128x128xf32>
    %dot_general3A_19 = tpu.matmul %get3A_4, %get3A_17, %dot_general3A_18 {dimension_numbers = #tpu.dot_dimension_numbers<[1], [0], [0], [1], [0, 0, 1, 1], [], []>, transpose_lhs_hint = false} : vector<128x128xf32>, vector<128x128xf32>, vector<128x128xf32> -> vector<128x128xf32>
    %swap3A_20 = arith.constant 0 : index
    %swap3A_21 = arith.constant 128 : index
    %swap3A_22 = vector.load %arg5[%swap3A_20, %swap3A_21] : memref<128x1280xf32, #tpu.memory_space<vmem>>, vector<128x128xf32>
    tpu.vector_store %arg5[%swap3A_20, %swap3A_21], %dot_general3A_19 {strides = array<i32>} : memref<128x1280xf32, #tpu.memory_space<vmem>>, vector<128x128xf32>,
    %get3A_23 = arith.constant 1 : index
    %get3A_24 = arith.constant 0 : index
    %get3A_25 = arith.constant 0 : index
    %get3A_26 = vector.load %arg3[%get3A_23, %get3A_24, %get3A_25] : memref<5x128x128xf32, #tpu.memory_space<vmem>>, vector<1x128x128xf32>
    %get3A_27 = vector.shape_cast %get3A_26 : vector<1x128x128xf32> to vector<128x128xf32>
    %dot_general3A_28 = arith.constant dense<0.000000e+00> : vector<128x128xf32>
    %dot_general3A_29 = tpu.matmul %get3A_1, %get3A_27, %dot_general3A_28 {dimension_numbers = #tpu.dot_dimension_numbers<[1], [0], [0], [1], [0, 0, 1, 1], [], []>, transpose_lhs_hint = false} : vector<128x128xf32>, vector<128x128xf32>, vector<128x128xf32> -> vector<128x128xf32>
    %swap3A_30 = arith.constant 0 : index
    %swap3A_31 = arith.constant 256 : index
    %swap3A_32 = vector.load %arg5[%swap3A_30, %swap3A_31] : memref<128x1280xf32, #tpu.memory_space<vmem>>, vector<128x128xf32>
    tpu.vector_store %arg5[%swap3A_30, %swap3A_31], %dot_general3A_29 {strides = array<i32>} : memref<128x1280xf32, #tpu.memory_space<vmem>>, vector<128x128xf32>,
    %get3A_33 = arith.constant 1 : index
    %get3A_34 = arith.constant 0 : index
    %get3A_35 = arith.constant 0 : index
    %get3A_36 = vector.load %arg4[%get3A_33, %get3A_34, %get3A_35] : memref<5x128x128xf32, #tpu.memory_space<vmem>>, vector<1x128x128xf32>
    %get3A_37 = vector.shape_cast %get3A_36 : vector<1x128x128xf32> to vector<128x128xf32>
    %dot_general3A_38 = arith.constant dense<0.000000e+00> : vector<128x128xf32>
    %dot_general3A_39 = tpu.matmul %get3A_4, %get3A_37, %dot_general3A_38 {dimension_numbers = #tpu.dot_dimension_numbers<[1], [0], [0], [1], [0, 0, 1, 1], [], []>, transpose_lhs_hint = false} : vector<128x128xf32>, vector<128x128xf32>, vector<128x128xf32> -> vector<128x128xf32>
    %swap3A_40 = arith.constant 0 : index
    %swap3A_41 = arith.constant 384 : index
    %swap3A_42 = vector.load %arg5[%swap3A_40, %swap3A_41] : memref<128x1280xf32, #tpu.memory_space<vmem>>, vector<128x128xf32>
    tpu.vector_store %arg5[%swap3A_40, %swap3A_41], %dot_general3A_39 {strides = array<i32>} : memref<128x1280xf32, #tpu.memory_space<vmem>>, vector<128x128xf32>,
    %get3A_43 = arith.constant 2 : index
    %get3A_44 = arith.constant 0 : index
    %get3A_45 = arith.constant 0 : index
    %get3A_46 = vector.load %arg3[%get3A_43, %get3A_44, %get3A_45] : memref<5x128x128xf32, #tpu.memory_space<vmem>>, vector<1x128x128xf32>
    %get3A_47 = vector.shape_cast %get3A_46 : vector<1x128x128xf32> to vector<128x128xf32>
    %dot_general3A_48 = arith.constant dense<0.000000e+00> : vector<128x128xf32>
    %dot_general3A_49 = tpu.matmul %get3A_1, %get3A_47, %dot_general3A_48 {dimension_numbers = #tpu.dot_dimension_numbers<[1], [0], [0], [1], [0, 0, 1, 1], [], []>, transpose_lhs_hint = false} : vector<128x128xf32>, vector<128x128xf32>, vector<128x128xf32> -> vector<128x128xf32>
    %swap3A_50 = arith.constant 0 : index
    %swap3A_51 = arith.constant 512 : index
    %swap3A_52 = vector.load %arg5[%swap3A_50, %swap3A_51] : memref<128x1280xf32, #tpu.memory_space<vmem>>, vector<128x128xf32>
    tpu.vector_store %arg5[%swap3A_50, %swap3A_51], %dot_general3A_49 {strides = array<i32>} : memref<128x1280xf32, #tpu.memory_space<vmem>>, vector<128x128xf32>,
    %get3A_53 = arith.constant 2 : index
    %get3A_54 = arith.constant 0 : index
    %get3A_55 = arith.constant 0 : index
    %get3A_56 = vector.load %arg4[%get3A_53, %get3A_54, %get3A_55] : memref<5x128x128xf32, #tpu.memory_space<vmem>>, vector<1x128x128xf32>
    %get3A_57 = vector.shape_cast %get3A_56 : vector<1x128x128xf32> to vector<128x128xf32>
    %dot_general3A_58 = arith.constant dense<0.000000e+00> : vector<128x128xf32>
    %dot_general3A_59 = tpu.matmul %get3A_4, %get3A_57, %dot_general3A_58 {dimension_numbers = #tpu.dot_dimension_numbers<[1], [0], [0], [1], [0, 0, 1, 1], [], []>, transpose_lhs_hint = false} : vector<128x128xf32>, vector<128x128xf32>, vector<128x128xf32> -> vector<128x128xf32>
    %swap3A_60 = arith.constant 0 : index
    %swap3A_61 = arith.constant 640 : index
    %swap3A_62 = vector.load %arg5[%swap3A_60, %swap3A_61] : memref<128x1280xf32, #tpu.memory_space<vmem>>, vector<128x128xf32>
    tpu.vector_store %arg5[%swap3A_60, %swap3A_61], %dot_general3A_59 {strides = array<i32>} : memref<128x1280xf32, #tpu.memory_space<vmem>>, vector<128x128xf32>,
    %get3A_63 = arith.constant 3 : index
    %get3A_64 = arith.constant 0 : index
    %get3A_65 = arith.constant 0 : index
    %get3A_66 = vector.load %arg3[%get3A_63, %get3A_64, %get3A_65] : memref<5x128x128xf32, #tpu.memory_space<vmem>>, vector<1x128x128xf32>
    %get3A_67 = vector.shape_cast %get3A_66 : vector<1x128x128xf32> to vector<128x128xf32>
    %dot_general3A_68 = arith.constant dense<0.000000e+00> : vector<128x128xf32>
    %dot_general3A_69 = tpu.matmul %get3A_1, %get3A_67, %dot_general3A_68 {dimension_numbers = #tpu.dot_dimension_numbers<[1], [0], [0], [1], [0, 0, 1, 1], [], []>, transpose_lhs_hint = false} : vector<128x128xf32>, vector<128x128xf32>, vector<128x128xf32> -> vector<128x128xf32>
    %swap3A_70 = arith.constant 0 : index
    %swap3A_71 = arith.constant 768 : index
    %swap3A_72 = vector.load %arg5[%swap3A_70, %swap3A_71] : memref<128x1280xf32, #tpu.memory_space<vmem>>, vector<128x128xf32>
    tpu.vector_store %arg5[%swap3A_70, %swap3A_71], %dot_general3A_69 {strides = array<i32>} : memref<128x1280xf32, #tpu.memory_space<vmem>>, vector<128x128xf32>,
    %get3A_73 = arith.constant 3 : index
    %get3A_74 = arith.constant 0 : index
    %get3A_75 = arith.constant 0 : index
    %get3A_76 = vector.load %arg4[%get3A_73, %get3A_74, %get3A_75] : memref<5x128x128xf32, #tpu.memory_space<vmem>>, vector<1x128x128xf32>
    %get3A_77 = vector.shape_cast %get3A_76 : vector<1x128x128xf32> to vector<128x128xf32>
    %dot_general3A_78 = arith.constant dense<0.000000e+00> : vector<128x128xf32>
    %dot_general3A_79 = tpu.matmul %get3A_4, %get3A_77, %dot_general3A_78 {dimension_numbers = #tpu.dot_dimension_numbers<[1], [0], [0], [1], [0, 0, 1, 1], [], []>, transpose_lhs_hint = false} : vector<128x128xf32>, vector<128x128xf32>, vector<128x128xf32> -> vector<128x128xf32>
    %swap3A_80 = arith.constant 0 : index
    %swap3A_81 = arith.constant 896 : index
    %swap3A_82 = vector.load %arg5[%swap3A_80, %swap3A_81] : memref<128x1280xf32, #tpu.memory_space<vmem>>, vector<128x128xf32>
    tpu.vector_store %arg5[%swap3A_80, %swap3A_81], %dot_general3A_79 {strides = array<i32>} : memref<128x1280xf32, #tpu.memory_space<vmem>>, vector<128x128xf32>,
    %get3A_83 = arith.constant 4 : index
    %get3A_84 = arith.constant 0 : index
    %get3A_85 = arith.constant 0 : index
    %get3A_86 = vector.load %arg3[%get3A_83, %get3A_84, %get3A_85] : memref<5x128x128xf32, #tpu.memory_space<vmem>>, vector<1x128x128xf32>
    %get3A_87 = vector.shape_cast %get3A_86 : vector<1x128x128xf32> to vector<128x128xf32>
    %dot_general3A_88 = arith.constant dense<0.000000e+00> : vector<128x128xf32>
    %dot_general3A_89 = tpu.matmul %get3A_1, %get3A_87, %dot_general3A_88 {dimension_numbers = #tpu.dot_dimension_numbers<[1], [0], [0], [1], [0, 0, 1, 1], [], []>, transpose_lhs_hint = false} : vector<128x128xf32>, vector<128x128xf32>, vector<128x128xf32> -> vector<128x128xf32>
    %swap3A_90 = arith.constant 0 : index
    %swap3A_91 = arith.constant 1024 : index
    %swap3A_92 = vector.load %arg5[%swap3A_90, %swap3A_91] : memref<128x1280xf32, #tpu.memory_space<vmem>>, vector<128x128xf32>
    tpu.vector_store %arg5[%swap3A_90, %swap3A_91], %dot_general3A_89 {strides = array<i32>} : memref<128x1280xf32, #tpu.memory_space<vmem>>, vector<128x128xf32>,
    %get3A_93 = arith.constant 4 : index
    %get3A_94 = arith.constant 0 : index
    %get3A_95 = arith.constant 0 : index
    %get3A_96 = vector.load %arg4[%get3A_93, %get3A_94, %get3A_95] : memref<5x128x128xf32, #tpu.memory_space<vmem>>, vector<1x128x128xf32>
    %get3A_97 = vector.shape_cast %get3A_96 : vector<1x128x128xf32> to vector<128x128xf32>
    %dot_general3A_98 = arith.constant dense<0.000000e+00> : vector<128x128xf32>
    %dot_general3A_99 = tpu.matmul %get3A_4, %get3A_97, %dot_general3A_98 {dimension_numbers = #tpu.dot_dimension_numbers<[1], [0], [0], [1], [0, 0, 1, 1], [], []>, transpose_lhs_hint = false} : vector<128x128xf32>, vector<128x128xf32>, vector<128x128xf32> -> vector<128x128xf32>
    %swap3A_100 = arith.constant 0 : index
    %swap3A_101 = arith.constant 1152 : index
    %swap3A_102 = vector.load %arg5[%swap3A_100, %swap3A_101] : memref<128x1280xf32, #tpu.memory_space<vmem>>, vector<128x128xf32>
    tpu.vector_store %arg5[%swap3A_100, %swap3A_101], %dot_general3A_99 {strides = array<i32>} : memref<128x1280xf32, #tpu.memory_space<vmem>>, vector<128x128xf32>,
    return
  }
  func.func @transform_0(%arg0: i32) -> (i32, i32) {
    %c0_i32 = arith.constant 0 : i32
    %c0_i32_0 = arith.constant 0 : i32
    %c0_i32_1 = arith.constant 0 : i32
    return %c0_i32, %c0_i32_0 : i32, i32
  }
  func.func @transform_1(%arg0: i32) -> (i32, i32) {
    %c0_i32 = arith.constant 0 : i32
    %c0_i32_0 = arith.constant 0 : i32
    %c0_i32_1 = arith.constant 0 : i32
    return %c0_i32, %c0_i32_0 : i32, i32
  }
  func.func @transform_2(%arg0: i32) -> (i32, i32, i32) {
    %c0_i32 = arith.constant 0 : i32
    %c0_i32_0 = arith.constant 0 : i32
    %c0_i32_1 = arith.constant 0 : i32
    %c0_i32_2 = arith.constant 0 : i32
    return %c0_i32, %c0_i32_0, %c0_i32_1 : i32, i32, i32
  }
  func.func @transform_3(%arg0: i32) -> (i32, i32, i32) {
    %c0_i32 = arith.constant 0 : i32
    %c0_i32_0 = arith.constant 0 : i32
    %c0_i32_1 = arith.constant 0 : i32
    %c0_i32_2 = arith.constant 0 : i32
    return %c0_i32, %c0_i32_0, %c0_i32_1 : i32, i32, i32
  }
  func.func @transform_4(%arg0: i32) -> (i32, i32) {
    %c0_i32 = arith.constant 0 : i32
    %c0_i32_0 = arith.constant 0 : i32
    %c0_i32_1 = arith.constant 0 : i32
    return %c0_i32, %c0_i32_0 : i32, i32
  }
}

module attributes {stable_mosaic.version = 14 : i64} {
  func.func @_att_body(%arg0: i32, %arg1: memref<2048x256xf32, #tpu.memory_space<vmem>>, %arg2: memref<2048x256xf32, #tpu.memory_space<vmem>>, %arg3: memref<2048x128xf32, #tpu.memory_space<vmem>>, %arg4: memref<128x16xf32, #tpu.memory_space<vmem>>, %arg5: memref<16x128xf32, #tpu.memory_space<vmem>>, %arg6: memref<2048x16xf32, #tpu.memory_space<vmem>>, %arg7: memref<16x16x128xf32, #tpu.memory_space<vmem>>, %arg8: memref<2048x128xf32, #tpu.memory_space<vmem>>, %arg9: memref<2048x128xf32, #tpu.memory_space<vmem>>) attributes {dimension_semantics = [#tpu.dimension_semantics<arbitrary>], iteration_bounds = array<i64: 80>, scalar_prefetch = 0 : i64, scratch_operands = 0 : i64, tpu.core_type = #tpu.core_type<tc>, window_params = [{transform_indices = @transform_0, window_bounds = array<i64: 2048, 256>}, {transform_indices = @transform_1, window_bounds = array<i64: 2048, 256>}, {transform_indices = @transform_2, window_bounds = array<i64: 2048, 128>}, {pipeline_mode = #tpu.pipeline_mode<synchronous>, transform_indices = @transform_3, window_bounds = array<i64: 128, 16>}, {pipeline_mode = #tpu.pipeline_mode<synchronous>, transform_indices = @transform_4, window_bounds = array<i64: 16, 128>}, {transform_indices = @transform_5, window_bounds = array<i64: 2048, 16>}, {pipeline_mode = #tpu.pipeline_mode<synchronous>, transform_indices = @transform_6, window_bounds = array<i64: 16, 16, 128>}, {transform_indices = @transform_7, window_bounds = array<i64: 2048, 128>}, {transform_indices = @transform_8, window_bounds = array<i64: 2048, 128>}]} {
    %get3A = arith.constant 0 : index
    %get3A_0 = arith.constant 0 : index
    %get3A_1 = vector.load %arg1[%get3A, %get3A_0] : memref<2048x256xf32, #tpu.memory_space<vmem>>, vector<2048x128xf32>
    %get3A_2 = arith.constant 0 : index
    %get3A_3 = arith.constant 0 : index
    %get3A_4 = vector.load %arg2[%get3A_2, %get3A_3] : memref<2048x256xf32, #tpu.memory_space<vmem>>, vector<2048x128xf32>
    %add3A = arith.addf %get3A_1, %get3A_4 : vector<2048x128xf32>
    %get3A_5 = arith.constant 0 : index
    %get3A_6 = arith.constant 128 : index
    %get3A_7 = vector.load %arg1[%get3A_5, %get3A_6] : memref<2048x256xf32, #tpu.memory_space<vmem>>, vector<2048x128xf32>
    %get3A_8 = arith.constant 0 : index
    %get3A_9 = arith.constant 128 : index
    %get3A_10 = vector.load %arg2[%get3A_8, %get3A_9] : memref<2048x256xf32, #tpu.memory_space<vmem>>, vector<2048x128xf32>
    %add3A_11 = arith.addf %get3A_7, %get3A_10 : vector<2048x128xf32>
    %get3A_12 = arith.constant 0 : index
    %get3A_13 = arith.constant 0 : index
    %get3A_14 = vector.load %arg3[%get3A_12, %get3A_13] : memref<2048x128xf32, #tpu.memory_space<vmem>>, vector<2048x128xf32>
    %mul3A = arith.mulf %add3A, %get3A_14 : vector<2048x128xf32>
    %get3A_15 = arith.constant 0 : index
    %get3A_16 = arith.constant 0 : index
    %get3A_17 = vector.load %arg4[%get3A_15, %get3A_16] : memref<128x16xf32, #tpu.memory_space<vmem>>, vector<128x16xf32>
    %dot_general3A = arith.constant dense<0.000000e+00> : vector<2048x16xf32>
    %dot_general3A_18 = tpu.matmul %mul3A, %get3A_17, %dot_general3A {dimension_numbers = #tpu.dot_dimension_numbers<[1], [0], [0], [1], [0, 0, 1, 1], [], []>, transpose_lhs_hint = false} : vector<2048x128xf32>, vector<128x16xf32>, vector<2048x16xf32> -> vector<2048x16xf32>
    %sub3A = arith.constant 3.000000e+01 : f32
    %sub3A_19 = vector.broadcast %sub3A : f32 to vector<2048x16xf32>
    %sub3A_20 = arith.subf %dot_general3A_18, %sub3A_19 : vector<2048x16xf32>
    %exp3A = math.exp %sub3A_20 : vector<2048x16xf32>
    %broadcast_in_dim3A = arith.constant 0.000000e+00 : f32
    %broadcast_in_dim3A_21 = vector.broadcast %broadcast_in_dim3A : f32 to vector<2048x128xf32>
    %get3A_22 = arith.constant 0 : index
    %get3A_23 = arith.constant 0 : index
    %get3A_24 = vector.load %arg6[%get3A_22, %get3A_23] : memref<2048x16xf32, #tpu.memory_space<vmem>>, vector<2048x1xf32>
    %get3A_25 = arith.constant 0 : index
    %get3A_26 = arith.constant 0 : index
    %get3A_27 = arith.constant 0 : index
    %get3A_28 = vector.load %arg7[%get3A_25, %get3A_26, %get3A_27] : memref<16x16x128xf32, #tpu.memory_space<vmem>>, vector<1x16x128xf32>
    %get3A_29 = vector.shape_cast %get3A_28 : vector<1x16x128xf32> to vector<16x128xf32>
    %dot_general3A_30 = arith.constant dense<0.000000e+00> : vector<2048x128xf32>
    %dot_general3A_31 = tpu.matmul %exp3A, %get3A_29, %dot_general3A_30 {dimension_numbers = #tpu.dot_dimension_numbers<[1], [0], [0], [1], [0, 0, 1, 1], [], []>, transpose_lhs_hint = false} : vector<2048x16xf32>, vector<16x128xf32>, vector<2048x128xf32> -> vector<2048x128xf32>
    %mul3A_32 = vector.broadcast %get3A_24 : vector<2048x1xf32> to vector<2048x128xf32>
    %mul3A_33 = arith.mulf %mul3A_32, %dot_general3A_31 : vector<2048x128xf32>
    %add3A_34 = arith.addf %broadcast_in_dim3A_21, %mul3A_33 : vector<2048x128xf32>
    %get3A_35 = arith.constant 0 : index
    %get3A_36 = arith.constant 1 : index
    %get3A_37 = vector.load %arg6[%get3A_35, %get3A_36] : memref<2048x16xf32, #tpu.memory_space<vmem>>, vector<2048x1xf32>
    %get3A_38 = arith.constant 1 : index
    %get3A_39 = arith.constant 0 : index
    %get3A_40 = arith.constant 0 : index
    %get3A_41 = vector.load %arg7[%get3A_38, %get3A_39, %get3A_40] : memref<16x16x128xf32, #tpu.memory_space<vmem>>, vector<1x16x128xf32>
    %get3A_42 = vector.shape_cast %get3A_41 : vector<1x16x128xf32> to vector<16x128xf32>
    %dot_general3A_43 = arith.constant dense<0.000000e+00> : vector<2048x128xf32>
    %dot_general3A_44 = tpu.matmul %exp3A, %get3A_42, %dot_general3A_43 {dimension_numbers = #tpu.dot_dimension_numbers<[1], [0], [0], [1], [0, 0, 1, 1], [], []>, transpose_lhs_hint = false} : vector<2048x16xf32>, vector<16x128xf32>, vector<2048x128xf32> -> vector<2048x128xf32>
    %mul3A_45 = vector.broadcast %get3A_37 : vector<2048x1xf32> to vector<2048x128xf32>
    %mul3A_46 = arith.mulf %mul3A_45, %dot_general3A_44 : vector<2048x128xf32>
    %add3A_47 = arith.addf %add3A_34, %mul3A_46 : vector<2048x128xf32>
    %get3A_48 = arith.constant 0 : index
    %get3A_49 = arith.constant 2 : index
    %get3A_50 = vector.load %arg6[%get3A_48, %get3A_49] : memref<2048x16xf32, #tpu.memory_space<vmem>>, vector<2048x1xf32>
    %get3A_51 = arith.constant 2 : index
    %get3A_52 = arith.constant 0 : index
    %get3A_53 = arith.constant 0 : index
    %get3A_54 = vector.load %arg7[%get3A_51, %get3A_52, %get3A_53] : memref<16x16x128xf32, #tpu.memory_space<vmem>>, vector<1x16x128xf32>
    %get3A_55 = vector.shape_cast %get3A_54 : vector<1x16x128xf32> to vector<16x128xf32>
    %dot_general3A_56 = arith.constant dense<0.000000e+00> : vector<2048x128xf32>
    %dot_general3A_57 = tpu.matmul %exp3A, %get3A_55, %dot_general3A_56 {dimension_numbers = #tpu.dot_dimension_numbers<[1], [0], [0], [1], [0, 0, 1, 1], [], []>, transpose_lhs_hint = false} : vector<2048x16xf32>, vector<16x128xf32>, vector<2048x128xf32> -> vector<2048x128xf32>
    %mul3A_58 = vector.broadcast %get3A_50 : vector<2048x1xf32> to vector<2048x128xf32>
    %mul3A_59 = arith.mulf %mul3A_58, %dot_general3A_57 : vector<2048x128xf32>
    %add3A_60 = arith.addf %add3A_47, %mul3A_59 : vector<2048x128xf32>
    %get3A_61 = arith.constant 0 : index
    %get3A_62 = arith.constant 3 : index
    %get3A_63 = vector.load %arg6[%get3A_61, %get3A_62] : memref<2048x16xf32, #tpu.memory_space<vmem>>, vector<2048x1xf32>
    %get3A_64 = arith.constant 3 : index
    %get3A_65 = arith.constant 0 : index
    %get3A_66 = arith.constant 0 : index
    %get3A_67 = vector.load %arg7[%get3A_64, %get3A_65, %get3A_66] : memref<16x16x128xf32, #tpu.memory_space<vmem>>, vector<1x16x128xf32>
    %get3A_68 = vector.shape_cast %get3A_67 : vector<1x16x128xf32> to vector<16x128xf32>
    %dot_general3A_69 = arith.constant dense<0.000000e+00> : vector<2048x128xf32>
    %dot_general3A_70 = tpu.matmul %exp3A, %get3A_68, %dot_general3A_69 {dimension_numbers = #tpu.dot_dimension_numbers<[1], [0], [0], [1], [0, 0, 1, 1], [], []>, transpose_lhs_hint = false} : vector<2048x16xf32>, vector<16x128xf32>, vector<2048x128xf32> -> vector<2048x128xf32>
    %mul3A_71 = vector.broadcast %get3A_63 : vector<2048x1xf32> to vector<2048x128xf32>
    %mul3A_72 = arith.mulf %mul3A_71, %dot_general3A_70 : vector<2048x128xf32>
    %add3A_73 = arith.addf %add3A_60, %mul3A_72 : vector<2048x128xf32>
    %get3A_74 = arith.constant 0 : index
    %get3A_75 = arith.constant 4 : index
    %get3A_76 = vector.load %arg6[%get3A_74, %get3A_75] : memref<2048x16xf32, #tpu.memory_space<vmem>>, vector<2048x1xf32>
    %get3A_77 = arith.constant 4 : index
    %get3A_78 = arith.constant 0 : index
    %get3A_79 = arith.constant 0 : index
    %get3A_80 = vector.load %arg7[%get3A_77, %get3A_78, %get3A_79] : memref<16x16x128xf32, #tpu.memory_space<vmem>>, vector<1x16x128xf32>
    %get3A_81 = vector.shape_cast %get3A_80 : vector<1x16x128xf32> to vector<16x128xf32>
    %dot_general3A_82 = arith.constant dense<0.000000e+00> : vector<2048x128xf32>
    %dot_general3A_83 = tpu.matmul %exp3A, %get3A_81, %dot_general3A_82 {dimension_numbers = #tpu.dot_dimension_numbers<[1], [0], [0], [1], [0, 0, 1, 1], [], []>, transpose_lhs_hint = false} : vector<2048x16xf32>, vector<16x128xf32>, vector<2048x128xf32> -> vector<2048x128xf32>
    %mul3A_84 = vector.broadcast %get3A_76 : vector<2048x1xf32> to vector<2048x128xf32>
    %mul3A_85 = arith.mulf %mul3A_84, %dot_general3A_83 : vector<2048x128xf32>
    %add3A_86 = arith.addf %add3A_73, %mul3A_85 : vector<2048x128xf32>
    %get3A_87 = arith.constant 0 : index
    %get3A_88 = arith.constant 5 : index
    %get3A_89 = vector.load %arg6[%get3A_87, %get3A_88] : memref<2048x16xf32, #tpu.memory_space<vmem>>, vector<2048x1xf32>
    %get3A_90 = arith.constant 5 : index
    %get3A_91 = arith.constant 0 : index
    %get3A_92 = arith.constant 0 : index
    %get3A_93 = vector.load %arg7[%get3A_90, %get3A_91, %get3A_92] : memref<16x16x128xf32, #tpu.memory_space<vmem>>, vector<1x16x128xf32>
    %get3A_94 = vector.shape_cast %get3A_93 : vector<1x16x128xf32> to vector<16x128xf32>
    %dot_general3A_95 = arith.constant dense<0.000000e+00> : vector<2048x128xf32>
    %dot_general3A_96 = tpu.matmul %exp3A, %get3A_94, %dot_general3A_95 {dimension_numbers = #tpu.dot_dimension_numbers<[1], [0], [0], [1], [0, 0, 1, 1], [], []>, transpose_lhs_hint = false} : vector<2048x16xf32>, vector<16x128xf32>, vector<2048x128xf32> -> vector<2048x128xf32>
    %mul3A_97 = vector.broadcast %get3A_89 : vector<2048x1xf32> to vector<2048x128xf32>
    %mul3A_98 = arith.mulf %mul3A_97, %dot_general3A_96 : vector<2048x128xf32>
    %add3A_99 = arith.addf %add3A_86, %mul3A_98 : vector<2048x128xf32>
    %get3A_100 = arith.constant 0 : index
    %get3A_101 = arith.constant 6 : index
    %get3A_102 = vector.load %arg6[%get3A_100, %get3A_101] : memref<2048x16xf32, #tpu.memory_space<vmem>>, vector<2048x1xf32>
    %get3A_103 = arith.constant 6 : index
    %get3A_104 = arith.constant 0 : index
    %get3A_105 = arith.constant 0 : index
    %get3A_106 = vector.load %arg7[%get3A_103, %get3A_104, %get3A_105] : memref<16x16x128xf32, #tpu.memory_space<vmem>>, vector<1x16x128xf32>
    %get3A_107 = vector.shape_cast %get3A_106 : vector<1x16x128xf32> to vector<16x128xf32>
    %dot_general3A_108 = arith.constant dense<0.000000e+00> : vector<2048x128xf32>
    %dot_general3A_109 = tpu.matmul %exp3A, %get3A_107, %dot_general3A_108 {dimension_numbers = #tpu.dot_dimension_numbers<[1], [0], [0], [1], [0, 0, 1, 1], [], []>, transpose_lhs_hint = false} : vector<2048x16xf32>, vector<16x128xf32>, vector<2048x128xf32> -> vector<2048x128xf32>
    %mul3A_110 = vector.broadcast %get3A_102 : vector<2048x1xf32> to vector<2048x128xf32>
    %mul3A_111 = arith.mulf %mul3A_110, %dot_general3A_109 : vector<2048x128xf32>
    %add3A_112 = arith.addf %add3A_99, %mul3A_111 : vector<2048x128xf32>
    %get3A_113 = arith.constant 0 : index
    %get3A_114 = arith.constant 7 : index
    %get3A_115 = vector.load %arg6[%get3A_113, %get3A_114] : memref<2048x16xf32, #tpu.memory_space<vmem>>, vector<2048x1xf32>
    %get3A_116 = arith.constant 7 : index
    %get3A_117 = arith.constant 0 : index
    %get3A_118 = arith.constant 0 : index
    %get3A_119 = vector.load %arg7[%get3A_116, %get3A_117, %get3A_118] : memref<16x16x128xf32, #tpu.memory_space<vmem>>, vector<1x16x128xf32>
    %get3A_120 = vector.shape_cast %get3A_119 : vector<1x16x128xf32> to vector<16x128xf32>
    %dot_general3A_121 = arith.constant dense<0.000000e+00> : vector<2048x128xf32>
    %dot_general3A_122 = tpu.matmul %exp3A, %get3A_120, %dot_general3A_121 {dimension_numbers = #tpu.dot_dimension_numbers<[1], [0], [0], [1], [0, 0, 1, 1], [], []>, transpose_lhs_hint = false} : vector<2048x16xf32>, vector<16x128xf32>, vector<2048x128xf32> -> vector<2048x128xf32>
    %mul3A_123 = vector.broadcast %get3A_115 : vector<2048x1xf32> to vector<2048x128xf32>
    %mul3A_124 = arith.mulf %mul3A_123, %dot_general3A_122 : vector<2048x128xf32>
    %add3A_125 = arith.addf %add3A_112, %mul3A_124 : vector<2048x128xf32>
    %get3A_126 = arith.constant 0 : index
    %get3A_127 = arith.constant 8 : index
    %get3A_128 = vector.load %arg6[%get3A_126, %get3A_127] : memref<2048x16xf32, #tpu.memory_space<vmem>>, vector<2048x1xf32>
    %get3A_129 = arith.constant 8 : index
    %get3A_130 = arith.constant 0 : index
    %get3A_131 = arith.constant 0 : index
    %get3A_132 = vector.load %arg7[%get3A_129, %get3A_130, %get3A_131] : memref<16x16x128xf32, #tpu.memory_space<vmem>>, vector<1x16x128xf32>
    %get3A_133 = vector.shape_cast %get3A_132 : vector<1x16x128xf32> to vector<16x128xf32>
    %dot_general3A_134 = arith.constant dense<0.000000e+00> : vector<2048x128xf32>
    %dot_general3A_135 = tpu.matmul %exp3A, %get3A_133, %dot_general3A_134 {dimension_numbers = #tpu.dot_dimension_numbers<[1], [0], [0], [1], [0, 0, 1, 1], [], []>, transpose_lhs_hint = false} : vector<2048x16xf32>, vector<16x128xf32>, vector<2048x128xf32> -> vector<2048x128xf32>
    %mul3A_136 = vector.broadcast %get3A_128 : vector<2048x1xf32> to vector<2048x128xf32>
    %mul3A_137 = arith.mulf %mul3A_136, %dot_general3A_135 : vector<2048x128xf32>
    %add3A_138 = arith.addf %add3A_125, %mul3A_137 : vector<2048x128xf32>
    %get3A_139 = arith.constant 0 : index
    %get3A_140 = arith.constant 9 : index
    %get3A_141 = vector.load %arg6[%get3A_139, %get3A_140] : memref<2048x16xf32, #tpu.memory_space<vmem>>, vector<2048x1xf32>
    %get3A_142 = arith.constant 9 : index
    %get3A_143 = arith.constant 0 : index
    %get3A_144 = arith.constant 0 : index
    %get3A_145 = vector.load %arg7[%get3A_142, %get3A_143, %get3A_144] : memref<16x16x128xf32, #tpu.memory_space<vmem>>, vector<1x16x128xf32>
    %get3A_146 = vector.shape_cast %get3A_145 : vector<1x16x128xf32> to vector<16x128xf32>
    %dot_general3A_147 = arith.constant dense<0.000000e+00> : vector<2048x128xf32>
    %dot_general3A_148 = tpu.matmul %exp3A, %get3A_146, %dot_general3A_147 {dimension_numbers = #tpu.dot_dimension_numbers<[1], [0], [0], [1], [0, 0, 1, 1], [], []>, transpose_lhs_hint = false} : vector<2048x16xf32>, vector<16x128xf32>, vector<2048x128xf32> -> vector<2048x128xf32>
    %mul3A_149 = vector.broadcast %get3A_141 : vector<2048x1xf32> to vector<2048x128xf32>
    %mul3A_150 = arith.mulf %mul3A_149, %dot_general3A_148 : vector<2048x128xf32>
    %add3A_151 = arith.addf %add3A_138, %mul3A_150 : vector<2048x128xf32>
    %get3A_152 = arith.constant 0 : index
    %get3A_153 = arith.constant 10 : index
    %get3A_154 = vector.load %arg6[%get3A_152, %get3A_153] : memref<2048x16xf32, #tpu.memory_space<vmem>>, vector<2048x1xf32>
    %get3A_155 = arith.constant 10 : index
    %get3A_156 = arith.constant 0 : index
    %get3A_157 = arith.constant 0 : index
    %get3A_158 = vector.load %arg7[%get3A_155, %get3A_156, %get3A_157] : memref<16x16x128xf32, #tpu.memory_space<vmem>>, vector<1x16x128xf32>
    %get3A_159 = vector.shape_cast %get3A_158 : vector<1x16x128xf32> to vector<16x128xf32>
    %dot_general3A_160 = arith.constant dense<0.000000e+00> : vector<2048x128xf32>
    %dot_general3A_161 = tpu.matmul %exp3A, %get3A_159, %dot_general3A_160 {dimension_numbers = #tpu.dot_dimension_numbers<[1], [0], [0], [1], [0, 0, 1, 1], [], []>, transpose_lhs_hint = false} : vector<2048x16xf32>, vector<16x128xf32>, vector<2048x128xf32> -> vector<2048x128xf32>
    %mul3A_162 = vector.broadcast %get3A_154 : vector<2048x1xf32> to vector<2048x128xf32>
    %mul3A_163 = arith.mulf %mul3A_162, %dot_general3A_161 : vector<2048x128xf32>
    %add3A_164 = arith.addf %add3A_151, %mul3A_163 : vector<2048x128xf32>
    %get3A_165 = arith.constant 0 : index
    %get3A_166 = arith.constant 11 : index
    %get3A_167 = vector.load %arg6[%get3A_165, %get3A_166] : memref<2048x16xf32, #tpu.memory_space<vmem>>, vector<2048x1xf32>
    %get3A_168 = arith.constant 11 : index
    %get3A_169 = arith.constant 0 : index
    %get3A_170 = arith.constant 0 : index
    %get3A_171 = vector.load %arg7[%get3A_168, %get3A_169, %get3A_170] : memref<16x16x128xf32, #tpu.memory_space<vmem>>, vector<1x16x128xf32>
    %get3A_172 = vector.shape_cast %get3A_171 : vector<1x16x128xf32> to vector<16x128xf32>
    %dot_general3A_173 = arith.constant dense<0.000000e+00> : vector<2048x128xf32>
    %dot_general3A_174 = tpu.matmul %exp3A, %get3A_172, %dot_general3A_173 {dimension_numbers = #tpu.dot_dimension_numbers<[1], [0], [0], [1], [0, 0, 1, 1], [], []>, transpose_lhs_hint = false} : vector<2048x16xf32>, vector<16x128xf32>, vector<2048x128xf32> -> vector<2048x128xf32>
    %mul3A_175 = vector.broadcast %get3A_167 : vector<2048x1xf32> to vector<2048x128xf32>
    %mul3A_176 = arith.mulf %mul3A_175, %dot_general3A_174 : vector<2048x128xf32>
    %add3A_177 = arith.addf %add3A_164, %mul3A_176 : vector<2048x128xf32>
    %get3A_178 = arith.constant 0 : index
    %get3A_179 = arith.constant 12 : index
    %get3A_180 = vector.load %arg6[%get3A_178, %get3A_179] : memref<2048x16xf32, #tpu.memory_space<vmem>>, vector<2048x1xf32>
    %get3A_181 = arith.constant 12 : index
    %get3A_182 = arith.constant 0 : index
    %get3A_183 = arith.constant 0 : index
    %get3A_184 = vector.load %arg7[%get3A_181, %get3A_182, %get3A_183] : memref<16x16x128xf32, #tpu.memory_space<vmem>>, vector<1x16x128xf32>
    %get3A_185 = vector.shape_cast %get3A_184 : vector<1x16x128xf32> to vector<16x128xf32>
    %dot_general3A_186 = arith.constant dense<0.000000e+00> : vector<2048x128xf32>
    %dot_general3A_187 = tpu.matmul %exp3A, %get3A_185, %dot_general3A_186 {dimension_numbers = #tpu.dot_dimension_numbers<[1], [0], [0], [1], [0, 0, 1, 1], [], []>, transpose_lhs_hint = false} : vector<2048x16xf32>, vector<16x128xf32>, vector<2048x128xf32> -> vector<2048x128xf32>
    %mul3A_188 = vector.broadcast %get3A_180 : vector<2048x1xf32> to vector<2048x128xf32>
    %mul3A_189 = arith.mulf %mul3A_188, %dot_general3A_187 : vector<2048x128xf32>
    %add3A_190 = arith.addf %add3A_177, %mul3A_189 : vector<2048x128xf32>
    %get3A_191 = arith.constant 0 : index
    %get3A_192 = arith.constant 13 : index
    %get3A_193 = vector.load %arg6[%get3A_191, %get3A_192] : memref<2048x16xf32, #tpu.memory_space<vmem>>, vector<2048x1xf32>
    %get3A_194 = arith.constant 13 : index
    %get3A_195 = arith.constant 0 : index
    %get3A_196 = arith.constant 0 : index
    %get3A_197 = vector.load %arg7[%get3A_194, %get3A_195, %get3A_196] : memref<16x16x128xf32, #tpu.memory_space<vmem>>, vector<1x16x128xf32>
    %get3A_198 = vector.shape_cast %get3A_197 : vector<1x16x128xf32> to vector<16x128xf32>
    %dot_general3A_199 = arith.constant dense<0.000000e+00> : vector<2048x128xf32>
    %dot_general3A_200 = tpu.matmul %exp3A, %get3A_198, %dot_general3A_199 {dimension_numbers = #tpu.dot_dimension_numbers<[1], [0], [0], [1], [0, 0, 1, 1], [], []>, transpose_lhs_hint = false} : vector<2048x16xf32>, vector<16x128xf32>, vector<2048x128xf32> -> vector<2048x128xf32>
    %mul3A_201 = vector.broadcast %get3A_193 : vector<2048x1xf32> to vector<2048x128xf32>
    %mul3A_202 = arith.mulf %mul3A_201, %dot_general3A_200 : vector<2048x128xf32>
    %add3A_203 = arith.addf %add3A_190, %mul3A_202 : vector<2048x128xf32>
    %get3A_204 = arith.constant 0 : index
    %get3A_205 = arith.constant 14 : index
    %get3A_206 = vector.load %arg6[%get3A_204, %get3A_205] : memref<2048x16xf32, #tpu.memory_space<vmem>>, vector<2048x1xf32>
    %get3A_207 = arith.constant 14 : index
    %get3A_208 = arith.constant 0 : index
    %get3A_209 = arith.constant 0 : index
    %get3A_210 = vector.load %arg7[%get3A_207, %get3A_208, %get3A_209] : memref<16x16x128xf32, #tpu.memory_space<vmem>>, vector<1x16x128xf32>
    %get3A_211 = vector.shape_cast %get3A_210 : vector<1x16x128xf32> to vector<16x128xf32>
    %dot_general3A_212 = arith.constant dense<0.000000e+00> : vector<2048x128xf32>
    %dot_general3A_213 = tpu.matmul %exp3A, %get3A_211, %dot_general3A_212 {dimension_numbers = #tpu.dot_dimension_numbers<[1], [0], [0], [1], [0, 0, 1, 1], [], []>, transpose_lhs_hint = false} : vector<2048x16xf32>, vector<16x128xf32>, vector<2048x128xf32> -> vector<2048x128xf32>
    %mul3A_214 = vector.broadcast %get3A_206 : vector<2048x1xf32> to vector<2048x128xf32>
    %mul3A_215 = arith.mulf %mul3A_214, %dot_general3A_213 : vector<2048x128xf32>
    %add3A_216 = arith.addf %add3A_203, %mul3A_215 : vector<2048x128xf32>
    %get3A_217 = arith.constant 0 : index
    %get3A_218 = arith.constant 15 : index
    %get3A_219 = vector.load %arg6[%get3A_217, %get3A_218] : memref<2048x16xf32, #tpu.memory_space<vmem>>, vector<2048x1xf32>
    %get3A_220 = arith.constant 15 : index
    %get3A_221 = arith.constant 0 : index
    %get3A_222 = arith.constant 0 : index
    %get3A_223 = vector.load %arg7[%get3A_220, %get3A_221, %get3A_222] : memref<16x16x128xf32, #tpu.memory_space<vmem>>, vector<1x16x128xf32>
    %get3A_224 = vector.shape_cast %get3A_223 : vector<1x16x128xf32> to vector<16x128xf32>
    %dot_general3A_225 = arith.constant dense<0.000000e+00> : vector<2048x128xf32>
    %dot_general3A_226 = tpu.matmul %exp3A, %get3A_224, %dot_general3A_225 {dimension_numbers = #tpu.dot_dimension_numbers<[1], [0], [0], [1], [0, 0, 1, 1], [], []>, transpose_lhs_hint = false} : vector<2048x16xf32>, vector<16x128xf32>, vector<2048x128xf32> -> vector<2048x128xf32>
    %mul3A_227 = vector.broadcast %get3A_219 : vector<2048x1xf32> to vector<2048x128xf32>
    %mul3A_228 = arith.mulf %mul3A_227, %dot_general3A_226 : vector<2048x128xf32>
    %add3A_229 = arith.addf %add3A_216, %mul3A_228 : vector<2048x128xf32>
    %swap3A = arith.constant 0 : index
    %swap3A_230 = arith.constant 0 : index
    %swap3A_231 = vector.load %arg8[%swap3A, %swap3A_230] : memref<2048x128xf32, #tpu.memory_space<vmem>>, vector<2048x128xf32>
    tpu.vector_store %arg8[%swap3A, %swap3A_230], %add3A_229 {strides = array<i32>} : memref<2048x128xf32, #tpu.memory_space<vmem>>, vector<2048x128xf32>,
    %get3A_232 = arith.constant 0 : index
    %get3A_233 = arith.constant 0 : index
    %get3A_234 = vector.load %arg5[%get3A_232, %get3A_233] : memref<16x128xf32, #tpu.memory_space<vmem>>, vector<16x128xf32>
    %dot_general3A_235 = arith.constant dense<0.000000e+00> : vector<2048x128xf32>
    %dot_general3A_236 = tpu.matmul %exp3A, %get3A_234, %dot_general3A_235 {dimension_numbers = #tpu.dot_dimension_numbers<[1], [0], [0], [1], [0, 0, 1, 1], [], []>, transpose_lhs_hint = false} : vector<2048x16xf32>, vector<16x128xf32>, vector<2048x128xf32> -> vector<2048x128xf32>
    %mul3A_237 = arith.mulf %add3A_11, %dot_general3A_236 : vector<2048x128xf32>
    %swap3A_238 = arith.constant 0 : index
    %swap3A_239 = arith.constant 0 : index
    %swap3A_240 = vector.load %arg9[%swap3A_238, %swap3A_239] : memref<2048x128xf32, #tpu.memory_space<vmem>>, vector<2048x128xf32>
    tpu.vector_store %arg9[%swap3A_238, %swap3A_239], %mul3A_237 {strides = array<i32>} : memref<2048x128xf32, #tpu.memory_space<vmem>>, vector<2048x128xf32>,
    return
  }
  func.func @transform_0(%arg0: i32) -> (i32, i32) {
    %c0_i32 = arith.constant 0 : i32
    %c0_i32_0 = arith.constant 0 : i32
    return %arg0, %c0_i32 : i32, i32
  }
  func.func @transform_1(%arg0: i32) -> (i32, i32) {
    %c0_i32 = arith.constant 0 : i32
    %c0_i32_0 = arith.constant 0 : i32
    return %arg0, %c0_i32 : i32, i32
  }
  func.func @transform_2(%arg0: i32) -> (i32, i32) {
    %c0_i32 = arith.constant 0 : i32
    %c0_i32_0 = arith.constant 0 : i32
    return %arg0, %c0_i32 : i32, i32
  }
  func.func @transform_3(%arg0: i32) -> (i32, i32) {
    %c0_i32 = arith.constant 0 : i32
    %c0_i32_0 = arith.constant 0 : i32
    %c0_i32_1 = arith.constant 0 : i32
    return %c0_i32, %c0_i32_0 : i32, i32
  }
  func.func @transform_4(%arg0: i32) -> (i32, i32) {
    %c0_i32 = arith.constant 0 : i32
    %c0_i32_0 = arith.constant 0 : i32
    %c0_i32_1 = arith.constant 0 : i32
    return %c0_i32, %c0_i32_0 : i32, i32
  }
  func.func @transform_5(%arg0: i32) -> (i32, i32) {
    %c0_i32 = arith.constant 0 : i32
    %c0_i32_0 = arith.constant 0 : i32
    return %arg0, %c0_i32 : i32, i32
  }
  func.func @transform_6(%arg0: i32) -> (i32, i32, i32) {
    %c0_i32 = arith.constant 0 : i32
    %c0_i32_0 = arith.constant 0 : i32
    %c0_i32_1 = arith.constant 0 : i32
    %c0_i32_2 = arith.constant 0 : i32
    return %c0_i32, %c0_i32_0, %c0_i32_1 : i32, i32, i32
  }
  func.func @transform_7(%arg0: i32) -> (i32, i32) {
    %c0_i32 = arith.constant 0 : i32
    %c0_i32_0 = arith.constant 0 : i32
    return %arg0, %c0_i32 : i32, i32
  }
  func.func @transform_8(%arg0: i32) -> (i32, i32) {
    %c0_i32 = arith.constant 0 : i32
    %c0_i32_0 = arith.constant 0 : i32
    return %arg0, %c0_i32 : i32, i32
  }
}

module attributes {stable_mosaic.version = 14 : i64} {
  func.func @_comb_body(%arg0: i32, %arg1: memref<2x512x128xf32, #tpu.memory_space<vmem>>, %arg2: memref<2x512x8xf32, #tpu.memory_space<vmem>>, %arg3: memref<512x128xf32, #tpu.memory_space<vmem>>, %arg4: memref<512x8xf32, #tpu.memory_space<vmem>>, %arg5: memref<3x128x128xf32, #tpu.memory_space<vmem>>, %arg6: memref<3x128xf32, #tpu.memory_space<vmem>>, %arg7: memref<1x8xf32, #tpu.memory_space<vmem>>, %arg8: memref<8x128xf32, #tpu.memory_space<vmem>>, %arg9: memref<512x128xf32, #tpu.memory_space<vmem>>) attributes {dimension_semantics = [#tpu.dimension_semantics<arbitrary>], iteration_bounds = array<i64: 20>, scalar_prefetch = 0 : i64, scratch_operands = 0 : i64, tpu.core_type = #tpu.core_type<tc>, window_params = [{transform_indices = @transform_0, window_bounds = array<i64: 2, 512, 128>}, {transform_indices = @transform_1, window_bounds = array<i64: 2, 512, 8>}, {transform_indices = @transform_2, window_bounds = array<i64: 512, 128>}, {transform_indices = @transform_3, window_bounds = array<i64: 512, 8>}, {pipeline_mode = #tpu.pipeline_mode<synchronous>, transform_indices = @transform_4, window_bounds = array<i64: 3, 128, 128>}, {pipeline_mode = #tpu.pipeline_mode<synchronous>, transform_indices = @transform_5, window_bounds = array<i64: 3, 128>}, {pipeline_mode = #tpu.pipeline_mode<synchronous>, transform_indices = @transform_6, window_bounds = array<i64: 1, 8>}, {pipeline_mode = #tpu.pipeline_mode<synchronous>, transform_indices = @transform_7, window_bounds = array<i64: 8, 128>}, {transform_indices = @transform_8, window_bounds = array<i64: 512, 128>}]} {
    %get3A = arith.constant 0 : index
    %get3A_0 = arith.constant 0 : index
    %get3A_1 = arith.constant 0 : index
    %get3A_2 = vector.load %arg1[%get3A, %get3A_0, %get3A_1] : memref<2x512x128xf32, #tpu.memory_space<vmem>>, vector<1x512x128xf32>
    %get3A_3 = vector.shape_cast %get3A_2 : vector<1x512x128xf32> to vector<512x128xf32>
    %get3A_4 = arith.constant 1 : index
    %get3A_5 = arith.constant 0 : index
    %get3A_6 = arith.constant 0 : index
    %get3A_7 = vector.load %arg1[%get3A_4, %get3A_5, %get3A_6] : memref<2x512x128xf32, #tpu.memory_space<vmem>>, vector<1x512x128xf32>
    %get3A_8 = vector.shape_cast %get3A_7 : vector<1x512x128xf32> to vector<512x128xf32>
    %add3A = arith.addf %get3A_3, %get3A_8 : vector<512x128xf32>
    %get3A_9 = arith.constant 0 : index
    %get3A_10 = arith.constant 0 : index
    %get3A_11 = arith.constant 0 : index
    %get3A_12 = vector.load %arg2[%get3A_9, %get3A_10, %get3A_11] : memref<2x512x8xf32, #tpu.memory_space<vmem>>, vector<1x512x8xf32>
    %get3A_13 = vector.shape_cast %get3A_12 : vector<1x512x8xf32> to vector<512x8xf32>
    %get3A_14 = arith.constant 1 : index
    %get3A_15 = arith.constant 0 : index
    %get3A_16 = arith.constant 0 : index
    %get3A_17 = vector.load %arg2[%get3A_14, %get3A_15, %get3A_16] : memref<2x512x8xf32, #tpu.memory_space<vmem>>, vector<1x512x8xf32>
    %get3A_18 = vector.shape_cast %get3A_17 : vector<1x512x8xf32> to vector<512x8xf32>
    %add3A_19 = arith.addf %get3A_13, %get3A_18 : vector<512x8xf32>
    %add3A_20 = arith.constant 1.000000e-16 : f32
    %add3A_21 = vector.broadcast %add3A_20 : f32 to vector<512x8xf32>
    %add3A_22 = arith.addf %add3A_19, %add3A_21 : vector<512x8xf32>
    %div3A = arith.constant 1.000000e+00 : f32
    %div3A_23 = vector.broadcast %div3A : f32 to vector<512x8xf32>
    %div3A_24 = arith.divf %div3A_23, %add3A_22 : vector<512x8xf32>
    %get3A_25 = arith.constant 0 : index
    %get3A_26 = arith.constant 0 : index
    %get3A_27 = vector.load %arg8[%get3A_25, %get3A_26] : memref<8x128xf32, #tpu.memory_space<vmem>>, vector<8x128xf32>
    %dot_general3A = arith.constant dense<0.000000e+00> : vector<512x128xf32>
    %dot_general3A_28 = tpu.matmul %div3A_24, %get3A_27, %dot_general3A {dimension_numbers = #tpu.dot_dimension_numbers<[1], [0], [0], [1], [0, 0, 1, 1], [], []>, transpose_lhs_hint = false} : vector<512x8xf32>, vector<8x128xf32>, vector<512x128xf32> -> vector<512x128xf32>
    %mul3A = arith.mulf %add3A, %dot_general3A_28 : vector<512x128xf32>
    %get3A_29 = arith.constant 0 : index
    %get3A_30 = arith.constant 0 : index
    %get3A_31 = vector.load %arg3[%get3A_29, %get3A_30] : memref<512x128xf32, #tpu.memory_space<vmem>>, vector<512x128xf32>
    %get3A_32 = arith.constant 0 : index
    %get3A_33 = arith.constant 0 : index
    %get3A_34 = vector.load %arg4[%get3A_32, %get3A_33] : memref<512x8xf32, #tpu.memory_space<vmem>>, vector<512x8xf32>
    %broadcast_in_dim3A = arith.constant 0.000000e+00 : f32
    %broadcast_in_dim3A_35 = vector.broadcast %broadcast_in_dim3A : f32 to vector<512x128xf32>
    %slice3A = vector.extract_strided_slice %get3A_34 {offsets = [0, 0], sizes = [512, 1], strides = [1, 1]} : vector<512x8xf32> to vector<512x1xf32>
    %get3A_36 = arith.constant 0 : index
    %get3A_37 = arith.constant 0 : index
    %get3A_38 = arith.constant 0 : index
    %get3A_39 = vector.load %arg5[%get3A_36, %get3A_37, %get3A_38] : memref<3x128x128xf32, #tpu.memory_space<vmem>>, vector<1x128x128xf32>
    %get3A_40 = vector.shape_cast %get3A_39 : vector<1x128x128xf32> to vector<128x128xf32>
    %dot_general3A_41 = arith.constant dense<0.000000e+00> : vector<512x128xf32>
    %dot_general3A_42 = tpu.matmul %mul3A, %get3A_40, %dot_general3A_41 {dimension_numbers = #tpu.dot_dimension_numbers<[1], [0], [0], [1], [0, 0, 1, 1], [], []>, transpose_lhs_hint = false} : vector<512x128xf32>, vector<128x128xf32>, vector<512x128xf32> -> vector<512x128xf32>
    %get3A_43 = arith.constant 0 : index
    %get3A_44 = arith.constant 0 : index
    %get3A_45 = vector.load %arg6[%get3A_43, %get3A_44] : memref<3x128xf32, #tpu.memory_space<vmem>>, vector<1x128xf32>
    %get3A_46 = vector.shape_cast %get3A_45 : vector<1x128xf32> to vector<128xf32>
    %broadcast_in_dim3A_47 = vector.shape_cast %get3A_46 : vector<128xf32> to vector<1x128xf32>
    %add3A_48 = vector.broadcast %broadcast_in_dim3A_47 : vector<1x128xf32> to vector<512x128xf32>
    %add3A_49 = arith.addf %dot_general3A_42, %add3A_48 : vector<512x128xf32>
    %integer_pow3A = arith.mulf %add3A_49, %add3A_49 : vector<512x128xf32>
    %integer_pow3A_50 = arith.mulf %add3A_49, %integer_pow3A : vector<512x128xf32>
    %mul3A_51 = arith.constant 4.471500e-02 : f32
    %mul3A_52 = vector.broadcast %mul3A_51 : f32 to vector<512x128xf32>
    %mul3A_53 = arith.mulf %mul3A_52, %integer_pow3A_50 : vector<512x128xf32>
    %add3A_54 = arith.addf %add3A_49, %mul3A_53 : vector<512x128xf32>
    %mul3A_55 = arith.constant 0.797884583 : f32
    %mul3A_56 = vector.broadcast %mul3A_55 : f32 to vector<512x128xf32>
    %mul3A_57 = arith.mulf %mul3A_56, %add3A_54 : vector<512x128xf32>
    %tanh3A = math.tanh %mul3A_57 : vector<512x128xf32>
    %add3A_58 = arith.constant 1.000000e+00 : f32
    %add3A_59 = vector.broadcast %add3A_58 : f32 to vector<512x128xf32>
    %add3A_60 = arith.addf %add3A_59, %tanh3A : vector<512x128xf32>
    %mul3A_61 = arith.constant 5.000000e-01 : f32
    %mul3A_62 = vector.broadcast %mul3A_61 : f32 to vector<512x128xf32>
    %mul3A_63 = arith.mulf %mul3A_62, %add3A_60 : vector<512x128xf32>
    %mul3A_64 = arith.mulf %add3A_49, %mul3A_63 : vector<512x128xf32>
    %mul3A_65 = vector.broadcast %slice3A : vector<512x1xf32> to vector<512x128xf32>
    %mul3A_66 = arith.mulf %mul3A_65, %mul3A_64 : vector<512x128xf32>
    %add3A_67 = arith.addf %broadcast_in_dim3A_35, %mul3A_66 : vector<512x128xf32>
    %slice3A_68 = vector.extract_strided_slice %get3A_34 {offsets = [0, 1], sizes = [512, 1], strides = [1, 1]} : vector<512x8xf32> to vector<512x1xf32>
    %get3A_69 = arith.constant 1 : index
    %get3A_70 = arith.constant 0 : index
    %get3A_71 = arith.constant 0 : index
    %get3A_72 = vector.load %arg5[%get3A_69, %get3A_70, %get3A_71] : memref<3x128x128xf32, #tpu.memory_space<vmem>>, vector<1x128x128xf32>
    %get3A_73 = vector.shape_cast %get3A_72 : vector<1x128x128xf32> to vector<128x128xf32>
    %dot_general3A_74 = arith.constant dense<0.000000e+00> : vector<512x128xf32>
    %dot_general3A_75 = tpu.matmul %mul3A, %get3A_73, %dot_general3A_74 {dimension_numbers = #tpu.dot_dimension_numbers<[1], [0], [0], [1], [0, 0, 1, 1], [], []>, transpose_lhs_hint = false} : vector<512x128xf32>, vector<128x128xf32>, vector<512x128xf32> -> vector<512x128xf32>
    %get3A_76 = arith.constant 1 : index
    %get3A_77 = arith.constant 0 : index
    %get3A_78 = vector.load %arg6[%get3A_76, %get3A_77] : memref<3x128xf32, #tpu.memory_space<vmem>>, vector<1x128xf32>
    %get3A_79 = vector.shape_cast %get3A_78 : vector<1x128xf32> to vector<128xf32>
    %broadcast_in_dim3A_80 = vector.shape_cast %get3A_79 : vector<128xf32> to vector<1x128xf32>
    %add3A_81 = vector.broadcast %broadcast_in_dim3A_80 : vector<1x128xf32> to vector<512x128xf32>
    %add3A_82 = arith.addf %dot_general3A_75, %add3A_81 : vector<512x128xf32>
    %integer_pow3A_83 = arith.mulf %add3A_82, %add3A_82 : vector<512x128xf32>
    %integer_pow3A_84 = arith.mulf %add3A_82, %integer_pow3A_83 : vector<512x128xf32>
    %mul3A_85 = arith.constant 4.471500e-02 : f32
    %mul3A_86 = vector.broadcast %mul3A_85 : f32 to vector<512x128xf32>
    %mul3A_87 = arith.mulf %mul3A_86, %integer_pow3A_84 : vector<512x128xf32>
    %add3A_88 = arith.addf %add3A_82, %mul3A_87 : vector<512x128xf32>
    %mul3A_89 = arith.constant 0.797884583 : f32
    %mul3A_90 = vector.broadcast %mul3A_89 : f32 to vector<512x128xf32>
    %mul3A_91 = arith.mulf %mul3A_90, %add3A_88 : vector<512x128xf32>
    %tanh3A_92 = math.tanh %mul3A_91 : vector<512x128xf32>
    %add3A_93 = arith.constant 1.000000e+00 : f32
    %add3A_94 = vector.broadcast %add3A_93 : f32 to vector<512x128xf32>
    %add3A_95 = arith.addf %add3A_94, %tanh3A_92 : vector<512x128xf32>
    %mul3A_96 = arith.constant 5.000000e-01 : f32
    %mul3A_97 = vector.broadcast %mul3A_96 : f32 to vector<512x128xf32>
    %mul3A_98 = arith.mulf %mul3A_97, %add3A_95 : vector<512x128xf32>
    %mul3A_99 = arith.mulf %add3A_82, %mul3A_98 : vector<512x128xf32>
    %mul3A_100 = vector.broadcast %slice3A_68 : vector<512x1xf32> to vector<512x128xf32>
    %mul3A_101 = arith.mulf %mul3A_100, %mul3A_99 : vector<512x128xf32>
    %add3A_102 = arith.addf %add3A_67, %mul3A_101 : vector<512x128xf32>
    %slice3A_103 = vector.extract_strided_slice %get3A_34 {offsets = [0, 2], sizes = [512, 1], strides = [1, 1]} : vector<512x8xf32> to vector<512x1xf32>
    %get3A_104 = arith.constant 2 : index
    %get3A_105 = arith.constant 0 : index
    %get3A_106 = arith.constant 0 : index
    %get3A_107 = vector.load %arg5[%get3A_104, %get3A_105, %get3A_106] : memref<3x128x128xf32, #tpu.memory_space<vmem>>, vector<1x128x128xf32>
    %get3A_108 = vector.shape_cast %get3A_107 : vector<1x128x128xf32> to vector<128x128xf32>
    %dot_general3A_109 = arith.constant dense<0.000000e+00> : vector<512x128xf32>
    %dot_general3A_110 = tpu.matmul %mul3A, %get3A_108, %dot_general3A_109 {dimension_numbers = #tpu.dot_dimension_numbers<[1], [0], [0], [1], [0, 0, 1, 1], [], []>, transpose_lhs_hint = false} : vector<512x128xf32>, vector<128x128xf32>, vector<512x128xf32> -> vector<512x128xf32>
    %get3A_111 = arith.constant 2 : index
    %get3A_112 = arith.constant 0 : index
    %get3A_113 = vector.load %arg6[%get3A_111, %get3A_112] : memref<3x128xf32, #tpu.memory_space<vmem>>, vector<1x128xf32>
    %get3A_114 = vector.shape_cast %get3A_113 : vector<1x128xf32> to vector<128xf32>
    %broadcast_in_dim3A_115 = vector.shape_cast %get3A_114 : vector<128xf32> to vector<1x128xf32>
    %add3A_116 = vector.broadcast %broadcast_in_dim3A_115 : vector<1x128xf32> to vector<512x128xf32>
    %add3A_117 = arith.addf %dot_general3A_110, %add3A_116 : vector<512x128xf32>
    %integer_pow3A_118 = arith.mulf %add3A_117, %add3A_117 : vector<512x128xf32>
    %integer_pow3A_119 = arith.mulf %add3A_117, %integer_pow3A_118 : vector<512x128xf32>
    %mul3A_120 = arith.constant 4.471500e-02 : f32
    %mul3A_121 = vector.broadcast %mul3A_120 : f32 to vector<512x128xf32>
    %mul3A_122 = arith.mulf %mul3A_121, %integer_pow3A_119 : vector<512x128xf32>
    %add3A_123 = arith.addf %add3A_117, %mul3A_122 : vector<512x128xf32>
    %mul3A_124 = arith.constant 0.797884583 : f32
    %mul3A_125 = vector.broadcast %mul3A_124 : f32 to vector<512x128xf32>
    %mul3A_126 = arith.mulf %mul3A_125, %add3A_123 : vector<512x128xf32>
    %tanh3A_127 = math.tanh %mul3A_126 : vector<512x128xf32>
    %add3A_128 = arith.constant 1.000000e+00 : f32
    %add3A_129 = vector.broadcast %add3A_128 : f32 to vector<512x128xf32>
    %add3A_130 = arith.addf %add3A_129, %tanh3A_127 : vector<512x128xf32>
    %mul3A_131 = arith.constant 5.000000e-01 : f32
    %mul3A_132 = vector.broadcast %mul3A_131 : f32 to vector<512x128xf32>
    %mul3A_133 = arith.mulf %mul3A_132, %add3A_130 : vector<512x128xf32>
    %mul3A_134 = arith.mulf %add3A_117, %mul3A_133 : vector<512x128xf32>
    %mul3A_135 = vector.broadcast %slice3A_103 : vector<512x1xf32> to vector<512x128xf32>
    %mul3A_136 = arith.mulf %mul3A_135, %mul3A_134 : vector<512x128xf32>
    %add3A_137 = arith.addf %add3A_102, %mul3A_136 : vector<512x128xf32>
    %get3A_138 = arith.constant 0 : index
    %get3A_139 = arith.constant 0 : index
    %get3A_140 = vector.load %arg7[%get3A_138, %get3A_139] : memref<1x8xf32, #tpu.memory_space<vmem>>, vector<1x8xf32>
    %mul3A_141 = vector.broadcast %get3A_140 : vector<1x8xf32> to vector<512x8xf32>
    %mul3A_142 = arith.mulf %get3A_34, %mul3A_141 : vector<512x8xf32>
    %reduce_sum3A = arith.constant dense<0.000000e+00> : vector<512xf32>
    %reduce_sum3A_143 = vector.multi_reduction <add>, %mul3A_142, %reduce_sum3A [1] : vector<512x8xf32> to vector<512xf32>
    %broadcast_in_dim3A_144 = vector.shape_cast %reduce_sum3A_143 : vector<512xf32> to vector<512x1xf32>
    %mul3A_145 = vector.broadcast %broadcast_in_dim3A_144 : vector<512x1xf32> to vector<512x128xf32>
    %mul3A_146 = arith.mulf %add3A_137, %mul3A_145 : vector<512x128xf32>
    %sub3A = arith.constant 1.000000e+00 : f32
    %sub3A_147 = vector.broadcast %sub3A : f32 to vector<512x1xf32>
    %sub3A_148 = arith.subf %sub3A_147, %broadcast_in_dim3A_144 : vector<512x1xf32>
    %mul3A_149 = vector.broadcast %sub3A_148 : vector<512x1xf32> to vector<512x128xf32>
    %mul3A_150 = arith.mulf %get3A_31, %mul3A_149 : vector<512x128xf32>
    %add3A_151 = arith.addf %mul3A_146, %mul3A_150 : vector<512x128xf32>
    %swap3A = arith.constant 0 : index
    %swap3A_152 = arith.constant 0 : index
    %swap3A_153 = vector.load %arg9[%swap3A, %swap3A_152] : memref<512x128xf32, #tpu.memory_space<vmem>>, vector<512x128xf32>
    tpu.vector_store %arg9[%swap3A, %swap3A_152], %add3A_151 {strides = array<i32>} : memref<512x128xf32, #tpu.memory_space<vmem>>, vector<512x128xf32>,
    return
  }
  func.func @transform_0(%arg0: i32) -> (i32, i32, i32) {
    %c0_i32 = arith.constant 0 : i32
    %c0_i32_0 = arith.constant 0 : i32
    %c0_i32_1 = arith.constant 0 : i32
    return %c0_i32, %arg0, %c0_i32_0 : i32, i32, i32
  }
  func.func @transform_1(%arg0: i32) -> (i32, i32, i32) {
    %c0_i32 = arith.constant 0 : i32
    %c0_i32_0 = arith.constant 0 : i32
    %c0_i32_1 = arith.constant 0 : i32
    return %c0_i32, %arg0, %c0_i32_0 : i32, i32, i32
  }
  func.func @transform_2(%arg0: i32) -> (i32, i32) {
    %c0_i32 = arith.constant 0 : i32
    %c0_i32_0 = arith.constant 0 : i32
    return %arg0, %c0_i32 : i32, i32
  }
  func.func @transform_3(%arg0: i32) -> (i32, i32) {
    %c0_i32 = arith.constant 0 : i32
    %c0_i32_0 = arith.constant 0 : i32
    return %arg0, %c0_i32 : i32, i32
  }
  func.func @transform_4(%arg0: i32) -> (i32, i32, i32) {
    %c0_i32 = arith.constant 0 : i32
    %c0_i32_0 = arith.constant 0 : i32
    %c0_i32_1 = arith.constant 0 : i32
    %c0_i32_2 = arith.constant 0 : i32
    return %c0_i32, %c0_i32_0, %c0_i32_1 : i32, i32, i32
  }
  func.func @transform_5(%arg0: i32) -> (i32, i32) {
    %c0_i32 = arith.constant 0 : i32
    %c0_i32_0 = arith.constant 0 : i32
    %c0_i32_1 = arith.constant 0 : i32
    return %c0_i32, %c0_i32_0 : i32, i32
  }
  func.func @transform_6(%arg0: i32) -> (i32, i32) {
    %c0_i32 = arith.constant 0 : i32
    %c0_i32_0 = arith.constant 0 : i32
    %c0_i32_1 = arith.constant 0 : i32
    return %c0_i32, %c0_i32_0 : i32, i32
  }
  func.func @transform_7(%arg0: i32) -> (i32, i32) {
    %c0_i32 = arith.constant 0 : i32
    %c0_i32_0 = arith.constant 0 : i32
    %c0_i32_1 = arith.constant 0 : i32
    return %c0_i32, %c0_i32_0 : i32, i32
  }
  func.func @transform_8(%arg0: i32) -> (i32, i32) {
    %c0_i32 = arith.constant 0 : i32
    %c0_i32_0 = arith.constant 0 : i32
    return %arg0, %c0_i32 : i32, i32
  }
}

</mosaic_0001>

<sc_bundles>
// kernel: kernel.15.cloned.1.call-start
scs
__scs_entry_jumppad:
0x0: {  	(pc) =	sbr.rel $0x88, $3  }
0x1: {  	(tag) =	ssettag $0x0;
	lr =	simm.s32 $0x1  }
0x2: {  	[smem:$0x3F8C] =	sst lr;
	_ =	strace $0xD0000000  }
0x3: {  	_ = 	snop  }
0x4: {  	_ = 	snop  }
0x5: {  	_ = 	snop  }
0x6: {  	_ = 	snop  }
0x7: {  	_ = 	snop  }
__scs_overlays_trampoline_lowered:
0x8: {  	[smem:$0x3F9B] =	sst s0  }
0x9: {  	[smem:$0x3F9C] =	sst s1  }
0xa: {  	[smem:$0x3F9D] =	sst s2  }
0xb: {  	[smem:$0x3F9E] =	sst s3  }
0xc: {  	[smem:$0x3F9F] =	sst s4  }
0xd: {  	[smem:$0x3FA0] =	sst s5  }
0xe: {  	[smem:$0x3FA1] =	sst s6  }
0xf: {  	[smem:$0x3FA2] =	sst s7  }
0x10: {  	[smem:$0x3FA3] =	sst s8  }
0x11: {  	[smem:$0x3FA4] =	sst s9;
	s0 =	simm.s32 @!p0 $0x0  }
0x12: {  	s1 =	sld [smem:$0x3F8A];
	s0 =	simm.s32 @p0 $0x1  }
0x13: {  	[smem:$0x3FA5] =	sst s0;
	s0 =	simm.s32 @!p1 $0x0  }
0x14: {  	s2 =	sld [smem:$0x3F89];
	s0 =	simm.s32 @p1 $0x1  }
0x15: {  	[smem:$0x3FA6] =	sst s0;
	s0 =	simm.s32 @!p2 $0x0  }
0x16: {  	s3 =	sld [smem:$0x3FDB];
	s0 =	simm.s32 @p2 $0x1  }
0x17: {  	s4 =	simm.s32 $0x1BF5;
	[smem:$0x3FA8] =	sst s0  }
0x18: {  	s0 =	sld [smem:$0x3F8B];
	_ =	swait.ge [sflag:s4], $0x0  }
0x19: {  	s7 =	sld [smem:$0x3F8C]  }
0x1a: {  	s8 =	sadd.s32 $0xFFFFE003, lr  }
0x1b: {  	s9 =	sadd.s32 $0xFFFFFEF7, lr;
	s5 =	simm.s32 $0xFFFFFFFF;
	p2 =	slt.u32 s8, $0xFFFFF086  }
0x1c: {  	p1 =	slt.u32 s9, $0xF7A;
	s5 =	simm.s32 @!p2 $0x0  }
0x1d: {  	s5 =	simm.s32 @p1 $0x1;
	p0 =	seq.s32 s7, s2  }
0x1e: {  	s7 =	smul.u32 @!p0 $0xF7A, s2;
	p2 =	seq.s32 @!p0 s5, $0x0  }
0x1f: {  	s9 =	smul.u32 $0xF7A, s1;
	s8 =	simm.s32 @!p0 $0x1BF5;
	p2 =	por !p2, p0  }
0x20: {  	[sflag:s8] =	ssyncset.s32 @!p0 $0xFFFFF086;
	s6 =	sadd.s32 @!p0 s3, s7;
	s7 =	simm.s32 @!p0 $0x108  }
0x21: {  	s3 =	sadd.s32 s3, s9;
	s6 =	sadd.s32 @!p0 $0x88, s6;
	s7 =	simm.s32 @p2 $0x1082  }
0x22: {  	[simem:s7], [sflag:s8] =	dma.local @!p0 [hbm:s6], $0xF7A  }
0x23: {  	s9 =	sor.u32 $0xD0000000, s2;
	s6 =	simm.s32 $0x108;
	_ =	swait.ge @!p0 [sflag:s8], $0x0  }
0x24: {  	s3 =	sadd.s32 $0x88, s3;
	s6 =	simm.s32 @!p1 $0x1082;
	[sflag:s4] =	ssyncset.s32 $0xFFFFF086  }
0x25: {  	[simem:s6], [sflag:s4] =	dma.local [hbm:s3], $0xF7A  }
0x26: {  	[smem:$0x3F8C] =	sst s1;
	(tag) =	ssettag s2;
	_ =	strace s9  }
0x27: {  	s1 =	sld [smem:$0x3F9C]  }
0x28: {  	s2 =	sld [smem:$0x3F9D]  }
0x29: {  	s4 =	sld [smem:$0x3F9F]  }
0x2a: {  	p0 =	seq.s32 s5, $0x0;
	s5 =	sld [smem:$0x3FA0]  }
0x2b: {  	s6 =	sld [smem:$0x3FA1]  }
0x2c: {  	s7 =	sld [smem:$0x3FA2]  }
0x2d: {  	s3 =	simm.s32 $0x108;
	s8 =	sld [smem:$0x3FA3]  }
0x2e: {  	s3 =	simm.s32 @!p0 $0x1082;
	s9 =	sld [smem:$0x3FA4]  }
0x2f: {  	lr =	sadd.s32 s0, s3;
	s0 =	sld [smem:$0x3F9B]  }
0x30: {  	s3 =	sld [smem:$0x3F9E]  }
0x31: {  	[smem:$0x3FA7] =	sst s10  }
0x32: {  	s10 =	sld [smem:$0x3FA5];
	_ =	sdelay $0x3  }
0x33: {  	p0 =	seq.s32 s10, $0x1;
	s10 =	sld [smem:$0x3FA7];
	_ =	sdelay $0x3  }
0x34: {  	[smem:$0x3FA7] =	sst s10  }
0x35: {  	s10 =	sld [smem:$0x3FA6];
	_ =	sdelay $0x3  }
0x36: {  	p1 =	seq.s32 s10, $0x1;
	s10 =	sld [smem:$0x3FA7];
	_ =	sdelay $0x3  }
0x37: {  	[smem:$0x3FA7] =	sst s10  }
0x38: {  	s10 =	sld [smem:$0x3FA8]  }
0x39: {  	_ = 	snop;
	(pc) =	sbr.ind lr, $3  }
0x3a: {  	_ = 	snop  }
0x3b: {  	_ = 	snop  }
0x3c: {  	p2 =	seq.s32 s10, $0x1;
	s10 =	sld [smem:$0x3FA7]  }
0x3d: {  	_ =	shalt  }
0x3e: {  	_ =	shalt  }
0x3f: {  	_ =	shalt  }
0x40: {  	_ =	shalt  }
0x41: {  	_ =	shalt  }
0x42: {  	_ =	shalt  }
0x43: {  	_ =	shalt  }
0x44: {  	_ =	shalt  }
0x45: {  	_ =	shalt  }
0x46: {  	_ =	shalt  }
0x47: {  	_ =	shalt  }
0x48: {  	_ =	shalt  }
0x49: {  	_ =	shalt  }
0x4a: {  	_ =	shalt  }
0x4b: {  	_ =	shalt  }
0x4c: {  	_ =	shalt  }
0x4d: {  	_ =	shalt  }
0x4e: {  	_ =	shalt  }
0x4f: {  	_ =	shalt  }
0x50: {  	_ =	shalt  }
0x51: {  	_ =	shalt  }
0x52: {  	_ =	shalt  }
0x53: {  	_ =	shalt  }
0x54: {  	_ =	shalt  }
0x55: {  	_ =	shalt  }
0x56: {  	_ =	shalt  }
0x57: {  	_ =	shalt  }
0x58: {  	_ =	shalt  }
0x59: {  	_ =	shalt  }
0x5a: {  	_ =	shalt  }
0x5b: {  	_ =	shalt  }
0x5c: {  	_ =	shalt  }
0x5d: {  	_ =	shalt  }
0x5e: {  	_ =	shalt  }
0x5f: {  	_ =	shalt  }
0x60: {  	_ =	shalt  }
0x61: {  	_ =	shalt  }
0x62: {  	_ =	shalt  }
0x63: {  	_ =	shalt  }
0x64: {  	_ =	shalt  }
0x65: {  	_ =	shalt  }
0x66: {  	_ =	shalt  }
0x67: {  	_ =	shalt  }
0x68: {  	_ =	shalt  }
0x69: {  	_ =	shalt  }
0x6a: {  	_ =	shalt  }
0x6b: {  	_ =	shalt  }
0x6c: {  	_ =	shalt  }
0x6d: {  	_ =	shalt  }
0x6e: {  	_ =	shalt  }
0x6f: {  	_ =	shalt  }
0x70: {  	_ =	shalt  }
0x71: {  	_ =	shalt  }
0x72: {  	_ =	shalt  }
0x73: {  	_ =	shalt  }
0x74: {  	_ =	shalt  }
0x75: {  	_ =	shalt  }
0x76: {  	_ =	shalt  }
0x77: {  	_ =	shalt  }
0x78: {  	_ =	shalt  }
0x79: {  	_ =	shalt  }
0x7a: {  	_ =	shalt  }
0x7b: {  	_ =	shalt  }
0x7c: {  	_ =	shalt  }
0x7d: {  	_ =	shalt  }
0x7e: {  	_ =	shalt  }
0x7f: {  	_ =	shalt  }
0x80: {  	_ =	shalt  }
0x81: {  	_ =	shalt  }
0x82: {  	_ =	shalt  }
0x83: {  	_ =	shalt  }
0x84: {  	_ =	shalt  }
0x85: {  	_ =	shalt  }
0x86: {  	_ =	shalt  }
0x87: {  	_ =	shalt  }
.Lfunc_end0:
.L_simem_size_0:
called_computation_lowered:
.L_overlay_start_0:
0x88: {  	s2 =	sld [smem:$0x3FD9]  }
0x89: {  	s3 =	sld [smem:$0x3FFE];
	_ =	sdelay $0x1  }
0x8a: {  	s1 =	srdreg.scid  }
0x8b: {  	s0 =	sand.u32 $0x1, s1  }
0x8c: {  	s17 =	sshll.u32 s0, $0xA;
	s2 =	sadd.s32 s3, s2  }
0x8d: {  	s2 =	sadd.s32 s2, s17  }
0x8e: {  	[smem:$0x3FB3] =	sst s2  }
0x8f: {  	_ = 	snop  }
0x90: {  	s2 =	sld [smem:$0x3FD0];
	(tm) =	ssettm $0x1  }
0x91: {  	s18 =	sld [smem:$0x3FFB];
	_ =	sdelay $0x3  }
0x92: {  	_ =	strace s18  }
0x93: {  	s3 =	sld [smem:$0x3FFC];
	_ =	sdelay $0x3  }
0x94: {  	_ =	strace s3  }
0x95: {  	s3 =	sld [smem:$0x3FFD];
	_ =	sdelay $0x3  }
0x96: {  	_ =	strace s3  }
0x97: {  	_ =	strace $0x8FFFFFFF  }
0x98: {  	s19 =	sld [smem:$0x3FDB];
	_ =	sdelay $0x1  }
0x99: {  	s4 =	simm.s32 $_scs_section_size  }
0x9a: {  	s5 =	simm.s32 $_size__tile_overlayer_lowered;
	s6 =	simm.s32 $_tile_overlayer_lowered  }
0x9b: {  	s22 =	simm.s32 $0x1BFF;
	s21 =	sshll.u32 s6, $0x1;
	s3 =	sadd.s32 s4, s19  }
0x9c: {  	s7 =	simm.s32 $0x0;
	s20 =	sshll.u32 s5, $0x1;
	s5 =	sadd.s32 s21, s3  }
0x9d: {  	[timem:s7], [sflag:s22] =	dma.local [hbm:s5], s20  }
0x9e: {  	_ =	swait.ge [sflag:s22], s20  }
0x9f: {  	s4 =	ssub.s32 $0x0, s20;
	[sflag:s22] =	ssyncset.done $0x0  }
0xa0: {  	[sflag:s22] =	ssyncadd.s32 s4;
	_ =	sdelay $0x1  }
0xa1: {  	s23 =	simm.s32 $0x1B8B  }
0xa2: {  	_ =	swait.ge [sflag:s23], $0x1  }
0xa3: {  	[sflag:s23] =	ssyncset.done $0x0  }
0xa4: {  	s25 =	simm.s32 $0x1B8E;
	s24 =	sld [smem:$0x3FFE];
	[sflag:s23] =	ssyncadd.s32 $0xFFFFFFFF  }
0xa5: {  	s26 =	simm.s32 $execute0_lowered;
	[smem:$0x3FD2] =	sst s25  }
0xa6: {  	s5 =	sshll.u32 s26, $0x1;
	_ =	strace $0x80000046;
	[dreg:$0x1] =	wrdreg $0xFFFFFFFF  }
0xa7: {  	s28 =	simm.s32 $_size_execute0_lowered;
	s3 =	sadd.s32 s3, s5;
	[dreg:$0x0] =	wrdreg $0x0  }
0xa8: {  	s5 =	sshll.u32 s28, $0x1;
	[dreg:$0x2] =	wrdreg s3  }
0xa9: {  	[dreg:$0x3] =	wrdreg s5  }
0xaa: {  	[dreg:$0x4] =	wrdreg $0xC0  }
0xab: {  	_ =	task [dreg:s7], $0x5FFFF  }
0xac: {  	[dreg:$0x1] =	wrdreg $0xFFFFFFFF  }
0xad: {  	[dreg:$0x0] =	wrdreg $0x60  }
0xae: {  	[dreg:$0x2] =	wrdreg s24  }
0xaf: {  	[dreg:$0x3] =	wrdreg s2  }
0xb0: {  	[dreg:$0x4] =	wrdreg $0x9  }
0xb1: {  	_ =	task.clear_ibuf [dreg:s7], $0x5FFFF;
	_ =	strace $0x90000046  }
0xb2: {  	s29 =	simm.s32 $0x9;
	_ =	strace $0x80000048  }
0xb3: {  	_ =	swait.ge [sflag:s29], $0x1  }
0xb4: {  	[sflag:s29] =	ssyncadd.s32 $0xFFFFFFFF  }
0xb5: {  	_ =	strace $0x90000048  }
0xb6: {  	_ =	sfence  }
0xb7: {  	s30 =	sld [smem:$0x0];
	_ =	sdelay $0x2  }
0xb8: {  	s31 =	sshll.u32 s1, $0xD;
	s1 =	sshrl.u32 s1, $0x2  }
0xb9: {  	s3 =	sand.u32 $0x4000, s31;
	s1 =	sadd.s32 s1, s30  }
0xba: {  	s0 =	sor.u32 s3, s0;
	s1 =	sshll.u32 s1, $0x11  }
0xbb: {  	s0 =	sor.u32 s1, s0  }
0xbc: {  	s0 =	sadd.s32 $0x8F2B, s0  }
0xbd: {  	[sflag:s0] =	ssyncadd.remote.s32 $0x1  }
0xbe: {  	_ =	sfence.sel $0xFFFF  }
0xbf: {  	[dreg:$0x0] =	wrdreg $0xFFFFFFFF;
	(pc) =	sbr.abs _section_cstart, $3  }
0xc0: {  	[dreg:$0x1] =	wrdreg $0xFFFFFFFF  }
0xc1: {  	_ =	task.clear_ibuf [dreg:s7], $0x2FFFF;
	_ =	strace $0x9FFFFFFF  }
0xc2: {  	(tm) =	ssettm $0x7FFFFFFF  }
0xc3: {  	_ =	shalt  }
tec
execute0_lowered:
.L_overlay_start_1:
0x0: {  	(tag) =	ssettag $0x1  }
0x1: {  	s0 =	rddreg [dreg:$0x0]  }
0x2: {  	s2 =	rddreg [dreg:$0x1]  }
0x3: {  	s1 =	srdreg.scid;
	s8 =	stileid.u32;
	s3 =	simm.s32 $0x0  }
0x4: {  	s21 =	simm.s32 $0x4400;
	[smem:$0x7FF] =	sst s3;
	s7 =	sadd.s32 $0x1F0C00, s0  }
0x5: {  	s22 =	simm.s32 $0x4C00;
	_ =	strace $0x80000047;
	[dreg:$0x3] =	wrdreg s7  }
0x6: {  	s23 =	simm.s32 $0x5400;
	s25 =	simm.s32 $0x5C00;
	[dreg:$0x4] =	wrdreg s21  }
0x7: {  	s10 =	simm.s32 $0x6C00;
	s12 =	simm.s32 $0x7400;
	[dreg:$0x5] =	wrdreg s22  }
0x8: {  	s13 =	simm.s32 $0x7C00;
	s15 =	simm.s32 $0x8400;
	[dreg:$0x6] =	wrdreg s23  }
0x9: {  	s16 =	simm.s32 $0x8C00;
	s17 =	simm.s32 $0x9400;
	[dreg:$0x7] =	wrdreg s25  }
0xa: {  	s19 =	simm.s32 $0x9C00;
	s28 =	simm.s32 $0x13400;
	[dreg:$0x9] =	wrdreg s10  }
0xb: {  	s29 =	simm.s32 $0x80;
	s30 =	simm.s32 $0x13C00;
	[dreg:$0xa] =	wrdreg s12  }
0xc: {  	s31 =	simm.s32 $0x1;
	s1 =	sand.u32 $0x1, s1;
	[dreg:$0xb] =	wrdreg s13  }
0xd: {  	s4 =	sshll.u32 s8, $0x1;
	s6 =	smul.u32 $0x50000, s8;
	[dreg:$0xc] =	wrdreg s15  }
0xe: {  	s8 =	smul.u32 $0x28000, s8;
	s4 =	sor.u32 s1, s4;
	[dreg:$0xd] =	wrdreg s16  }
0xf: {  	s20 =	ssub.s32 $0x2, s1;
	s11 =	smul.u32 $0x28000, s1;
	[dreg:$0xe] =	wrdreg s17  }
0x10: {  	s1 =	smul.u32 $0x14000, s1;
	[dreg:$0xf] =	wrdreg s19;
	s21 =	simm.s32 $0xAC00  }
0x11: {  	s12 =	simm.s32 $0x4;
	s22 =	simm.s32 $0xB400;
	s23 =	simm.s32 $0xC400  }
0x12: {  	s15 =	simm.s32 $0x3C00;
	s25 =	simm.s32 $0xD400;
	s16 =	simm.s32 $0xBC00  }
0x13: {  	s17 =	simm.s32 $0xE400;
	s19 =	simm.s32 $0xF400;
	[dreg:$0x11] =	wrdreg s21  }
0x14: {  	s13 =	simm.s32 $0x0;
	s5 =	smul.u32 $0x1400, s4;
	[dreg:$0x12] =	wrdreg s22  }
0x15: {  	s4 =	sadd.s32 $0x218C00, s0;
	s6 =	sadd.s32 s6, s0;
	[dreg:$0x13] =	wrdreg s23  }
0x16: {  	s9 =	sshrl.u32 s20, $0x1;
	[dreg:$0x15] =	wrdreg s25;
	s21 =	simm.s32 $0x10400  }
0x17: {  	s22 =	simm.s32 $0x10C00;
	s23 =	simm.s32 $0x11400;
	s25 =	simm.s32 $0x12400  }
0x18: {  	s7 =	ssub.s32 s20, s9;
	s9 =	simm.s32 $0x6400;
	s14 =	sadd.s32 s11, s6  }
0x19: {  	s20 =	simm.s32 $0xA400;
	s5 =	sshrl.u32 s5, $0x3;
	[dreg:$0x8] =	wrdreg s9  }
0x1a: {  	s7 =	smax.u32 s7, $0x1;
	s6 =	sadd.s32 $0x8A8C00, s14;
	[dreg:$0x10] =	wrdreg s20  }
0x1b: {  	s18 =	sadd.s32 $0x3A8C00, s14;
	s20 =	simm.s32 $0xFC00;
	[dreg:$0x1a] =	wrdreg s7  }
0x1c: {  	s5 =	sadd.s32 s5, s0;
	s0 =	sadd.s32 s8, s0;
	[dreg:$0x1b] =	wrdreg s6  }
0x1d: {  	[dreg:$0x1c] =	wrdreg s18;
	s18 =	simm.s32 $0xEC00;
	s24 =	sadd.s32 $0x6BC00, s5  }
0x1e: {  	s26 =	sadd.s32 $0x70C00, s5;
	s5 =	sadd.s32 $0x66C00, s5;
	[dreg:$0x17] =	wrdreg s24  }
0x1f: {  	s0 =	sadd.s32 s1, s0;
	s1 =	simm.s32 $0x3;
	[dreg:$0x18] =	wrdreg s26  }
0x20: {  	v2 =	vlaneseq.u32;
	[dreg:$0x19] =	wrdreg s5;
	s14 =	sadd.s32 $0xDA8C00, s0;
	s24 =	simm.s32 $0xCC00  }
0x21: {  	vm0 =	vmmov $0xffff;
	v1 =	vshrl.u32 v2, $0x3;
	s26 =	simm.s32 $0xDC00;
	s0 =	simm.s32 $0x2;
	[dreg:$0x14] =	wrdreg s24  }
0x22: {  	v0 =	vand.u32 $0x7, v2;
	v2 =	vor.u32 $0x8, v2;
	v1 =	vmul.u32 $0x8, v1;
	[dreg:$0x16] =	wrdreg s26;
	s24 =	simm.s32 $0x11C00;
	s26 =	simm.s32 $0x12C00  }
.LBB2_1:
0x23: {  	s5 =	rddreg [dreg:$0x17]  }
0x24: {  	[tilespmem:s3], [sflag:$0x4] =	stream.linear.gather [hbm4b:s5+s3], $0x1400, $0x38;
	[tilespmem:$0x17C00] =	vst v63  }
0x25: {  	_ =	swait.ge [sflag:s12], $0x1400  }
0x26: {  	[sflag:s12] =	ssyncset.done $0x0  }
0x27: {  	s6 =	simm.s32 $0x1400;
	s9 =	rddreg [dreg:$0x18];
	[sflag:s12] =	ssyncadd.s32 $0xFFFFEC00  }
0x28: {  	[tilespmem:s6], [sflag:$0x4] =	stream.linear.gather [hbm4b:s9+s3], $0x1400, $0x38;
	[tilespmem:$0x17C00] =	vst v63  }
0x29: {  	_ =	swait.ge [sflag:s12], $0x1400  }
0x2a: {  	[sflag:s12] =	ssyncset.done $0x0  }
0x2b: {  	s11 =	simm.s32 $0x2800;
	s10 =	rddreg [dreg:$0x19];
	[sflag:s12] =	ssyncadd.s32 $0xFFFFEC00  }
0x2c: {  	[tilespmem:s11], [sflag:$0x4] =	stream.linear.gather [hbm4b:s10+s3], $0x1400, $0x38;
	[tilespmem:$0x17C00] =	vst v63  }
0x2d: {  	_ =	swait.ge [sflag:s12], $0x1400  }
0x2e: {  	s7 =	simm.s32 $0x0;
	[sflag:s12] =	ssyncset.done $0x0;
	s10 =	rddreg [dreg:$0x1c]  }
0x2f: {  	s11 =	smov.u32 s14;
	s9 =	rddreg [dreg:$0x1b];
	[sflag:s12] =	ssyncadd.s32 $0xFFFFEC00  }
.LBB2_2:
0x30: {  	s8 =	sshra.s32 s7, $0x2  }
0x31: {  	v3 =	vld [tilespmem:s8+$0x0];
	_ =	sdelay $0x4  }
0x32: {  	v4 =	vshll.u32 v3, $0x1  }
0x33: {  	v3 =	vand.u32 $0x7, v3;
	v4 =	vand.u32 $0xFFFFFFF0, v4  }
0x34: {  	v3 =	vor.u32 v3, v4  }
0x35: {  	v4 =	vperm.xlane v3, v0;
	_ =	sdelay $0x1  }
0x36: {  	v3 =	vperm.xlane v3, v2;
	v4 =	vadd.s32 v1, v4;
	_ =	sdelay $0x1  }
0x37: {  	v3 =	vadd.s32 v1, v3;
	_ =	sdelay $0x2  }
0x38: {  	[tilespmem:s15], [sflag:$0x1] =	stream.indirect_vreg.gather [hbm4b:s4+s3], $0x80, v4, vm0, $0xb8;
	[tilespmem:$0x17C00] =	vst v63  }
0x39: {  	s6 =	rddreg [dreg:$0x4]  }
0x3a: {  	[tilespmem:s6], [sflag:$0x1] =	stream.indirect_vreg.gather [hbm4b:s4+s3], $0x80, v3, vm0, $0xb8;
	[tilespmem:$0x17C00] =	vst v63  }
0x3b: {  	v3 =	vld [tilespmem:s8+$0x10];
	_ =	sdelay $0x4  }
0x3c: {  	v49 =	vshll.u32 v3, $0x1  }
0x3d: {  	v3 =	vand.u32 $0x7, v3;
	v4 =	vand.u32 $0xFFFFFFF0, v49  }
0x3e: {  	v3 =	vor.u32 v3, v4  }
0x3f: {  	v4 =	vperm.xlane v3, v0;
	_ =	sdelay $0x1  }
0x40: {  	v3 =	vperm.xlane v3, v2;
	v4 =	vadd.s32 v1, v4;
	_ =	sdelay $0x1  }
0x41: {  	v3 =	vadd.s32 v1, v3;
	_ =	sdelay $0x1  }
0x42: {  	s6 =	rddreg [dreg:$0x5]  }
0x43: {  	[tilespmem:s6], [sflag:$0x1] =	stream.indirect_vreg.gather [hbm4b:s4+s3], $0x80, v4, vm0, $0xb8;
	[tilespmem:$0x17C00] =	vst v63  }
0x44: {  	s5 =	rddreg [dreg:$0x6]  }
0x45: {  	[tilespmem:s5], [sflag:$0x1] =	stream.indirect_vreg.gather [hbm4b:s4+s3], $0x80, v3, vm0, $0xb8;
	[tilespmem:$0x17C00] =	vst v63  }
0x46: {  	v3 =	vld [tilespmem:s8+$0x20];
	_ =	sdelay $0x4  }
0x47: {  	v50 =	vshll.u32 v3, $0x1  }
0x48: {  	v3 =	vand.u32 $0x7, v3;
	v4 =	vand.u32 $0xFFFFFFF0, v50  }
0x49: {  	v3 =	vor.u32 v3, v4  }
0x4a: {  	v4 =	vperm.xlane v3, v0;
	_ =	sdelay $0x1  }
0x4b: {  	v3 =	vperm.xlane v3, v2;
	v4 =	vadd.s32 v1, v4;
	_ =	sdelay $0x1  }
0x4c: {  	v3 =	vadd.s32 v1, v3;
	_ =	sdelay $0x1  }
0x4d: {  	s5 =	rddreg [dreg:$0x7]  }
0x4e: {  	[tilespmem:s5], [sflag:$0x1] =	stream.indirect_vreg.gather [hbm4b:s4+s3], $0x80, v4, vm0, $0xb8;
	[tilespmem:$0x17C00] =	vst v63  }
0x4f: {  	s6 =	rddreg [dreg:$0x8]  }
0x50: {  	[tilespmem:s6], [sflag:$0x1] =	stream.indirect_vreg.gather [hbm4b:s4+s3], $0x80, v3, vm0, $0xb8;
	[tilespmem:$0x17C00] =	vst v63  }
0x51: {  	v3 =	vld [tilespmem:s8+$0x30];
	_ =	sdelay $0x4  }
0x52: {  	v51 =	vshll.u32 v3, $0x1  }
0x53: {  	v3 =	vand.u32 $0x7, v3;
	v4 =	vand.u32 $0xFFFFFFF0, v51  }
0x54: {  	v3 =	vor.u32 v3, v4  }
0x55: {  	v4 =	vperm.xlane v3, v0;
	_ =	sdelay $0x1  }
0x56: {  	v3 =	vperm.xlane v3, v2;
	v4 =	vadd.s32 v1, v4;
	_ =	sdelay $0x1  }
0x57: {  	v3 =	vadd.s32 v1, v3;
	_ =	sdelay $0x1  }
0x58: {  	s5 =	rddreg [dreg:$0x9]  }
0x59: {  	[tilespmem:s5], [sflag:$0x1] =	stream.indirect_vreg.gather [hbm4b:s4+s3], $0x80, v4, vm0, $0xb8;
	[tilespmem:$0x17C00] =	vst v63  }
0x5a: {  	s6 =	rddreg [dreg:$0xa]  }
0x5b: {  	[tilespmem:s6], [sflag:$0x1] =	stream.indirect_vreg.gather [hbm4b:s4+s3], $0x80, v3, vm0, $0xb8;
	[tilespmem:$0x17C00] =	vst v63  }
0x5c: {  	v3 =	vld [tilespmem:s8+$0x40];
	_ =	sdelay $0x4  }
0x5d: {  	v52 =	vshll.u32 v3, $0x1  }
0x5e: {  	v3 =	vand.u32 $0x7, v3;
	v4 =	vand.u32 $0xFFFFFFF0, v52  }
0x5f: {  	v3 =	vor.u32 v3, v4  }
0x60: {  	v4 =	vperm.xlane v3, v0;
	_ =	sdelay $0x1  }
0x61: {  	v3 =	vperm.xlane v3, v2;
	v4 =	vadd.s32 v1, v4;
	_ =	sdelay $0x1  }
0x62: {  	v3 =	vadd.s32 v1, v3;
	_ =	sdelay $0x1  }
0x63: {  	s5 =	rddreg [dreg:$0xb]  }
0x64: {  	[tilespmem:s5], [sflag:$0x1] =	stream.indirect_vreg.gather [hbm4b:s4+s3], $0x80, v4, vm0, $0xb8;
	[tilespmem:$0x17C00] =	vst v63  }
0x65: {  	s6 =	rddreg [dreg:$0xc]  }
0x66: {  	[tilespmem:s6], [sflag:$0x1] =	stream.indirect_vreg.gather [hbm4b:s4+s3], $0x80, v3, vm0, $0xb8;
	[tilespmem:$0x17C00] =	vst v63  }
0x67: {  	v3 =	vld [tilespmem:s8+$0x50];
	_ =	sdelay $0x4  }
0x68: {  	v53 =	vshll.u32 v3, $0x1  }
0x69: {  	v3 =	vand.u32 $0x7, v3;
	v4 =	vand.u32 $0xFFFFFFF0, v53  }
0x6a: {  	v3 =	vor.u32 v3, v4  }
0x6b: {  	v4 =	vperm.xlane v3, v0;
	_ =	sdelay $0x1  }
0x6c: {  	v3 =	vperm.xlane v3, v2;
	v4 =	vadd.s32 v1, v4;
	_ =	sdelay $0x1  }
0x6d: {  	v3 =	vadd.s32 v1, v3;
	_ =	sdelay $0x1  }
0x6e: {  	s5 =	rddreg [dreg:$0xd]  }
0x6f: {  	[tilespmem:s5], [sflag:$0x1] =	stream.indirect_vreg.gather [hbm4b:s4+s3], $0x80, v4, vm0, $0xb8;
	[tilespmem:$0x17C00] =	vst v63  }
0x70: {  	s6 =	rddreg [dreg:$0xe]  }
0x71: {  	[tilespmem:s6], [sflag:$0x1] =	stream.indirect_vreg.gather [hbm4b:s4+s3], $0x80, v3, vm0, $0xb8;
	[tilespmem:$0x17C00] =	vst v63  }
0x72: {  	v3 =	vld [tilespmem:s8+$0x60];
	_ =	sdelay $0x4  }
0x73: {  	v54 =	vshll.u32 v3, $0x1  }
0x74: {  	v3 =	vand.u32 $0x7, v3;
	v4 =	vand.u32 $0xFFFFFFF0, v54  }
0x75: {  	v3 =	vor.u32 v3, v4  }
0x76: {  	v4 =	vperm.xlane v3, v0;
	_ =	sdelay $0x1  }
0x77: {  	v3 =	vperm.xlane v3, v2;
	v4 =	vadd.s32 v1, v4;
	_ =	sdelay $0x1  }
0x78: {  	v3 =	vadd.s32 v1, v3;
	_ =	sdelay $0x1  }
0x79: {  	s5 =	rddreg [dreg:$0xf]  }
0x7a: {  	[tilespmem:s5], [sflag:$0x1] =	stream.indirect_vreg.gather [hbm4b:s4+s3], $0x80, v4, vm0, $0xb8;
	[tilespmem:$0x17C00] =	vst v63  }
0x7b: {  	s6 =	rddreg [dreg:$0x10]  }
0x7c: {  	[tilespmem:s6], [sflag:$0x1] =	stream.indirect_vreg.gather [hbm4b:s4+s3], $0x80, v3, vm0, $0xb8;
	[tilespmem:$0x17C00] =	vst v63  }
0x7d: {  	v3 =	vld [tilespmem:s8+$0x70];
	_ =	sdelay $0x4  }
0x7e: {  	v55 =	vshll.u32 v3, $0x1  }
0x7f: {  	v3 =	vand.u32 $0x7, v3;
	v4 =	vand.u32 $0xFFFFFFF0, v55  }
0x80: {  	v3 =	vor.u32 v3, v4  }
0x81: {  	v4 =	vperm.xlane v3, v0;
	_ =	sdelay $0x1  }
0x82: {  	v3 =	vperm.xlane v3, v2;
	v4 =	vadd.s32 v1, v4;
	_ =	sdelay $0x1  }
0x83: {  	v3 =	vadd.s32 v1, v3;
	_ =	sdelay $0x1  }
0x84: {  	s5 =	rddreg [dreg:$0x11]  }
0x85: {  	[tilespmem:s5], [sflag:$0x1] =	stream.indirect_vreg.gather [hbm4b:s4+s3], $0x80, v4, vm0, $0xb8;
	[tilespmem:$0x17C00] =	vst v63  }
0x86: {  	s6 =	rddreg [dreg:$0x12]  }
0x87: {  	[tilespmem:s6], [sflag:$0x1] =	stream.indirect_vreg.gather [hbm4b:s4+s3], $0x80, v3, vm0, $0xb8;
	[tilespmem:$0x17C00] =	vst v63  }
0x88: {  	v3 =	vld [tilespmem:s8+$0x1400];
	_ =	sdelay $0x4  }
0x89: {  	v56 =	vshll.u32 v3, $0x1  }
0x8a: {  	v3 =	vand.u32 $0x7, v3;
	v4 =	vand.u32 $0xFFFFFFF0, v56  }
0x8b: {  	v3 =	vor.u32 v3, v4  }
0x8c: {  	v4 =	vperm.xlane v3, v0;
	_ =	sdelay $0x1  }
0x8d: {  	v3 =	vperm.xlane v3, v2;
	v4 =	vadd.s32 v1, v4;
	_ =	sdelay $0x1  }
0x8e: {  	v3 =	vadd.s32 v1, v3;
	_ =	sdelay $0x2  }
0x8f: {  	[tilespmem:s16], [sflag:$0x2] =	stream.indirect_vreg.gather [hbm4b:s2+s3], $0x80, v4, vm0, $0xb8;
	[tilespmem:$0x17C00] =	vst v63  }
0x90: {  	s6 =	rddreg [dreg:$0x13]  }
0x91: {  	[tilespmem:s6], [sflag:$0x2] =	stream.indirect_vreg.gather [hbm4b:s2+s3], $0x80, v3, vm0, $0xb8;
	[tilespmem:$0x17C00] =	vst v63  }
0x92: {  	v3 =	vld [tilespmem:s8+$0x1410];
	_ =	sdelay $0x4  }
0x93: {  	v57 =	vshll.u32 v3, $0x1  }
0x94: {  	v3 =	vand.u32 $0x7, v3;
	v4 =	vand.u32 $0xFFFFFFF0, v57  }
0x95: {  	v3 =	vor.u32 v3, v4  }
0x96: {  	v4 =	vperm.xlane v3, v0;
	_ =	sdelay $0x1  }
0x97: {  	v3 =	vperm.xlane v3, v2;
	v4 =	vadd.s32 v1, v4;
	_ =	sdelay $0x1  }
0x98: {  	v3 =	vadd.s32 v1, v3;
	_ =	sdelay $0x1  }
0x99: {  	s5 =	rddreg [dreg:$0x14]  }
0x9a: {  	[tilespmem:s5], [sflag:$0x2] =	stream.indirect_vreg.gather [hbm4b:s2+s3], $0x80, v4, vm0, $0xb8;
	[tilespmem:$0x17C00] =	vst v63  }
0x9b: {  	s6 =	rddreg [dreg:$0x15]  }
0x9c: {  	[tilespmem:s6], [sflag:$0x2] =	stream.indirect_vreg.gather [hbm4b:s2+s3], $0x80, v3, vm0, $0xb8;
	[tilespmem:$0x17C00] =	vst v63  }
0x9d: {  	v3 =	vld [tilespmem:s8+$0x1420];
	_ =	sdelay $0x4  }
0x9e: {  	v58 =	vshll.u32 v3, $0x1  }
0x9f: {  	v3 =	vand.u32 $0x7, v3;
	v4 =	vand.u32 $0xFFFFFFF0, v58  }
0xa0: {  	v3 =	vor.u32 v3, v4  }
0xa1: {  	v4 =	vperm.xlane v3, v0;
	_ =	sdelay $0x1  }
0xa2: {  	v3 =	vperm.xlane v3, v2;
	v4 =	vadd.s32 v1, v4;
	_ =	sdelay $0x1  }
0xa3: {  	v3 =	vadd.s32 v1, v3;
	_ =	sdelay $0x1  }
0xa4: {  	s6 =	rddreg [dreg:$0x16]  }
0xa5: {  	[tilespmem:s6], [sflag:$0x2] =	stream.indirect_vreg.gather [hbm4b:s2+s3], $0x80, v4, vm0, $0xb8;
	[tilespmem:$0x17C00] =	vst v63  }
0xa6: {  	_ = 	snop  }
0xa7: {  	[tilespmem:s17], [sflag:$0x2] =	stream.indirect_vreg.gather [hbm4b:s2+s3], $0x80, v3, vm0, $0xb8;
	[tilespmem:$0x17C00] =	vst v63  }
0xa8: {  	v3 =	vld [tilespmem:s8+$0x1430];
	_ =	sdelay $0x4  }
0xa9: {  	v59 =	vshll.u32 v3, $0x1  }
0xaa: {  	v3 =	vand.u32 $0x7, v3;
	v4 =	vand.u32 $0xFFFFFFF0, v59  }
0xab: {  	v3 =	vor.u32 v3, v4  }
0xac: {  	v4 =	vperm.xlane v3, v0;
	_ =	sdelay $0x1  }
0xad: {  	v3 =	vperm.xlane v3, v2;
	v4 =	vadd.s32 v1, v4;
	_ =	sdelay $0x1  }
0xae: {  	v3 =	vadd.s32 v1, v3;
	_ =	sdelay $0x2  }
0xaf: {  	[tilespmem:s18], [sflag:$0x2] =	stream.indirect_vreg.gather [hbm4b:s2+s3], $0x80, v4, vm0, $0xb8;
	[tilespmem:$0x17C00] =	vst v63  }
0xb0: {  	_ = 	snop  }
0xb1: {  	[tilespmem:s19], [sflag:$0x2] =	stream.indirect_vreg.gather [hbm4b:s2+s3], $0x80, v3, vm0, $0xb8;
	[tilespmem:$0x17C00] =	vst v63  }
0xb2: {  	v3 =	vld [tilespmem:s8+$0x1440];
	_ =	sdelay $0x4  }
0xb3: {  	v60 =	vshll.u32 v3, $0x1  }
0xb4: {  	v3 =	vand.u32 $0x7, v3;
	v4 =	vand.u32 $0xFFFFFFF0, v60  }
0xb5: {  	v3 =	vor.u32 v3, v4  }
0xb6: {  	v4 =	vperm.xlane v3, v0;
	_ =	sdelay $0x1  }
0xb7: {  	v3 =	vperm.xlane v3, v2;
	v4 =	vadd.s32 v1, v4;
	_ =	sdelay $0x1  }
0xb8: {  	v3 =	vadd.s32 v1, v3;
	_ =	sdelay $0x2  }
0xb9: {  	[tilespmem:s20], [sflag:$0x2] =	stream.indirect_vreg.gather [hbm4b:s2+s3], $0x80, v4, vm0, $0xb8;
	[tilespmem:$0x17C00] =	vst v63  }
0xba: {  	_ = 	snop  }
0xbb: {  	[tilespmem:s21], [sflag:$0x2] =	stream.indirect_vreg.gather [hbm4b:s2+s3], $0x80, v3, vm0, $0xb8;
	[tilespmem:$0x17C00] =	vst v63  }
0xbc: {  	v3 =	vld [tilespmem:s8+$0x1450];
	_ =	sdelay $0x4  }
0xbd: {  	v61 =	vshll.u32 v3, $0x1  }
0xbe: {  	v3 =	vand.u32 $0x7, v3;
	v4 =	vand.u32 $0xFFFFFFF0, v61  }
0xbf: {  	v3 =	vor.u32 v3, v4  }
0xc0: {  	v4 =	vperm.xlane v3, v0;
	_ =	sdelay $0x1  }
0xc1: {  	v3 =	vperm.xlane v3, v2;
	v4 =	vadd.s32 v1, v4;
	_ =	sdelay $0x1  }
0xc2: {  	v3 =	vadd.s32 v1, v3;
	_ =	sdelay $0x2  }
0xc3: {  	[tilespmem:s22], [sflag:$0x2] =	stream.indirect_vreg.gather [hbm4b:s2+s3], $0x80, v4, vm0, $0xb8;
	[tilespmem:$0x17C00] =	vst v63  }
0xc4: {  	_ = 	snop  }
0xc5: {  	[tilespmem:s23], [sflag:$0x2] =	stream.indirect_vreg.gather [hbm4b:s2+s3], $0x80, v3, vm0, $0xb8;
	[tilespmem:$0x17C00] =	vst v63  }
0xc6: {  	v3 =	vld [tilespmem:s8+$0x1460];
	_ =	sdelay $0x4  }
0xc7: {  	v62 =	vshll.u32 v3, $0x1  }
0xc8: {  	v3 =	vand.u32 $0x7, v3;
	v4 =	vand.u32 $0xFFFFFFF0, v62  }
0xc9: {  	v3 =	vor.u32 v3, v4  }
0xca: {  	v4 =	vperm.xlane v3, v0;
	_ =	sdelay $0x1  }
0xcb: {  	v3 =	vperm.xlane v3, v2;
	v4 =	vadd.s32 v1, v4;
	_ =	sdelay $0x1  }
0xcc: {  	v3 =	vadd.s32 v1, v3;
	_ =	sdelay $0x2  }
0xcd: {  	[tilespmem:s24], [sflag:$0x2] =	stream.indirect_vreg.gather [hbm4b:s2+s3], $0x80, v4, vm0, $0xb8;
	[tilespmem:$0x17C00] =	vst v63  }
0xce: {  	_ = 	snop  }
0xcf: {  	[tilespmem:s25], [sflag:$0x2] =	stream.indirect_vreg.gather [hbm4b:s2+s3], $0x80, v3, vm0, $0xb8;
	[tilespmem:$0x17C00] =	vst v63  }
0xd0: {  	v3 =	vld [tilespmem:s8+$0x1470];
	_ =	sdelay $0x4  }
0xd1: {  	v63 =	vshll.u32 v3, $0x1  }
0xd2: {  	v3 =	vand.u32 $0x7, v3;
	v4 =	vand.u32 $0xFFFFFFF0, v63  }
0xd3: {  	v3 =	vor.u32 v3, v4  }
0xd4: {  	v4 =	vperm.xlane v3, v0;
	_ =	sdelay $0x1  }
0xd5: {  	v3 =	vperm.xlane v3, v2;
	v4 =	vadd.s32 v1, v4;
	_ =	sdelay $0x1  }
0xd6: {  	v3 =	vadd.s32 v1, v3;
	_ =	sdelay $0x2  }
0xd7: {  	[tilespmem:s26], [sflag:$0x2] =	stream.indirect_vreg.gather [hbm4b:s2+s3], $0x80, v4, vm0, $0xb8;
	[tilespmem:$0x17C00] =	vst v63  }
0xd8: {  	_ = 	snop  }
0xd9: {  	[tilespmem:s28], [sflag:$0x2] =	stream.indirect_vreg.gather [hbm4b:s2+s3], $0x80, v3, vm0, $0xb8;
	[tilespmem:$0x17C00] =	vst v63  }
0xda: {  	s6 =	rddreg [dreg:$0x3];
	s8 =	sadd.s32 $0x2800, s8  }
0xdb: {  	[tilespmem:s30], [sflag:$0x3] =	stream.indirect.gather [hbm4b:s6+s29], $0x80, s8, s29, $0xb8;
	[tilespmem:$0x17C00] =	vst v63  }
0xdc: {  	_ =	swait.ge [sflag:s31], $0x8000  }
0xdd: {  	[sflag:s31] =	ssyncset.done $0x0  }
0xde: {  	[sflag:s31] =	ssyncadd.s32 $0xFFFF8000  }
0xdf: {  	_ =	swait.ge [sflag:s0], $0x8000  }
0xe0: {  	[sflag:s0] =	ssyncset.done $0x0  }
0xe1: {  	[sflag:s0] =	ssyncadd.s32 $0xFFFF8000  }
0xe2: {  	_ =	swait.ge [sflag:s1], $0x4000  }
0xe3: {  	[sflag:s1] =	ssyncset.done $0x0  }
0xe4: {  	[sflag:s1] =	ssyncadd.s32 $0xFFFFC000  }
0xe5: {  	[hbm4b:s10+s3] =	stream.linear.scatter [tilespmem:s15], [sflag:$0x4], $0x8000, $0x38;
	[tilespmem:$0x17C00] =	vst v63  }
0xe6: {  	_ =	swait.ge [sflag:s12], $0x8000  }
0xe7: {  	[sflag:s12] =	ssyncset.done $0x0  }
0xe8: {  	[sflag:s12] =	ssyncadd.s32 $0xFFFF8000  }
0xe9: {  	[hbm4b:s9+s3] =	stream.linear.scatter [tilespmem:s16], [sflag:$0x4], $0x8000, $0x38;
	[tilespmem:$0x17C00] =	vst v63  }
0xea: {  	_ =	swait.ge [sflag:s12], $0x8000  }
0xeb: {  	p0 =	sne.s32 s7, $0x4E00;
	[sflag:s12] =	ssyncset.done $0x0  }
.Ltmp0:
0xec: {  	[sflag:s12] =	ssyncadd.s32 $0xFFFF8000;
	(pc) =	sbr.rel @p0 .LBB2_2-.Ltmp0, $4  }
0xed: {  	[hbm4b:s11+s3] =	stream.linear.scatter [tilespmem:s30], [sflag:$0x4], $0x4000, $0x38;
	[tilespmem:$0x17C00] =	vst v63  }
0xee: {  	_ =	swait.ge [sflag:s12], $0x4000  }
0xef: {  	s7 =	sadd.s32 $0x200, s7;
	s10 =	sadd.s32 $0x1000, s10;
	[sflag:s12] =	ssyncset.done $0x0  }
0xf0: {  	s9 =	sadd.s32 $0x1000, s9;
	s11 =	sadd.s32 $0x800, s11;
	[sflag:s12] =	ssyncadd.s32 $0xFFFFC000  }
0xf1: {  	s13 =	sadd.s32 $0x1, s13;
	s5 =	rddreg [dreg:$0x1a]  }
0xf2: {  	p0 =	sne.s32 s13, s5  }
.Ltmp1:
0xf3: {  	_ = 	snop;
	(pc) =	sbr.rel @p0 .LBB2_1-.Ltmp1, $1  }
0xf4: {  	_ =	sdelay $0x3  }
0xf5: {  	_ =	sfence.sel $0x180000  }
0xf6: {  	[bflag:$0x0] =	sbarrier.arrive $0xFFFF  }
0xf7: {  	_ =	strace $0x90000047  }
0xf8: {  	s0 =	stileid.u32;
	[bflag:$0x2] =	sbarrier.arrive $0xFFFF  }
0xf9: {  	p0 =	sne.s32 s0, $0x0;
	s0 =	rddreg [dreg:$0x2]  }
0xfa: {  	s0 =	sadd.s32 @!p0 $0x100000, s0  }
0xfb: {  	[sflag:s0] =	ssyncadd.tile.s32 @!p0 $0x1;
	_ =	shalt  }
.Lfunc_end2:
_tile_overlayer_lowered:
.L_overlay_start_2:
0xfc: {  	(tag) =	ssettag $0x2  }
0xfd: {  	s0 =	rddreg [dreg:$0x0];
	s2 =	stileid.u32  }
0xfe: {  	s1 =	rddreg [dreg:$0x1];
	p0 =	sne.s32 s2, $0x0  }
0xff: {  	s3 =	rddreg [dreg:$0x2];
	[bflag:$0x3] =	sbarrier.arrive $0xFFFF;
	s2 =	simm.s32 @!p0 $0x1C04  }
0x100: {  	[timem:s3], [sflag:s2] =	dma.local @!p0 [hbm:s0], s1  }
0x101: {  	s0 =	simm.s32 @!p0 $0x4  }
0x102: {  	_ =	swait.ge @!p0 [sflag:s0], s1  }
0x103: {  	s1 =	ssub.s32 @!p0 $0x0, s1;
	[sflag:s0] =	ssyncset.done @!p0 $0x0  }
0x104: {  	[sflag:s0] =	ssyncadd.s32 @!p0 s1  }
0x105: {  	[bflag:$0x3] =	sbarrier.arrive $0xFFFF  }
0x106: {  	_ =	shalt  }

// kernel: kernel.18.cloned.1.call-start
scs
__scs_entry_jumppad:
0x0: {  	(pc) =	sbr.rel $0x88, $3  }
0x1: {  	(tag) =	ssettag $0x0;
	lr =	simm.s32 $0x1  }
0x2: {  	[smem:$0x3F8C] =	sst lr;
	_ =	strace $0xD0000000  }
0x3: {  	_ = 	snop  }
0x4: {  	_ = 	snop  }
0x5: {  	_ = 	snop  }
0x6: {  	_ = 	snop  }
0x7: {  	_ = 	snop  }
__scs_overlays_trampoline_lowered:
0x8: {  	[smem:$0x3F9B] =	sst s0  }
0x9: {  	[smem:$0x3F9C] =	sst s1  }
0xa: {  	[smem:$0x3F9D] =	sst s2  }
0xb: {  	[smem:$0x3F9E] =	sst s3  }
0xc: {  	[smem:$0x3F9F] =	sst s4  }
0xd: {  	[smem:$0x3FA0] =	sst s5  }
0xe: {  	[smem:$0x3FA1] =	sst s6  }
0xf: {  	[smem:$0x3FA2] =	sst s7  }
0x10: {  	[smem:$0x3FA3] =	sst s8  }
0x11: {  	[smem:$0x3FA4] =	sst s9;
	s0 =	simm.s32 @!p0 $0x0  }
0x12: {  	s1 =	sld [smem:$0x3F8A];
	s0 =	simm.s32 @p0 $0x1  }
0x13: {  	[smem:$0x3FA5] =	sst s0;
	s0 =	simm.s32 @!p1 $0x0  }
0x14: {  	s2 =	sld [smem:$0x3F89];
	s0 =	simm.s32 @p1 $0x1  }
0x15: {  	[smem:$0x3FA6] =	sst s0;
	s0 =	simm.s32 @!p2 $0x0  }
0x16: {  	s3 =	sld [smem:$0x3FDB];
	s0 =	simm.s32 @p2 $0x1  }
0x17: {  	s4 =	simm.s32 $0x1BF5;
	[smem:$0x3FA8] =	sst s0  }
0x18: {  	s0 =	sld [smem:$0x3F8B];
	_ =	swait.ge [sflag:s4], $0x0  }
0x19: {  	s7 =	sld [smem:$0x3F8C]  }
0x1a: {  	s8 =	sadd.s32 $0xFFFFE003, lr  }
0x1b: {  	s9 =	sadd.s32 $0xFFFFFEF7, lr;
	s5 =	simm.s32 $0xFFFFFFFF;
	p2 =	slt.u32 s8, $0xFFFFF086  }
0x1c: {  	p1 =	slt.u32 s9, $0xF7A;
	s5 =	simm.s32 @!p2 $0x0  }
0x1d: {  	s5 =	simm.s32 @p1 $0x1;
	p0 =	seq.s32 s7, s2  }
0x1e: {  	s7 =	smul.u32 @!p0 $0xF7A, s2;
	p2 =	seq.s32 @!p0 s5, $0x0  }
0x1f: {  	s9 =	smul.u32 $0xF7A, s1;
	s8 =	simm.s32 @!p0 $0x1BF5;
	p2 =	por !p2, p0  }
0x20: {  	[sflag:s8] =	ssyncset.s32 @!p0 $0xFFFFF086;
	s6 =	sadd.s32 @!p0 s3, s7;
	s7 =	simm.s32 @!p0 $0x108  }
0x21: {  	s3 =	sadd.s32 s3, s9;
	s6 =	sadd.s32 @!p0 $0x88, s6;
	s7 =	simm.s32 @p2 $0x1082  }
0x22: {  	[simem:s7], [sflag:s8] =	dma.local @!p0 [hbm:s6], $0xF7A  }
0x23: {  	s9 =	sor.u32 $0xD0000000, s2;
	s6 =	simm.s32 $0x108;
	_ =	swait.ge @!p0 [sflag:s8], $0x0  }
0x24: {  	s3 =	sadd.s32 $0x88, s3;
	s6 =	simm.s32 @!p1 $0x1082;
	[sflag:s4] =	ssyncset.s32 $0xFFFFF086  }
0x25: {  	[simem:s6], [sflag:s4] =	dma.local [hbm:s3], $0xF7A  }
0x26: {  	[smem:$0x3F8C] =	sst s1;
	(tag) =	ssettag s2;
	_ =	strace s9  }
0x27: {  	s1 =	sld [smem:$0x3F9C]  }
0x28: {  	s2 =	sld [smem:$0x3F9D]  }
0x29: {  	s4 =	sld [smem:$0x3F9F]  }
0x2a: {  	p0 =	seq.s32 s5, $0x0;
	s5 =	sld [smem:$0x3FA0]  }
0x2b: {  	s6 =	sld [smem:$0x3FA1]  }
0x2c: {  	s7 =	sld [smem:$0x3FA2]  }
0x2d: {  	s3 =	simm.s32 $0x108;
	s8 =	sld [smem:$0x3FA3]  }
0x2e: {  	s3 =	simm.s32 @!p0 $0x1082;
	s9 =	sld [smem:$0x3FA4]  }
0x2f: {  	lr =	sadd.s32 s0, s3;
	s0 =	sld [smem:$0x3F9B]  }
0x30: {  	s3 =	sld [smem:$0x3F9E]  }
0x31: {  	[smem:$0x3FA7] =	sst s10  }
0x32: {  	s10 =	sld [smem:$0x3FA5];
	_ =	sdelay $0x3  }
0x33: {  	p0 =	seq.s32 s10, $0x1;
	s10 =	sld [smem:$0x3FA7];
	_ =	sdelay $0x3  }
0x34: {  	[smem:$0x3FA7] =	sst s10  }
0x35: {  	s10 =	sld [smem:$0x3FA6];
	_ =	sdelay $0x3  }
0x36: {  	p1 =	seq.s32 s10, $0x1;
	s10 =	sld [smem:$0x3FA7];
	_ =	sdelay $0x3  }
0x37: {  	[smem:$0x3FA7] =	sst s10  }
0x38: {  	s10 =	sld [smem:$0x3FA8]  }
0x39: {  	_ = 	snop;
	(pc) =	sbr.ind lr, $3  }
0x3a: {  	_ = 	snop  }
0x3b: {  	_ = 	snop  }
0x3c: {  	p2 =	seq.s32 s10, $0x1;
	s10 =	sld [smem:$0x3FA7]  }
0x3d: {  	_ =	shalt  }
0x3e: {  	_ =	shalt  }
0x3f: {  	_ =	shalt  }
0x40: {  	_ =	shalt  }
0x41: {  	_ =	shalt  }
0x42: {  	_ =	shalt  }
0x43: {  	_ =	shalt  }
0x44: {  	_ =	shalt  }
0x45: {  	_ =	shalt  }
0x46: {  	_ =	shalt  }
0x47: {  	_ =	shalt  }
0x48: {  	_ =	shalt  }
0x49: {  	_ =	shalt  }
0x4a: {  	_ =	shalt  }
0x4b: {  	_ =	shalt  }
0x4c: {  	_ =	shalt  }
0x4d: {  	_ =	shalt  }
0x4e: {  	_ =	shalt  }
0x4f: {  	_ =	shalt  }
0x50: {  	_ =	shalt  }
0x51: {  	_ =	shalt  }
0x52: {  	_ =	shalt  }
0x53: {  	_ =	shalt  }
0x54: {  	_ =	shalt  }
0x55: {  	_ =	shalt  }
0x56: {  	_ =	shalt  }
0x57: {  	_ =	shalt  }
0x58: {  	_ =	shalt  }
0x59: {  	_ =	shalt  }
0x5a: {  	_ =	shalt  }
0x5b: {  	_ =	shalt  }
0x5c: {  	_ =	shalt  }
0x5d: {  	_ =	shalt  }
0x5e: {  	_ =	shalt  }
0x5f: {  	_ =	shalt  }
0x60: {  	_ =	shalt  }
0x61: {  	_ =	shalt  }
0x62: {  	_ =	shalt  }
0x63: {  	_ =	shalt  }
0x64: {  	_ =	shalt  }
0x65: {  	_ =	shalt  }
0x66: {  	_ =	shalt  }
0x67: {  	_ =	shalt  }
0x68: {  	_ =	shalt  }
0x69: {  	_ =	shalt  }
0x6a: {  	_ =	shalt  }
0x6b: {  	_ =	shalt  }
0x6c: {  	_ =	shalt  }
0x6d: {  	_ =	shalt  }
0x6e: {  	_ =	shalt  }
0x6f: {  	_ =	shalt  }
0x70: {  	_ =	shalt  }
0x71: {  	_ =	shalt  }
0x72: {  	_ =	shalt  }
0x73: {  	_ =	shalt  }
0x74: {  	_ =	shalt  }
0x75: {  	_ =	shalt  }
0x76: {  	_ =	shalt  }
0x77: {  	_ =	shalt  }
0x78: {  	_ =	shalt  }
0x79: {  	_ =	shalt  }
0x7a: {  	_ =	shalt  }
0x7b: {  	_ =	shalt  }
0x7c: {  	_ =	shalt  }
0x7d: {  	_ =	shalt  }
0x7e: {  	_ =	shalt  }
0x7f: {  	_ =	shalt  }
0x80: {  	_ =	shalt  }
0x81: {  	_ =	shalt  }
0x82: {  	_ =	shalt  }
0x83: {  	_ =	shalt  }
0x84: {  	_ =	shalt  }
0x85: {  	_ =	shalt  }
0x86: {  	_ =	shalt  }
0x87: {  	_ =	shalt  }
.Lfunc_end0:
.L_simem_size_0:
called_computation.1_lowered:
.L_overlay_start_0:
0x88: {  	s2 =	sld [smem:$0x3FD9]  }
0x89: {  	s3 =	sld [smem:$0x3FFE];
	_ =	sdelay $0x1  }
0x8a: {  	s1 =	srdreg.scid  }
0x8b: {  	s0 =	sand.u32 $0x1, s1  }
0x8c: {  	s16 =	sshll.u32 s0, $0xA;
	s2 =	sadd.s32 s3, s2  }
0x8d: {  	s2 =	sadd.s32 s2, s16  }
0x8e: {  	[smem:$0x3FB3] =	sst s2  }
0x8f: {  	_ = 	snop  }
0x90: {  	(tm) =	ssettm $0x1  }
0x91: {  	s17 =	sld [smem:$0x3FFB];
	_ =	sdelay $0x3  }
0x92: {  	_ =	strace s17  }
0x93: {  	s2 =	sld [smem:$0x3FFC];
	_ =	sdelay $0x3  }
0x94: {  	_ =	strace s2  }
0x95: {  	s2 =	sld [smem:$0x3FFD];
	_ =	sdelay $0x3  }
0x96: {  	_ =	strace s2  }
0x97: {  	_ =	strace $0x8FFFFFFF  }
0x98: {  	s18 =	sld [smem:$0x3FDB];
	_ =	sdelay $0x1  }
0x99: {  	s19 =	simm.s32 $_scs_section_size  }
0x9a: {  	s4 =	simm.s32 $_size__tile_overlayer_lowered;
	s5 =	simm.s32 $_tile_overlayer_lowered  }
0x9b: {  	s22 =	simm.s32 $0x1BFF;
	s21 =	sshll.u32 s5, $0x1;
	s2 =	sadd.s32 s19, s18  }
0x9c: {  	s6 =	simm.s32 $0x0;
	s20 =	sshll.u32 s4, $0x1;
	s4 =	sadd.s32 s21, s2  }
0x9d: {  	[timem:s6], [sflag:s22] =	dma.local [hbm:s4], s20  }
0x9e: {  	_ =	swait.ge [sflag:s22], s20  }
0x9f: {  	s3 =	ssub.s32 $0x0, s20;
	[sflag:s22] =	ssyncset.done $0x0  }
0xa0: {  	[sflag:s22] =	ssyncadd.s32 s3;
	_ =	sdelay $0x1  }
0xa1: {  	s23 =	simm.s32 $0x1B8B  }
0xa2: {  	_ =	swait.ge [sflag:s23], $0x1  }
0xa3: {  	[sflag:s23] =	ssyncset.done $0x0  }
0xa4: {  	s25 =	simm.s32 $0x1B8E;
	s24 =	sld [smem:$0x3FFE];
	[sflag:s23] =	ssyncadd.s32 $0xFFFFFFFF  }
0xa5: {  	s26 =	simm.s32 $execute0_lowered;
	[smem:$0x3FD2] =	sst s25  }
0xa6: {  	s4 =	sshll.u32 s26, $0x1;
	_ =	strace $0x80000049;
	[dreg:$0x1] =	wrdreg $0xFFFFFFFF  }
0xa7: {  	s28 =	simm.s32 $_size_execute0_lowered;
	s2 =	sadd.s32 s2, s4;
	[dreg:$0x0] =	wrdreg $0x0  }
0xa8: {  	s4 =	sshll.u32 s28, $0x1;
	[dreg:$0x2] =	wrdreg s2  }
0xa9: {  	[dreg:$0x3] =	wrdreg s4  }
0xaa: {  	[dreg:$0x4] =	wrdreg $0xC0  }
0xab: {  	_ =	task [dreg:s6], $0x5FFFF  }
0xac: {  	[dreg:$0x1] =	wrdreg $0xFFFFFFFF  }
0xad: {  	[dreg:$0x0] =	wrdreg $0x60  }
0xae: {  	[dreg:$0x2] =	wrdreg s24  }
0xaf: {  	[dreg:$0x3] =	wrdreg $0xA8000  }
0xb0: {  	[dreg:$0x4] =	wrdreg $0x1E8000  }
0xb1: {  	[dreg:$0x5] =	wrdreg $0x9  }
0xb2: {  	_ =	task.clear_ibuf [dreg:s6], $0x6FFFF;
	_ =	strace $0x90000049  }
0xb3: {  	s29 =	simm.s32 $0x9;
	_ =	strace $0x8000004B  }
0xb4: {  	_ =	swait.ge [sflag:s29], $0x1  }
0xb5: {  	[sflag:s29] =	ssyncadd.s32 $0xFFFFFFFF  }
0xb6: {  	_ =	strace $0x9000004B  }
0xb7: {  	_ =	sfence  }
0xb8: {  	s30 =	sld [smem:$0x0];
	_ =	sdelay $0x2  }
0xb9: {  	s31 =	sshll.u32 s1, $0xD;
	s1 =	sshrl.u32 s1, $0x2  }
0xba: {  	s3 =	sand.u32 $0x4000, s31;
	s1 =	sadd.s32 s1, s30  }
0xbb: {  	s0 =	sor.u32 s3, s0;
	s1 =	sshll.u32 s1, $0x11  }
0xbc: {  	s0 =	sor.u32 s1, s0  }
0xbd: {  	s0 =	sadd.s32 $0x8F2B, s0  }
0xbe: {  	[sflag:s0] =	ssyncadd.remote.s32 $0x1  }
0xbf: {  	_ =	sfence.sel $0xFFFF  }
0xc0: {  	[dreg:$0x0] =	wrdreg $0xFFFFFFFF;
	(pc) =	sbr.abs _section_cstart, $3  }
0xc1: {  	[dreg:$0x1] =	wrdreg $0xFFFFFFFF  }
0xc2: {  	_ =	task.clear_ibuf [dreg:s6], $0x2FFFF;
	_ =	strace $0x9FFFFFFF  }
0xc3: {  	(tm) =	ssettm $0x7FFFFFFF  }
tec
execute0_lowered:
.L_overlay_start_1:
0x0: {  	(tag) =	ssettag $0x1  }
0x1: {  	s18 =	stileid.u32  }
0x2: {  	s0 =	srdreg.scid;
	s5 =	rddreg [dreg:$0x0]  }
0x3: {  	s2 =	rddreg [dreg:$0x1];
	s6 =	smul.u32 $0x28000, s18  }
0x4: {  	s3 =	rddreg [dreg:$0x2];
	s7 =	smul.u32 $0x1400, s18  }
0x5: {  	s4 =	simm.s32 $0x0;
	s29 =	simm.s32 $0x2800;
	s11 =	smul.u32 $0x280, s18  }
0x6: {  	s30 =	simm.s32 $0x1;
	s31 =	simm.s32 $0x6800;
	s20 =	smul.u32 $0x2800, s18  }
0x7: {  	s0 =	sand.u32 $0x1, s0;
	s9 =	sadd.s32 $0x2F7400, s5;
	s28 =	smul.u32 $0x14000, s18  }
0x8: {  	s1 =	sshll.u32 s18, $0x1;
	s14 =	sadd.s32 $0x326C00, s5;
	s15 =	smul.u32 $0x14000, s0  }
0x9: {  	s1 =	sor.u32 s0, s1;
	s19 =	ssub.s32 $0x2, s0;
	s0 =	smul.u32 $0x140000, s0  }
0xa: {  	[smem:$0x7FF] =	sst s4;
	s1 =	smul.u32 $0x1400, s1;
	s6 =	sadd.s32 s6, s5  }
0xb: {  	s8 =	sshrl.u32 s7, $0x3;
	s10 =	sshrl.u32 s19, $0x1;
	s21 =	sadd.s32 $0x80, s11  }
0xc: {  	s12 =	sadd.s32 $0x100, s11;
	s24 =	sadd.s32 $0x180, s11;
	s11 =	sadd.s32 $0x200, s11  }
0xd: {  	s16 =	sadd.s32 s8, s5;
	s7 =	sadd.s32 s7, s15;
	s8 =	sadd.s32 s9, s20  }
0xe: {  	s22 =	sshll.u32 s21, $0x4;
	s13 =	sshll.u32 s12, $0x4;
	s25 =	sshll.u32 s24, $0x4  }
0xf: {  	s26 =	sshll.u32 s11, $0x4;
	s24 =	sshll.u32 s24, $0x7;
	s1 =	sshrl.u32 s1, $0x3  }
0x10: {  	s7 =	sshrl.u32 s7, $0x3;
	[dreg:$0x4] =	wrdreg s8;
	s8 =	sadd.s32 s9, s22  }
0x11: {  	s22 =	sshll.u32 s21, $0x7;
	s23 =	sadd.s32 s9, s13;
	s21 =	smul.u32 $0x50000, s18  }
0x12: {  	s1 =	sadd.s32 s1, s5;
	s5 =	sadd.s32 s7, s5;
	[dreg:$0x5] =	wrdreg s8  }
0x13: {  	s7 =	ssub.s32 s19, s10;
	[dreg:$0x6] =	wrdreg s23;
	s23 =	sshll.u32 s12, $0x7  }
0x14: {  	s8 =	sadd.s32 s9, s25;
	s9 =	sadd.s32 s9, s26;
	s25 =	sshll.u32 s11, $0x7  }
0x15: {  	s12 =	sadd.s32 s0, s28;
	s13 =	sadd.s32 s0, s22;
	s19 =	sadd.s32 s0, s24  }
0x16: {  	s26 =	sadd.s32 s15, s6;
	s15 =	sadd.s32 $0x31F400, s16;
	s22 =	sadd.s32 s22, s2  }
0x17: {  	s24 =	sadd.s32 s24, s2;
	[dreg:$0x7] =	wrdreg s8;
	s10 =	sshrl.u32 s12, $0x3  }
0x18: {  	s11 =	sshrl.u32 s13, $0x3;
	s17 =	sadd.s32 s0, s23;
	s0 =	sadd.s32 s0, s25  }
0x19: {  	s13 =	sshrl.u32 s19, $0x3;
	s28 =	sshrl.u32 s21, $0x2;
	s19 =	sadd.s32 $0x321C00, s5  }
0x1a: {  	s21 =	smax.u32 s7, $0x1;
	s23 =	sadd.s32 s23, s2;
	s25 =	sadd.s32 s25, s2  }
0x1b: {  	s6 =	sadd.s32 $0x12A8C00, s26;
	s7 =	sadd.s32 $0x77400, s26;
	s10 =	sadd.s32 s14, s10  }
0x1c: {  	s11 =	sadd.s32 s14, s11;
	s12 =	sshrl.u32 s17, $0x3;
	s0 =	sshrl.u32 s0, $0x3  }
0x1d: {  	s17 =	smul.u32 $0x5000, s18;
	s13 =	sadd.s32 s14, s13;
	_ =	strace $0x8000004A  }
0x1e: {  	s18 =	sadd.s32 $0x61C00, s1;
	s12 =	sadd.s32 s14, s12;
	s14 =	sadd.s32 s14, s0  }
0x1f: {  	s0 =	simm.s32 $0x80;
	s20 =	sshrl.u32 s17, $0x2;
	s17 =	sadd.s32 $0x66C00, s1  }
0x20: {  	s1 =	simm.s32 $0x0;
	s16 =	sadd.s32 s20, s3;
	s20 =	sadd.s32 s28, s2  }
.LBB2_1:
0x21: {  	s5 =	rddreg [dreg:$0x4]  }
0x22: {  	[tilespmem:s29], [sflag:$0x1] =	stream.linear.gather [hbm4b:s5+s4], $0x4000, $0x38;
	[tilespmem:$0x1FC00] =	vst v63  }
0x23: {  	_ =	swait.ge [sflag:s30], $0x4000  }
0x24: {  	[sflag:s30] =	ssyncset.done $0x0  }
0x25: {  	[sflag:s30] =	ssyncadd.s32 $0xFFFFC000  }
0x26: {  	[spmem:s20] =	stream.linear.scatter [tilespmem:s29], [sflag:$0x1], $0x4000, $0x38;
	[tilespmem:$0x1FC00] =	vst v63  }
0x27: {  	_ =	swait.ge [sflag:s30], $0x4000  }
0x28: {  	[sflag:s30] =	ssyncset.done $0x0  }
0x29: {  	s8 =	rddreg [dreg:$0x5];
	[sflag:s30] =	ssyncadd.s32 $0xFFFFC000  }
0x2a: {  	[tilespmem:s29], [sflag:$0x1] =	stream.linear.gather [hbm4b:s8+s4], $0x4000, $0x38;
	[tilespmem:$0x1FC00] =	vst v63  }
0x2b: {  	_ =	swait.ge [sflag:s30], $0x4000  }
0x2c: {  	[sflag:s30] =	ssyncset.done $0x0  }
0x2d: {  	[sflag:s30] =	ssyncadd.s32 $0xFFFFC000  }
0x2e: {  	[spmem:s22] =	stream.linear.scatter [tilespmem:s29], [sflag:$0x1], $0x4000, $0x38;
	[tilespmem:$0x1FC00] =	vst v63  }
0x2f: {  	_ =	swait.ge [sflag:s30], $0x4000  }
0x30: {  	[sflag:s30] =	ssyncset.done $0x0  }
0x31: {  	s26 =	rddreg [dreg:$0x6];
	[sflag:s30] =	ssyncadd.s32 $0xFFFFC000  }
0x32: {  	[tilespmem:s29], [sflag:$0x1] =	stream.linear.gather [hbm4b:s26+s4], $0x4000, $0x38;
	[tilespmem:$0x1FC00] =	vst v63  }
0x33: {  	_ =	swait.ge [sflag:s30], $0x4000  }
0x34: {  	[sflag:s30] =	ssyncset.done $0x0  }
0x35: {  	[sflag:s30] =	ssyncadd.s32 $0xFFFFC000  }
0x36: {  	[spmem:s23] =	stream.linear.scatter [tilespmem:s29], [sflag:$0x1], $0x4000, $0x38;
	[tilespmem:$0x1FC00] =	vst v63  }
0x37: {  	_ =	swait.ge [sflag:s30], $0x4000  }
0x38: {  	[sflag:s30] =	ssyncset.done $0x0  }
0x39: {  	s8 =	rddreg [dreg:$0x7];
	[sflag:s30] =	ssyncadd.s32 $0xFFFFC000  }
0x3a: {  	[tilespmem:s29], [sflag:$0x1] =	stream.linear.gather [hbm4b:s8+s4], $0x4000, $0x38;
	[tilespmem:$0x1FC00] =	vst v63  }
0x3b: {  	_ =	swait.ge [sflag:s30], $0x4000  }
0x3c: {  	[sflag:s30] =	ssyncset.done $0x0  }
0x3d: {  	[sflag:s30] =	ssyncadd.s32 $0xFFFFC000  }
0x3e: {  	[spmem:s24] =	stream.linear.scatter [tilespmem:s29], [sflag:$0x1], $0x4000, $0x38;
	[tilespmem:$0x1FC00] =	vst v63  }
0x3f: {  	_ =	swait.ge [sflag:s30], $0x4000  }
0x40: {  	[sflag:s30] =	ssyncset.done $0x0  }
0x41: {  	[sflag:s30] =	ssyncadd.s32 $0xFFFFC000  }
0x42: {  	[tilespmem:s29], [sflag:$0x1] =	stream.linear.gather [hbm4b:s9+s4], $0x4000, $0x38;
	[tilespmem:$0x1FC00] =	vst v63  }
0x43: {  	_ =	swait.ge [sflag:s30], $0x4000  }
0x44: {  	[sflag:s30] =	ssyncset.done $0x0  }
0x45: {  	[sflag:s30] =	ssyncadd.s32 $0xFFFFC000  }
0x46: {  	[spmem:s25] =	stream.linear.scatter [tilespmem:s29], [sflag:$0x1], $0x4000, $0x38;
	[tilespmem:$0x1FC00] =	vst v63  }
0x47: {  	_ =	swait.ge [sflag:s30], $0x4000  }
0x48: {  	[sflag:s30] =	ssyncset.done $0x0  }
0x49: {  	[sflag:s30] =	ssyncadd.s32 $0xFFFFC000  }
0x4a: {  	[tilespmem:s31], [sflag:$0x1] =	stream.linear.gather [hbm4b:s15+s4], $0x1400, $0x38;
	[tilespmem:$0x1FC00] =	vst v63  }
0x4b: {  	_ =	swait.ge [sflag:s30], $0x1400  }
0x4c: {  	[sflag:s30] =	ssyncset.done $0x0  }
0x4d: {  	[sflag:s30] =	ssyncadd.s32 $0xFFFFEC00  }
0x4e: {  	[spmem:s16] =	stream.linear.scatter [tilespmem:s31], [sflag:$0x1], $0x1400, $0x38;
	[tilespmem:$0x1FC00] =	vst v63  }
0x4f: {  	_ =	swait.ge [sflag:s30], $0x1400  }
0x50: {  	[sflag:s30] =	ssyncset.done $0x0  }
0x51: {  	[sflag:s30] =	ssyncadd.s32 $0xFFFFEC00  }
0x52: {  	[bflag:$0x0] =	sbarrier.arrive $0xFFFF  }
0x53: {  	[tilespmem:s4], [sflag:$0x1] =	stream.linear.gather [hbm4b:s17+s4], $0x1400, $0x38;
	[tilespmem:$0x1FC00] =	vst v63  }
0x54: {  	_ =	swait.ge [sflag:s30], $0x1400  }
0x55: {  	[sflag:s30] =	ssyncset.done $0x0  }
0x56: {  	s26 =	simm.s32 $0x1400;
	[sflag:s30] =	ssyncadd.s32 $0xFFFFEC00  }
0x57: {  	[tilespmem:s26], [sflag:$0x1] =	stream.linear.gather [hbm4b:s18+s4], $0x1400, $0x38;
	[tilespmem:$0x1FC00] =	vst v63  }
0x58: {  	_ =	swait.ge [sflag:s30], $0x1400  }
0x59: {  	[sflag:s30] =	ssyncset.done $0x0  }
0x5a: {  	[sflag:s30] =	ssyncadd.s32 $0xFFFFEC00  }
0x5b: {  	[tilespmem:s29], [sflag:$0x1] =	stream.linear.gather [hbm4b:s6+s4], $0x4000, $0x38;
	[tilespmem:$0x1FC00] =	vst v63  }
0x5c: {  	_ =	swait.ge [sflag:s30], $0x4000  }
0x5d: {  	[sflag:s30] =	ssyncset.done $0x0  }
0x5e: {  	s8 =	simm.s32 $0x0;
	[sflag:s30] =	ssyncadd.s32 $0xFFFFC000  }
0x5f: {  	[spmem:s2] =	stream.indirect.scatter.add.f32 [tilespmem:s29], [sflag:$0x1], $0x80, s8, s0, $0xb8;
	[tilespmem:$0x1FC00] =	vst v63  }
0x60: {  	_ =	swait.ge [sflag:s30], $0x4000  }
0x61: {  	[sflag:s30] =	ssyncset.done $0x0  }
0x62: {  	[sflag:s30] =	ssyncadd.s32 $0xFFFFC000  }
0x63: {  	[tilespmem:s31], [sflag:$0x1] =	stream.linear.gather [hbm4b:s7+s4], $0x4000, $0x38;
	[tilespmem:$0x1FC00] =	vst v63  }
0x64: {  	_ =	swait.ge [sflag:s30], $0x4000  }
0x65: {  	[sflag:s30] =	ssyncset.done $0x0  }
0x66: {  	s26 =	simm.s32 $0x1400;
	[sflag:s30] =	ssyncadd.s32 $0xFFFFC000  }
0x67: {  	[spmem:s3] =	stream.indirect.scatter.add.f32 [tilespmem:s31], [sflag:$0x1], $0x80, s26, s0, $0xb8;
	[tilespmem:$0x1FC00] =	vst v63  }
0x68: {  	s28 =	smov.u32 s7;
	_ =	swait.ge [sflag:s30], $0x4000  }
0x69: {  	s5 =	simm.s32 $0x200;
	s26 =	smov.u32 s6;
	[sflag:s30] =	ssyncset.done $0x0  }
.LBB2_2:
0x6a: {  	[sflag:s30] =	ssyncadd.s32 $0xFFFFC000  }
0x6b: {  	s26 =	sadd.s32 $0x800, s26;
	s28 =	sadd.s32 $0x800, s28;
	s8 =	smov.u32 s5  }
0x6c: {  	[tilespmem:s29], [sflag:$0x1] =	stream.linear.gather [hbm4b:s26+s4], $0x4000, $0x38;
	[tilespmem:$0x1FC00] =	vst v63  }
0x6d: {  	p0 =	sne.s32 s5, $0x4E00;
	s5 =	sadd.s32 $0x200, s5;
	_ =	swait.ge [sflag:s30], $0x4000  }
0x6e: {  	[sflag:s30] =	ssyncset.done $0x0  }
0x6f: {  	s8 =	sshra.s32 s8, $0x2;
	[sflag:s30] =	ssyncadd.s32 $0xFFFFC000  }
0x70: {  	[spmem:s2] =	stream.indirect.scatter.add.f32 [tilespmem:s29], [sflag:$0x1], $0x80, s8, s0, $0xb8;
	[tilespmem:$0x1FC00] =	vst v63  }
0x71: {  	_ =	swait.ge [sflag:s30], $0x4000  }
0x72: {  	[sflag:s30] =	ssyncset.done $0x0  }
0x73: {  	[sflag:s30] =	ssyncadd.s32 $0xFFFFC000  }
0x74: {  	[tilespmem:s31], [sflag:$0x1] =	stream.linear.gather [hbm4b:s28+s4], $0x4000, $0x38;
	[tilespmem:$0x1FC00] =	vst v63  }
0x75: {  	_ =	swait.ge [sflag:s30], $0x4000  }
.Ltmp0:
0x76: {  	[sflag:s30] =	ssyncset.done $0x0;
	(pc) =	sbr.rel @p0 .LBB2_2-.Ltmp0, $4  }
0x77: {  	s8 =	sadd.s32 $0x1400, s8;
	[sflag:s30] =	ssyncadd.s32 $0xFFFFC000  }
0x78: {  	[spmem:s3] =	stream.indirect.scatter.add.f32 [tilespmem:s31], [sflag:$0x1], $0x80, s8, s0, $0xb8;
	[tilespmem:$0x1FC00] =	vst v63  }
0x79: {  	_ =	swait.ge [sflag:s30], $0x4000  }
0x7a: {  	[sflag:s30] =	ssyncset.done $0x0  }
0x7b: {  	[sflag:s30] =	ssyncadd.s32 $0xFFFFC000  }
0x7c: {  	[bflag:$0x0] =	sbarrier.arrive $0xFFFF  }
0x7d: {  	[tilespmem:s29], [sflag:$0x1] =	stream.linear.gather [spmem:s20], $0x4000, $0x38;
	[tilespmem:$0x1FC00] =	vst v63  }
0x7e: {  	_ =	swait.ge [sflag:s30], $0x4000  }
0x7f: {  	[sflag:s30] =	ssyncset.done $0x0  }
0x80: {  	[sflag:s30] =	ssyncadd.s32 $0xFFFFC000  }
0x81: {  	[hbm4b:s10+s4] =	stream.linear.scatter [tilespmem:s29], [sflag:$0x1], $0x4000, $0x38;
	[tilespmem:$0x1FC00] =	vst v63  }
0x82: {  	_ =	swait.ge [sflag:s30], $0x4000  }
0x83: {  	[sflag:s30] =	ssyncset.done $0x0  }
0x84: {  	[sflag:s30] =	ssyncadd.s32 $0xFFFFC000  }
0x85: {  	[tilespmem:s29], [sflag:$0x1] =	stream.linear.gather [spmem:s22], $0x4000, $0x38;
	[tilespmem:$0x1FC00] =	vst v63  }
0x86: {  	_ =	swait.ge [sflag:s30], $0x4000  }
0x87: {  	[sflag:s30] =	ssyncset.done $0x0  }
0x88: {  	[sflag:s30] =	ssyncadd.s32 $0xFFFFC000  }
0x89: {  	[hbm4b:s11+s4] =	stream.linear.scatter [tilespmem:s29], [sflag:$0x1], $0x4000, $0x38;
	[tilespmem:$0x1FC00] =	vst v63  }
0x8a: {  	_ =	swait.ge [sflag:s30], $0x4000  }
0x8b: {  	[sflag:s30] =	ssyncset.done $0x0  }
0x8c: {  	[sflag:s30] =	ssyncadd.s32 $0xFFFFC000  }
0x8d: {  	[tilespmem:s29], [sflag:$0x1] =	stream.linear.gather [spmem:s23], $0x4000, $0x38;
	[tilespmem:$0x1FC00] =	vst v63  }
0x8e: {  	_ =	swait.ge [sflag:s30], $0x4000  }
0x8f: {  	[sflag:s30] =	ssyncset.done $0x0  }
0x90: {  	[sflag:s30] =	ssyncadd.s32 $0xFFFFC000  }
0x91: {  	[hbm4b:s12+s4] =	stream.linear.scatter [tilespmem:s29], [sflag:$0x1], $0x4000, $0x38;
	[tilespmem:$0x1FC00] =	vst v63  }
0x92: {  	_ =	swait.ge [sflag:s30], $0x4000  }
0x93: {  	[sflag:s30] =	ssyncset.done $0x0  }
0x94: {  	[sflag:s30] =	ssyncadd.s32 $0xFFFFC000  }
0x95: {  	[tilespmem:s29], [sflag:$0x1] =	stream.linear.gather [spmem:s24], $0x4000, $0x38;
	[tilespmem:$0x1FC00] =	vst v63  }
0x96: {  	_ =	swait.ge [sflag:s30], $0x4000  }
0x97: {  	[sflag:s30] =	ssyncset.done $0x0  }
0x98: {  	[sflag:s30] =	ssyncadd.s32 $0xFFFFC000  }
0x99: {  	[hbm4b:s13+s4] =	stream.linear.scatter [tilespmem:s29], [sflag:$0x1], $0x4000, $0x38;
	[tilespmem:$0x1FC00] =	vst v63  }
0x9a: {  	_ =	swait.ge [sflag:s30], $0x4000  }
0x9b: {  	[sflag:s30] =	ssyncset.done $0x0  }
0x9c: {  	[sflag:s30] =	ssyncadd.s32 $0xFFFFC000  }
0x9d: {  	[tilespmem:s29], [sflag:$0x1] =	stream.linear.gather [spmem:s25], $0x4000, $0x38;
	[tilespmem:$0x1FC00] =	vst v63  }
0x9e: {  	_ =	swait.ge [sflag:s30], $0x4000  }
0x9f: {  	[sflag:s30] =	ssyncset.done $0x0  }
0xa0: {  	[sflag:s30] =	ssyncadd.s32 $0xFFFFC000  }
0xa1: {  	[hbm4b:s14+s4] =	stream.linear.scatter [tilespmem:s29], [sflag:$0x1], $0x4000, $0x38;
	[tilespmem:$0x1FC00] =	vst v63  }
0xa2: {  	_ =	swait.ge [sflag:s30], $0x4000  }
0xa3: {  	[sflag:s30] =	ssyncset.done $0x0  }
0xa4: {  	[sflag:s30] =	ssyncadd.s32 $0xFFFFC000  }
0xa5: {  	[tilespmem:s31], [sflag:$0x1] =	stream.linear.gather [spmem:s16], $0x1400, $0x38;
	[tilespmem:$0x1FC00] =	vst v63  }
0xa6: {  	s1 =	sadd.s32 $0x1, s1;
	_ =	swait.ge [sflag:s30], $0x1400  }
0xa7: {  	p0 =	sne.s32 s1, s21;
	[sflag:s30] =	ssyncset.done $0x0  }
.Ltmp1:
0xa8: {  	[sflag:s30] =	ssyncadd.s32 $0xFFFFEC00;
	(pc) =	sbr.rel @p0 .LBB2_1-.Ltmp1, $4  }
0xa9: {  	[hbm4b:s19+s4] =	stream.linear.scatter [tilespmem:s31], [sflag:$0x1], $0x1400, $0x38;
	[tilespmem:$0x1FC00] =	vst v63  }
0xaa: {  	_ =	swait.ge [sflag:s30], $0x1400  }
0xab: {  	[sflag:s30] =	ssyncset.done $0x0  }
0xac: {  	[sflag:s30] =	ssyncadd.s32 $0xFFFFEC00  }
0xad: {  	_ =	sfence.sel $0x180000  }
0xae: {  	[bflag:$0x0] =	sbarrier.arrive $0xFFFF  }
0xaf: {  	_ =	strace $0x9000004A  }
0xb0: {  	s0 =	stileid.u32;
	[bflag:$0x2] =	sbarrier.arrive $0xFFFF  }
0xb1: {  	p0 =	sne.s32 s0, $0x0;
	s0 =	rddreg [dreg:$0x3]  }
0xb2: {  	s0 =	sadd.s32 @!p0 $0x100000, s0  }
0xb3: {  	[sflag:s0] =	ssyncadd.tile.s32 @!p0 $0x1;
	_ =	shalt  }
.Lfunc_end2:
_tile_overlayer_lowered:
.L_overlay_start_2:
0xb4: {  	(tag) =	ssettag $0x2  }
0xb5: {  	s0 =	rddreg [dreg:$0x0];
	s2 =	stileid.u32  }
0xb6: {  	s1 =	rddreg [dreg:$0x1];
	p0 =	sne.s32 s2, $0x0  }
0xb7: {  	s3 =	rddreg [dreg:$0x2];
	[bflag:$0x3] =	sbarrier.arrive $0xFFFF;
	s2 =	simm.s32 @!p0 $0x1C01  }
0xb8: {  	[timem:s3], [sflag:s2] =	dma.local @!p0 [hbm:s0], s1  }
0xb9: {  	s0 =	simm.s32 @!p0 $0x1  }
0xba: {  	_ =	swait.ge @!p0 [sflag:s0], s1  }
0xbb: {  	s1 =	ssub.s32 @!p0 $0x0, s1;
	[sflag:s0] =	ssyncset.done @!p0 $0x0  }
0xbc: {  	[sflag:s0] =	ssyncadd.s32 @!p0 s1  }
0xbd: {  	[bflag:$0x3] =	sbarrier.arrive $0xFFFF  }
0xbe: {  	_ =	shalt  }

// kernel: kernel.21.cloned.1.call-start
scs
__scs_entry_jumppad:
0x0: {  	(pc) =	sbr.rel $0x88, $3  }
0x1: {  	(tag) =	ssettag $0x0;
	lr =	simm.s32 $0x1  }
0x2: {  	[smem:$0x3F8C] =	sst lr;
	_ =	strace $0xD0000000  }
0x3: {  	_ = 	snop  }
0x4: {  	_ = 	snop  }
0x5: {  	_ = 	snop  }
0x6: {  	_ = 	snop  }
0x7: {  	_ = 	snop  }
__scs_overlays_trampoline_lowered:
0x8: {  	[smem:$0x3F9B] =	sst s0  }
0x9: {  	[smem:$0x3F9C] =	sst s1  }
0xa: {  	[smem:$0x3F9D] =	sst s2  }
0xb: {  	[smem:$0x3F9E] =	sst s3  }
0xc: {  	[smem:$0x3F9F] =	sst s4  }
0xd: {  	[smem:$0x3FA0] =	sst s5  }
0xe: {  	[smem:$0x3FA1] =	sst s6  }
0xf: {  	[smem:$0x3FA2] =	sst s7  }
0x10: {  	[smem:$0x3FA3] =	sst s8  }
0x11: {  	[smem:$0x3FA4] =	sst s9;
	s0 =	simm.s32 @!p0 $0x0  }
0x12: {  	s1 =	sld [smem:$0x3F8A];
	s0 =	simm.s32 @p0 $0x1  }
0x13: {  	[smem:$0x3FA5] =	sst s0;
	s0 =	simm.s32 @!p1 $0x0  }
0x14: {  	s2 =	sld [smem:$0x3F89];
	s0 =	simm.s32 @p1 $0x1  }
0x15: {  	[smem:$0x3FA6] =	sst s0;
	s0 =	simm.s32 @!p2 $0x0  }
0x16: {  	s3 =	sld [smem:$0x3FDB];
	s0 =	simm.s32 @p2 $0x1  }
0x17: {  	s4 =	simm.s32 $0x1BF5;
	[smem:$0x3FA8] =	sst s0  }
0x18: {  	s0 =	sld [smem:$0x3F8B];
	_ =	swait.ge [sflag:s4], $0x0  }
0x19: {  	s7 =	sld [smem:$0x3F8C]  }
0x1a: {  	s8 =	sadd.s32 $0xFFFFE003, lr  }
0x1b: {  	s9 =	sadd.s32 $0xFFFFFEF7, lr;
	s5 =	simm.s32 $0xFFFFFFFF;
	p2 =	slt.u32 s8, $0xFFFFF086  }
0x1c: {  	p1 =	slt.u32 s9, $0xF7A;
	s5 =	simm.s32 @!p2 $0x0  }
0x1d: {  	s5 =	simm.s32 @p1 $0x1;
	p0 =	seq.s32 s7, s2  }
0x1e: {  	s7 =	smul.u32 @!p0 $0xF7A, s2;
	p2 =	seq.s32 @!p0 s5, $0x0  }
0x1f: {  	s9 =	smul.u32 $0xF7A, s1;
	s8 =	simm.s32 @!p0 $0x1BF5;
	p2 =	por !p2, p0  }
0x20: {  	[sflag:s8] =	ssyncset.s32 @!p0 $0xFFFFF086;
	s6 =	sadd.s32 @!p0 s3, s7;
	s7 =	simm.s32 @!p0 $0x108  }
0x21: {  	s3 =	sadd.s32 s3, s9;
	s6 =	sadd.s32 @!p0 $0x88, s6;
	s7 =	simm.s32 @p2 $0x1082  }
0x22: {  	[simem:s7], [sflag:s8] =	dma.local @!p0 [hbm:s6], $0xF7A  }
0x23: {  	s9 =	sor.u32 $0xD0000000, s2;
	s6 =	simm.s32 $0x108;
	_ =	swait.ge @!p0 [sflag:s8], $0x0  }
0x24: {  	s3 =	sadd.s32 $0x88, s3;
	s6 =	simm.s32 @!p1 $0x1082;
	[sflag:s4] =	ssyncset.s32 $0xFFFFF086  }
0x25: {  	[simem:s6], [sflag:s4] =	dma.local [hbm:s3], $0xF7A  }
0x26: {  	[smem:$0x3F8C] =	sst s1;
	(tag) =	ssettag s2;
	_ =	strace s9  }
0x27: {  	s1 =	sld [smem:$0x3F9C]  }
0x28: {  	s2 =	sld [smem:$0x3F9D]  }
0x29: {  	s4 =	sld [smem:$0x3F9F]  }
0x2a: {  	p0 =	seq.s32 s5, $0x0;
	s5 =	sld [smem:$0x3FA0]  }
0x2b: {  	s6 =	sld [smem:$0x3FA1]  }
0x2c: {  	s7 =	sld [smem:$0x3FA2]  }
0x2d: {  	s3 =	simm.s32 $0x108;
	s8 =	sld [smem:$0x3FA3]  }
0x2e: {  	s3 =	simm.s32 @!p0 $0x1082;
	s9 =	sld [smem:$0x3FA4]  }
0x2f: {  	lr =	sadd.s32 s0, s3;
	s0 =	sld [smem:$0x3F9B]  }
0x30: {  	s3 =	sld [smem:$0x3F9E]  }
0x31: {  	[smem:$0x3FA7] =	sst s10  }
0x32: {  	s10 =	sld [smem:$0x3FA5];
	_ =	sdelay $0x3  }
0x33: {  	p0 =	seq.s32 s10, $0x1;
	s10 =	sld [smem:$0x3FA7];
	_ =	sdelay $0x3  }
0x34: {  	[smem:$0x3FA7] =	sst s10  }
0x35: {  	s10 =	sld [smem:$0x3FA6];
	_ =	sdelay $0x3  }
0x36: {  	p1 =	seq.s32 s10, $0x1;
	s10 =	sld [smem:$0x3FA7];
	_ =	sdelay $0x3  }
0x37: {  	[smem:$0x3FA7] =	sst s10  }
0x38: {  	s10 =	sld [smem:$0x3FA8]  }
0x39: {  	_ = 	snop;
	(pc) =	sbr.ind lr, $3  }
0x3a: {  	_ = 	snop  }
0x3b: {  	_ = 	snop  }
0x3c: {  	p2 =	seq.s32 s10, $0x1;
	s10 =	sld [smem:$0x3FA7]  }
0x3d: {  	_ =	shalt  }
0x3e: {  	_ =	shalt  }
0x3f: {  	_ =	shalt  }
0x40: {  	_ =	shalt  }
0x41: {  	_ =	shalt  }
0x42: {  	_ =	shalt  }
0x43: {  	_ =	shalt  }
0x44: {  	_ =	shalt  }
0x45: {  	_ =	shalt  }
0x46: {  	_ =	shalt  }
0x47: {  	_ =	shalt  }
0x48: {  	_ =	shalt  }
0x49: {  	_ =	shalt  }
0x4a: {  	_ =	shalt  }
0x4b: {  	_ =	shalt  }
0x4c: {  	_ =	shalt  }
0x4d: {  	_ =	shalt  }
0x4e: {  	_ =	shalt  }
0x4f: {  	_ =	shalt  }
0x50: {  	_ =	shalt  }
0x51: {  	_ =	shalt  }
0x52: {  	_ =	shalt  }
0x53: {  	_ =	shalt  }
0x54: {  	_ =	shalt  }
0x55: {  	_ =	shalt  }
0x56: {  	_ =	shalt  }
0x57: {  	_ =	shalt  }
0x58: {  	_ =	shalt  }
0x59: {  	_ =	shalt  }
0x5a: {  	_ =	shalt  }
0x5b: {  	_ =	shalt  }
0x5c: {  	_ =	shalt  }
0x5d: {  	_ =	shalt  }
0x5e: {  	_ =	shalt  }
0x5f: {  	_ =	shalt  }
0x60: {  	_ =	shalt  }
0x61: {  	_ =	shalt  }
0x62: {  	_ =	shalt  }
0x63: {  	_ =	shalt  }
0x64: {  	_ =	shalt  }
0x65: {  	_ =	shalt  }
0x66: {  	_ =	shalt  }
0x67: {  	_ =	shalt  }
0x68: {  	_ =	shalt  }
0x69: {  	_ =	shalt  }
0x6a: {  	_ =	shalt  }
0x6b: {  	_ =	shalt  }
0x6c: {  	_ =	shalt  }
0x6d: {  	_ =	shalt  }
0x6e: {  	_ =	shalt  }
0x6f: {  	_ =	shalt  }
0x70: {  	_ =	shalt  }
0x71: {  	_ =	shalt  }
0x72: {  	_ =	shalt  }
0x73: {  	_ =	shalt  }
0x74: {  	_ =	shalt  }
0x75: {  	_ =	shalt  }
0x76: {  	_ =	shalt  }
0x77: {  	_ =	shalt  }
0x78: {  	_ =	shalt  }
0x79: {  	_ =	shalt  }
0x7a: {  	_ =	shalt  }
0x7b: {  	_ =	shalt  }
0x7c: {  	_ =	shalt  }
0x7d: {  	_ =	shalt  }
0x7e: {  	_ =	shalt  }
0x7f: {  	_ =	shalt  }
0x80: {  	_ =	shalt  }
0x81: {  	_ =	shalt  }
0x82: {  	_ =	shalt  }
0x83: {  	_ =	shalt  }
0x84: {  	_ =	shalt  }
0x85: {  	_ =	shalt  }
0x86: {  	_ =	shalt  }
0x87: {  	_ =	shalt  }
.Lfunc_end0:
.L_simem_size_0:
called_computation.2_lowered:
.L_overlay_start_0:
0x88: {  	s2 =	sld [smem:$0x3FD9]  }
0x89: {  	s3 =	sld [smem:$0x3FFE];
	_ =	sdelay $0x1  }
0x8a: {  	s1 =	srdreg.scid  }
0x8b: {  	s0 =	sand.u32 $0x1, s1  }
0x8c: {  	s17 =	sshll.u32 s0, $0xA;
	s2 =	sadd.s32 s3, s2  }
0x8d: {  	s2 =	sadd.s32 s2, s17  }
0x8e: {  	[smem:$0x3FB3] =	sst s2  }
0x8f: {  	_ = 	snop  }
0x90: {  	s2 =	sld [smem:$0x3FD0];
	(tm) =	ssettm $0x1  }
0x91: {  	s18 =	sld [smem:$0x3FFB];
	_ =	sdelay $0x3  }
0x92: {  	_ =	strace s18  }
0x93: {  	s3 =	sld [smem:$0x3FFC];
	_ =	sdelay $0x3  }
0x94: {  	_ =	strace s3  }
0x95: {  	s3 =	sld [smem:$0x3FFD];
	_ =	sdelay $0x3  }
0x96: {  	_ =	strace s3  }
0x97: {  	_ =	strace $0x8FFFFFFF  }
0x98: {  	s19 =	sld [smem:$0x3FDB];
	_ =	sdelay $0x1  }
0x99: {  	s4 =	simm.s32 $_scs_section_size  }
0x9a: {  	s5 =	simm.s32 $_size__tile_overlayer_lowered;
	s6 =	simm.s32 $_tile_overlayer_lowered  }
0x9b: {  	s22 =	simm.s32 $0x1BFF;
	s21 =	sshll.u32 s6, $0x1;
	s3 =	sadd.s32 s4, s19  }
0x9c: {  	s7 =	simm.s32 $0x0;
	s20 =	sshll.u32 s5, $0x1;
	s5 =	sadd.s32 s21, s3  }
0x9d: {  	[timem:s7], [sflag:s22] =	dma.local [hbm:s5], s20  }
0x9e: {  	_ =	swait.ge [sflag:s22], s20  }
0x9f: {  	s4 =	ssub.s32 $0x0, s20;
	[sflag:s22] =	ssyncset.done $0x0  }
0xa0: {  	[sflag:s22] =	ssyncadd.s32 s4;
	_ =	sdelay $0x1  }
0xa1: {  	s23 =	simm.s32 $0x1B8B  }
0xa2: {  	_ =	swait.ge [sflag:s23], $0x1  }
0xa3: {  	[sflag:s23] =	ssyncset.done $0x0  }
0xa4: {  	s25 =	simm.s32 $0x1B8E;
	s24 =	sld [smem:$0x3FFE];
	[sflag:s23] =	ssyncadd.s32 $0xFFFFFFFF  }
0xa5: {  	s26 =	simm.s32 $execute0_lowered;
	[smem:$0x3FD2] =	sst s25  }
0xa6: {  	s5 =	sshll.u32 s26, $0x1;
	_ =	strace $0x8000004C;
	[dreg:$0x1] =	wrdreg $0xFFFFFFFF  }
0xa7: {  	s28 =	simm.s32 $_size_execute0_lowered;
	s3 =	sadd.s32 s3, s5;
	[dreg:$0x0] =	wrdreg $0x0  }
0xa8: {  	s5 =	sshll.u32 s28, $0x1;
	[dreg:$0x2] =	wrdreg s3  }
0xa9: {  	[dreg:$0x3] =	wrdreg s5  }
0xaa: {  	[dreg:$0x4] =	wrdreg $0xC0  }
0xab: {  	_ =	task [dreg:s7], $0x5FFFF  }
0xac: {  	[dreg:$0x1] =	wrdreg $0xFFFFFFFF  }
0xad: {  	[dreg:$0x0] =	wrdreg $0x60  }
0xae: {  	[dreg:$0x2] =	wrdreg s24  }
0xaf: {  	[dreg:$0x3] =	wrdreg s2  }
0xb0: {  	[dreg:$0x4] =	wrdreg $0x9  }
0xb1: {  	_ =	task.clear_ibuf [dreg:s7], $0x5FFFF;
	_ =	strace $0x9000004C  }
0xb2: {  	s29 =	simm.s32 $0x9;
	_ =	strace $0x8000004E  }
0xb3: {  	_ =	swait.ge [sflag:s29], $0x1  }
0xb4: {  	[sflag:s29] =	ssyncadd.s32 $0xFFFFFFFF  }
0xb5: {  	_ =	strace $0x9000004E  }
0xb6: {  	_ =	sfence  }
0xb7: {  	s30 =	sld [smem:$0x0];
	_ =	sdelay $0x2  }
0xb8: {  	s31 =	sshll.u32 s1, $0xD;
	s1 =	sshrl.u32 s1, $0x2  }
0xb9: {  	s3 =	sand.u32 $0x4000, s31;
	s1 =	sadd.s32 s1, s30  }
0xba: {  	s0 =	sor.u32 s3, s0;
	s1 =	sshll.u32 s1, $0x11  }
0xbb: {  	s0 =	sor.u32 s1, s0  }
0xbc: {  	s0 =	sadd.s32 $0x8F2B, s0  }
0xbd: {  	[sflag:s0] =	ssyncadd.remote.s32 $0x1  }
0xbe: {  	_ =	sfence.sel $0xFFFF  }
0xbf: {  	[dreg:$0x0] =	wrdreg $0xFFFFFFFF;
	(pc) =	sbr.abs _section_cstart, $3  }
0xc0: {  	[dreg:$0x1] =	wrdreg $0xFFFFFFFF  }
0xc1: {  	_ =	task.clear_ibuf [dreg:s7], $0x2FFFF;
	_ =	strace $0x9FFFFFFF  }
0xc2: {  	(tm) =	ssettm $0x7FFFFFFF  }
0xc3: {  	_ =	shalt  }
tec
execute0_lowered:
.L_overlay_start_1:
0x0: {  	(tag) =	ssettag $0x1  }
0x1: {  	s0 =	rddreg [dreg:$0x0]  }
0x2: {  	s2 =	rddreg [dreg:$0x1]  }
0x3: {  	s1 =	srdreg.scid;
	s8 =	stileid.u32;
	s3 =	simm.s32 $0x0  }
0x4: {  	s21 =	simm.s32 $0x4400;
	[smem:$0x7FF] =	sst s3;
	s7 =	sadd.s32 $0x321C00, s0  }
0x5: {  	s22 =	simm.s32 $0x4C00;
	_ =	strace $0x8000004D;
	[dreg:$0x3] =	wrdreg s7  }
0x6: {  	s23 =	simm.s32 $0x5400;
	s25 =	simm.s32 $0x5C00;
	[dreg:$0x4] =	wrdreg s21  }
0x7: {  	s10 =	simm.s32 $0x6C00;
	s12 =	simm.s32 $0x7400;
	[dreg:$0x5] =	wrdreg s22  }
0x8: {  	s13 =	simm.s32 $0x7C00;
	s15 =	simm.s32 $0x8400;
	[dreg:$0x6] =	wrdreg s23  }
0x9: {  	s16 =	simm.s32 $0x8C00;
	s17 =	simm.s32 $0x9400;
	[dreg:$0x7] =	wrdreg s25  }
0xa: {  	s19 =	simm.s32 $0x9C00;
	s28 =	simm.s32 $0x13400;
	[dreg:$0x9] =	wrdreg s10  }
0xb: {  	s29 =	simm.s32 $0x80;
	s30 =	simm.s32 $0x13C00;
	[dreg:$0xa] =	wrdreg s12  }
0xc: {  	s31 =	simm.s32 $0x1;
	s1 =	sand.u32 $0x1, s1;
	[dreg:$0xb] =	wrdreg s13  }
0xd: {  	s4 =	sshll.u32 s8, $0x1;
	s6 =	smul.u32 $0x50000, s8;
	[dreg:$0xc] =	wrdreg s15  }
0xe: {  	s8 =	smul.u32 $0x28000, s8;
	s4 =	sor.u32 s1, s4;
	[dreg:$0xd] =	wrdreg s16  }
0xf: {  	s20 =	ssub.s32 $0x2, s1;
	s11 =	smul.u32 $0x28000, s1;
	[dreg:$0xe] =	wrdreg s17  }
0x10: {  	s1 =	smul.u32 $0x14000, s1;
	[dreg:$0xf] =	wrdreg s19;
	s21 =	simm.s32 $0xAC00  }
0x11: {  	s12 =	simm.s32 $0x4;
	s22 =	simm.s32 $0xB400;
	s23 =	simm.s32 $0xC400  }
0x12: {  	s15 =	simm.s32 $0x3C00;
	s25 =	simm.s32 $0xD400;
	s16 =	simm.s32 $0xBC00  }
0x13: {  	s17 =	simm.s32 $0xE400;
	s19 =	simm.s32 $0xF400;
	[dreg:$0x11] =	wrdreg s21  }
0x14: {  	s13 =	simm.s32 $0x0;
	s5 =	smul.u32 $0x1400, s4;
	[dreg:$0x12] =	wrdreg s22  }
0x15: {  	s4 =	sadd.s32 $0x376E00, s0;
	s6 =	sadd.s32 s6, s0;
	[dreg:$0x13] =	wrdreg s23  }
0x16: {  	s9 =	sshrl.u32 s20, $0x1;
	[dreg:$0x15] =	wrdreg s25;
	s21 =	simm.s32 $0x10400  }
0x17: {  	s22 =	simm.s32 $0x10C00;
	s23 =	simm.s32 $0x11400;
	s25 =	simm.s32 $0x12400  }
0x18: {  	s7 =	ssub.s32 s20, s9;
	s9 =	simm.s32 $0x6400;
	s14 =	sadd.s32 s11, s6  }
0x19: {  	s20 =	simm.s32 $0xA400;
	s5 =	sshrl.u32 s5, $0x3;
	[dreg:$0x8] =	wrdreg s9  }
0x1a: {  	s7 =	smax.u32 s7, $0x1;
	s6 =	sadd.s32 $0xA06E00, s14;
	[dreg:$0x10] =	wrdreg s20  }
0x1b: {  	s18 =	sadd.s32 $0x506E00, s14;
	s20 =	simm.s32 $0xFC00;
	[dreg:$0x1a] =	wrdreg s7  }
0x1c: {  	s5 =	sadd.s32 s5, s0;
	s0 =	sadd.s32 s8, s0;
	[dreg:$0x1b] =	wrdreg s6  }
0x1d: {  	[dreg:$0x1c] =	wrdreg s18;
	s18 =	simm.s32 $0xEC00;
	s24 =	sadd.s32 $0x6BC00, s5  }
0x1e: {  	s26 =	sadd.s32 $0x70C00, s5;
	s5 =	sadd.s32 $0x66C00, s5;
	[dreg:$0x17] =	wrdreg s24  }
0x1f: {  	s0 =	sadd.s32 s1, s0;
	s1 =	simm.s32 $0x3;
	[dreg:$0x18] =	wrdreg s26  }
0x20: {  	v2 =	vlaneseq.u32;
	[dreg:$0x19] =	wrdreg s5;
	s14 =	sadd.s32 $0x77400, s0;
	s24 =	simm.s32 $0xCC00  }
0x21: {  	vm0 =	vmmov $0xffff;
	v1 =	vshrl.u32 v2, $0x3;
	s26 =	simm.s32 $0xDC00;
	s0 =	simm.s32 $0x2;
	[dreg:$0x14] =	wrdreg s24  }
0x22: {  	v0 =	vand.u32 $0x7, v2;
	v2 =	vor.u32 $0x8, v2;
	v1 =	vmul.u32 $0x8, v1;
	[dreg:$0x16] =	wrdreg s26;
	s24 =	simm.s32 $0x11C00;
	s26 =	simm.s32 $0x12C00  }
.LBB2_1:
0x23: {  	s5 =	rddreg [dreg:$0x17]  }
0x24: {  	[tilespmem:s3], [sflag:$0x4] =	stream.linear.gather [hbm4b:s5+s3], $0x1400, $0x38;
	[tilespmem:$0x17C00] =	vst v63  }
0x25: {  	_ =	swait.ge [sflag:s12], $0x1400  }
0x26: {  	[sflag:s12] =	ssyncset.done $0x0  }
0x27: {  	s6 =	simm.s32 $0x1400;
	s9 =	rddreg [dreg:$0x18];
	[sflag:s12] =	ssyncadd.s32 $0xFFFFEC00  }
0x28: {  	[tilespmem:s6], [sflag:$0x4] =	stream.linear.gather [hbm4b:s9+s3], $0x1400, $0x38;
	[tilespmem:$0x17C00] =	vst v63  }
0x29: {  	_ =	swait.ge [sflag:s12], $0x1400  }
0x2a: {  	[sflag:s12] =	ssyncset.done $0x0  }
0x2b: {  	s11 =	simm.s32 $0x2800;
	s10 =	rddreg [dreg:$0x19];
	[sflag:s12] =	ssyncadd.s32 $0xFFFFEC00  }
0x2c: {  	[tilespmem:s11], [sflag:$0x4] =	stream.linear.gather [hbm4b:s10+s3], $0x1400, $0x38;
	[tilespmem:$0x17C00] =	vst v63  }
0x2d: {  	_ =	swait.ge [sflag:s12], $0x1400  }
0x2e: {  	s7 =	simm.s32 $0x0;
	[sflag:s12] =	ssyncset.done $0x0;
	s10 =	rddreg [dreg:$0x1c]  }
0x2f: {  	s11 =	smov.u32 s14;
	s9 =	rddreg [dreg:$0x1b];
	[sflag:s12] =	ssyncadd.s32 $0xFFFFEC00  }
.LBB2_2:
0x30: {  	s8 =	sshra.s32 s7, $0x2  }
0x31: {  	v3 =	vld [tilespmem:s8+$0x0];
	_ =	sdelay $0x4  }
0x32: {  	v4 =	vshll.u32 v3, $0x1  }
0x33: {  	v3 =	vand.u32 $0x7, v3;
	v4 =	vand.u32 $0xFFFFFFF0, v4  }
0x34: {  	v3 =	vor.u32 v3, v4  }
0x35: {  	v4 =	vperm.xlane v3, v0;
	_ =	sdelay $0x1  }
0x36: {  	v3 =	vperm.xlane v3, v2;
	v4 =	vadd.s32 v1, v4;
	_ =	sdelay $0x1  }
0x37: {  	v3 =	vadd.s32 v1, v3;
	_ =	sdelay $0x2  }
0x38: {  	[tilespmem:s15], [sflag:$0x1] =	stream.indirect_vreg.gather [hbm4b:s4+s3], $0x80, v4, vm0, $0xb8;
	[tilespmem:$0x17C00] =	vst v63  }
0x39: {  	s6 =	rddreg [dreg:$0x4]  }
0x3a: {  	[tilespmem:s6], [sflag:$0x1] =	stream.indirect_vreg.gather [hbm4b:s4+s3], $0x80, v3, vm0, $0xb8;
	[tilespmem:$0x17C00] =	vst v63  }
0x3b: {  	v3 =	vld [tilespmem:s8+$0x10];
	_ =	sdelay $0x4  }
0x3c: {  	v49 =	vshll.u32 v3, $0x1  }
0x3d: {  	v3 =	vand.u32 $0x7, v3;
	v4 =	vand.u32 $0xFFFFFFF0, v49  }
0x3e: {  	v3 =	vor.u32 v3, v4  }
0x3f: {  	v4 =	vperm.xlane v3, v0;
	_ =	sdelay $0x1  }
0x40: {  	v3 =	vperm.xlane v3, v2;
	v4 =	vadd.s32 v1, v4;
	_ =	sdelay $0x1  }
0x41: {  	v3 =	vadd.s32 v1, v3;
	_ =	sdelay $0x1  }
0x42: {  	s6 =	rddreg [dreg:$0x5]  }
0x43: {  	[tilespmem:s6], [sflag:$0x1] =	stream.indirect_vreg.gather [hbm4b:s4+s3], $0x80, v4, vm0, $0xb8;
	[tilespmem:$0x17C00] =	vst v63  }
0x44: {  	s5 =	rddreg [dreg:$0x6]  }
0x45: {  	[tilespmem:s5], [sflag:$0x1] =	stream.indirect_vreg.gather [hbm4b:s4+s3], $0x80, v3, vm0, $0xb8;
	[tilespmem:$0x17C00] =	vst v63  }
0x46: {  	v3 =	vld [tilespmem:s8+$0x20];
	_ =	sdelay $0x4  }
0x47: {  	v50 =	vshll.u32 v3, $0x1  }
0x48: {  	v3 =	vand.u32 $0x7, v3;
	v4 =	vand.u32 $0xFFFFFFF0, v50  }
0x49: {  	v3 =	vor.u32 v3, v4  }
0x4a: {  	v4 =	vperm.xlane v3, v0;
	_ =	sdelay $0x1  }
0x4b: {  	v3 =	vperm.xlane v3, v2;
	v4 =	vadd.s32 v1, v4;
	_ =	sdelay $0x1  }
0x4c: {  	v3 =	vadd.s32 v1, v3;
	_ =	sdelay $0x1  }
0x4d: {  	s5 =	rddreg [dreg:$0x7]  }
0x4e: {  	[tilespmem:s5], [sflag:$0x1] =	stream.indirect_vreg.gather [hbm4b:s4+s3], $0x80, v4, vm0, $0xb8;
	[tilespmem:$0x17C00] =	vst v63  }
0x4f: {  	s6 =	rddreg [dreg:$0x8]  }
0x50: {  	[tilespmem:s6], [sflag:$0x1] =	stream.indirect_vreg.gather [hbm4b:s4+s3], $0x80, v3, vm0, $0xb8;
	[tilespmem:$0x17C00] =	vst v63  }
0x51: {  	v3 =	vld [tilespmem:s8+$0x30];
	_ =	sdelay $0x4  }
0x52: {  	v51 =	vshll.u32 v3, $0x1  }
0x53: {  	v3 =	vand.u32 $0x7, v3;
	v4 =	vand.u32 $0xFFFFFFF0, v51  }
0x54: {  	v3 =	vor.u32 v3, v4  }
0x55: {  	v4 =	vperm.xlane v3, v0;
	_ =	sdelay $0x1  }
0x56: {  	v3 =	vperm.xlane v3, v2;
	v4 =	vadd.s32 v1, v4;
	_ =	sdelay $0x1  }
0x57: {  	v3 =	vadd.s32 v1, v3;
	_ =	sdelay $0x1  }
0x58: {  	s5 =	rddreg [dreg:$0x9]  }
0x59: {  	[tilespmem:s5], [sflag:$0x1] =	stream.indirect_vreg.gather [hbm4b:s4+s3], $0x80, v4, vm0, $0xb8;
	[tilespmem:$0x17C00] =	vst v63  }
0x5a: {  	s6 =	rddreg [dreg:$0xa]  }
0x5b: {  	[tilespmem:s6], [sflag:$0x1] =	stream.indirect_vreg.gather [hbm4b:s4+s3], $0x80, v3, vm0, $0xb8;
	[tilespmem:$0x17C00] =	vst v63  }
0x5c: {  	v3 =	vld [tilespmem:s8+$0x40];
	_ =	sdelay $0x4  }
0x5d: {  	v52 =	vshll.u32 v3, $0x1  }
0x5e: {  	v3 =	vand.u32 $0x7, v3;
	v4 =	vand.u32 $0xFFFFFFF0, v52  }
0x5f: {  	v3 =	vor.u32 v3, v4  }
0x60: {  	v4 =	vperm.xlane v3, v0;
	_ =	sdelay $0x1  }
0x61: {  	v3 =	vperm.xlane v3, v2;
	v4 =	vadd.s32 v1, v4;
	_ =	sdelay $0x1  }
0x62: {  	v3 =	vadd.s32 v1, v3;
	_ =	sdelay $0x1  }
0x63: {  	s5 =	rddreg [dreg:$0xb]  }
0x64: {  	[tilespmem:s5], [sflag:$0x1] =	stream.indirect_vreg.gather [hbm4b:s4+s3], $0x80, v4, vm0, $0xb8;
	[tilespmem:$0x17C00] =	vst v63  }
0x65: {  	s6 =	rddreg [dreg:$0xc]  }
0x66: {  	[tilespmem:s6], [sflag:$0x1] =	stream.indirect_vreg.gather [hbm4b:s4+s3], $0x80, v3, vm0, $0xb8;
	[tilespmem:$0x17C00] =	vst v63  }
0x67: {  	v3 =	vld [tilespmem:s8+$0x50];
	_ =	sdelay $0x4  }
0x68: {  	v53 =	vshll.u32 v3, $0x1  }
0x69: {  	v3 =	vand.u32 $0x7, v3;
	v4 =	vand.u32 $0xFFFFFFF0, v53  }
0x6a: {  	v3 =	vor.u32 v3, v4  }
0x6b: {  	v4 =	vperm.xlane v3, v0;
	_ =	sdelay $0x1  }
0x6c: {  	v3 =	vperm.xlane v3, v2;
	v4 =	vadd.s32 v1, v4;
	_ =	sdelay $0x1  }
0x6d: {  	v3 =	vadd.s32 v1, v3;
	_ =	sdelay $0x1  }
0x6e: {  	s5 =	rddreg [dreg:$0xd]  }
0x6f: {  	[tilespmem:s5], [sflag:$0x1] =	stream.indirect_vreg.gather [hbm4b:s4+s3], $0x80, v4, vm0, $0xb8;
	[tilespmem:$0x17C00] =	vst v63  }
0x70: {  	s6 =	rddreg [dreg:$0xe]  }
0x71: {  	[tilespmem:s6], [sflag:$0x1] =	stream.indirect_vreg.gather [hbm4b:s4+s3], $0x80, v3, vm0, $0xb8;
	[tilespmem:$0x17C00] =	vst v63  }
0x72: {  	v3 =	vld [tilespmem:s8+$0x60];
	_ =	sdelay $0x4  }
0x73: {  	v54 =	vshll.u32 v3, $0x1  }
0x74: {  	v3 =	vand.u32 $0x7, v3;
	v4 =	vand.u32 $0xFFFFFFF0, v54  }
0x75: {  	v3 =	vor.u32 v3, v4  }
0x76: {  	v4 =	vperm.xlane v3, v0;
	_ =	sdelay $0x1  }
0x77: {  	v3 =	vperm.xlane v3, v2;
	v4 =	vadd.s32 v1, v4;
	_ =	sdelay $0x1  }
0x78: {  	v3 =	vadd.s32 v1, v3;
	_ =	sdelay $0x1  }
0x79: {  	s5 =	rddreg [dreg:$0xf]  }
0x7a: {  	[tilespmem:s5], [sflag:$0x1] =	stream.indirect_vreg.gather [hbm4b:s4+s3], $0x80, v4, vm0, $0xb8;
	[tilespmem:$0x17C00] =	vst v63  }
0x7b: {  	s6 =	rddreg [dreg:$0x10]  }
0x7c: {  	[tilespmem:s6], [sflag:$0x1] =	stream.indirect_vreg.gather [hbm4b:s4+s3], $0x80, v3, vm0, $0xb8;
	[tilespmem:$0x17C00] =	vst v63  }
0x7d: {  	v3 =	vld [tilespmem:s8+$0x70];
	_ =	sdelay $0x4  }
0x7e: {  	v55 =	vshll.u32 v3, $0x1  }
0x7f: {  	v3 =	vand.u32 $0x7, v3;
	v4 =	vand.u32 $0xFFFFFFF0, v55  }
0x80: {  	v3 =	vor.u32 v3, v4  }
0x81: {  	v4 =	vperm.xlane v3, v0;
	_ =	sdelay $0x1  }
0x82: {  	v3 =	vperm.xlane v3, v2;
	v4 =	vadd.s32 v1, v4;
	_ =	sdelay $0x1  }
0x83: {  	v3 =	vadd.s32 v1, v3;
	_ =	sdelay $0x1  }
0x84: {  	s5 =	rddreg [dreg:$0x11]  }
0x85: {  	[tilespmem:s5], [sflag:$0x1] =	stream.indirect_vreg.gather [hbm4b:s4+s3], $0x80, v4, vm0, $0xb8;
	[tilespmem:$0x17C00] =	vst v63  }
0x86: {  	s6 =	rddreg [dreg:$0x12]  }
0x87: {  	[tilespmem:s6], [sflag:$0x1] =	stream.indirect_vreg.gather [hbm4b:s4+s3], $0x80, v3, vm0, $0xb8;
	[tilespmem:$0x17C00] =	vst v63  }
0x88: {  	v3 =	vld [tilespmem:s8+$0x1400];
	_ =	sdelay $0x4  }
0x89: {  	v56 =	vshll.u32 v3, $0x1  }
0x8a: {  	v3 =	vand.u32 $0x7, v3;
	v4 =	vand.u32 $0xFFFFFFF0, v56  }
0x8b: {  	v3 =	vor.u32 v3, v4  }
0x8c: {  	v4 =	vperm.xlane v3, v0;
	_ =	sdelay $0x1  }
0x8d: {  	v3 =	vperm.xlane v3, v2;
	v4 =	vadd.s32 v1, v4;
	_ =	sdelay $0x1  }
0x8e: {  	v3 =	vadd.s32 v1, v3;
	_ =	sdelay $0x2  }
0x8f: {  	[tilespmem:s16], [sflag:$0x2] =	stream.indirect_vreg.gather [hbm4b:s2+s3], $0x80, v4, vm0, $0xb8;
	[tilespmem:$0x17C00] =	vst v63  }
0x90: {  	s6 =	rddreg [dreg:$0x13]  }
0x91: {  	[tilespmem:s6], [sflag:$0x2] =	stream.indirect_vreg.gather [hbm4b:s2+s3], $0x80, v3, vm0, $0xb8;
	[tilespmem:$0x17C00] =	vst v63  }
0x92: {  	v3 =	vld [tilespmem:s8+$0x1410];
	_ =	sdelay $0x4  }
0x93: {  	v57 =	vshll.u32 v3, $0x1  }
0x94: {  	v3 =	vand.u32 $0x7, v3;
	v4 =	vand.u32 $0xFFFFFFF0, v57  }
0x95: {  	v3 =	vor.u32 v3, v4  }
0x96: {  	v4 =	vperm.xlane v3, v0;
	_ =	sdelay $0x1  }
0x97: {  	v3 =	vperm.xlane v3, v2;
	v4 =	vadd.s32 v1, v4;
	_ =	sdelay $0x1  }
0x98: {  	v3 =	vadd.s32 v1, v3;
	_ =	sdelay $0x1  }
0x99: {  	s5 =	rddreg [dreg:$0x14]  }
0x9a: {  	[tilespmem:s5], [sflag:$0x2] =	stream.indirect_vreg.gather [hbm4b:s2+s3], $0x80, v4, vm0, $0xb8;
	[tilespmem:$0x17C00] =	vst v63  }
0x9b: {  	s6 =	rddreg [dreg:$0x15]  }
0x9c: {  	[tilespmem:s6], [sflag:$0x2] =	stream.indirect_vreg.gather [hbm4b:s2+s3], $0x80, v3, vm0, $0xb8;
	[tilespmem:$0x17C00] =	vst v63  }
0x9d: {  	v3 =	vld [tilespmem:s8+$0x1420];
	_ =	sdelay $0x4  }
0x9e: {  	v58 =	vshll.u32 v3, $0x1  }
0x9f: {  	v3 =	vand.u32 $0x7, v3;
	v4 =	vand.u32 $0xFFFFFFF0, v58  }
0xa0: {  	v3 =	vor.u32 v3, v4  }
0xa1: {  	v4 =	vperm.xlane v3, v0;
	_ =	sdelay $0x1  }
0xa2: {  	v3 =	vperm.xlane v3, v2;
	v4 =	vadd.s32 v1, v4;
	_ =	sdelay $0x1  }
0xa3: {  	v3 =	vadd.s32 v1, v3;
	_ =	sdelay $0x1  }
0xa4: {  	s6 =	rddreg [dreg:$0x16]  }
0xa5: {  	[tilespmem:s6], [sflag:$0x2] =	stream.indirect_vreg.gather [hbm4b:s2+s3], $0x80, v4, vm0, $0xb8;
	[tilespmem:$0x17C00] =	vst v63  }
0xa6: {  	_ = 	snop  }
0xa7: {  	[tilespmem:s17], [sflag:$0x2] =	stream.indirect_vreg.gather [hbm4b:s2+s3], $0x80, v3, vm0, $0xb8;
	[tilespmem:$0x17C00] =	vst v63  }
0xa8: {  	v3 =	vld [tilespmem:s8+$0x1430];
	_ =	sdelay $0x4  }
0xa9: {  	v59 =	vshll.u32 v3, $0x1  }
0xaa: {  	v3 =	vand.u32 $0x7, v3;
	v4 =	vand.u32 $0xFFFFFFF0, v59  }
0xab: {  	v3 =	vor.u32 v3, v4  }
0xac: {  	v4 =	vperm.xlane v3, v0;
	_ =	sdelay $0x1  }
0xad: {  	v3 =	vperm.xlane v3, v2;
	v4 =	vadd.s32 v1, v4;
	_ =	sdelay $0x1  }
0xae: {  	v3 =	vadd.s32 v1, v3;
	_ =	sdelay $0x2  }
0xaf: {  	[tilespmem:s18], [sflag:$0x2] =	stream.indirect_vreg.gather [hbm4b:s2+s3], $0x80, v4, vm0, $0xb8;
	[tilespmem:$0x17C00] =	vst v63  }
0xb0: {  	_ = 	snop  }
0xb1: {  	[tilespmem:s19], [sflag:$0x2] =	stream.indirect_vreg.gather [hbm4b:s2+s3], $0x80, v3, vm0, $0xb8;
	[tilespmem:$0x17C00] =	vst v63  }
0xb2: {  	v3 =	vld [tilespmem:s8+$0x1440];
	_ =	sdelay $0x4  }
0xb3: {  	v60 =	vshll.u32 v3, $0x1  }
0xb4: {  	v3 =	vand.u32 $0x7, v3;
	v4 =	vand.u32 $0xFFFFFFF0, v60  }
0xb5: {  	v3 =	vor.u32 v3, v4  }
0xb6: {  	v4 =	vperm.xlane v3, v0;
	_ =	sdelay $0x1  }
0xb7: {  	v3 =	vperm.xlane v3, v2;
	v4 =	vadd.s32 v1, v4;
	_ =	sdelay $0x1  }
0xb8: {  	v3 =	vadd.s32 v1, v3;
	_ =	sdelay $0x2  }
0xb9: {  	[tilespmem:s20], [sflag:$0x2] =	stream.indirect_vreg.gather [hbm4b:s2+s3], $0x80, v4, vm0, $0xb8;
	[tilespmem:$0x17C00] =	vst v63  }
0xba: {  	_ = 	snop  }
0xbb: {  	[tilespmem:s21], [sflag:$0x2] =	stream.indirect_vreg.gather [hbm4b:s2+s3], $0x80, v3, vm0, $0xb8;
	[tilespmem:$0x17C00] =	vst v63  }
0xbc: {  	v3 =	vld [tilespmem:s8+$0x1450];
	_ =	sdelay $0x4  }
0xbd: {  	v61 =	vshll.u32 v3, $0x1  }
0xbe: {  	v3 =	vand.u32 $0x7, v3;
	v4 =	vand.u32 $0xFFFFFFF0, v61  }
0xbf: {  	v3 =	vor.u32 v3, v4  }
0xc0: {  	v4 =	vperm.xlane v3, v0;
	_ =	sdelay $0x1  }
0xc1: {  	v3 =	vperm.xlane v3, v2;
	v4 =	vadd.s32 v1, v4;
	_ =	sdelay $0x1  }
0xc2: {  	v3 =	vadd.s32 v1, v3;
	_ =	sdelay $0x2  }
0xc3: {  	[tilespmem:s22], [sflag:$0x2] =	stream.indirect_vreg.gather [hbm4b:s2+s3], $0x80, v4, vm0, $0xb8;
	[tilespmem:$0x17C00] =	vst v63  }
0xc4: {  	_ = 	snop  }
0xc5: {  	[tilespmem:s23], [sflag:$0x2] =	stream.indirect_vreg.gather [hbm4b:s2+s3], $0x80, v3, vm0, $0xb8;
	[tilespmem:$0x17C00] =	vst v63  }
0xc6: {  	v3 =	vld [tilespmem:s8+$0x1460];
	_ =	sdelay $0x4  }
0xc7: {  	v62 =	vshll.u32 v3, $0x1  }
0xc8: {  	v3 =	vand.u32 $0x7, v3;
	v4 =	vand.u32 $0xFFFFFFF0, v62  }
0xc9: {  	v3 =	vor.u32 v3, v4  }
0xca: {  	v4 =	vperm.xlane v3, v0;
	_ =	sdelay $0x1  }
0xcb: {  	v3 =	vperm.xlane v3, v2;
	v4 =	vadd.s32 v1, v4;
	_ =	sdelay $0x1  }
0xcc: {  	v3 =	vadd.s32 v1, v3;
	_ =	sdelay $0x2  }
0xcd: {  	[tilespmem:s24], [sflag:$0x2] =	stream.indirect_vreg.gather [hbm4b:s2+s3], $0x80, v4, vm0, $0xb8;
	[tilespmem:$0x17C00] =	vst v63  }
0xce: {  	_ = 	snop  }
0xcf: {  	[tilespmem:s25], [sflag:$0x2] =	stream.indirect_vreg.gather [hbm4b:s2+s3], $0x80, v3, vm0, $0xb8;
	[tilespmem:$0x17C00] =	vst v63  }
0xd0: {  	v3 =	vld [tilespmem:s8+$0x1470];
	_ =	sdelay $0x4  }
0xd1: {  	v63 =	vshll.u32 v3, $0x1  }
0xd2: {  	v3 =	vand.u32 $0x7, v3;
	v4 =	vand.u32 $0xFFFFFFF0, v63  }
0xd3: {  	v3 =	vor.u32 v3, v4  }
0xd4: {  	v4 =	vperm.xlane v3, v0;
	_ =	sdelay $0x1  }
0xd5: {  	v3 =	vperm.xlane v3, v2;
	v4 =	vadd.s32 v1, v4;
	_ =	sdelay $0x1  }
0xd6: {  	v3 =	vadd.s32 v1, v3;
	_ =	sdelay $0x2  }
0xd7: {  	[tilespmem:s26], [sflag:$0x2] =	stream.indirect_vreg.gather [hbm4b:s2+s3], $0x80, v4, vm0, $0xb8;
	[tilespmem:$0x17C00] =	vst v63  }
0xd8: {  	_ = 	snop  }
0xd9: {  	[tilespmem:s28], [sflag:$0x2] =	stream.indirect_vreg.gather [hbm4b:s2+s3], $0x80, v3, vm0, $0xb8;
	[tilespmem:$0x17C00] =	vst v63  }
0xda: {  	s6 =	rddreg [dreg:$0x3];
	s8 =	sadd.s32 $0x2800, s8  }
0xdb: {  	[tilespmem:s30], [sflag:$0x3] =	stream.indirect.gather [hbm4b:s6+s29], $0x80, s8, s29, $0xb8;
	[tilespmem:$0x17C00] =	vst v63  }
0xdc: {  	_ =	swait.ge [sflag:s31], $0x8000  }
0xdd: {  	[sflag:s31] =	ssyncset.done $0x0  }
0xde: {  	[sflag:s31] =	ssyncadd.s32 $0xFFFF8000  }
0xdf: {  	_ =	swait.ge [sflag:s0], $0x8000  }
0xe0: {  	[sflag:s0] =	ssyncset.done $0x0  }
0xe1: {  	[sflag:s0] =	ssyncadd.s32 $0xFFFF8000  }
0xe2: {  	_ =	swait.ge [sflag:s1], $0x4000  }
0xe3: {  	[sflag:s1] =	ssyncset.done $0x0  }
0xe4: {  	[sflag:s1] =	ssyncadd.s32 $0xFFFFC000  }
0xe5: {  	[hbm4b:s10+s3] =	stream.linear.scatter [tilespmem:s15], [sflag:$0x4], $0x8000, $0x38;
	[tilespmem:$0x17C00] =	vst v63  }
0xe6: {  	_ =	swait.ge [sflag:s12], $0x8000  }
0xe7: {  	[sflag:s12] =	ssyncset.done $0x0  }
0xe8: {  	[sflag:s12] =	ssyncadd.s32 $0xFFFF8000  }
0xe9: {  	[hbm4b:s9+s3] =	stream.linear.scatter [tilespmem:s16], [sflag:$0x4], $0x8000, $0x38;
	[tilespmem:$0x17C00] =	vst v63  }
0xea: {  	_ =	swait.ge [sflag:s12], $0x8000  }
0xeb: {  	p0 =	sne.s32 s7, $0x4E00;
	[sflag:s12] =	ssyncset.done $0x0  }
.Ltmp0:
0xec: {  	[sflag:s12] =	ssyncadd.s32 $0xFFFF8000;
	(pc) =	sbr.rel @p0 .LBB2_2-.Ltmp0, $4  }
0xed: {  	[hbm4b:s11+s3] =	stream.linear.scatter [tilespmem:s30], [sflag:$0x4], $0x4000, $0x38;
	[tilespmem:$0x17C00] =	vst v63  }
0xee: {  	_ =	swait.ge [sflag:s12], $0x4000  }
0xef: {  	s7 =	sadd.s32 $0x200, s7;
	s10 =	sadd.s32 $0x1000, s10;
	[sflag:s12] =	ssyncset.done $0x0  }
0xf0: {  	s9 =	sadd.s32 $0x1000, s9;
	s11 =	sadd.s32 $0x800, s11;
	[sflag:s12] =	ssyncadd.s32 $0xFFFFC000  }
0xf1: {  	s13 =	sadd.s32 $0x1, s13;
	s5 =	rddreg [dreg:$0x1a]  }
0xf2: {  	p0 =	sne.s32 s13, s5  }
.Ltmp1:
0xf3: {  	_ = 	snop;
	(pc) =	sbr.rel @p0 .LBB2_1-.Ltmp1, $1  }
0xf4: {  	_ =	sdelay $0x3  }
0xf5: {  	_ =	sfence.sel $0x180000  }
0xf6: {  	[bflag:$0x0] =	sbarrier.arrive $0xFFFF  }
0xf7: {  	_ =	strace $0x9000004D  }
0xf8: {  	s0 =	stileid.u32;
	[bflag:$0x2] =	sbarrier.arrive $0xFFFF  }
0xf9: {  	p0 =	sne.s32 s0, $0x0;
	s0 =	rddreg [dreg:$0x2]  }
0xfa: {  	s0 =	sadd.s32 @!p0 $0x100000, s0  }
0xfb: {  	[sflag:s0] =	ssyncadd.tile.s32 @!p0 $0x1;
	_ =	shalt  }
.Lfunc_end2:
_tile_overlayer_lowered:
.L_overlay_start_2:
0xfc: {  	(tag) =	ssettag $0x2  }
0xfd: {  	s0 =	rddreg [dreg:$0x0];
	s2 =	stileid.u32  }
0xfe: {  	s1 =	rddreg [dreg:$0x1];
	p0 =	sne.s32 s2, $0x0  }
0xff: {  	s3 =	rddreg [dreg:$0x2];
	[bflag:$0x3] =	sbarrier.arrive $0xFFFF;
	s2 =	simm.s32 @!p0 $0x1C04  }
0x100: {  	[timem:s3], [sflag:s2] =	dma.local @!p0 [hbm:s0], s1  }
0x101: {  	s0 =	simm.s32 @!p0 $0x4  }
0x102: {  	_ =	swait.ge @!p0 [sflag:s0], s1  }
0x103: {  	s1 =	ssub.s32 @!p0 $0x0, s1;
	[sflag:s0] =	ssyncset.done @!p0 $0x0  }
0x104: {  	[sflag:s0] =	ssyncadd.s32 @!p0 s1  }
0x105: {  	[bflag:$0x3] =	sbarrier.arrive $0xFFFF  }
0x106: {  	_ =	shalt  }

// kernel: kernel.24.cloned.1.call-start
scs
__scs_entry_jumppad:
0x0: {  	(pc) =	sbr.rel $0x88, $3  }
0x1: {  	(tag) =	ssettag $0x0;
	lr =	simm.s32 $0x1  }
0x2: {  	[smem:$0x3F8C] =	sst lr;
	_ =	strace $0xD0000000  }
0x3: {  	_ = 	snop  }
0x4: {  	_ = 	snop  }
0x5: {  	_ = 	snop  }
0x6: {  	_ = 	snop  }
0x7: {  	_ = 	snop  }
__scs_overlays_trampoline_lowered:
0x8: {  	[smem:$0x3F9B] =	sst s0  }
0x9: {  	[smem:$0x3F9C] =	sst s1  }
0xa: {  	[smem:$0x3F9D] =	sst s2  }
0xb: {  	[smem:$0x3F9E] =	sst s3  }
0xc: {  	[smem:$0x3F9F] =	sst s4  }
0xd: {  	[smem:$0x3FA0] =	sst s5  }
0xe: {  	[smem:$0x3FA1] =	sst s6  }
0xf: {  	[smem:$0x3FA2] =	sst s7  }
0x10: {  	[smem:$0x3FA3] =	sst s8  }
0x11: {  	[smem:$0x3FA4] =	sst s9;
	s0 =	simm.s32 @!p0 $0x0  }
0x12: {  	s1 =	sld [smem:$0x3F8A];
	s0 =	simm.s32 @p0 $0x1  }
0x13: {  	[smem:$0x3FA5] =	sst s0;
	s0 =	simm.s32 @!p1 $0x0  }
0x14: {  	s2 =	sld [smem:$0x3F89];
	s0 =	simm.s32 @p1 $0x1  }
0x15: {  	[smem:$0x3FA6] =	sst s0;
	s0 =	simm.s32 @!p2 $0x0  }
0x16: {  	s3 =	sld [smem:$0x3FDB];
	s0 =	simm.s32 @p2 $0x1  }
0x17: {  	s4 =	simm.s32 $0x1BF5;
	[smem:$0x3FA8] =	sst s0  }
0x18: {  	s0 =	sld [smem:$0x3F8B];
	_ =	swait.ge [sflag:s4], $0x0  }
0x19: {  	s7 =	sld [smem:$0x3F8C]  }
0x1a: {  	s8 =	sadd.s32 $0xFFFFE003, lr  }
0x1b: {  	s9 =	sadd.s32 $0xFFFFFEF7, lr;
	s5 =	simm.s32 $0xFFFFFFFF;
	p2 =	slt.u32 s8, $0xFFFFF086  }
0x1c: {  	p1 =	slt.u32 s9, $0xF7A;
	s5 =	simm.s32 @!p2 $0x0  }
0x1d: {  	s5 =	simm.s32 @p1 $0x1;
	p0 =	seq.s32 s7, s2  }
0x1e: {  	s7 =	smul.u32 @!p0 $0xF7A, s2;
	p2 =	seq.s32 @!p0 s5, $0x0  }
0x1f: {  	s9 =	smul.u32 $0xF7A, s1;
	s8 =	simm.s32 @!p0 $0x1BF5;
	p2 =	por !p2, p0  }
0x20: {  	[sflag:s8] =	ssyncset.s32 @!p0 $0xFFFFF086;
	s6 =	sadd.s32 @!p0 s3, s7;
	s7 =	simm.s32 @!p0 $0x108  }
0x21: {  	s3 =	sadd.s32 s3, s9;
	s6 =	sadd.s32 @!p0 $0x88, s6;
	s7 =	simm.s32 @p2 $0x1082  }
0x22: {  	[simem:s7], [sflag:s8] =	dma.local @!p0 [hbm:s6], $0xF7A  }
0x23: {  	s9 =	sor.u32 $0xD0000000, s2;
	s6 =	simm.s32 $0x108;
	_ =	swait.ge @!p0 [sflag:s8], $0x0  }
0x24: {  	s3 =	sadd.s32 $0x88, s3;
	s6 =	simm.s32 @!p1 $0x1082;
	[sflag:s4] =	ssyncset.s32 $0xFFFFF086  }
0x25: {  	[simem:s6], [sflag:s4] =	dma.local [hbm:s3], $0xF7A  }
0x26: {  	[smem:$0x3F8C] =	sst s1;
	(tag) =	ssettag s2;
	_ =	strace s9  }
0x27: {  	s1 =	sld [smem:$0x3F9C]  }
0x28: {  	s2 =	sld [smem:$0x3F9D]  }
0x29: {  	s4 =	sld [smem:$0x3F9F]  }
0x2a: {  	p0 =	seq.s32 s5, $0x0;
	s5 =	sld [smem:$0x3FA0]  }
0x2b: {  	s6 =	sld [smem:$0x3FA1]  }
0x2c: {  	s7 =	sld [smem:$0x3FA2]  }
0x2d: {  	s3 =	simm.s32 $0x108;
	s8 =	sld [smem:$0x3FA3]  }
0x2e: {  	s3 =	simm.s32 @!p0 $0x1082;
	s9 =	sld [smem:$0x3FA4]  }
0x2f: {  	lr =	sadd.s32 s0, s3;
	s0 =	sld [smem:$0x3F9B]  }
0x30: {  	s3 =	sld [smem:$0x3F9E]  }
0x31: {  	[smem:$0x3FA7] =	sst s10  }
0x32: {  	s10 =	sld [smem:$0x3FA5];
	_ =	sdelay $0x3  }
0x33: {  	p0 =	seq.s32 s10, $0x1;
	s10 =	sld [smem:$0x3FA7];
	_ =	sdelay $0x3  }
0x34: {  	[smem:$0x3FA7] =	sst s10  }
0x35: {  	s10 =	sld [smem:$0x3FA6];
	_ =	sdelay $0x3  }
0x36: {  	p1 =	seq.s32 s10, $0x1;
	s10 =	sld [smem:$0x3FA7];
	_ =	sdelay $0x3  }
0x37: {  	[smem:$0x3FA7] =	sst s10  }
0x38: {  	s10 =	sld [smem:$0x3FA8]  }
0x39: {  	_ = 	snop;
	(pc) =	sbr.ind lr, $3  }
0x3a: {  	_ = 	snop  }
0x3b: {  	_ = 	snop  }
0x3c: {  	p2 =	seq.s32 s10, $0x1;
	s10 =	sld [smem:$0x3FA7]  }
0x3d: {  	_ =	shalt  }
0x3e: {  	_ =	shalt  }
0x3f: {  	_ =	shalt  }
0x40: {  	_ =	shalt  }
0x41: {  	_ =	shalt  }
0x42: {  	_ =	shalt  }
0x43: {  	_ =	shalt  }
0x44: {  	_ =	shalt  }
0x45: {  	_ =	shalt  }
0x46: {  	_ =	shalt  }
0x47: {  	_ =	shalt  }
0x48: {  	_ =	shalt  }
0x49: {  	_ =	shalt  }
0x4a: {  	_ =	shalt  }
0x4b: {  	_ =	shalt  }
0x4c: {  	_ =	shalt  }
0x4d: {  	_ =	shalt  }
0x4e: {  	_ =	shalt  }
0x4f: {  	_ =	shalt  }
0x50: {  	_ =	shalt  }
0x51: {  	_ =	shalt  }
0x52: {  	_ =	shalt  }
0x53: {  	_ =	shalt  }
0x54: {  	_ =	shalt  }
0x55: {  	_ =	shalt  }
0x56: {  	_ =	shalt  }
0x57: {  	_ =	shalt  }
0x58: {  	_ =	shalt  }
0x59: {  	_ =	shalt  }
0x5a: {  	_ =	shalt  }
0x5b: {  	_ =	shalt  }
0x5c: {  	_ =	shalt  }
0x5d: {  	_ =	shalt  }
0x5e: {  	_ =	shalt  }
0x5f: {  	_ =	shalt  }
0x60: {  	_ =	shalt  }
0x61: {  	_ =	shalt  }
0x62: {  	_ =	shalt  }
0x63: {  	_ =	shalt  }
0x64: {  	_ =	shalt  }
0x65: {  	_ =	shalt  }
0x66: {  	_ =	shalt  }
0x67: {  	_ =	shalt  }
0x68: {  	_ =	shalt  }
0x69: {  	_ =	shalt  }
0x6a: {  	_ =	shalt  }
0x6b: {  	_ =	shalt  }
0x6c: {  	_ =	shalt  }
0x6d: {  	_ =	shalt  }
0x6e: {  	_ =	shalt  }
0x6f: {  	_ =	shalt  }
0x70: {  	_ =	shalt  }
0x71: {  	_ =	shalt  }
0x72: {  	_ =	shalt  }
0x73: {  	_ =	shalt  }
0x74: {  	_ =	shalt  }
0x75: {  	_ =	shalt  }
0x76: {  	_ =	shalt  }
0x77: {  	_ =	shalt  }
0x78: {  	_ =	shalt  }
0x79: {  	_ =	shalt  }
0x7a: {  	_ =	shalt  }
0x7b: {  	_ =	shalt  }
0x7c: {  	_ =	shalt  }
0x7d: {  	_ =	shalt  }
0x7e: {  	_ =	shalt  }
0x7f: {  	_ =	shalt  }
0x80: {  	_ =	shalt  }
0x81: {  	_ =	shalt  }
0x82: {  	_ =	shalt  }
0x83: {  	_ =	shalt  }
0x84: {  	_ =	shalt  }
0x85: {  	_ =	shalt  }
0x86: {  	_ =	shalt  }
0x87: {  	_ =	shalt  }
.Lfunc_end0:
.L_simem_size_0:
called_computation.3_lowered:
.L_overlay_start_0:
0x88: {  	s2 =	sld [smem:$0x3FD9]  }
0x89: {  	s3 =	sld [smem:$0x3FFE];
	_ =	sdelay $0x1  }
0x8a: {  	s1 =	srdreg.scid  }
0x8b: {  	s0 =	sand.u32 $0x1, s1  }
0x8c: {  	s17 =	sshll.u32 s0, $0xA;
	s2 =	sadd.s32 s3, s2  }
0x8d: {  	s2 =	sadd.s32 s2, s17  }
0x8e: {  	[smem:$0x3FB3] =	sst s2  }
0x8f: {  	_ = 	snop  }
0x90: {  	s2 =	sld [smem:$0x3FD0];
	(tm) =	ssettm $0x1  }
0x91: {  	s18 =	sld [smem:$0x3FFB];
	_ =	sdelay $0x3  }
0x92: {  	_ =	strace s18  }
0x93: {  	s3 =	sld [smem:$0x3FFC];
	_ =	sdelay $0x3  }
0x94: {  	_ =	strace s3  }
0x95: {  	s3 =	sld [smem:$0x3FFD];
	_ =	sdelay $0x3  }
0x96: {  	_ =	strace s3  }
0x97: {  	_ =	strace $0x8FFFFFFF  }
0x98: {  	s19 =	sld [smem:$0x3FDB];
	_ =	sdelay $0x1  }
0x99: {  	s4 =	simm.s32 $_scs_section_size  }
0x9a: {  	s5 =	simm.s32 $_size__tile_overlayer_lowered;
	s6 =	simm.s32 $_tile_overlayer_lowered  }
0x9b: {  	s22 =	simm.s32 $0x1BFF;
	s21 =	sshll.u32 s6, $0x1;
	s3 =	sadd.s32 s4, s19  }
0x9c: {  	s7 =	simm.s32 $0x0;
	s20 =	sshll.u32 s5, $0x1;
	s5 =	sadd.s32 s21, s3  }
0x9d: {  	[timem:s7], [sflag:s22] =	dma.local [hbm:s5], s20  }
0x9e: {  	_ =	swait.ge [sflag:s22], s20  }
0x9f: {  	s4 =	ssub.s32 $0x0, s20;
	[sflag:s22] =	ssyncset.done $0x0  }
0xa0: {  	[sflag:s22] =	ssyncadd.s32 s4;
	_ =	sdelay $0x1  }
0xa1: {  	s23 =	simm.s32 $0x1B8B  }
0xa2: {  	_ =	swait.ge [sflag:s23], $0x1  }
0xa3: {  	[sflag:s23] =	ssyncset.done $0x0  }
0xa4: {  	s25 =	simm.s32 $0x1B8E;
	s24 =	sld [smem:$0x3FFE];
	[sflag:s23] =	ssyncadd.s32 $0xFFFFFFFF  }
0xa5: {  	s26 =	simm.s32 $execute0_lowered;
	[smem:$0x3FD2] =	sst s25  }
0xa6: {  	s5 =	sshll.u32 s26, $0x1;
	_ =	strace $0x8000004F;
	[dreg:$0x1] =	wrdreg $0xFFFFFFFF  }
0xa7: {  	s28 =	simm.s32 $_size_execute0_lowered;
	s3 =	sadd.s32 s3, s5;
	[dreg:$0x0] =	wrdreg $0x0  }
0xa8: {  	s5 =	sshll.u32 s28, $0x1;
	[dreg:$0x2] =	wrdreg s3  }
0xa9: {  	[dreg:$0x3] =	wrdreg s5  }
0xaa: {  	[dreg:$0x4] =	wrdreg $0xC0  }
0xab: {  	_ =	task [dreg:s7], $0x5FFFF  }
0xac: {  	[dreg:$0x1] =	wrdreg $0xFFFFFFFF  }
0xad: {  	[dreg:$0x0] =	wrdreg $0x60  }
0xae: {  	[dreg:$0x2] =	wrdreg s24  }
0xaf: {  	[dreg:$0x3] =	wrdreg s2  }
0xb0: {  	[dreg:$0x4] =	wrdreg $0xA8000  }
0xb1: {  	[dreg:$0x5] =	wrdreg $0x1E8000  }
0xb2: {  	[dreg:$0x6] =	wrdreg $0x9  }
0xb3: {  	_ =	task.clear_ibuf [dreg:s7], $0x7FFFF;
	_ =	strace $0x9000004F  }
0xb4: {  	s29 =	simm.s32 $0x9;
	_ =	strace $0x80000051  }
0xb5: {  	_ =	swait.ge [sflag:s29], $0x1  }
0xb6: {  	[sflag:s29] =	ssyncadd.s32 $0xFFFFFFFF  }
0xb7: {  	_ =	strace $0x90000051  }
0xb8: {  	_ =	sfence  }
0xb9: {  	s30 =	sld [smem:$0x0];
	_ =	sdelay $0x2  }
0xba: {  	s31 =	sshll.u32 s1, $0xD;
	s1 =	sshrl.u32 s1, $0x2  }
0xbb: {  	s3 =	sand.u32 $0x4000, s31;
	s1 =	sadd.s32 s1, s30  }
0xbc: {  	s0 =	sor.u32 s3, s0;
	s1 =	sshll.u32 s1, $0x11  }
0xbd: {  	s0 =	sor.u32 s1, s0  }
0xbe: {  	s0 =	sadd.s32 $0x8F2B, s0  }
0xbf: {  	[sflag:s0] =	ssyncadd.remote.s32 $0x1  }
0xc0: {  	_ =	sfence.sel $0xFFFF  }
0xc1: {  	[dreg:$0x0] =	wrdreg $0xFFFFFFFF;
	(pc) =	sbr.abs _section_cstart, $3  }
0xc2: {  	[dreg:$0x1] =	wrdreg $0xFFFFFFFF  }
0xc3: {  	_ =	task.clear_ibuf [dreg:s7], $0x2FFFF;
	_ =	strace $0x9FFFFFFF  }
0xc4: {  	(tm) =	ssettm $0x7FFFFFFF  }
0xc5: {  	_ =	shalt  }
tec
execute0_lowered:
.L_overlay_start_1:
0x0: {  	(tag) =	ssettag $0x1  }
0x1: {  	s18 =	stileid.u32;
	s0 =	srdreg.scid  }
0x2: {  	s1 =	rddreg [dreg:$0x0];
	s6 =	smul.u32 $0x28000, s18  }
0x3: {  	s5 =	rddreg [dreg:$0x1];
	s29 =	simm.s32 $0x2800;
	s8 =	smul.u32 $0x1400, s18  }
0x4: {  	s30 =	simm.s32 $0x1;
	s31 =	simm.s32 $0x6800;
	s12 =	smul.u32 $0x280, s18  }
0x5: {  	s0 =	sand.u32 $0x1, s0;
	s2 =	sshll.u32 s18, $0x1;
	s25 =	smul.u32 $0x2800, s18  }
0x6: {  	s10 =	sadd.s32 $0x2F7400, s1;
	s3 =	sor.u32 s0, s2;
	s16 =	smul.u32 $0x14000, s0  }
0x7: {  	s2 =	rddreg [dreg:$0x2];
	s24 =	ssub.s32 $0x2, s0;
	s0 =	smul.u32 $0x140000, s0  }
0x8: {  	s4 =	smul.u32 $0x1400, s3;
	s3 =	rddreg [dreg:$0x3];
	s6 =	sadd.s32 s6, s1  }
0x9: {  	s9 =	sshrl.u32 s8, $0x3;
	s11 =	sshrl.u32 s24, $0x1;
	s26 =	sadd.s32 $0x80, s12  }
0xa: {  	s28 =	sadd.s32 s10, s25;
	s14 =	sadd.s32 $0x180, s12;
	s17 =	sadd.s32 s9, s1  }
0xb: {  	s8 =	sadd.s32 s8, s16;
	s21 =	ssub.s32 s24, s11;
	[dreg:$0x6] =	wrdreg s28  }
0xc: {  	s9 =	sshll.u32 s26, $0x4;
	s11 =	sadd.s32 $0x100, s12;
	s15 =	sshll.u32 s14, $0x4  }
0xd: {  	s12 =	sadd.s32 $0x200, s12;
	s24 =	sshll.u32 s14, $0x7;
	s7 =	sshrl.u32 s4, $0x3  }
0xe: {  	s4 =	simm.s32 $0x0;
	s8 =	sshrl.u32 s8, $0x3;
	s13 =	sshll.u32 s11, $0x4  }
0xf: {  	s23 =	sshll.u32 s11, $0x7;
	s19 =	sshll.u32 s12, $0x4;
	s25 =	sshll.u32 s12, $0x7  }
0x10: {  	s14 =	sadd.s32 s0, s24;
	s21 =	smax.u32 s21, $0x1;
	s24 =	sadd.s32 s24, s2  }
0x11: {  	s7 =	sadd.s32 s7, s1;
	s1 =	sadd.s32 $0x321C00, s1;
	s5 =	sadd.s32 s5, s8  }
0x12: {  	s8 =	sadd.s32 s10, s9;
	s9 =	sadd.s32 s10, s15;
	[smem:$0x7FF] =	sst s4  }
0x13: {  	s28 =	sadd.s32 s0, s23;
	s14 =	sshrl.u32 s14, $0x3;
	[dreg:$0x5] =	wrdreg s5  }
0x14: {  	s23 =	sadd.s32 s23, s2;
	[dreg:$0x7] =	wrdreg s8;
	s5 =	sshll.u32 s26, $0x7  }
0x15: {  	s8 =	sadd.s32 s10, s13;
	s13 =	smul.u32 $0x14000, s18;
	s10 =	sadd.s32 s10, s19  }
0x16: {  	s14 =	sadd.s32 s1, s14;
	s19 =	sadd.s32 $0x61C00, s7;
	[dreg:$0x8] =	wrdreg s8  }
0x17: {  	s22 =	sadd.s32 s0, s5;
	s8 =	sadd.s32 s16, s6;
	s16 =	sadd.s32 $0x31F400, s17  }
0x18: {  	s20 =	sadd.s32 s0, s13;
	s26 =	sshrl.u32 s22, $0x3;
	s13 =	sshrl.u32 s28, $0x3  }
0x19: {  	s0 =	sadd.s32 s0, s25;
	_ =	strace $0x80000050;
	s22 =	sadd.s32 s5, s2  }
0x1a: {  	s25 =	sadd.s32 s25, s2;
	s11 =	sshrl.u32 s20, $0x3;
	s12 =	sadd.s32 s1, s26  }
0x1b: {  	s13 =	sadd.s32 s1, s13;
	s0 =	sshrl.u32 s0, $0x3;
	s26 =	smul.u32 $0x50000, s18  }
0x1c: {  	s11 =	sadd.s32 s1, s11;
	s15 =	sadd.s32 s1, s0;
	s1 =	smul.u32 $0x5000, s18  }
0x1d: {  	s6 =	sadd.s32 $0x1528C00, s8;
	s18 =	sadd.s32 $0x66C00, s7;
	s28 =	sshrl.u32 s26, $0x2  }
0x1e: {  	s7 =	sadd.s32 $0x12A8C00, s8;
	s0 =	sshrl.u32 s1, $0x2;
	s20 =	sadd.s32 s28, s2  }
0x1f: {  	s1 =	simm.s32 $0x0;
	s17 =	sadd.s32 s0, s3;
	s0 =	simm.s32 $0x80  }
.LBB2_1:
0x20: {  	s5 =	rddreg [dreg:$0x6]  }
0x21: {  	[tilespmem:s29], [sflag:$0x1] =	stream.linear.gather [hbm4b:s5+s4], $0x4000, $0x38;
	[tilespmem:$0x1FC00] =	vst v63  }
0x22: {  	_ =	swait.ge [sflag:s30], $0x4000  }
0x23: {  	[sflag:s30] =	ssyncset.done $0x0  }
0x24: {  	[sflag:s30] =	ssyncadd.s32 $0xFFFFC000  }
0x25: {  	[spmem:s20] =	stream.linear.scatter [tilespmem:s29], [sflag:$0x1], $0x4000, $0x38;
	[tilespmem:$0x1FC00] =	vst v63  }
0x26: {  	_ =	swait.ge [sflag:s30], $0x4000  }
0x27: {  	[sflag:s30] =	ssyncset.done $0x0  }
0x28: {  	s26 =	rddreg [dreg:$0x7];
	[sflag:s30] =	ssyncadd.s32 $0xFFFFC000  }
0x29: {  	[tilespmem:s29], [sflag:$0x1] =	stream.linear.gather [hbm4b:s26+s4], $0x4000, $0x38;
	[tilespmem:$0x1FC00] =	vst v63  }
0x2a: {  	_ =	swait.ge [sflag:s30], $0x4000  }
0x2b: {  	[sflag:s30] =	ssyncset.done $0x0  }
0x2c: {  	[sflag:s30] =	ssyncadd.s32 $0xFFFFC000  }
0x2d: {  	[spmem:s22] =	stream.linear.scatter [tilespmem:s29], [sflag:$0x1], $0x4000, $0x38;
	[tilespmem:$0x1FC00] =	vst v63  }
0x2e: {  	_ =	swait.ge [sflag:s30], $0x4000  }
0x2f: {  	[sflag:s30] =	ssyncset.done $0x0  }
0x30: {  	s8 =	rddreg [dreg:$0x8];
	[sflag:s30] =	ssyncadd.s32 $0xFFFFC000  }
0x31: {  	[tilespmem:s29], [sflag:$0x1] =	stream.linear.gather [hbm4b:s8+s4], $0x4000, $0x38;
	[tilespmem:$0x1FC00] =	vst v63  }
0x32: {  	_ =	swait.ge [sflag:s30], $0x4000  }
0x33: {  	[sflag:s30] =	ssyncset.done $0x0  }
0x34: {  	[sflag:s30] =	ssyncadd.s32 $0xFFFFC000  }
0x35: {  	[spmem:s23] =	stream.linear.scatter [tilespmem:s29], [sflag:$0x1], $0x4000, $0x38;
	[tilespmem:$0x1FC00] =	vst v63  }
0x36: {  	_ =	swait.ge [sflag:s30], $0x4000  }
0x37: {  	[sflag:s30] =	ssyncset.done $0x0  }
0x38: {  	[sflag:s30] =	ssyncadd.s32 $0xFFFFC000  }
0x39: {  	[tilespmem:s29], [sflag:$0x1] =	stream.linear.gather [hbm4b:s9+s4], $0x4000, $0x38;
	[tilespmem:$0x1FC00] =	vst v63  }
0x3a: {  	_ =	swait.ge [sflag:s30], $0x4000  }
0x3b: {  	[sflag:s30] =	ssyncset.done $0x0  }
0x3c: {  	[sflag:s30] =	ssyncadd.s32 $0xFFFFC000  }
0x3d: {  	[spmem:s24] =	stream.linear.scatter [tilespmem:s29], [sflag:$0x1], $0x4000, $0x38;
	[tilespmem:$0x1FC00] =	vst v63  }
0x3e: {  	_ =	swait.ge [sflag:s30], $0x4000  }
0x3f: {  	[sflag:s30] =	ssyncset.done $0x0  }
0x40: {  	[sflag:s30] =	ssyncadd.s32 $0xFFFFC000  }
0x41: {  	[tilespmem:s29], [sflag:$0x1] =	stream.linear.gather [hbm4b:s10+s4], $0x4000, $0x38;
	[tilespmem:$0x1FC00] =	vst v63  }
0x42: {  	_ =	swait.ge [sflag:s30], $0x4000  }
0x43: {  	[sflag:s30] =	ssyncset.done $0x0  }
0x44: {  	[sflag:s30] =	ssyncadd.s32 $0xFFFFC000  }
0x45: {  	[spmem:s25] =	stream.linear.scatter [tilespmem:s29], [sflag:$0x1], $0x4000, $0x38;
	[tilespmem:$0x1FC00] =	vst v63  }
0x46: {  	_ =	swait.ge [sflag:s30], $0x4000  }
0x47: {  	[sflag:s30] =	ssyncset.done $0x0  }
0x48: {  	[sflag:s30] =	ssyncadd.s32 $0xFFFFC000  }
0x49: {  	[tilespmem:s31], [sflag:$0x1] =	stream.linear.gather [hbm4b:s16+s4], $0x1400, $0x38;
	[tilespmem:$0x1FC00] =	vst v63  }
0x4a: {  	_ =	swait.ge [sflag:s30], $0x1400  }
0x4b: {  	[sflag:s30] =	ssyncset.done $0x0  }
0x4c: {  	[sflag:s30] =	ssyncadd.s32 $0xFFFFEC00  }
0x4d: {  	[spmem:s17] =	stream.linear.scatter [tilespmem:s31], [sflag:$0x1], $0x1400, $0x38;
	[tilespmem:$0x1FC00] =	vst v63  }
0x4e: {  	_ =	swait.ge [sflag:s30], $0x1400  }
0x4f: {  	[sflag:s30] =	ssyncset.done $0x0  }
0x50: {  	[sflag:s30] =	ssyncadd.s32 $0xFFFFEC00  }
0x51: {  	[bflag:$0x0] =	sbarrier.arrive $0xFFFF  }
0x52: {  	[tilespmem:s4], [sflag:$0x1] =	stream.linear.gather [hbm4b:s18+s4], $0x1400, $0x38;
	[tilespmem:$0x1FC00] =	vst v63  }
0x53: {  	_ =	swait.ge [sflag:s30], $0x1400  }
0x54: {  	[sflag:s30] =	ssyncset.done $0x0  }
0x55: {  	s26 =	simm.s32 $0x1400;
	[sflag:s30] =	ssyncadd.s32 $0xFFFFEC00  }
0x56: {  	[tilespmem:s26], [sflag:$0x1] =	stream.linear.gather [hbm4b:s19+s4], $0x1400, $0x38;
	[tilespmem:$0x1FC00] =	vst v63  }
0x57: {  	_ =	swait.ge [sflag:s30], $0x1400  }
0x58: {  	[sflag:s30] =	ssyncset.done $0x0  }
0x59: {  	[sflag:s30] =	ssyncadd.s32 $0xFFFFEC00  }
0x5a: {  	[tilespmem:s29], [sflag:$0x1] =	stream.linear.gather [hbm4b:s6+s4], $0x4000, $0x38;
	[tilespmem:$0x1FC00] =	vst v63  }
0x5b: {  	_ =	swait.ge [sflag:s30], $0x4000  }
0x5c: {  	[sflag:s30] =	ssyncset.done $0x0  }
0x5d: {  	s8 =	simm.s32 $0x0;
	[sflag:s30] =	ssyncadd.s32 $0xFFFFC000  }
0x5e: {  	[spmem:s2] =	stream.indirect.scatter.add.f32 [tilespmem:s29], [sflag:$0x1], $0x80, s8, s0, $0xb8;
	[tilespmem:$0x1FC00] =	vst v63  }
0x5f: {  	_ =	swait.ge [sflag:s30], $0x4000  }
0x60: {  	[sflag:s30] =	ssyncset.done $0x0  }
0x61: {  	[sflag:s30] =	ssyncadd.s32 $0xFFFFC000  }
0x62: {  	[tilespmem:s31], [sflag:$0x1] =	stream.linear.gather [hbm4b:s7+s4], $0x4000, $0x38;
	[tilespmem:$0x1FC00] =	vst v63  }
0x63: {  	_ =	swait.ge [sflag:s30], $0x4000  }
0x64: {  	[sflag:s30] =	ssyncset.done $0x0  }
0x65: {  	s26 =	simm.s32 $0x1400;
	[sflag:s30] =	ssyncadd.s32 $0xFFFFC000  }
0x66: {  	[spmem:s3] =	stream.indirect.scatter.add.f32 [tilespmem:s31], [sflag:$0x1], $0x80, s26, s0, $0xb8;
	[tilespmem:$0x1FC00] =	vst v63  }
0x67: {  	s28 =	smov.u32 s7;
	_ =	swait.ge [sflag:s30], $0x4000  }
0x68: {  	s5 =	simm.s32 $0x200;
	s26 =	smov.u32 s6;
	[sflag:s30] =	ssyncset.done $0x0  }
.LBB2_2:
0x69: {  	[sflag:s30] =	ssyncadd.s32 $0xFFFFC000  }
0x6a: {  	s26 =	sadd.s32 $0x800, s26;
	s28 =	sadd.s32 $0x800, s28;
	s8 =	smov.u32 s5  }
0x6b: {  	[tilespmem:s29], [sflag:$0x1] =	stream.linear.gather [hbm4b:s26+s4], $0x4000, $0x38;
	[tilespmem:$0x1FC00] =	vst v63  }
0x6c: {  	p0 =	sne.s32 s5, $0x4E00;
	s5 =	sadd.s32 $0x200, s5;
	_ =	swait.ge [sflag:s30], $0x4000  }
0x6d: {  	[sflag:s30] =	ssyncset.done $0x0  }
0x6e: {  	s8 =	sshra.s32 s8, $0x2;
	[sflag:s30] =	ssyncadd.s32 $0xFFFFC000  }
0x6f: {  	[spmem:s2] =	stream.indirect.scatter.add.f32 [tilespmem:s29], [sflag:$0x1], $0x80, s8, s0, $0xb8;
	[tilespmem:$0x1FC00] =	vst v63  }
0x70: {  	_ =	swait.ge [sflag:s30], $0x4000  }
0x71: {  	[sflag:s30] =	ssyncset.done $0x0  }
0x72: {  	[sflag:s30] =	ssyncadd.s32 $0xFFFFC000  }
0x73: {  	[tilespmem:s31], [sflag:$0x1] =	stream.linear.gather [hbm4b:s28+s4], $0x4000, $0x38;
	[tilespmem:$0x1FC00] =	vst v63  }
0x74: {  	_ =	swait.ge [sflag:s30], $0x4000  }
.Ltmp0:
0x75: {  	[sflag:s30] =	ssyncset.done $0x0;
	(pc) =	sbr.rel @p0 .LBB2_2-.Ltmp0, $4  }
0x76: {  	s8 =	sadd.s32 $0x1400, s8;
	[sflag:s30] =	ssyncadd.s32 $0xFFFFC000  }
0x77: {  	[spmem:s3] =	stream.indirect.scatter.add.f32 [tilespmem:s31], [sflag:$0x1], $0x80, s8, s0, $0xb8;
	[tilespmem:$0x1FC00] =	vst v63  }
0x78: {  	_ =	swait.ge [sflag:s30], $0x4000  }
0x79: {  	[sflag:s30] =	ssyncset.done $0x0  }
0x7a: {  	[sflag:s30] =	ssyncadd.s32 $0xFFFFC000  }
0x7b: {  	[bflag:$0x0] =	sbarrier.arrive $0xFFFF  }
0x7c: {  	[tilespmem:s29], [sflag:$0x1] =	stream.linear.gather [spmem:s20], $0x4000, $0x38;
	[tilespmem:$0x1FC00] =	vst v63  }
0x7d: {  	_ =	swait.ge [sflag:s30], $0x4000  }
0x7e: {  	[sflag:s30] =	ssyncset.done $0x0  }
0x7f: {  	[sflag:s30] =	ssyncadd.s32 $0xFFFFC000  }
0x80: {  	[hbm4b:s11+s4] =	stream.linear.scatter [tilespmem:s29], [sflag:$0x1], $0x4000, $0x38;
	[tilespmem:$0x1FC00] =	vst v63  }
0x81: {  	_ =	swait.ge [sflag:s30], $0x4000  }
0x82: {  	[sflag:s30] =	ssyncset.done $0x0  }
0x83: {  	[sflag:s30] =	ssyncadd.s32 $0xFFFFC000  }
0x84: {  	[tilespmem:s29], [sflag:$0x1] =	stream.linear.gather [spmem:s22], $0x4000, $0x38;
	[tilespmem:$0x1FC00] =	vst v63  }
0x85: {  	_ =	swait.ge [sflag:s30], $0x4000  }
0x86: {  	[sflag:s30] =	ssyncset.done $0x0  }
0x87: {  	[sflag:s30] =	ssyncadd.s32 $0xFFFFC000  }
0x88: {  	[hbm4b:s12+s4] =	stream.linear.scatter [tilespmem:s29], [sflag:$0x1], $0x4000, $0x38;
	[tilespmem:$0x1FC00] =	vst v63  }
0x89: {  	_ =	swait.ge [sflag:s30], $0x4000  }
0x8a: {  	[sflag:s30] =	ssyncset.done $0x0  }
0x8b: {  	[sflag:s30] =	ssyncadd.s32 $0xFFFFC000  }
0x8c: {  	[tilespmem:s29], [sflag:$0x1] =	stream.linear.gather [spmem:s23], $0x4000, $0x38;
	[tilespmem:$0x1FC00] =	vst v63  }
0x8d: {  	_ =	swait.ge [sflag:s30], $0x4000  }
0x8e: {  	[sflag:s30] =	ssyncset.done $0x0  }
0x8f: {  	[sflag:s30] =	ssyncadd.s32 $0xFFFFC000  }
0x90: {  	[hbm4b:s13+s4] =	stream.linear.scatter [tilespmem:s29], [sflag:$0x1], $0x4000, $0x38;
	[tilespmem:$0x1FC00] =	vst v63  }
0x91: {  	_ =	swait.ge [sflag:s30], $0x4000  }
0x92: {  	[sflag:s30] =	ssyncset.done $0x0  }
0x93: {  	[sflag:s30] =	ssyncadd.s32 $0xFFFFC000  }
0x94: {  	[tilespmem:s29], [sflag:$0x1] =	stream.linear.gather [spmem:s24], $0x4000, $0x38;
	[tilespmem:$0x1FC00] =	vst v63  }
0x95: {  	_ =	swait.ge [sflag:s30], $0x4000  }
0x96: {  	[sflag:s30] =	ssyncset.done $0x0  }
0x97: {  	[sflag:s30] =	ssyncadd.s32 $0xFFFFC000  }
0x98: {  	[hbm4b:s14+s4] =	stream.linear.scatter [tilespmem:s29], [sflag:$0x1], $0x4000, $0x38;
	[tilespmem:$0x1FC00] =	vst v63  }
0x99: {  	_ =	swait.ge [sflag:s30], $0x4000  }
0x9a: {  	[sflag:s30] =	ssyncset.done $0x0  }
0x9b: {  	[sflag:s30] =	ssyncadd.s32 $0xFFFFC000  }
0x9c: {  	[tilespmem:s29], [sflag:$0x1] =	stream.linear.gather [spmem:s25], $0x4000, $0x38;
	[tilespmem:$0x1FC00] =	vst v63  }
0x9d: {  	_ =	swait.ge [sflag:s30], $0x4000  }
0x9e: {  	[sflag:s30] =	ssyncset.done $0x0  }
0x9f: {  	[sflag:s30] =	ssyncadd.s32 $0xFFFFC000  }
0xa0: {  	[hbm4b:s15+s4] =	stream.linear.scatter [tilespmem:s29], [sflag:$0x1], $0x4000, $0x38;
	[tilespmem:$0x1FC00] =	vst v63  }
0xa1: {  	_ =	swait.ge [sflag:s30], $0x4000  }
0xa2: {  	[sflag:s30] =	ssyncset.done $0x0  }
0xa3: {  	[sflag:s30] =	ssyncadd.s32 $0xFFFFC000  }
0xa4: {  	[tilespmem:s31], [sflag:$0x1] =	stream.linear.gather [spmem:s17], $0x1400, $0x38;
	[tilespmem:$0x1FC00] =	vst v63  }
0xa5: {  	s1 =	sadd.s32 $0x1, s1;
	_ =	swait.ge [sflag:s30], $0x1400  }
0xa6: {  	p0 =	sne.s32 s1, s21;
	[sflag:s30] =	ssyncset.done $0x0  }
.Ltmp1:
0xa7: {  	s5 =	rddreg [dreg:$0x5];
	[sflag:s30] =	ssyncadd.s32 $0xFFFFEC00;
	(pc) =	sbr.rel @p0 .LBB2_1-.Ltmp1, $4  }
0xa8: {  	[hbm4b:s5+s4] =	stream.linear.scatter [tilespmem:s31], [sflag:$0x1], $0x1400, $0x38;
	[tilespmem:$0x1FC00] =	vst v63  }
0xa9: {  	_ =	swait.ge [sflag:s30], $0x1400  }
0xaa: {  	[sflag:s30] =	ssyncset.done $0x0  }
0xab: {  	[sflag:s30] =	ssyncadd.s32 $0xFFFFEC00  }
0xac: {  	_ =	sfence.sel $0x180000  }
0xad: {  	[bflag:$0x0] =	sbarrier.arrive $0xFFFF  }
0xae: {  	_ =	strace $0x90000050  }
0xaf: {  	s0 =	stileid.u32;
	[bflag:$0x2] =	sbarrier.arrive $0xFFFF  }
0xb0: {  	p0 =	sne.s32 s0, $0x0;
	s0 =	rddreg [dreg:$0x4]  }
0xb1: {  	s0 =	sadd.s32 @!p0 $0x100000, s0  }
0xb2: {  	[sflag:s0] =	ssyncadd.tile.s32 @!p0 $0x1;
	_ =	shalt  }
.Lfunc_end2:
_tile_overlayer_lowered:
.L_overlay_start_2:
0xb3: {  	(tag) =	ssettag $0x2  }
0xb4: {  	s0 =	rddreg [dreg:$0x0];
	s2 =	stileid.u32  }
0xb5: {  	s1 =	rddreg [dreg:$0x1];
	p0 =	sne.s32 s2, $0x0  }
0xb6: {  	s3 =	rddreg [dreg:$0x2];
	[bflag:$0x3] =	sbarrier.arrive $0xFFFF;
	s2 =	simm.s32 @!p0 $0x1C01  }
0xb7: {  	[timem:s3], [sflag:s2] =	dma.local @!p0 [hbm:s0], s1  }
0xb8: {  	s0 =	simm.s32 @!p0 $0x1  }
0xb9: {  	_ =	swait.ge @!p0 [sflag:s0], s1  }
0xba: {  	s1 =	ssub.s32 @!p0 $0x0, s1;
	[sflag:s0] =	ssyncset.done @!p0 $0x0  }
0xbb: {  	[sflag:s0] =	ssyncadd.s32 @!p0 s1  }
0xbc: {  	[bflag:$0x3] =	sbarrier.arrive $0xFFFF  }
0xbd: {  	_ =	shalt  }

</sc_bundles>
